<compile_context>
chip_gen: v7x
topology: tpu7x:2x2x1
jax: 0.10.2.dev20260603
libtpu: 0.0.44.dev20260713+nightly
codegen_flags: <defaults>
</compile_context>

<pallas_src>
import jax
import jax.numpy as jnp
from jax import lax
from jax.experimental import pallas as pl
from jax.experimental.pallas import tpu as pltpu
from jax.experimental.pallas import tpu_sc as plsc

_BATCH = 64
_N_PATCHES = 1024
_MODEL_DIM = 768
_LANES = 16

_NUM_WORKERS = 32
_P_PER_W = _N_PATCHES // _NUM_WORKERS
_VECS_PER_ROW = _MODEL_DIM // _LANES
_NBUF = 2


def _sc_body(patches_hbm, pos_hbm, out_hbm, pos_v, in_bufs, out_bufs,
             pos_sem, in_sems, out_sems):
    nc = 2
    wid = lax.axis_index("s") * nc + lax.axis_index("c")
    p0 = wid * _P_PER_W

    def start_in(b, k):
        pltpu.async_copy(patches_hbm.at[b, pl.ds(p0, _P_PER_W)],
                         in_bufs[k], in_sems[k])

    def wait_in(b, k):
        pltpu.make_async_copy(patches_hbm.at[b, pl.ds(p0, _P_PER_W)],
                              in_bufs[k], in_sems[k]).wait()

    _HALF = _P_PER_W // 2

    def start_out_half(b, k, h):
        pltpu.async_copy(
            out_bufs[k].at[pl.ds(h * _HALF, _HALF)],
            out_hbm.at[b, pl.ds(p0 + h * _HALF, _HALF)], out_sems[k])

    def wait_out(b, k):
        for h in range(2):
            pltpu.make_async_copy(
                out_bufs[k].at[pl.ds(h * _HALF, _HALF)],
                out_hbm.at[b, pl.ds(p0 + h * _HALF, _HALF)],
                out_sems[k]).wait()

    def compute_half(k, h):
        def row_step(r, carry):
            for j in range(_VECS_PER_ROW):
                sl = pl.ds(j * _LANES, _LANES)
                out_bufs[k][r, sl] = in_bufs[k][r, sl] + pos_v[r, sl]
            return carry
        lax.fori_loop(h * _HALF, (h + 1) * _HALF, row_step, 0, unroll=False)

    pltpu.async_copy(pos_hbm.at[pl.ds(p0, _P_PER_W)], pos_v, pos_sem)
    for k in range(_NBUF):
        start_in(k, k)
    pltpu.make_async_copy(pos_hbm.at[pl.ds(p0, _P_PER_W)], pos_v,
                          pos_sem).wait()

    def batch_group(g, carry):
        for k in range(_NBUF):
            b = g + k
            wait_in(b, k)

            @pl.when(g > 0)
            def _():
                wait_out(b - _NBUF, k)

            compute_half(k, 0)
            start_out_half(b, k, 0)
            compute_half(k, 1)
            start_out_half(b, k, 1)

            @pl.when(b + _NBUF < _BATCH)
            def _():
                start_in(b + _NBUF, k)
        return carry

    lax.fori_loop(0, _BATCH // _NBUF,
                  lambda i, c: batch_group(i * _NBUF, c), 0, unroll=False)

    for k in range(_NBUF):
        wait_out(_BATCH - _NBUF + k, k)


@jax.jit
def kernel(patches, pos_table):
    mesh = plsc.VectorSubcoreMesh(core_axis_name="c", subcore_axis_name="s")
    return pl.kernel(
        _sc_body,
        out_type=jax.ShapeDtypeStruct((_BATCH, _N_PATCHES, _MODEL_DIM),
                                      jnp.float32),
        mesh=mesh,
        scratch_types=[
            pltpu.VMEM((_P_PER_W, _MODEL_DIM), jnp.float32),
            [pltpu.VMEM((_P_PER_W, _MODEL_DIM), jnp.float32)
             for _ in range(_NBUF)],
            [pltpu.VMEM((_P_PER_W, _MODEL_DIM), jnp.float32)
             for _ in range(_NBUF)],
            pltpu.SemaphoreType.DMA,
            [pltpu.SemaphoreType.DMA for _ in range(_NBUF)],
            [pltpu.SemaphoreType.DMA for _ in range(_NBUF)],
        ],
        name="pos_embed_add_sc",
    )(patches, pos_table)

# --- scband reference (transcript-rebuilt; emitter-appended) ---
"""Pipeline reference for scband-positional-embedding-64922725646495 (READ-ONLY COPY).

The authoritative reference and input builder live on the scoring server;
editing this copy changes nothing except your own understanding.
"""

import jax, jax.numpy as jnp
import numpy as np

N_PATCHES = 1024
MODEL_DIM = 768
BATCH = 64

def _orthogonal_init(key, rows, cols):
    a = jax.random.normal(key, (max(rows, cols), min(rows, cols)), dtype=jnp.float32)
    q, r = jnp.linalg.qr(a)
    q = q * jnp.sign(jnp.diagonal(r))[None, :]
    if rows < cols:
        q = q.T
    return q[:rows, :cols]

def setup_inputs(seed: int = 0) -> dict:
    key = jax.random.key(seed)
    k1, k2 = jax.random.split(key)
    patches = jax.random.normal(k1, (BATCH, N_PATCHES, MODEL_DIM), dtype=jnp.float32)
    pos_table = _orthogonal_init(k2, N_PATCHES, MODEL_DIM)
    return {"patches": patches, "pos_table": pos_table}

def reference(patches, pos_table):
    positions = jnp.arange(N_PATCHES)
    pos_emb = jnp.take(pos_table, positions, axis=0)
    return patches + pos_emb[None, :, :]

if __name__ == "__main__":
    import jax
    _d = setup_inputs()
    print(jax.jit(kernel)(*tuple(_d.values())))

</pallas_src>

<mosaic_0001>
#map = affine_map<(d0, d1) -> (0, 0, 0)>
#map1 = affine_map<(d0, d1) -> (0, 0)>
module attributes {stable_mosaic.version = 14 : i64} {
  func.func @pos_embed_add_sc(%arg0: i32, %arg1: i32, %arg2: memref<64x1024x768xf32, #tpu.memory_space<hbm>>, %arg3: memref<1024x768xf32, #tpu.memory_space<hbm>>, %arg4: memref<64x1024x768xf32, #tpu.memory_space<hbm>>, %arg5: memref<32x768xf32, #tpu.memory_space<vmem>>, %arg6: memref<32x768xf32, #tpu.memory_space<vmem>>, %arg7: memref<32x768xf32, #tpu.memory_space<vmem>>, %arg8: memref<32x768xf32, #tpu.memory_space<vmem>>, %arg9: memref<32x768xf32, #tpu.memory_space<vmem>>, %arg10: memref<!tpu.dma_semaphore, #tpu.memory_space<semaphore_mem>>, %arg11: memref<!tpu.dma_semaphore, #tpu.memory_space<semaphore_mem>>, %arg12: memref<!tpu.dma_semaphore, #tpu.memory_space<semaphore_mem>>, %arg13: memref<!tpu.dma_semaphore, #tpu.memory_space<semaphore_mem>>, %arg14: memref<!tpu.dma_semaphore, #tpu.memory_space<semaphore_mem>>) attributes {dimension_semantics = [#tpu.dimension_semantics<core_parallel>, #tpu.dimension_semantics<subcore_parallel>], iteration_bounds = array<i64: 2, 16>, scalar_prefetch = 0 : i64, scratch_operands = 10 : i64, tpu.core_type = #tpu.core_type<sc_vector_subcore>, window_params = [{transform_indices = #map}, {transform_indices = #map1}, {transform_indices = #map}]} {
    %mul3A = arith.constant 2 : i32
    %mul3A_0 = arith.muli %arg1, %mul3A : i32
    %add3A = arith.addi %mul3A_0, %arg0 : i32
    %mul3A_1 = arith.constant 32 : i32
    %mul3A_2 = arith.muli %add3A, %mul3A_1 : i32
    %dma_start3A = arith.constant 0 : i32
    %dma_start3A_3 = tpu.memref_slice %arg3[%mul3A_2, %dma_start3A] : memref<1024x768xf32, #tpu.memory_space<hbm>> -> memref<32x768xf32, #tpu.memory_space<hbm>>
    %dma_start3A_4 = arith.constant 0 : i32
    %dma_start3A_5 = tpu.memref_slice %arg3[%mul3A_2, %dma_start3A_4] : memref<1024x768xf32, #tpu.memory_space<hbm>> -> memref<32x768xf32, #tpu.memory_space<hbm>>
    tpu.enqueue_dma source(%dma_start3A_5 : memref<32x768xf32, #tpu.memory_space<hbm>>) target(%arg5 : memref<32x768xf32, #tpu.memory_space<vmem>>) target_semaphore(%arg10 : memref<!tpu.dma_semaphore, #tpu.memory_space<semaphore_mem>>)
    %dma_start3A_6 = arith.constant 0 : i32
    %dma_start3A_7 = arith.constant 0 : i32
    %dma_start3A_8 = tpu.memref_slice %arg2[%dma_start3A_6, %mul3A_2, %dma_start3A_7] : memref<64x1024x768xf32, #tpu.memory_space<hbm>> -> memref<1x32x768xf32, #tpu.memory_space<hbm>>
    %dma_start3A_9 = tpu.memref_squeeze %dma_start3A_8 : memref<1x32x768xf32, #tpu.memory_space<hbm>> -> memref<32x768xf32, #tpu.memory_space<hbm>>
    %dma_start3A_10 = arith.constant 0 : i32
    %dma_start3A_11 = tpu.memref_slice %arg2[%dma_start3A_6, %mul3A_2, %dma_start3A_10] : memref<64x1024x768xf32, #tpu.memory_space<hbm>> -> memref<1x32x768xf32, #tpu.memory_space<hbm>>
    %dma_start3A_12 = tpu.memref_squeeze %dma_start3A_11 : memref<1x32x768xf32, #tpu.memory_space<hbm>> -> memref<32x768xf32, #tpu.memory_space<hbm>>
    tpu.enqueue_dma source(%dma_start3A_12 : memref<32x768xf32, #tpu.memory_space<hbm>>) target(%arg6 : memref<32x768xf32, #tpu.memory_space<vmem>>) target_semaphore(%arg11 : memref<!tpu.dma_semaphore, #tpu.memory_space<semaphore_mem>>)
    %dma_start3A_13 = arith.constant 1 : i32
    %dma_start3A_14 = arith.constant 0 : i32
    %dma_start3A_15 = tpu.memref_slice %arg2[%dma_start3A_13, %mul3A_2, %dma_start3A_14] : memref<64x1024x768xf32, #tpu.memory_space<hbm>> -> memref<1x32x768xf32, #tpu.memory_space<hbm>>
    %dma_start3A_16 = tpu.memref_squeeze %dma_start3A_15 : memref<1x32x768xf32, #tpu.memory_space<hbm>> -> memref<32x768xf32, #tpu.memory_space<hbm>>
    %dma_start3A_17 = arith.constant 0 : i32
    %dma_start3A_18 = tpu.memref_slice %arg2[%dma_start3A_13, %mul3A_2, %dma_start3A_17] : memref<64x1024x768xf32, #tpu.memory_space<hbm>> -> memref<1x32x768xf32, #tpu.memory_space<hbm>>
    %dma_start3A_19 = tpu.memref_squeeze %dma_start3A_18 : memref<1x32x768xf32, #tpu.memory_space<hbm>> -> memref<32x768xf32, #tpu.memory_space<hbm>>
    tpu.enqueue_dma source(%dma_start3A_19 : memref<32x768xf32, #tpu.memory_space<hbm>>) target(%arg7 : memref<32x768xf32, #tpu.memory_space<vmem>>) target_semaphore(%arg12 : memref<!tpu.dma_semaphore, #tpu.memory_space<semaphore_mem>>)
    %dma_wait3A = arith.constant 0 : i32
    %dma_wait3A_20 = tpu.memref_slice %arg3[%mul3A_2, %dma_wait3A] : memref<1024x768xf32, #tpu.memory_space<hbm>> -> memref<32x768xf32, #tpu.memory_space<hbm>>
    %dma_wait3A_21 = arith.constant 0 : i32
    %dma_wait3A_22 = tpu.memref_slice %arg3[%mul3A_2, %dma_wait3A_21] : memref<1024x768xf32, #tpu.memory_space<hbm>> -> memref<32x768xf32, #tpu.memory_space<hbm>>
    tpu.wait_dma2 semaphore(%arg10 : memref<!tpu.dma_semaphore, #tpu.memory_space<semaphore_mem>>) src(%dma_wait3A_22 : memref<32x768xf32, #tpu.memory_space<hbm>>) dst(%arg5 : memref<32x768xf32, #tpu.memory_space<vmem>>)
    %scan3A = arith.constant 0 : i32
    %scan3A_23 = arith.constant 0 : i32
    %scan3A_24 = arith.constant 32 : i32
    %scan3A_25 = arith.addi %scan3A_23, %scan3A_24 : i32
    %scan3A_26 = arith.constant 1 : i32
    scf.for %scan3A_88 = %scan3A_23 to %scan3A_25 step %scan3A_26  : i32 {
      %mul3A_89 = arith.constant 2 : i32
      %mul3A_90 = arith.muli %scan3A_88, %mul3A_89 : i32
      %add3A_91 = arith.constant 0 : i32
      %add3A_92 = arith.addi %mul3A_90, %add3A_91 : i32
      %dma_wait3A_93 = arith.constant 0 : i32
      %dma_wait3A_94 = tpu.memref_slice %arg2[%add3A_92, %mul3A_2, %dma_wait3A_93] : memref<64x1024x768xf32, #tpu.memory_space<hbm>> -> memref<1x32x768xf32, #tpu.memory_space<hbm>>
      %dma_wait3A_95 = tpu.memref_squeeze %dma_wait3A_94 : memref<1x32x768xf32, #tpu.memory_space<hbm>> -> memref<32x768xf32, #tpu.memory_space<hbm>>
      %dma_wait3A_96 = arith.constant 0 : i32
      %dma_wait3A_97 = tpu.memref_slice %arg2[%add3A_92, %mul3A_2, %dma_wait3A_96] : memref<64x1024x768xf32, #tpu.memory_space<hbm>> -> memref<1x32x768xf32, #tpu.memory_space<hbm>>
      %dma_wait3A_98 = tpu.memref_squeeze %dma_wait3A_97 : memref<1x32x768xf32, #tpu.memory_space<hbm>> -> memref<32x768xf32, #tpu.memory_space<hbm>>
      tpu.wait_dma2 semaphore(%arg11 : memref<!tpu.dma_semaphore, #tpu.memory_space<semaphore_mem>>) src(%dma_wait3A_98 : memref<32x768xf32, #tpu.memory_space<hbm>>) dst(%arg6 : memref<32x768xf32, #tpu.memory_space<vmem>>)
      %gt3A = arith.constant 0 : i32
      %gt3A_99 = arith.cmpi sgt, %mul3A_90, %gt3A : i32
      %convert_element_type3A = arith.extui %gt3A_99 : i1 to i32
      %cond3A = arith.constant 0 : i32
      %cond3A_100 = arith.cmpi ne, %convert_element_type3A, %cond3A : i32
      scf.if %cond3A_100 {
        %sub3A = arith.constant 2 : i32
        %sub3A_207 = arith.subi %add3A_92, %sub3A : i32
        %add3A_208 = arith.constant 0 : i32
        %add3A_209 = arith.addi %mul3A_2, %add3A_208 : i32
        %dma_wait3A_210 = arith.constant 0 : i32
        %dma_wait3A_211 = arith.constant 0 : i32
        %dma_wait3A_212 = tpu.memref_slice %arg8[%dma_wait3A_210, %dma_wait3A_211] : memref<32x768xf32, #tpu.memory_space<vmem>> -> memref<16x768xf32, #tpu.memory_space<vmem>>
        %dma_wait3A_213 = arith.constant 0 : i32
        %dma_wait3A_214 = tpu.memref_slice %arg4[%sub3A_207, %add3A_209, %dma_wait3A_213] : memref<64x1024x768xf32, #tpu.memory_space<hbm>> -> memref<1x16x768xf32, #tpu.memory_space<hbm>>
        %dma_wait3A_215 = tpu.memref_squeeze %dma_wait3A_214 : memref<1x16x768xf32, #tpu.memory_space<hbm>> -> memref<16x768xf32, #tpu.memory_space<hbm>>
        %dma_wait3A_216 = arith.constant 0 : i32
        %dma_wait3A_217 = tpu.memref_slice %arg4[%sub3A_207, %add3A_209, %dma_wait3A_216] : memref<64x1024x768xf32, #tpu.memory_space<hbm>> -> memref<1x16x768xf32, #tpu.memory_space<hbm>>
        %dma_wait3A_218 = tpu.memref_squeeze %dma_wait3A_217 : memref<1x16x768xf32, #tpu.memory_space<hbm>> -> memref<16x768xf32, #tpu.memory_space<hbm>>
        %dma_wait3A_219 = arith.constant 0 : i32
        %dma_wait3A_220 = arith.constant 0 : i32
        %dma_wait3A_221 = tpu.memref_slice %arg8[%dma_wait3A_219, %dma_wait3A_220] : memref<32x768xf32, #tpu.memory_space<vmem>> -> memref<16x768xf32, #tpu.memory_space<vmem>>
        tpu.wait_dma2 semaphore(%arg13 : memref<!tpu.dma_semaphore, #tpu.memory_space<semaphore_mem>>) src(%dma_wait3A_221 : memref<16x768xf32, #tpu.memory_space<vmem>>) dst(%dma_wait3A_218 : memref<16x768xf32, #tpu.memory_space<hbm>>)
        %add3A_222 = arith.constant 16 : i32
        %add3A_223 = arith.addi %mul3A_2, %add3A_222 : i32
        %dma_wait3A_224 = arith.constant 16 : i32
        %dma_wait3A_225 = arith.constant 0 : i32
        %dma_wait3A_226 = tpu.memref_slice %arg8[%dma_wait3A_224, %dma_wait3A_225] : memref<32x768xf32, #tpu.memory_space<vmem>> -> memref<16x768xf32, #tpu.memory_space<vmem>>
        %dma_wait3A_227 = arith.constant 0 : i32
        %dma_wait3A_228 = tpu.memref_slice %arg4[%sub3A_207, %add3A_223, %dma_wait3A_227] : memref<64x1024x768xf32, #tpu.memory_space<hbm>> -> memref<1x16x768xf32, #tpu.memory_space<hbm>>
        %dma_wait3A_229 = tpu.memref_squeeze %dma_wait3A_228 : memref<1x16x768xf32, #tpu.memory_space<hbm>> -> memref<16x768xf32, #tpu.memory_space<hbm>>
        %dma_wait3A_230 = arith.constant 0 : i32
        %dma_wait3A_231 = tpu.memref_slice %arg4[%sub3A_207, %add3A_223, %dma_wait3A_230] : memref<64x1024x768xf32, #tpu.memory_space<hbm>> -> memref<1x16x768xf32, #tpu.memory_space<hbm>>
        %dma_wait3A_232 = tpu.memref_squeeze %dma_wait3A_231 : memref<1x16x768xf32, #tpu.memory_space<hbm>> -> memref<16x768xf32, #tpu.memory_space<hbm>>
        %dma_wait3A_233 = arith.constant 16 : i32
        %dma_wait3A_234 = arith.constant 0 : i32
        %dma_wait3A_235 = tpu.memref_slice %arg8[%dma_wait3A_233, %dma_wait3A_234] : memref<32x768xf32, #tpu.memory_space<vmem>> -> memref<16x768xf32, #tpu.memory_space<vmem>>
        tpu.wait_dma2 semaphore(%arg13 : memref<!tpu.dma_semaphore, #tpu.memory_space<semaphore_mem>>) src(%dma_wait3A_235 : memref<16x768xf32, #tpu.memory_space<vmem>>) dst(%dma_wait3A_232 : memref<16x768xf32, #tpu.memory_space<hbm>>)
      } else {
      }
      %scan3A_101 = arith.constant 0 : i32
      %scan3A_102 = arith.constant 0 : i32
      %scan3A_103 = arith.constant 16 : i32
      %scan3A_104 = arith.addi %scan3A_102, %scan3A_103 : i32
      %scan3A_105 = arith.constant 1 : i32
      scf.for %scan3A_207 = %scan3A_102 to %scan3A_104 step %scan3A_105  : i32 {
        %get3A = arith.index_cast %scan3A_207 : i32 to index
        %get3A_208 = arith.constant 0 : index
        %get3A_209 = tpu.vector_load %arg6[%get3A, %get3A_208] {strides = array<i32>} : memref<32x768xf32, #tpu.memory_space<vmem>>, vector<1x16xf32>,
        %get3A_210 = vector.shape_cast %get3A_209 : vector<1x16xf32> to vector<16xf32>
        %get3A_211 = arith.index_cast %scan3A_207 : i32 to index
        %get3A_212 = arith.constant 0 : index
        %get3A_213 = tpu.vector_load %arg5[%get3A_211, %get3A_212] {strides = array<i32>} : memref<32x768xf32, #tpu.memory_space<vmem>>, vector<1x16xf32>,
        %get3A_214 = vector.shape_cast %get3A_213 : vector<1x16xf32> to vector<16xf32>
        %add3A_215 = arith.addf %get3A_210, %get3A_214 : vector<16xf32>
        %swap3A = arith.index_cast %scan3A_207 : i32 to index
        %swap3A_216 = arith.constant 0 : index
        %swap3A_217 = tpu.vector_load %arg8[%swap3A, %swap3A_216] {strides = array<i32>} : memref<32x768xf32, #tpu.memory_space<vmem>>, vector<1x16xf32>,
        %swap3A_218 = vector.shape_cast %swap3A_217 : vector<1x16xf32> to vector<16xf32>
        %swap3A_219 = vector.shape_cast %add3A_215 : vector<16xf32> to vector<1x16xf32>
        tpu.vector_store %arg8[%swap3A, %swap3A_216], %swap3A_219 {strides = array<i32>} : memref<32x768xf32, #tpu.memory_space<vmem>>, vector<1x16xf32>,
        %get3A_220 = arith.index_cast %scan3A_207 : i32 to index
        %get3A_221 = arith.constant 16 : index
        %get3A_222 = tpu.vector_load %arg6[%get3A_220, %get3A_221] {strides = array<i32>} : memref<32x768xf32, #tpu.memory_space<vmem>>, vector<1x16xf32>,
        %get3A_223 = vector.shape_cast %get3A_222 : vector<1x16xf32> to vector<16xf32>
        %get3A_224 = arith.index_cast %scan3A_207 : i32 to index
        %get3A_225 = arith.constant 16 : index
        %get3A_226 = tpu.vector_load %arg5[%get3A_224, %get3A_225] {strides = array<i32>} : memref<32x768xf32, #tpu.memory_space<vmem>>, vector<1x16xf32>,
        %get3A_227 = vector.shape_cast %get3A_226 : vector<1x16xf32> to vector<16xf32>
        %add3A_228 = arith.addf %get3A_223, %get3A_227 : vector<16xf32>
        %swap3A_229 = arith.index_cast %scan3A_207 : i32 to index
        %swap3A_230 = arith.constant 16 : index
        %swap3A_231 = tpu.vector_load %arg8[%swap3A_229, %swap3A_230] {strides = array<i32>} : memref<32x768xf32, #tpu.memory_space<vmem>>, vector<1x16xf32>,
        %swap3A_232 = vector.shape_cast %swap3A_231 : vector<1x16xf32> to vector<16xf32>
        %swap3A_233 = vector.shape_cast %add3A_228 : vector<16xf32> to vector<1x16xf32>
        tpu.vector_store %arg8[%swap3A_229, %swap3A_230], %swap3A_233 {strides = array<i32>} : memref<32x768xf32, #tpu.memory_space<vmem>>, vector<1x16xf32>,
        %get3A_234 = arith.index_cast %scan3A_207 : i32 to index
        %get3A_235 = arith.constant 32 : index
        %get3A_236 = tpu.vector_load %arg6[%get3A_234, %get3A_235] {strides = array<i32>} : memref<32x768xf32, #tpu.memory_space<vmem>>, vector<1x16xf32>,
        %get3A_237 = vector.shape_cast %get3A_236 : vector<1x16xf32> to vector<16xf32>
        %get3A_238 = arith.index_cast %scan3A_207 : i32 to index
        %get3A_239 = arith.constant 32 : index
        %get3A_240 = tpu.vector_load %arg5[%get3A_238, %get3A_239] {strides = array<i32>} : memref<32x768xf32, #tpu.memory_space<vmem>>, vector<1x16xf32>,
        %get3A_241 = vector.shape_cast %get3A_240 : vector<1x16xf32> to vector<16xf32>
        %add3A_242 = arith.addf %get3A_237, %get3A_241 : vector<16xf32>
        %swap3A_243 = arith.index_cast %scan3A_207 : i32 to index
        %swap3A_244 = arith.constant 32 : index
        %swap3A_245 = tpu.vector_load %arg8[%swap3A_243, %swap3A_244] {strides = array<i32>} : memref<32x768xf32, #tpu.memory_space<vmem>>, vector<1x16xf32>,
        %swap3A_246 = vector.shape_cast %swap3A_245 : vector<1x16xf32> to vector<16xf32>
        %swap3A_247 = vector.shape_cast %add3A_242 : vector<16xf32> to vector<1x16xf32>
        tpu.vector_store %arg8[%swap3A_243, %swap3A_244], %swap3A_247 {strides = array<i32>} : memref<32x768xf32, #tpu.memory_space<vmem>>, vector<1x16xf32>,
        %get3A_248 = arith.index_cast %scan3A_207 : i32 to index
        %get3A_249 = arith.constant 48 : index
        %get3A_250 = tpu.vector_load %arg6[%get3A_248, %get3A_249] {strides = array<i32>} : memref<32x768xf32, #tpu.memory_space<vmem>>, vector<1x16xf32>,
        %get3A_251 = vector.shape_cast %get3A_250 : vector<1x16xf32> to vector<16xf32>
        %get3A_252 = arith.index_cast %scan3A_207 : i32 to index
        %get3A_253 = arith.constant 48 : index
        %get3A_254 = tpu.vector_load %arg5[%get3A_252, %get3A_253] {strides = array<i32>} : memref<32x768xf32, #tpu.memory_space<vmem>>, vector<1x16xf32>,
        %get3A_255 = vector.shape_cast %get3A_254 : vector<1x16xf32> to vector<16xf32>
        %add3A_256 = arith.addf %get3A_251, %get3A_255 : vector<16xf32>
        %swap3A_257 = arith.index_cast %scan3A_207 : i32 to index
        %swap3A_258 = arith.constant 48 : index
        %swap3A_259 = tpu.vector_load %arg8[%swap3A_257, %swap3A_258] {strides = array<i32>} : memref<32x768xf32, #tpu.memory_space<vmem>>, vector<1x16xf32>,
        %swap3A_260 = vector.shape_cast %swap3A_259 : vector<1x16xf32> to vector<16xf32>
        %swap3A_261 = vector.shape_cast %add3A_256 : vector<16xf32> to vector<1x16xf32>
        tpu.vector_store %arg8[%swap3A_257, %swap3A_258], %swap3A_261 {strides = array<i32>} : memref<32x768xf32, #tpu.memory_space<vmem>>, vector<1x16xf32>,
        %get3A_262 = arith.index_cast %scan3A_207 : i32 to index
        %get3A_263 = arith.constant 64 : index
        %get3A_264 = tpu.vector_load %arg6[%get3A_262, %get3A_263] {strides = array<i32>} : memref<32x768xf32, #tpu.memory_space<vmem>>, vector<1x16xf32>,
        %get3A_265 = vector.shape_cast %get3A_264 : vector<1x16xf32> to vector<16xf32>
        %get3A_266 = arith.index_cast %scan3A_207 : i32 to index
        %get3A_267 = arith.constant 64 : index
        %get3A_268 = tpu.vector_load %arg5[%get3A_266, %get3A_267] {strides = array<i32>} : memref<32x768xf32, #tpu.memory_space<vmem>>, vector<1x16xf32>,
        %get3A_269 = vector.shape_cast %get3A_268 : vector<1x16xf32> to vector<16xf32>
        %add3A_270 = arith.addf %get3A_265, %get3A_269 : vector<16xf32>
        %swap3A_271 = arith.index_cast %scan3A_207 : i32 to index
        %swap3A_272 = arith.constant 64 : index
        %swap3A_273 = tpu.vector_load %arg8[%swap3A_271, %swap3A_272] {strides = array<i32>} : memref<32x768xf32, #tpu.memory_space<vmem>>, vector<1x16xf32>,
        %swap3A_274 = vector.shape_cast %swap3A_273 : vector<1x16xf32> to vector<16xf32>
        %swap3A_275 = vector.shape_cast %add3A_270 : vector<16xf32> to vector<1x16xf32>
        tpu.vector_store %arg8[%swap3A_271, %swap3A_272], %swap3A_275 {strides = array<i32>} : memref<32x768xf32, #tpu.memory_space<vmem>>, vector<1x16xf32>,
        %get3A_276 = arith.index_cast %scan3A_207 : i32 to index
        %get3A_277 = arith.constant 80 : index
        %get3A_278 = tpu.vector_load %arg6[%get3A_276, %get3A_277] {strides = array<i32>} : memref<32x768xf32, #tpu.memory_space<vmem>>, vector<1x16xf32>,
        %get3A_279 = vector.shape_cast %get3A_278 : vector<1x16xf32> to vector<16xf32>
        %get3A_280 = arith.index_cast %scan3A_207 : i32 to index
        %get3A_281 = arith.constant 80 : index
        %get3A_282 = tpu.vector_load %arg5[%get3A_280, %get3A_281] {strides = array<i32>} : memref<32x768xf32, #tpu.memory_space<vmem>>, vector<1x16xf32>,
        %get3A_283 = vector.shape_cast %get3A_282 : vector<1x16xf32> to vector<16xf32>
        %add3A_284 = arith.addf %get3A_279, %get3A_283 : vector<16xf32>
        %swap3A_285 = arith.index_cast %scan3A_207 : i32 to index
        %swap3A_286 = arith.constant 80 : index
        %swap3A_287 = tpu.vector_load %arg8[%swap3A_285, %swap3A_286] {strides = array<i32>} : memref<32x768xf32, #tpu.memory_space<vmem>>, vector<1x16xf32>,
        %swap3A_288 = vector.shape_cast %swap3A_287 : vector<1x16xf32> to vector<16xf32>
        %swap3A_289 = vector.shape_cast %add3A_284 : vector<16xf32> to vector<1x16xf32>
        tpu.vector_store %arg8[%swap3A_285, %swap3A_286], %swap3A_289 {strides = array<i32>} : memref<32x768xf32, #tpu.memory_space<vmem>>, vector<1x16xf32>,
        %get3A_290 = arith.index_cast %scan3A_207 : i32 to index
        %get3A_291 = arith.constant 96 : index
        %get3A_292 = tpu.vector_load %arg6[%get3A_290, %get3A_291] {strides = array<i32>} : memref<32x768xf32, #tpu.memory_space<vmem>>, vector<1x16xf32>,
        %get3A_293 = vector.shape_cast %get3A_292 : vector<1x16xf32> to vector<16xf32>
        %get3A_294 = arith.index_cast %scan3A_207 : i32 to index
        %get3A_295 = arith.constant 96 : index
        %get3A_296 = tpu.vector_load %arg5[%get3A_294, %get3A_295] {strides = array<i32>} : memref<32x768xf32, #tpu.memory_space<vmem>>, vector<1x16xf32>,
        %get3A_297 = vector.shape_cast %get3A_296 : vector<1x16xf32> to vector<16xf32>
        %add3A_298 = arith.addf %get3A_293, %get3A_297 : vector<16xf32>
        %swap3A_299 = arith.index_cast %scan3A_207 : i32 to index
        %swap3A_300 = arith.constant 96 : index
        %swap3A_301 = tpu.vector_load %arg8[%swap3A_299, %swap3A_300] {strides = array<i32>} : memref<32x768xf32, #tpu.memory_space<vmem>>, vector<1x16xf32>,
        %swap3A_302 = vector.shape_cast %swap3A_301 : vector<1x16xf32> to vector<16xf32>
        %swap3A_303 = vector.shape_cast %add3A_298 : vector<16xf32> to vector<1x16xf32>
        tpu.vector_store %arg8[%swap3A_299, %swap3A_300], %swap3A_303 {strides = array<i32>} : memref<32x768xf32, #tpu.memory_space<vmem>>, vector<1x16xf32>,
        %get3A_304 = arith.index_cast %scan3A_207 : i32 to index
        %get3A_305 = arith.constant 112 : index
        %get3A_306 = tpu.vector_load %arg6[%get3A_304, %get3A_305] {strides = array<i32>} : memref<32x768xf32, #tpu.memory_space<vmem>>, vector<1x16xf32>,
        %get3A_307 = vector.shape_cast %get3A_306 : vector<1x16xf32> to vector<16xf32>
        %get3A_308 = arith.index_cast %scan3A_207 : i32 to index
        %get3A_309 = arith.constant 112 : index
        %get3A_310 = tpu.vector_load %arg5[%get3A_308, %get3A_309] {strides = array<i32>} : memref<32x768xf32, #tpu.memory_space<vmem>>, vector<1x16xf32>,
        %get3A_311 = vector.shape_cast %get3A_310 : vector<1x16xf32> to vector<16xf32>
        %add3A_312 = arith.addf %get3A_307, %get3A_311 : vector<16xf32>
        %swap3A_313 = arith.index_cast %scan3A_207 : i32 to index
        %swap3A_314 = arith.constant 112 : index
        %swap3A_315 = tpu.vector_load %arg8[%swap3A_313, %swap3A_314] {strides = array<i32>} : memref<32x768xf32, #tpu.memory_space<vmem>>, vector<1x16xf32>,
        %swap3A_316 = vector.shape_cast %swap3A_315 : vector<1x16xf32> to vector<16xf32>
        %swap3A_317 = vector.shape_cast %add3A_312 : vector<16xf32> to vector<1x16xf32>
        tpu.vector_store %arg8[%swap3A_313, %swap3A_314], %swap3A_317 {strides = array<i32>} : memref<32x768xf32, #tpu.memory_space<vmem>>, vector<1x16xf32>,
        %get3A_318 = arith.index_cast %scan3A_207 : i32 to index
        %get3A_319 = arith.constant 128 : index
        %get3A_320 = tpu.vector_load %arg6[%get3A_318, %get3A_319] {strides = array<i32>} : memref<32x768xf32, #tpu.memory_space<vmem>>, vector<1x16xf32>,
        %get3A_321 = vector.shape_cast %get3A_320 : vector<1x16xf32> to vector<16xf32>
        %get3A_322 = arith.index_cast %scan3A_207 : i32 to index
        %get3A_323 = arith.constant 128 : index
        %get3A_324 = tpu.vector_load %arg5[%get3A_322, %get3A_323] {strides = array<i32>} : memref<32x768xf32, #tpu.memory_space<vmem>>, vector<1x16xf32>,
        %get3A_325 = vector.shape_cast %get3A_324 : vector<1x16xf32> to vector<16xf32>
        %add3A_326 = arith.addf %get3A_321, %get3A_325 : vector<16xf32>
        %swap3A_327 = arith.index_cast %scan3A_207 : i32 to index
        %swap3A_328 = arith.constant 128 : index
        %swap3A_329 = tpu.vector_load %arg8[%swap3A_327, %swap3A_328] {strides = array<i32>} : memref<32x768xf32, #tpu.memory_space<vmem>>, vector<1x16xf32>,
        %swap3A_330 = vector.shape_cast %swap3A_329 : vector<1x16xf32> to vector<16xf32>
        %swap3A_331 = vector.shape_cast %add3A_326 : vector<16xf32> to vector<1x16xf32>
        tpu.vector_store %arg8[%swap3A_327, %swap3A_328], %swap3A_331 {strides = array<i32>} : memref<32x768xf32, #tpu.memory_space<vmem>>, vector<1x16xf32>,
        %get3A_332 = arith.index_cast %scan3A_207 : i32 to index
        %get3A_333 = arith.constant 144 : index
        %get3A_334 = tpu.vector_load %arg6[%get3A_332, %get3A_333] {strides = array<i32>} : memref<32x768xf32, #tpu.memory_space<vmem>>, vector<1x16xf32>,
        %get3A_335 = vector.shape_cast %get3A_334 : vector<1x16xf32> to vector<16xf32>
        %get3A_336 = arith.index_cast %scan3A_207 : i32 to index
        %get3A_337 = arith.constant 144 : index
        %get3A_338 = tpu.vector_load %arg5[%get3A_336, %get3A_337] {strides = array<i32>} : memref<32x768xf32, #tpu.memory_space<vmem>>, vector<1x16xf32>,
        %get3A_339 = vector.shape_cast %get3A_338 : vector<1x16xf32> to vector<16xf32>
        %add3A_340 = arith.addf %get3A_335, %get3A_339 : vector<16xf32>
        %swap3A_341 = arith.index_cast %scan3A_207 : i32 to index
        %swap3A_342 = arith.constant 144 : index
        %swap3A_343 = tpu.vector_load %arg8[%swap3A_341, %swap3A_342] {strides = array<i32>} : memref<32x768xf32, #tpu.memory_space<vmem>>, vector<1x16xf32>,
        %swap3A_344 = vector.shape_cast %swap3A_343 : vector<1x16xf32> to vector<16xf32>
        %swap3A_345 = vector.shape_cast %add3A_340 : vector<16xf32> to vector<1x16xf32>
        tpu.vector_store %arg8[%swap3A_341, %swap3A_342], %swap3A_345 {strides = array<i32>} : memref<32x768xf32, #tpu.memory_space<vmem>>, vector<1x16xf32>,
        %get3A_346 = arith.index_cast %scan3A_207 : i32 to index
        %get3A_347 = arith.constant 160 : index
        %get3A_348 = tpu.vector_load %arg6[%get3A_346, %get3A_347] {strides = array<i32>} : memref<32x768xf32, #tpu.memory_space<vmem>>, vector<1x16xf32>,
        %get3A_349 = vector.shape_cast %get3A_348 : vector<1x16xf32> to vector<16xf32>
        %get3A_350 = arith.index_cast %scan3A_207 : i32 to index
        %get3A_351 = arith.constant 160 : index
        %get3A_352 = tpu.vector_load %arg5[%get3A_350, %get3A_351] {strides = array<i32>} : memref<32x768xf32, #tpu.memory_space<vmem>>, vector<1x16xf32>,
        %get3A_353 = vector.shape_cast %get3A_352 : vector<1x16xf32> to vector<16xf32>
        %add3A_354 = arith.addf %get3A_349, %get3A_353 : vector<16xf32>
        %swap3A_355 = arith.index_cast %scan3A_207 : i32 to index
        %swap3A_356 = arith.constant 160 : index
        %swap3A_357 = tpu.vector_load %arg8[%swap3A_355, %swap3A_356] {strides = array<i32>} : memref<32x768xf32, #tpu.memory_space<vmem>>, vector<1x16xf32>,
        %swap3A_358 = vector.shape_cast %swap3A_357 : vector<1x16xf32> to vector<16xf32>
        %swap3A_359 = vector.shape_cast %add3A_354 : vector<16xf32> to vector<1x16xf32>
        tpu.vector_store %arg8[%swap3A_355, %swap3A_356], %swap3A_359 {strides = array<i32>} : memref<32x768xf32, #tpu.memory_space<vmem>>, vector<1x16xf32>,
        %get3A_360 = arith.index_cast %scan3A_207 : i32 to index
        %get3A_361 = arith.constant 176 : index
        %get3A_362 = tpu.vector_load %arg6[%get3A_360, %get3A_361] {strides = array<i32>} : memref<32x768xf32, #tpu.memory_space<vmem>>, vector<1x16xf32>,
        %get3A_363 = vector.shape_cast %get3A_362 : vector<1x16xf32> to vector<16xf32>
        %get3A_364 = arith.index_cast %scan3A_207 : i32 to index
        %get3A_365 = arith.constant 176 : index
        %get3A_366 = tpu.vector_load %arg5[%get3A_364, %get3A_365] {strides = array<i32>} : memref<32x768xf32, #tpu.memory_space<vmem>>, vector<1x16xf32>,
        %get3A_367 = vector.shape_cast %get3A_366 : vector<1x16xf32> to vector<16xf32>
        %add3A_368 = arith.addf %get3A_363, %get3A_367 : vector<16xf32>
        %swap3A_369 = arith.index_cast %scan3A_207 : i32 to index
        %swap3A_370 = arith.constant 176 : index
        %swap3A_371 = tpu.vector_load %arg8[%swap3A_369, %swap3A_370] {strides = array<i32>} : memref<32x768xf32, #tpu.memory_space<vmem>>, vector<1x16xf32>,
        %swap3A_372 = vector.shape_cast %swap3A_371 : vector<1x16xf32> to vector<16xf32>
        %swap3A_373 = vector.shape_cast %add3A_368 : vector<16xf32> to vector<1x16xf32>
        tpu.vector_store %arg8[%swap3A_369, %swap3A_370], %swap3A_373 {strides = array<i32>} : memref<32x768xf32, #tpu.memory_space<vmem>>, vector<1x16xf32>,
        %get3A_374 = arith.index_cast %scan3A_207 : i32 to index
        %get3A_375 = arith.constant 192 : index
        %get3A_376 = tpu.vector_load %arg6[%get3A_374, %get3A_375] {strides = array<i32>} : memref<32x768xf32, #tpu.memory_space<vmem>>, vector<1x16xf32>,
        %get3A_377 = vector.shape_cast %get3A_376 : vector<1x16xf32> to vector<16xf32>
        %get3A_378 = arith.index_cast %scan3A_207 : i32 to index
        %get3A_379 = arith.constant 192 : index
        %get3A_380 = tpu.vector_load %arg5[%get3A_378, %get3A_379] {strides = array<i32>} : memref<32x768xf32, #tpu.memory_space<vmem>>, vector<1x16xf32>,
        %get3A_381 = vector.shape_cast %get3A_380 : vector<1x16xf32> to vector<16xf32>
        %add3A_382 = arith.addf %get3A_377, %get3A_381 : vector<16xf32>
        %swap3A_383 = arith.index_cast %scan3A_207 : i32 to index
        %swap3A_384 = arith.constant 192 : index
        %swap3A_385 = tpu.vector_load %arg8[%swap3A_383, %swap3A_384] {strides = array<i32>} : memref<32x768xf32, #tpu.memory_space<vmem>>, vector<1x16xf32>,
        %swap3A_386 = vector.shape_cast %swap3A_385 : vector<1x16xf32> to vector<16xf32>
        %swap3A_387 = vector.shape_cast %add3A_382 : vector<16xf32> to vector<1x16xf32>
        tpu.vector_store %arg8[%swap3A_383, %swap3A_384], %swap3A_387 {strides = array<i32>} : memref<32x768xf32, #tpu.memory_space<vmem>>, vector<1x16xf32>,
        %get3A_388 = arith.index_cast %scan3A_207 : i32 to index
        %get3A_389 = arith.constant 208 : index
        %get3A_390 = tpu.vector_load %arg6[%get3A_388, %get3A_389] {strides = array<i32>} : memref<32x768xf32, #tpu.memory_space<vmem>>, vector<1x16xf32>,
        %get3A_391 = vector.shape_cast %get3A_390 : vector<1x16xf32> to vector<16xf32>
        %get3A_392 = arith.index_cast %scan3A_207 : i32 to index
        %get3A_393 = arith.constant 208 : index
        %get3A_394 = tpu.vector_load %arg5[%get3A_392, %get3A_393] {strides = array<i32>} : memref<32x768xf32, #tpu.memory_space<vmem>>, vector<1x16xf32>,
        %get3A_395 = vector.shape_cast %get3A_394 : vector<1x16xf32> to vector<16xf32>
        %add3A_396 = arith.addf %get3A_391, %get3A_395 : vector<16xf32>
        %swap3A_397 = arith.index_cast %scan3A_207 : i32 to index
        %swap3A_398 = arith.constant 208 : index
        %swap3A_399 = tpu.vector_load %arg8[%swap3A_397, %swap3A_398] {strides = array<i32>} : memref<32x768xf32, #tpu.memory_space<vmem>>, vector<1x16xf32>,
        %swap3A_400 = vector.shape_cast %swap3A_399 : vector<1x16xf32> to vector<16xf32>
        %swap3A_401 = vector.shape_cast %add3A_396 : vector<16xf32> to vector<1x16xf32>
        tpu.vector_store %arg8[%swap3A_397, %swap3A_398], %swap3A_401 {strides = array<i32>} : memref<32x768xf32, #tpu.memory_space<vmem>>, vector<1x16xf32>,
        %get3A_402 = arith.index_cast %scan3A_207 : i32 to index
        %get3A_403 = arith.constant 224 : index
        %get3A_404 = tpu.vector_load %arg6[%get3A_402, %get3A_403] {strides = array<i32>} : memref<32x768xf32, #tpu.memory_space<vmem>>, vector<1x16xf32>,
        %get3A_405 = vector.shape_cast %get3A_404 : vector<1x16xf32> to vector<16xf32>
        %get3A_406 = arith.index_cast %scan3A_207 : i32 to index
        %get3A_407 = arith.constant 224 : index
        %get3A_408 = tpu.vector_load %arg5[%get3A_406, %get3A_407] {strides = array<i32>} : memref<32x768xf32, #tpu.memory_space<vmem>>, vector<1x16xf32>,
        %get3A_409 = vector.shape_cast %get3A_408 : vector<1x16xf32> to vector<16xf32>
        %add3A_410 = arith.addf %get3A_405, %get3A_409 : vector<16xf32>
        %swap3A_411 = arith.index_cast %scan3A_207 : i32 to index
        %swap3A_412 = arith.constant 224 : index
        %swap3A_413 = tpu.vector_load %arg8[%swap3A_411, %swap3A_412] {strides = array<i32>} : memref<32x768xf32, #tpu.memory_space<vmem>>, vector<1x16xf32>,
        %swap3A_414 = vector.shape_cast %swap3A_413 : vector<1x16xf32> to vector<16xf32>
        %swap3A_415 = vector.shape_cast %add3A_410 : vector<16xf32> to vector<1x16xf32>
        tpu.vector_store %arg8[%swap3A_411, %swap3A_412], %swap3A_415 {strides = array<i32>} : memref<32x768xf32, #tpu.memory_space<vmem>>, vector<1x16xf32>,
        %get3A_416 = arith.index_cast %scan3A_207 : i32 to index
        %get3A_417 = arith.constant 240 : index
        %get3A_418 = tpu.vector_load %arg6[%get3A_416, %get3A_417] {strides = array<i32>} : memref<32x768xf32, #tpu.memory_space<vmem>>, vector<1x16xf32>,
        %get3A_419 = vector.shape_cast %get3A_418 : vector<1x16xf32> to vector<16xf32>
        %get3A_420 = arith.index_cast %scan3A_207 : i32 to index
        %get3A_421 = arith.constant 240 : index
        %get3A_422 = tpu.vector_load %arg5[%get3A_420, %get3A_421] {strides = array<i32>} : memref<32x768xf32, #tpu.memory_space<vmem>>, vector<1x16xf32>,
        %get3A_423 = vector.shape_cast %get3A_422 : vector<1x16xf32> to vector<16xf32>
        %add3A_424 = arith.addf %get3A_419, %get3A_423 : vector<16xf32>
        %swap3A_425 = arith.index_cast %scan3A_207 : i32 to index
        %swap3A_426 = arith.constant 240 : index
        %swap3A_427 = tpu.vector_load %arg8[%swap3A_425, %swap3A_426] {strides = array<i32>} : memref<32x768xf32, #tpu.memory_space<vmem>>, vector<1x16xf32>,
        %swap3A_428 = vector.shape_cast %swap3A_427 : vector<1x16xf32> to vector<16xf32>
        %swap3A_429 = vector.shape_cast %add3A_424 : vector<16xf32> to vector<1x16xf32>
        tpu.vector_store %arg8[%swap3A_425, %swap3A_426], %swap3A_429 {strides = array<i32>} : memref<32x768xf32, #tpu.memory_space<vmem>>, vector<1x16xf32>,
        %get3A_430 = arith.index_cast %scan3A_207 : i32 to index
        %get3A_431 = arith.constant 256 : index
        %get3A_432 = tpu.vector_load %arg6[%get3A_430, %get3A_431] {strides = array<i32>} : memref<32x768xf32, #tpu.memory_space<vmem>>, vector<1x16xf32>,
        %get3A_433 = vector.shape_cast %get3A_432 : vector<1x16xf32> to vector<16xf32>
        %get3A_434 = arith.index_cast %scan3A_207 : i32 to index
        %get3A_435 = arith.constant 256 : index
        %get3A_436 = tpu.vector_load %arg5[%get3A_434, %get3A_435] {strides = array<i32>} : memref<32x768xf32, #tpu.memory_space<vmem>>, vector<1x16xf32>,
        %get3A_437 = vector.shape_cast %get3A_436 : vector<1x16xf32> to vector<16xf32>
        %add3A_438 = arith.addf %get3A_433, %get3A_437 : vector<16xf32>
        %swap3A_439 = arith.index_cast %scan3A_207 : i32 to index
        %swap3A_440 = arith.constant 256 : index
        %swap3A_441 = tpu.vector_load %arg8[%swap3A_439, %swap3A_440] {strides = array<i32>} : memref<32x768xf32, #tpu.memory_space<vmem>>, vector<1x16xf32>,
        %swap3A_442 = vector.shape_cast %swap3A_441 : vector<1x16xf32> to vector<16xf32>
        %swap3A_443 = vector.shape_cast %add3A_438 : vector<16xf32> to vector<1x16xf32>
        tpu.vector_store %arg8[%swap3A_439, %swap3A_440], %swap3A_443 {strides = array<i32>} : memref<32x768xf32, #tpu.memory_space<vmem>>, vector<1x16xf32>,
        %get3A_444 = arith.index_cast %scan3A_207 : i32 to index
        %get3A_445 = arith.constant 272 : index
        %get3A_446 = tpu.vector_load %arg6[%get3A_444, %get3A_445] {strides = array<i32>} : memref<32x768xf32, #tpu.memory_space<vmem>>, vector<1x16xf32>,
        %get3A_447 = vector.shape_cast %get3A_446 : vector<1x16xf32> to vector<16xf32>
        %get3A_448 = arith.index_cast %scan3A_207 : i32 to index
        %get3A_449 = arith.constant 272 : index
        %get3A_450 = tpu.vector_load %arg5[%get3A_448, %get3A_449] {strides = array<i32>} : memref<32x768xf32, #tpu.memory_space<vmem>>, vector<1x16xf32>,
        %get3A_451 = vector.shape_cast %get3A_450 : vector<1x16xf32> to vector<16xf32>
        %add3A_452 = arith.addf %get3A_447, %get3A_451 : vector<16xf32>
        %swap3A_453 = arith.index_cast %scan3A_207 : i32 to index
        %swap3A_454 = arith.constant 272 : index
        %swap3A_455 = tpu.vector_load %arg8[%swap3A_453, %swap3A_454] {strides = array<i32>} : memref<32x768xf32, #tpu.memory_space<vmem>>, vector<1x16xf32>,
        %swap3A_456 = vector.shape_cast %swap3A_455 : vector<1x16xf32> to vector<16xf32>
        %swap3A_457 = vector.shape_cast %add3A_452 : vector<16xf32> to vector<1x16xf32>
        tpu.vector_store %arg8[%swap3A_453, %swap3A_454], %swap3A_457 {strides = array<i32>} : memref<32x768xf32, #tpu.memory_space<vmem>>, vector<1x16xf32>,
        %get3A_458 = arith.index_cast %scan3A_207 : i32 to index
        %get3A_459 = arith.constant 288 : index
        %get3A_460 = tpu.vector_load %arg6[%get3A_458, %get3A_459] {strides = array<i32>} : memref<32x768xf32, #tpu.memory_space<vmem>>, vector<1x16xf32>,
        %get3A_461 = vector.shape_cast %get3A_460 : vector<1x16xf32> to vector<16xf32>
        %get3A_462 = arith.index_cast %scan3A_207 : i32 to index
        %get3A_463 = arith.constant 288 : index
        %get3A_464 = tpu.vector_load %arg5[%get3A_462, %get3A_463] {strides = array<i32>} : memref<32x768xf32, #tpu.memory_space<vmem>>, vector<1x16xf32>,
        %get3A_465 = vector.shape_cast %get3A_464 : vector<1x16xf32> to vector<16xf32>
        %add3A_466 = arith.addf %get3A_461, %get3A_465 : vector<16xf32>
        %swap3A_467 = arith.index_cast %scan3A_207 : i32 to index
        %swap3A_468 = arith.constant 288 : index
        %swap3A_469 = tpu.vector_load %arg8[%swap3A_467, %swap3A_468] {strides = array<i32>} : memref<32x768xf32, #tpu.memory_space<vmem>>, vector<1x16xf32>,
        %swap3A_470 = vector.shape_cast %swap3A_469 : vector<1x16xf32> to vector<16xf32>
        %swap3A_471 = vector.shape_cast %add3A_466 : vector<16xf32> to vector<1x16xf32>
        tpu.vector_store %arg8[%swap3A_467, %swap3A_468], %swap3A_471 {strides = array<i32>} : memref<32x768xf32, #tpu.memory_space<vmem>>, vector<1x16xf32>,
        %get3A_472 = arith.index_cast %scan3A_207 : i32 to index
        %get3A_473 = arith.constant 304 : index
        %get3A_474 = tpu.vector_load %arg6[%get3A_472, %get3A_473] {strides = array<i32>} : memref<32x768xf32, #tpu.memory_space<vmem>>, vector<1x16xf32>,
        %get3A_475 = vector.shape_cast %get3A_474 : vector<1x16xf32> to vector<16xf32>
        %get3A_476 = arith.index_cast %scan3A_207 : i32 to index
        %get3A_477 = arith.constant 304 : index
        %get3A_478 = tpu.vector_load %arg5[%get3A_476, %get3A_477] {strides = array<i32>} : memref<32x768xf32, #tpu.memory_space<vmem>>, vector<1x16xf32>,
        %get3A_479 = vector.shape_cast %get3A_478 : vector<1x16xf32> to vector<16xf32>
        %add3A_480 = arith.addf %get3A_475, %get3A_479 : vector<16xf32>
        %swap3A_481 = arith.index_cast %scan3A_207 : i32 to index
        %swap3A_482 = arith.constant 304 : index
        %swap3A_483 = tpu.vector_load %arg8[%swap3A_481, %swap3A_482] {strides = array<i32>} : memref<32x768xf32, #tpu.memory_space<vmem>>, vector<1x16xf32>,
        %swap3A_484 = vector.shape_cast %swap3A_483 : vector<1x16xf32> to vector<16xf32>
        %swap3A_485 = vector.shape_cast %add3A_480 : vector<16xf32> to vector<1x16xf32>
        tpu.vector_store %arg8[%swap3A_481, %swap3A_482], %swap3A_485 {strides = array<i32>} : memref<32x768xf32, #tpu.memory_space<vmem>>, vector<1x16xf32>,
        %get3A_486 = arith.index_cast %scan3A_207 : i32 to index
        %get3A_487 = arith.constant 320 : index
        %get3A_488 = tpu.vector_load %arg6[%get3A_486, %get3A_487] {strides = array<i32>} : memref<32x768xf32, #tpu.memory_space<vmem>>, vector<1x16xf32>,
        %get3A_489 = vector.shape_cast %get3A_488 : vector<1x16xf32> to vector<16xf32>
        %get3A_490 = arith.index_cast %scan3A_207 : i32 to index
        %get3A_491 = arith.constant 320 : index
        %get3A_492 = tpu.vector_load %arg5[%get3A_490, %get3A_491] {strides = array<i32>} : memref<32x768xf32, #tpu.memory_space<vmem>>, vector<1x16xf32>,
        %get3A_493 = vector.shape_cast %get3A_492 : vector<1x16xf32> to vector<16xf32>
        %add3A_494 = arith.addf %get3A_489, %get3A_493 : vector<16xf32>
        %swap3A_495 = arith.index_cast %scan3A_207 : i32 to index
        %swap3A_496 = arith.constant 320 : index
        %swap3A_497 = tpu.vector_load %arg8[%swap3A_495, %swap3A_496] {strides = array<i32>} : memref<32x768xf32, #tpu.memory_space<vmem>>, vector<1x16xf32>,
        %swap3A_498 = vector.shape_cast %swap3A_497 : vector<1x16xf32> to vector<16xf32>
        %swap3A_499 = vector.shape_cast %add3A_494 : vector<16xf32> to vector<1x16xf32>
        tpu.vector_store %arg8[%swap3A_495, %swap3A_496], %swap3A_499 {strides = array<i32>} : memref<32x768xf32, #tpu.memory_space<vmem>>, vector<1x16xf32>,
        %get3A_500 = arith.index_cast %scan3A_207 : i32 to index
        %get3A_501 = arith.constant 336 : index
        %get3A_502 = tpu.vector_load %arg6[%get3A_500, %get3A_501] {strides = array<i32>} : memref<32x768xf32, #tpu.memory_space<vmem>>, vector<1x16xf32>,
        %get3A_503 = vector.shape_cast %get3A_502 : vector<1x16xf32> to vector<16xf32>
        %get3A_504 = arith.index_cast %scan3A_207 : i32 to index
        %get3A_505 = arith.constant 336 : index
        %get3A_506 = tpu.vector_load %arg5[%get3A_504, %get3A_505] {strides = array<i32>} : memref<32x768xf32, #tpu.memory_space<vmem>>, vector<1x16xf32>,
        %get3A_507 = vector.shape_cast %get3A_506 : vector<1x16xf32> to vector<16xf32>
        %add3A_508 = arith.addf %get3A_503, %get3A_507 : vector<16xf32>
        %swap3A_509 = arith.index_cast %scan3A_207 : i32 to index
        %swap3A_510 = arith.constant 336 : index
        %swap3A_511 = tpu.vector_load %arg8[%swap3A_509, %swap3A_510] {strides = array<i32>} : memref<32x768xf32, #tpu.memory_space<vmem>>, vector<1x16xf32>,
        %swap3A_512 = vector.shape_cast %swap3A_511 : vector<1x16xf32> to vector<16xf32>
        %swap3A_513 = vector.shape_cast %add3A_508 : vector<16xf32> to vector<1x16xf32>
        tpu.vector_store %arg8[%swap3A_509, %swap3A_510], %swap3A_513 {strides = array<i32>} : memref<32x768xf32, #tpu.memory_space<vmem>>, vector<1x16xf32>,
        %get3A_514 = arith.index_cast %scan3A_207 : i32 to index
        %get3A_515 = arith.constant 352 : index
        %get3A_516 = tpu.vector_load %arg6[%get3A_514, %get3A_515] {strides = array<i32>} : memref<32x768xf32, #tpu.memory_space<vmem>>, vector<1x16xf32>,
        %get3A_517 = vector.shape_cast %get3A_516 : vector<1x16xf32> to vector<16xf32>
        %get3A_518 = arith.index_cast %scan3A_207 : i32 to index
        %get3A_519 = arith.constant 352 : index
        %get3A_520 = tpu.vector_load %arg5[%get3A_518, %get3A_519] {strides = array<i32>} : memref<32x768xf32, #tpu.memory_space<vmem>>, vector<1x16xf32>,
        %get3A_521 = vector.shape_cast %get3A_520 : vector<1x16xf32> to vector<16xf32>
        %add3A_522 = arith.addf %get3A_517, %get3A_521 : vector<16xf32>
        %swap3A_523 = arith.index_cast %scan3A_207 : i32 to index
        %swap3A_524 = arith.constant 352 : index
        %swap3A_525 = tpu.vector_load %arg8[%swap3A_523, %swap3A_524] {strides = array<i32>} : memref<32x768xf32, #tpu.memory_space<vmem>>, vector<1x16xf32>,
        %swap3A_526 = vector.shape_cast %swap3A_525 : vector<1x16xf32> to vector<16xf32>
        %swap3A_527 = vector.shape_cast %add3A_522 : vector<16xf32> to vector<1x16xf32>
        tpu.vector_store %arg8[%swap3A_523, %swap3A_524], %swap3A_527 {strides = array<i32>} : memref<32x768xf32, #tpu.memory_space<vmem>>, vector<1x16xf32>,
        %get3A_528 = arith.index_cast %scan3A_207 : i32 to index
        %get3A_529 = arith.constant 368 : index
        %get3A_530 = tpu.vector_load %arg6[%get3A_528, %get3A_529] {strides = array<i32>} : memref<32x768xf32, #tpu.memory_space<vmem>>, vector<1x16xf32>,
        %get3A_531 = vector.shape_cast %get3A_530 : vector<1x16xf32> to vector<16xf32>
        %get3A_532 = arith.index_cast %scan3A_207 : i32 to index
        %get3A_533 = arith.constant 368 : index
        %get3A_534 = tpu.vector_load %arg5[%get3A_532, %get3A_533] {strides = array<i32>} : memref<32x768xf32, #tpu.memory_space<vmem>>, vector<1x16xf32>,
        %get3A_535 = vector.shape_cast %get3A_534 : vector<1x16xf32> to vector<16xf32>
        %add3A_536 = arith.addf %get3A_531, %get3A_535 : vector<16xf32>
        %swap3A_537 = arith.index_cast %scan3A_207 : i32 to index
        %swap3A_538 = arith.constant 368 : index
        %swap3A_539 = tpu.vector_load %arg8[%swap3A_537, %swap3A_538] {strides = array<i32>} : memref<32x768xf32, #tpu.memory_space<vmem>>, vector<1x16xf32>,
        %swap3A_540 = vector.shape_cast %swap3A_539 : vector<1x16xf32> to vector<16xf32>
        %swap3A_541 = vector.shape_cast %add3A_536 : vector<16xf32> to vector<1x16xf32>
        tpu.vector_store %arg8[%swap3A_537, %swap3A_538], %swap3A_541 {strides = array<i32>} : memref<32x768xf32, #tpu.memory_space<vmem>>, vector<1x16xf32>,
        %get3A_542 = arith.index_cast %scan3A_207 : i32 to index
        %get3A_543 = arith.constant 384 : index
        %get3A_544 = tpu.vector_load %arg6[%get3A_542, %get3A_543] {strides = array<i32>} : memref<32x768xf32, #tpu.memory_space<vmem>>, vector<1x16xf32>,
        %get3A_545 = vector.shape_cast %get3A_544 : vector<1x16xf32> to vector<16xf32>
        %get3A_546 = arith.index_cast %scan3A_207 : i32 to index
        %get3A_547 = arith.constant 384 : index
        %get3A_548 = tpu.vector_load %arg5[%get3A_546, %get3A_547] {strides = array<i32>} : memref<32x768xf32, #tpu.memory_space<vmem>>, vector<1x16xf32>,
        %get3A_549 = vector.shape_cast %get3A_548 : vector<1x16xf32> to vector<16xf32>
        %add3A_550 = arith.addf %get3A_545, %get3A_549 : vector<16xf32>
        %swap3A_551 = arith.index_cast %scan3A_207 : i32 to index
        %swap3A_552 = arith.constant 384 : index
        %swap3A_553 = tpu.vector_load %arg8[%swap3A_551, %swap3A_552] {strides = array<i32>} : memref<32x768xf32, #tpu.memory_space<vmem>>, vector<1x16xf32>,
        %swap3A_554 = vector.shape_cast %swap3A_553 : vector<1x16xf32> to vector<16xf32>
        %swap3A_555 = vector.shape_cast %add3A_550 : vector<16xf32> to vector<1x16xf32>
        tpu.vector_store %arg8[%swap3A_551, %swap3A_552], %swap3A_555 {strides = array<i32>} : memref<32x768xf32, #tpu.memory_space<vmem>>, vector<1x16xf32>,
        %get3A_556 = arith.index_cast %scan3A_207 : i32 to index
        %get3A_557 = arith.constant 400 : index
        %get3A_558 = tpu.vector_load %arg6[%get3A_556, %get3A_557] {strides = array<i32>} : memref<32x768xf32, #tpu.memory_space<vmem>>, vector<1x16xf32>,
        %get3A_559 = vector.shape_cast %get3A_558 : vector<1x16xf32> to vector<16xf32>
        %get3A_560 = arith.index_cast %scan3A_207 : i32 to index
        %get3A_561 = arith.constant 400 : index
        %get3A_562 = tpu.vector_load %arg5[%get3A_560, %get3A_561] {strides = array<i32>} : memref<32x768xf32, #tpu.memory_space<vmem>>, vector<1x16xf32>,
        %get3A_563 = vector.shape_cast %get3A_562 : vector<1x16xf32> to vector<16xf32>
        %add3A_564 = arith.addf %get3A_559, %get3A_563 : vector<16xf32>
        %swap3A_565 = arith.index_cast %scan3A_207 : i32 to index
        %swap3A_566 = arith.constant 400 : index
        %swap3A_567 = tpu.vector_load %arg8[%swap3A_565, %swap3A_566] {strides = array<i32>} : memref<32x768xf32, #tpu.memory_space<vmem>>, vector<1x16xf32>,
        %swap3A_568 = vector.shape_cast %swap3A_567 : vector<1x16xf32> to vector<16xf32>
        %swap3A_569 = vector.shape_cast %add3A_564 : vector<16xf32> to vector<1x16xf32>
        tpu.vector_store %arg8[%swap3A_565, %swap3A_566], %swap3A_569 {strides = array<i32>} : memref<32x768xf32, #tpu.memory_space<vmem>>, vector<1x16xf32>,
        %get3A_570 = arith.index_cast %scan3A_207 : i32 to index
        %get3A_571 = arith.constant 416 : index
        %get3A_572 = tpu.vector_load %arg6[%get3A_570, %get3A_571] {strides = array<i32>} : memref<32x768xf32, #tpu.memory_space<vmem>>, vector<1x16xf32>,
        %get3A_573 = vector.shape_cast %get3A_572 : vector<1x16xf32> to vector<16xf32>
        %get3A_574 = arith.index_cast %scan3A_207 : i32 to index
        %get3A_575 = arith.constant 416 : index
        %get3A_576 = tpu.vector_load %arg5[%get3A_574, %get3A_575] {strides = array<i32>} : memref<32x768xf32, #tpu.memory_space<vmem>>, vector<1x16xf32>,
        %get3A_577 = vector.shape_cast %get3A_576 : vector<1x16xf32> to vector<16xf32>
        %add3A_578 = arith.addf %get3A_573, %get3A_577 : vector<16xf32>
        %swap3A_579 = arith.index_cast %scan3A_207 : i32 to index
        %swap3A_580 = arith.constant 416 : index
        %swap3A_581 = tpu.vector_load %arg8[%swap3A_579, %swap3A_580] {strides = array<i32>} : memref<32x768xf32, #tpu.memory_space<vmem>>, vector<1x16xf32>,
        %swap3A_582 = vector.shape_cast %swap3A_581 : vector<1x16xf32> to vector<16xf32>
        %swap3A_583 = vector.shape_cast %add3A_578 : vector<16xf32> to vector<1x16xf32>
        tpu.vector_store %arg8[%swap3A_579, %swap3A_580], %swap3A_583 {strides = array<i32>} : memref<32x768xf32, #tpu.memory_space<vmem>>, vector<1x16xf32>,
        %get3A_584 = arith.index_cast %scan3A_207 : i32 to index
        %get3A_585 = arith.constant 432 : index
        %get3A_586 = tpu.vector_load %arg6[%get3A_584, %get3A_585] {strides = array<i32>} : memref<32x768xf32, #tpu.memory_space<vmem>>, vector<1x16xf32>,
        %get3A_587 = vector.shape_cast %get3A_586 : vector<1x16xf32> to vector<16xf32>
        %get3A_588 = arith.index_cast %scan3A_207 : i32 to index
        %get3A_589 = arith.constant 432 : index
        %get3A_590 = tpu.vector_load %arg5[%get3A_588, %get3A_589] {strides = array<i32>} : memref<32x768xf32, #tpu.memory_space<vmem>>, vector<1x16xf32>,
        %get3A_591 = vector.shape_cast %get3A_590 : vector<1x16xf32> to vector<16xf32>
        %add3A_592 = arith.addf %get3A_587, %get3A_591 : vector<16xf32>
        %swap3A_593 = arith.index_cast %scan3A_207 : i32 to index
        %swap3A_594 = arith.constant 432 : index
        %swap3A_595 = tpu.vector_load %arg8[%swap3A_593, %swap3A_594] {strides = array<i32>} : memref<32x768xf32, #tpu.memory_space<vmem>>, vector<1x16xf32>,
        %swap3A_596 = vector.shape_cast %swap3A_595 : vector<1x16xf32> to vector<16xf32>
        %swap3A_597 = vector.shape_cast %add3A_592 : vector<16xf32> to vector<1x16xf32>
        tpu.vector_store %arg8[%swap3A_593, %swap3A_594], %swap3A_597 {strides = array<i32>} : memref<32x768xf32, #tpu.memory_space<vmem>>, vector<1x16xf32>,
        %get3A_598 = arith.index_cast %scan3A_207 : i32 to index
        %get3A_599 = arith.constant 448 : index
        %get3A_600 = tpu.vector_load %arg6[%get3A_598, %get3A_599] {strides = array<i32>} : memref<32x768xf32, #tpu.memory_space<vmem>>, vector<1x16xf32>,
        %get3A_601 = vector.shape_cast %get3A_600 : vector<1x16xf32> to vector<16xf32>
        %get3A_602 = arith.index_cast %scan3A_207 : i32 to index
        %get3A_603 = arith.constant 448 : index
        %get3A_604 = tpu.vector_load %arg5[%get3A_602, %get3A_603] {strides = array<i32>} : memref<32x768xf32, #tpu.memory_space<vmem>>, vector<1x16xf32>,
        %get3A_605 = vector.shape_cast %get3A_604 : vector<1x16xf32> to vector<16xf32>
        %add3A_606 = arith.addf %get3A_601, %get3A_605 : vector<16xf32>
        %swap3A_607 = arith.index_cast %scan3A_207 : i32 to index
        %swap3A_608 = arith.constant 448 : index
        %swap3A_609 = tpu.vector_load %arg8[%swap3A_607, %swap3A_608] {strides = array<i32>} : memref<32x768xf32, #tpu.memory_space<vmem>>, vector<1x16xf32>,
        %swap3A_610 = vector.shape_cast %swap3A_609 : vector<1x16xf32> to vector<16xf32>
        %swap3A_611 = vector.shape_cast %add3A_606 : vector<16xf32> to vector<1x16xf32>
        tpu.vector_store %arg8[%swap3A_607, %swap3A_608], %swap3A_611 {strides = array<i32>} : memref<32x768xf32, #tpu.memory_space<vmem>>, vector<1x16xf32>,
        %get3A_612 = arith.index_cast %scan3A_207 : i32 to index
        %get3A_613 = arith.constant 464 : index
        %get3A_614 = tpu.vector_load %arg6[%get3A_612, %get3A_613] {strides = array<i32>} : memref<32x768xf32, #tpu.memory_space<vmem>>, vector<1x16xf32>,
        %get3A_615 = vector.shape_cast %get3A_614 : vector<1x16xf32> to vector<16xf32>
        %get3A_616 = arith.index_cast %scan3A_207 : i32 to index
        %get3A_617 = arith.constant 464 : index
        %get3A_618 = tpu.vector_load %arg5[%get3A_616, %get3A_617] {strides = array<i32>} : memref<32x768xf32, #tpu.memory_space<vmem>>, vector<1x16xf32>,
        %get3A_619 = vector.shape_cast %get3A_618 : vector<1x16xf32> to vector<16xf32>
        %add3A_620 = arith.addf %get3A_615, %get3A_619 : vector<16xf32>
        %swap3A_621 = arith.index_cast %scan3A_207 : i32 to index
        %swap3A_622 = arith.constant 464 : index
        %swap3A_623 = tpu.vector_load %arg8[%swap3A_621, %swap3A_622] {strides = array<i32>} : memref<32x768xf32, #tpu.memory_space<vmem>>, vector<1x16xf32>,
        %swap3A_624 = vector.shape_cast %swap3A_623 : vector<1x16xf32> to vector<16xf32>
        %swap3A_625 = vector.shape_cast %add3A_620 : vector<16xf32> to vector<1x16xf32>
        tpu.vector_store %arg8[%swap3A_621, %swap3A_622], %swap3A_625 {strides = array<i32>} : memref<32x768xf32, #tpu.memory_space<vmem>>, vector<1x16xf32>,
        %get3A_626 = arith.index_cast %scan3A_207 : i32 to index
        %get3A_627 = arith.constant 480 : index
        %get3A_628 = tpu.vector_load %arg6[%get3A_626, %get3A_627] {strides = array<i32>} : memref<32x768xf32, #tpu.memory_space<vmem>>, vector<1x16xf32>,
        %get3A_629 = vector.shape_cast %get3A_628 : vector<1x16xf32> to vector<16xf32>
        %get3A_630 = arith.index_cast %scan3A_207 : i32 to index
        %get3A_631 = arith.constant 480 : index
        %get3A_632 = tpu.vector_load %arg5[%get3A_630, %get3A_631] {strides = array<i32>} : memref<32x768xf32, #tpu.memory_space<vmem>>, vector<1x16xf32>,
        %get3A_633 = vector.shape_cast %get3A_632 : vector<1x16xf32> to vector<16xf32>
        %add3A_634 = arith.addf %get3A_629, %get3A_633 : vector<16xf32>
        %swap3A_635 = arith.index_cast %scan3A_207 : i32 to index
        %swap3A_636 = arith.constant 480 : index
        %swap3A_637 = tpu.vector_load %arg8[%swap3A_635, %swap3A_636] {strides = array<i32>} : memref<32x768xf32, #tpu.memory_space<vmem>>, vector<1x16xf32>,
        %swap3A_638 = vector.shape_cast %swap3A_637 : vector<1x16xf32> to vector<16xf32>
        %swap3A_639 = vector.shape_cast %add3A_634 : vector<16xf32> to vector<1x16xf32>
        tpu.vector_store %arg8[%swap3A_635, %swap3A_636], %swap3A_639 {strides = array<i32>} : memref<32x768xf32, #tpu.memory_space<vmem>>, vector<1x16xf32>,
        %get3A_640 = arith.index_cast %scan3A_207 : i32 to index
        %get3A_641 = arith.constant 496 : index
        %get3A_642 = tpu.vector_load %arg6[%get3A_640, %get3A_641] {strides = array<i32>} : memref<32x768xf32, #tpu.memory_space<vmem>>, vector<1x16xf32>,
        %get3A_643 = vector.shape_cast %get3A_642 : vector<1x16xf32> to vector<16xf32>
        %get3A_644 = arith.index_cast %scan3A_207 : i32 to index
        %get3A_645 = arith.constant 496 : index
        %get3A_646 = tpu.vector_load %arg5[%get3A_644, %get3A_645] {strides = array<i32>} : memref<32x768xf32, #tpu.memory_space<vmem>>, vector<1x16xf32>,
        %get3A_647 = vector.shape_cast %get3A_646 : vector<1x16xf32> to vector<16xf32>
        %add3A_648 = arith.addf %get3A_643, %get3A_647 : vector<16xf32>
        %swap3A_649 = arith.index_cast %scan3A_207 : i32 to index
        %swap3A_650 = arith.constant 496 : index
        %swap3A_651 = tpu.vector_load %arg8[%swap3A_649, %swap3A_650] {strides = array<i32>} : memref<32x768xf32, #tpu.memory_space<vmem>>, vector<1x16xf32>,
        %swap3A_652 = vector.shape_cast %swap3A_651 : vector<1x16xf32> to vector<16xf32>
        %swap3A_653 = vector.shape_cast %add3A_648 : vector<16xf32> to vector<1x16xf32>
        tpu.vector_store %arg8[%swap3A_649, %swap3A_650], %swap3A_653 {strides = array<i32>} : memref<32x768xf32, #tpu.memory_space<vmem>>, vector<1x16xf32>,
        %get3A_654 = arith.index_cast %scan3A_207 : i32 to index
        %get3A_655 = arith.constant 512 : index
        %get3A_656 = tpu.vector_load %arg6[%get3A_654, %get3A_655] {strides = array<i32>} : memref<32x768xf32, #tpu.memory_space<vmem>>, vector<1x16xf32>,
        %get3A_657 = vector.shape_cast %get3A_656 : vector<1x16xf32> to vector<16xf32>
        %get3A_658 = arith.index_cast %scan3A_207 : i32 to index
        %get3A_659 = arith.constant 512 : index
        %get3A_660 = tpu.vector_load %arg5[%get3A_658, %get3A_659] {strides = array<i32>} : memref<32x768xf32, #tpu.memory_space<vmem>>, vector<1x16xf32>,
        %get3A_661 = vector.shape_cast %get3A_660 : vector<1x16xf32> to vector<16xf32>
        %add3A_662 = arith.addf %get3A_657, %get3A_661 : vector<16xf32>
        %swap3A_663 = arith.index_cast %scan3A_207 : i32 to index
        %swap3A_664 = arith.constant 512 : index
        %swap3A_665 = tpu.vector_load %arg8[%swap3A_663, %swap3A_664] {strides = array<i32>} : memref<32x768xf32, #tpu.memory_space<vmem>>, vector<1x16xf32>,
        %swap3A_666 = vector.shape_cast %swap3A_665 : vector<1x16xf32> to vector<16xf32>
        %swap3A_667 = vector.shape_cast %add3A_662 : vector<16xf32> to vector<1x16xf32>
        tpu.vector_store %arg8[%swap3A_663, %swap3A_664], %swap3A_667 {strides = array<i32>} : memref<32x768xf32, #tpu.memory_space<vmem>>, vector<1x16xf32>,
        %get3A_668 = arith.index_cast %scan3A_207 : i32 to index
        %get3A_669 = arith.constant 528 : index
        %get3A_670 = tpu.vector_load %arg6[%get3A_668, %get3A_669] {strides = array<i32>} : memref<32x768xf32, #tpu.memory_space<vmem>>, vector<1x16xf32>,
        %get3A_671 = vector.shape_cast %get3A_670 : vector<1x16xf32> to vector<16xf32>
        %get3A_672 = arith.index_cast %scan3A_207 : i32 to index
        %get3A_673 = arith.constant 528 : index
        %get3A_674 = tpu.vector_load %arg5[%get3A_672, %get3A_673] {strides = array<i32>} : memref<32x768xf32, #tpu.memory_space<vmem>>, vector<1x16xf32>,
        %get3A_675 = vector.shape_cast %get3A_674 : vector<1x16xf32> to vector<16xf32>
        %add3A_676 = arith.addf %get3A_671, %get3A_675 : vector<16xf32>
        %swap3A_677 = arith.index_cast %scan3A_207 : i32 to index
        %swap3A_678 = arith.constant 528 : index
        %swap3A_679 = tpu.vector_load %arg8[%swap3A_677, %swap3A_678] {strides = array<i32>} : memref<32x768xf32, #tpu.memory_space<vmem>>, vector<1x16xf32>,
        %swap3A_680 = vector.shape_cast %swap3A_679 : vector<1x16xf32> to vector<16xf32>
        %swap3A_681 = vector.shape_cast %add3A_676 : vector<16xf32> to vector<1x16xf32>
        tpu.vector_store %arg8[%swap3A_677, %swap3A_678], %swap3A_681 {strides = array<i32>} : memref<32x768xf32, #tpu.memory_space<vmem>>, vector<1x16xf32>,
        %get3A_682 = arith.index_cast %scan3A_207 : i32 to index
        %get3A_683 = arith.constant 544 : index
        %get3A_684 = tpu.vector_load %arg6[%get3A_682, %get3A_683] {strides = array<i32>} : memref<32x768xf32, #tpu.memory_space<vmem>>, vector<1x16xf32>,
        %get3A_685 = vector.shape_cast %get3A_684 : vector<1x16xf32> to vector<16xf32>
        %get3A_686 = arith.index_cast %scan3A_207 : i32 to index
        %get3A_687 = arith.constant 544 : index
        %get3A_688 = tpu.vector_load %arg5[%get3A_686, %get3A_687] {strides = array<i32>} : memref<32x768xf32, #tpu.memory_space<vmem>>, vector<1x16xf32>,
        %get3A_689 = vector.shape_cast %get3A_688 : vector<1x16xf32> to vector<16xf32>
        %add3A_690 = arith.addf %get3A_685, %get3A_689 : vector<16xf32>
        %swap3A_691 = arith.index_cast %scan3A_207 : i32 to index
        %swap3A_692 = arith.constant 544 : index
        %swap3A_693 = tpu.vector_load %arg8[%swap3A_691, %swap3A_692] {strides = array<i32>} : memref<32x768xf32, #tpu.memory_space<vmem>>, vector<1x16xf32>,
        %swap3A_694 = vector.shape_cast %swap3A_693 : vector<1x16xf32> to vector<16xf32>
        %swap3A_695 = vector.shape_cast %add3A_690 : vector<16xf32> to vector<1x16xf32>
        tpu.vector_store %arg8[%swap3A_691, %swap3A_692], %swap3A_695 {strides = array<i32>} : memref<32x768xf32, #tpu.memory_space<vmem>>, vector<1x16xf32>,
        %get3A_696 = arith.index_cast %scan3A_207 : i32 to index
        %get3A_697 = arith.constant 560 : index
        %get3A_698 = tpu.vector_load %arg6[%get3A_696, %get3A_697] {strides = array<i32>} : memref<32x768xf32, #tpu.memory_space<vmem>>, vector<1x16xf32>,
        %get3A_699 = vector.shape_cast %get3A_698 : vector<1x16xf32> to vector<16xf32>
        %get3A_700 = arith.index_cast %scan3A_207 : i32 to index
        %get3A_701 = arith.constant 560 : index
        %get3A_702 = tpu.vector_load %arg5[%get3A_700, %get3A_701] {strides = array<i32>} : memref<32x768xf32, #tpu.memory_space<vmem>>, vector<1x16xf32>,
        %get3A_703 = vector.shape_cast %get3A_702 : vector<1x16xf32> to vector<16xf32>
        %add3A_704 = arith.addf %get3A_699, %get3A_703 : vector<16xf32>
        %swap3A_705 = arith.index_cast %scan3A_207 : i32 to index
        %swap3A_706 = arith.constant 560 : index
        %swap3A_707 = tpu.vector_load %arg8[%swap3A_705, %swap3A_706] {strides = array<i32>} : memref<32x768xf32, #tpu.memory_space<vmem>>, vector<1x16xf32>,
        %swap3A_708 = vector.shape_cast %swap3A_707 : vector<1x16xf32> to vector<16xf32>
        %swap3A_709 = vector.shape_cast %add3A_704 : vector<16xf32> to vector<1x16xf32>
        tpu.vector_store %arg8[%swap3A_705, %swap3A_706], %swap3A_709 {strides = array<i32>} : memref<32x768xf32, #tpu.memory_space<vmem>>, vector<1x16xf32>,
        %get3A_710 = arith.index_cast %scan3A_207 : i32 to index
        %get3A_711 = arith.constant 576 : index
        %get3A_712 = tpu.vector_load %arg6[%get3A_710, %get3A_711] {strides = array<i32>} : memref<32x768xf32, #tpu.memory_space<vmem>>, vector<1x16xf32>,
        %get3A_713 = vector.shape_cast %get3A_712 : vector<1x16xf32> to vector<16xf32>
        %get3A_714 = arith.index_cast %scan3A_207 : i32 to index
        %get3A_715 = arith.constant 576 : index
        %get3A_716 = tpu.vector_load %arg5[%get3A_714, %get3A_715] {strides = array<i32>} : memref<32x768xf32, #tpu.memory_space<vmem>>, vector<1x16xf32>,
        %get3A_717 = vector.shape_cast %get3A_716 : vector<1x16xf32> to vector<16xf32>
        %add3A_718 = arith.addf %get3A_713, %get3A_717 : vector<16xf32>
        %swap3A_719 = arith.index_cast %scan3A_207 : i32 to index
        %swap3A_720 = arith.constant 576 : index
        %swap3A_721 = tpu.vector_load %arg8[%swap3A_719, %swap3A_720] {strides = array<i32>} : memref<32x768xf32, #tpu.memory_space<vmem>>, vector<1x16xf32>,
        %swap3A_722 = vector.shape_cast %swap3A_721 : vector<1x16xf32> to vector<16xf32>
        %swap3A_723 = vector.shape_cast %add3A_718 : vector<16xf32> to vector<1x16xf32>
        tpu.vector_store %arg8[%swap3A_719, %swap3A_720], %swap3A_723 {strides = array<i32>} : memref<32x768xf32, #tpu.memory_space<vmem>>, vector<1x16xf32>,
        %get3A_724 = arith.index_cast %scan3A_207 : i32 to index
        %get3A_725 = arith.constant 592 : index
        %get3A_726 = tpu.vector_load %arg6[%get3A_724, %get3A_725] {strides = array<i32>} : memref<32x768xf32, #tpu.memory_space<vmem>>, vector<1x16xf32>,
        %get3A_727 = vector.shape_cast %get3A_726 : vector<1x16xf32> to vector<16xf32>
        %get3A_728 = arith.index_cast %scan3A_207 : i32 to index
        %get3A_729 = arith.constant 592 : index
        %get3A_730 = tpu.vector_load %arg5[%get3A_728, %get3A_729] {strides = array<i32>} : memref<32x768xf32, #tpu.memory_space<vmem>>, vector<1x16xf32>,
        %get3A_731 = vector.shape_cast %get3A_730 : vector<1x16xf32> to vector<16xf32>
        %add3A_732 = arith.addf %get3A_727, %get3A_731 : vector<16xf32>
        %swap3A_733 = arith.index_cast %scan3A_207 : i32 to index
        %swap3A_734 = arith.constant 592 : index
        %swap3A_735 = tpu.vector_load %arg8[%swap3A_733, %swap3A_734] {strides = array<i32>} : memref<32x768xf32, #tpu.memory_space<vmem>>, vector<1x16xf32>,
        %swap3A_736 = vector.shape_cast %swap3A_735 : vector<1x16xf32> to vector<16xf32>
        %swap3A_737 = vector.shape_cast %add3A_732 : vector<16xf32> to vector<1x16xf32>
        tpu.vector_store %arg8[%swap3A_733, %swap3A_734], %swap3A_737 {strides = array<i32>} : memref<32x768xf32, #tpu.memory_space<vmem>>, vector<1x16xf32>,
        %get3A_738 = arith.index_cast %scan3A_207 : i32 to index
        %get3A_739 = arith.constant 608 : index
        %get3A_740 = tpu.vector_load %arg6[%get3A_738, %get3A_739] {strides = array<i32>} : memref<32x768xf32, #tpu.memory_space<vmem>>, vector<1x16xf32>,
        %get3A_741 = vector.shape_cast %get3A_740 : vector<1x16xf32> to vector<16xf32>
        %get3A_742 = arith.index_cast %scan3A_207 : i32 to index
        %get3A_743 = arith.constant 608 : index
        %get3A_744 = tpu.vector_load %arg5[%get3A_742, %get3A_743] {strides = array<i32>} : memref<32x768xf32, #tpu.memory_space<vmem>>, vector<1x16xf32>,
        %get3A_745 = vector.shape_cast %get3A_744 : vector<1x16xf32> to vector<16xf32>
        %add3A_746 = arith.addf %get3A_741, %get3A_745 : vector<16xf32>
        %swap3A_747 = arith.index_cast %scan3A_207 : i32 to index
        %swap3A_748 = arith.constant 608 : index
        %swap3A_749 = tpu.vector_load %arg8[%swap3A_747, %swap3A_748] {strides = array<i32>} : memref<32x768xf32, #tpu.memory_space<vmem>>, vector<1x16xf32>,
        %swap3A_750 = vector.shape_cast %swap3A_749 : vector<1x16xf32> to vector<16xf32>
        %swap3A_751 = vector.shape_cast %add3A_746 : vector<16xf32> to vector<1x16xf32>
        tpu.vector_store %arg8[%swap3A_747, %swap3A_748], %swap3A_751 {strides = array<i32>} : memref<32x768xf32, #tpu.memory_space<vmem>>, vector<1x16xf32>,
        %get3A_752 = arith.index_cast %scan3A_207 : i32 to index
        %get3A_753 = arith.constant 624 : index
        %get3A_754 = tpu.vector_load %arg6[%get3A_752, %get3A_753] {strides = array<i32>} : memref<32x768xf32, #tpu.memory_space<vmem>>, vector<1x16xf32>,
        %get3A_755 = vector.shape_cast %get3A_754 : vector<1x16xf32> to vector<16xf32>
        %get3A_756 = arith.index_cast %scan3A_207 : i32 to index
        %get3A_757 = arith.constant 624 : index
        %get3A_758 = tpu.vector_load %arg5[%get3A_756, %get3A_757] {strides = array<i32>} : memref<32x768xf32, #tpu.memory_space<vmem>>, vector<1x16xf32>,
        %get3A_759 = vector.shape_cast %get3A_758 : vector<1x16xf32> to vector<16xf32>
        %add3A_760 = arith.addf %get3A_755, %get3A_759 : vector<16xf32>
        %swap3A_761 = arith.index_cast %scan3A_207 : i32 to index
        %swap3A_762 = arith.constant 624 : index
        %swap3A_763 = tpu.vector_load %arg8[%swap3A_761, %swap3A_762] {strides = array<i32>} : memref<32x768xf32, #tpu.memory_space<vmem>>, vector<1x16xf32>,
        %swap3A_764 = vector.shape_cast %swap3A_763 : vector<1x16xf32> to vector<16xf32>
        %swap3A_765 = vector.shape_cast %add3A_760 : vector<16xf32> to vector<1x16xf32>
        tpu.vector_store %arg8[%swap3A_761, %swap3A_762], %swap3A_765 {strides = array<i32>} : memref<32x768xf32, #tpu.memory_space<vmem>>, vector<1x16xf32>,
        %get3A_766 = arith.index_cast %scan3A_207 : i32 to index
        %get3A_767 = arith.constant 640 : index
        %get3A_768 = tpu.vector_load %arg6[%get3A_766, %get3A_767] {strides = array<i32>} : memref<32x768xf32, #tpu.memory_space<vmem>>, vector<1x16xf32>,
        %get3A_769 = vector.shape_cast %get3A_768 : vector<1x16xf32> to vector<16xf32>
        %get3A_770 = arith.index_cast %scan3A_207 : i32 to index
        %get3A_771 = arith.constant 640 : index
        %get3A_772 = tpu.vector_load %arg5[%get3A_770, %get3A_771] {strides = array<i32>} : memref<32x768xf32, #tpu.memory_space<vmem>>, vector<1x16xf32>,
        %get3A_773 = vector.shape_cast %get3A_772 : vector<1x16xf32> to vector<16xf32>
        %add3A_774 = arith.addf %get3A_769, %get3A_773 : vector<16xf32>
        %swap3A_775 = arith.index_cast %scan3A_207 : i32 to index
        %swap3A_776 = arith.constant 640 : index
        %swap3A_777 = tpu.vector_load %arg8[%swap3A_775, %swap3A_776] {strides = array<i32>} : memref<32x768xf32, #tpu.memory_space<vmem>>, vector<1x16xf32>,
        %swap3A_778 = vector.shape_cast %swap3A_777 : vector<1x16xf32> to vector<16xf32>
        %swap3A_779 = vector.shape_cast %add3A_774 : vector<16xf32> to vector<1x16xf32>
        tpu.vector_store %arg8[%swap3A_775, %swap3A_776], %swap3A_779 {strides = array<i32>} : memref<32x768xf32, #tpu.memory_space<vmem>>, vector<1x16xf32>,
        %get3A_780 = arith.index_cast %scan3A_207 : i32 to index
        %get3A_781 = arith.constant 656 : index
        %get3A_782 = tpu.vector_load %arg6[%get3A_780, %get3A_781] {strides = array<i32>} : memref<32x768xf32, #tpu.memory_space<vmem>>, vector<1x16xf32>,
        %get3A_783 = vector.shape_cast %get3A_782 : vector<1x16xf32> to vector<16xf32>
        %get3A_784 = arith.index_cast %scan3A_207 : i32 to index
        %get3A_785 = arith.constant 656 : index
        %get3A_786 = tpu.vector_load %arg5[%get3A_784, %get3A_785] {strides = array<i32>} : memref<32x768xf32, #tpu.memory_space<vmem>>, vector<1x16xf32>,
        %get3A_787 = vector.shape_cast %get3A_786 : vector<1x16xf32> to vector<16xf32>
        %add3A_788 = arith.addf %get3A_783, %get3A_787 : vector<16xf32>
        %swap3A_789 = arith.index_cast %scan3A_207 : i32 to index
        %swap3A_790 = arith.constant 656 : index
        %swap3A_791 = tpu.vector_load %arg8[%swap3A_789, %swap3A_790] {strides = array<i32>} : memref<32x768xf32, #tpu.memory_space<vmem>>, vector<1x16xf32>,
        %swap3A_792 = vector.shape_cast %swap3A_791 : vector<1x16xf32> to vector<16xf32>
        %swap3A_793 = vector.shape_cast %add3A_788 : vector<16xf32> to vector<1x16xf32>
        tpu.vector_store %arg8[%swap3A_789, %swap3A_790], %swap3A_793 {strides = array<i32>} : memref<32x768xf32, #tpu.memory_space<vmem>>, vector<1x16xf32>,
        %get3A_794 = arith.index_cast %scan3A_207 : i32 to index
        %get3A_795 = arith.constant 672 : index
        %get3A_796 = tpu.vector_load %arg6[%get3A_794, %get3A_795] {strides = array<i32>} : memref<32x768xf32, #tpu.memory_space<vmem>>, vector<1x16xf32>,
        %get3A_797 = vector.shape_cast %get3A_796 : vector<1x16xf32> to vector<16xf32>
        %get3A_798 = arith.index_cast %scan3A_207 : i32 to index
        %get3A_799 = arith.constant 672 : index
        %get3A_800 = tpu.vector_load %arg5[%get3A_798, %get3A_799] {strides = array<i32>} : memref<32x768xf32, #tpu.memory_space<vmem>>, vector<1x16xf32>,
        %get3A_801 = vector.shape_cast %get3A_800 : vector<1x16xf32> to vector<16xf32>
        %add3A_802 = arith.addf %get3A_797, %get3A_801 : vector<16xf32>
        %swap3A_803 = arith.index_cast %scan3A_207 : i32 to index
        %swap3A_804 = arith.constant 672 : index
        %swap3A_805 = tpu.vector_load %arg8[%swap3A_803, %swap3A_804] {strides = array<i32>} : memref<32x768xf32, #tpu.memory_space<vmem>>, vector<1x16xf32>,
        %swap3A_806 = vector.shape_cast %swap3A_805 : vector<1x16xf32> to vector<16xf32>
        %swap3A_807 = vector.shape_cast %add3A_802 : vector<16xf32> to vector<1x16xf32>
        tpu.vector_store %arg8[%swap3A_803, %swap3A_804], %swap3A_807 {strides = array<i32>} : memref<32x768xf32, #tpu.memory_space<vmem>>, vector<1x16xf32>,
        %get3A_808 = arith.index_cast %scan3A_207 : i32 to index
        %get3A_809 = arith.constant 688 : index
        %get3A_810 = tpu.vector_load %arg6[%get3A_808, %get3A_809] {strides = array<i32>} : memref<32x768xf32, #tpu.memory_space<vmem>>, vector<1x16xf32>,
        %get3A_811 = vector.shape_cast %get3A_810 : vector<1x16xf32> to vector<16xf32>
        %get3A_812 = arith.index_cast %scan3A_207 : i32 to index
        %get3A_813 = arith.constant 688 : index
        %get3A_814 = tpu.vector_load %arg5[%get3A_812, %get3A_813] {strides = array<i32>} : memref<32x768xf32, #tpu.memory_space<vmem>>, vector<1x16xf32>,
        %get3A_815 = vector.shape_cast %get3A_814 : vector<1x16xf32> to vector<16xf32>
        %add3A_816 = arith.addf %get3A_811, %get3A_815 : vector<16xf32>
        %swap3A_817 = arith.index_cast %scan3A_207 : i32 to index
        %swap3A_818 = arith.constant 688 : index
        %swap3A_819 = tpu.vector_load %arg8[%swap3A_817, %swap3A_818] {strides = array<i32>} : memref<32x768xf32, #tpu.memory_space<vmem>>, vector<1x16xf32>,
        %swap3A_820 = vector.shape_cast %swap3A_819 : vector<1x16xf32> to vector<16xf32>
        %swap3A_821 = vector.shape_cast %add3A_816 : vector<16xf32> to vector<1x16xf32>
        tpu.vector_store %arg8[%swap3A_817, %swap3A_818], %swap3A_821 {strides = array<i32>} : memref<32x768xf32, #tpu.memory_space<vmem>>, vector<1x16xf32>,
        %get3A_822 = arith.index_cast %scan3A_207 : i32 to index
        %get3A_823 = arith.constant 704 : index
        %get3A_824 = tpu.vector_load %arg6[%get3A_822, %get3A_823] {strides = array<i32>} : memref<32x768xf32, #tpu.memory_space<vmem>>, vector<1x16xf32>,
        %get3A_825 = vector.shape_cast %get3A_824 : vector<1x16xf32> to vector<16xf32>
        %get3A_826 = arith.index_cast %scan3A_207 : i32 to index
        %get3A_827 = arith.constant 704 : index
        %get3A_828 = tpu.vector_load %arg5[%get3A_826, %get3A_827] {strides = array<i32>} : memref<32x768xf32, #tpu.memory_space<vmem>>, vector<1x16xf32>,
        %get3A_829 = vector.shape_cast %get3A_828 : vector<1x16xf32> to vector<16xf32>
        %add3A_830 = arith.addf %get3A_825, %get3A_829 : vector<16xf32>
        %swap3A_831 = arith.index_cast %scan3A_207 : i32 to index
        %swap3A_832 = arith.constant 704 : index
        %swap3A_833 = tpu.vector_load %arg8[%swap3A_831, %swap3A_832] {strides = array<i32>} : memref<32x768xf32, #tpu.memory_space<vmem>>, vector<1x16xf32>,
        %swap3A_834 = vector.shape_cast %swap3A_833 : vector<1x16xf32> to vector<16xf32>
        %swap3A_835 = vector.shape_cast %add3A_830 : vector<16xf32> to vector<1x16xf32>
        tpu.vector_store %arg8[%swap3A_831, %swap3A_832], %swap3A_835 {strides = array<i32>} : memref<32x768xf32, #tpu.memory_space<vmem>>, vector<1x16xf32>,
        %get3A_836 = arith.index_cast %scan3A_207 : i32 to index
        %get3A_837 = arith.constant 720 : index
        %get3A_838 = tpu.vector_load %arg6[%get3A_836, %get3A_837] {strides = array<i32>} : memref<32x768xf32, #tpu.memory_space<vmem>>, vector<1x16xf32>,
        %get3A_839 = vector.shape_cast %get3A_838 : vector<1x16xf32> to vector<16xf32>
        %get3A_840 = arith.index_cast %scan3A_207 : i32 to index
        %get3A_841 = arith.constant 720 : index
        %get3A_842 = tpu.vector_load %arg5[%get3A_840, %get3A_841] {strides = array<i32>} : memref<32x768xf32, #tpu.memory_space<vmem>>, vector<1x16xf32>,
        %get3A_843 = vector.shape_cast %get3A_842 : vector<1x16xf32> to vector<16xf32>
        %add3A_844 = arith.addf %get3A_839, %get3A_843 : vector<16xf32>
        %swap3A_845 = arith.index_cast %scan3A_207 : i32 to index
        %swap3A_846 = arith.constant 720 : index
        %swap3A_847 = tpu.vector_load %arg8[%swap3A_845, %swap3A_846] {strides = array<i32>} : memref<32x768xf32, #tpu.memory_space<vmem>>, vector<1x16xf32>,
        %swap3A_848 = vector.shape_cast %swap3A_847 : vector<1x16xf32> to vector<16xf32>
        %swap3A_849 = vector.shape_cast %add3A_844 : vector<16xf32> to vector<1x16xf32>
        tpu.vector_store %arg8[%swap3A_845, %swap3A_846], %swap3A_849 {strides = array<i32>} : memref<32x768xf32, #tpu.memory_space<vmem>>, vector<1x16xf32>,
        %get3A_850 = arith.index_cast %scan3A_207 : i32 to index
        %get3A_851 = arith.constant 736 : index
        %get3A_852 = tpu.vector_load %arg6[%get3A_850, %get3A_851] {strides = array<i32>} : memref<32x768xf32, #tpu.memory_space<vmem>>, vector<1x16xf32>,
        %get3A_853 = vector.shape_cast %get3A_852 : vector<1x16xf32> to vector<16xf32>
        %get3A_854 = arith.index_cast %scan3A_207 : i32 to index
        %get3A_855 = arith.constant 736 : index
        %get3A_856 = tpu.vector_load %arg5[%get3A_854, %get3A_855] {strides = array<i32>} : memref<32x768xf32, #tpu.memory_space<vmem>>, vector<1x16xf32>,
        %get3A_857 = vector.shape_cast %get3A_856 : vector<1x16xf32> to vector<16xf32>
        %add3A_858 = arith.addf %get3A_853, %get3A_857 : vector<16xf32>
        %swap3A_859 = arith.index_cast %scan3A_207 : i32 to index
        %swap3A_860 = arith.constant 736 : index
        %swap3A_861 = tpu.vector_load %arg8[%swap3A_859, %swap3A_860] {strides = array<i32>} : memref<32x768xf32, #tpu.memory_space<vmem>>, vector<1x16xf32>,
        %swap3A_862 = vector.shape_cast %swap3A_861 : vector<1x16xf32> to vector<16xf32>
        %swap3A_863 = vector.shape_cast %add3A_858 : vector<16xf32> to vector<1x16xf32>
        tpu.vector_store %arg8[%swap3A_859, %swap3A_860], %swap3A_863 {strides = array<i32>} : memref<32x768xf32, #tpu.memory_space<vmem>>, vector<1x16xf32>,
        %get3A_864 = arith.index_cast %scan3A_207 : i32 to index
        %get3A_865 = arith.constant 752 : index
        %get3A_866 = tpu.vector_load %arg6[%get3A_864, %get3A_865] {strides = array<i32>} : memref<32x768xf32, #tpu.memory_space<vmem>>, vector<1x16xf32>,
        %get3A_867 = vector.shape_cast %get3A_866 : vector<1x16xf32> to vector<16xf32>
        %get3A_868 = arith.index_cast %scan3A_207 : i32 to index
        %get3A_869 = arith.constant 752 : index
        %get3A_870 = tpu.vector_load %arg5[%get3A_868, %get3A_869] {strides = array<i32>} : memref<32x768xf32, #tpu.memory_space<vmem>>, vector<1x16xf32>,
        %get3A_871 = vector.shape_cast %get3A_870 : vector<1x16xf32> to vector<16xf32>
        %add3A_872 = arith.addf %get3A_867, %get3A_871 : vector<16xf32>
        %swap3A_873 = arith.index_cast %scan3A_207 : i32 to index
        %swap3A_874 = arith.constant 752 : index
        %swap3A_875 = tpu.vector_load %arg8[%swap3A_873, %swap3A_874] {strides = array<i32>} : memref<32x768xf32, #tpu.memory_space<vmem>>, vector<1x16xf32>,
        %swap3A_876 = vector.shape_cast %swap3A_875 : vector<1x16xf32> to vector<16xf32>
        %swap3A_877 = vector.shape_cast %add3A_872 : vector<16xf32> to vector<1x16xf32>
        tpu.vector_store %arg8[%swap3A_873, %swap3A_874], %swap3A_877 {strides = array<i32>} : memref<32x768xf32, #tpu.memory_space<vmem>>, vector<1x16xf32>,
      }
      %scan3A_106 = arith.constant 16 : i32
      %add3A_107 = arith.constant 0 : i32
      %add3A_108 = arith.addi %mul3A_2, %add3A_107 : i32
      %dma_start3A_109 = arith.constant 0 : i32
      %dma_start3A_110 = arith.constant 0 : i32
      %dma_start3A_111 = tpu.memref_slice %arg8[%dma_start3A_109, %dma_start3A_110] : memref<32x768xf32, #tpu.memory_space<vmem>> -> memref<16x768xf32, #tpu.memory_space<vmem>>
      %dma_start3A_112 = arith.constant 0 : i32
      %dma_start3A_113 = tpu.memref_slice %arg4[%add3A_92, %add3A_108, %dma_start3A_112] : memref<64x1024x768xf32, #tpu.memory_space<hbm>> -> memref<1x16x768xf32, #tpu.memory_space<hbm>>
      %dma_start3A_114 = tpu.memref_squeeze %dma_start3A_113 : memref<1x16x768xf32, #tpu.memory_space<hbm>> -> memref<16x768xf32, #tpu.memory_space<hbm>>
      %dma_start3A_115 = arith.constant 0 : i32
      %dma_start3A_116 = tpu.memref_slice %arg4[%add3A_92, %add3A_108, %dma_start3A_115] : memref<64x1024x768xf32, #tpu.memory_space<hbm>> -> memref<1x16x768xf32, #tpu.memory_space<hbm>>
      %dma_start3A_117 = tpu.memref_squeeze %dma_start3A_116 : memref<1x16x768xf32, #tpu.memory_space<hbm>> -> memref<16x768xf32, #tpu.memory_space<hbm>>
      %dma_start3A_118 = arith.constant 0 : i32
      %dma_start3A_119 = arith.constant 0 : i32
      %dma_start3A_120 = tpu.memref_slice %arg8[%dma_start3A_118, %dma_start3A_119] : memref<32x768xf32, #tpu.memory_space<vmem>> -> memref<16x768xf32, #tpu.memory_space<vmem>>
      tpu.enqueue_dma source(%dma_start3A_120 : memref<16x768xf32, #tpu.memory_space<vmem>>) target(%dma_start3A_117 : memref<16x768xf32, #tpu.memory_space<hbm>>) target_semaphore(%arg13 : memref<!tpu.dma_semaphore, #tpu.memory_space<semaphore_mem>>)
      %scan3A_121 = arith.constant 0 : i32
      %scan3A_122 = arith.constant 16 : i32
      %scan3A_123 = arith.constant 16 : i32
      %scan3A_124 = arith.addi %scan3A_122, %scan3A_123 : i32
      %scan3A_125 = arith.constant 1 : i32
      scf.for %scan3A_207 = %scan3A_122 to %scan3A_124 step %scan3A_125  : i32 {
        %get3A = arith.index_cast %scan3A_207 : i32 to index
        %get3A_208 = arith.constant 0 : index
        %get3A_209 = tpu.vector_load %arg6[%get3A, %get3A_208] {strides = array<i32>} : memref<32x768xf32, #tpu.memory_space<vmem>>, vector<1x16xf32>,
        %get3A_210 = vector.shape_cast %get3A_209 : vector<1x16xf32> to vector<16xf32>
        %get3A_211 = arith.index_cast %scan3A_207 : i32 to index
        %get3A_212 = arith.constant 0 : index
        %get3A_213 = tpu.vector_load %arg5[%get3A_211, %get3A_212] {strides = array<i32>} : memref<32x768xf32, #tpu.memory_space<vmem>>, vector<1x16xf32>,
        %get3A_214 = vector.shape_cast %get3A_213 : vector<1x16xf32> to vector<16xf32>
        %add3A_215 = arith.addf %get3A_210, %get3A_214 : vector<16xf32>
        %swap3A = arith.index_cast %scan3A_207 : i32 to index
        %swap3A_216 = arith.constant 0 : index
        %swap3A_217 = tpu.vector_load %arg8[%swap3A, %swap3A_216] {strides = array<i32>} : memref<32x768xf32, #tpu.memory_space<vmem>>, vector<1x16xf32>,
        %swap3A_218 = vector.shape_cast %swap3A_217 : vector<1x16xf32> to vector<16xf32>
        %swap3A_219 = vector.shape_cast %add3A_215 : vector<16xf32> to vector<1x16xf32>
        tpu.vector_store %arg8[%swap3A, %swap3A_216], %swap3A_219 {strides = array<i32>} : memref<32x768xf32, #tpu.memory_space<vmem>>, vector<1x16xf32>,
        %get3A_220 = arith.index_cast %scan3A_207 : i32 to index
        %get3A_221 = arith.constant 16 : index
        %get3A_222 = tpu.vector_load %arg6[%get3A_220, %get3A_221] {strides = array<i32>} : memref<32x768xf32, #tpu.memory_space<vmem>>, vector<1x16xf32>,
        %get3A_223 = vector.shape_cast %get3A_222 : vector<1x16xf32> to vector<16xf32>
        %get3A_224 = arith.index_cast %scan3A_207 : i32 to index
        %get3A_225 = arith.constant 16 : index
        %get3A_226 = tpu.vector_load %arg5[%get3A_224, %get3A_225] {strides = array<i32>} : memref<32x768xf32, #tpu.memory_space<vmem>>, vector<1x16xf32>,
        %get3A_227 = vector.shape_cast %get3A_226 : vector<1x16xf32> to vector<16xf32>
        %add3A_228 = arith.addf %get3A_223, %get3A_227 : vector<16xf32>
        %swap3A_229 = arith.index_cast %scan3A_207 : i32 to index
        %swap3A_230 = arith.constant 16 : index
        %swap3A_231 = tpu.vector_load %arg8[%swap3A_229, %swap3A_230] {strides = array<i32>} : memref<32x768xf32, #tpu.memory_space<vmem>>, vector<1x16xf32>,
        %swap3A_232 = vector.shape_cast %swap3A_231 : vector<1x16xf32> to vector<16xf32>
        %swap3A_233 = vector.shape_cast %add3A_228 : vector<16xf32> to vector<1x16xf32>
        tpu.vector_store %arg8[%swap3A_229, %swap3A_230], %swap3A_233 {strides = array<i32>} : memref<32x768xf32, #tpu.memory_space<vmem>>, vector<1x16xf32>,
        %get3A_234 = arith.index_cast %scan3A_207 : i32 to index
        %get3A_235 = arith.constant 32 : index
        %get3A_236 = tpu.vector_load %arg6[%get3A_234, %get3A_235] {strides = array<i32>} : memref<32x768xf32, #tpu.memory_space<vmem>>, vector<1x16xf32>,
        %get3A_237 = vector.shape_cast %get3A_236 : vector<1x16xf32> to vector<16xf32>
        %get3A_238 = arith.index_cast %scan3A_207 : i32 to index
        %get3A_239 = arith.constant 32 : index
        %get3A_240 = tpu.vector_load %arg5[%get3A_238, %get3A_239] {strides = array<i32>} : memref<32x768xf32, #tpu.memory_space<vmem>>, vector<1x16xf32>,
        %get3A_241 = vector.shape_cast %get3A_240 : vector<1x16xf32> to vector<16xf32>
        %add3A_242 = arith.addf %get3A_237, %get3A_241 : vector<16xf32>
        %swap3A_243 = arith.index_cast %scan3A_207 : i32 to index
        %swap3A_244 = arith.constant 32 : index
        %swap3A_245 = tpu.vector_load %arg8[%swap3A_243, %swap3A_244] {strides = array<i32>} : memref<32x768xf32, #tpu.memory_space<vmem>>, vector<1x16xf32>,
        %swap3A_246 = vector.shape_cast %swap3A_245 : vector<1x16xf32> to vector<16xf32>
        %swap3A_247 = vector.shape_cast %add3A_242 : vector<16xf32> to vector<1x16xf32>
        tpu.vector_store %arg8[%swap3A_243, %swap3A_244], %swap3A_247 {strides = array<i32>} : memref<32x768xf32, #tpu.memory_space<vmem>>, vector<1x16xf32>,
        %get3A_248 = arith.index_cast %scan3A_207 : i32 to index
        %get3A_249 = arith.constant 48 : index
        %get3A_250 = tpu.vector_load %arg6[%get3A_248, %get3A_249] {strides = array<i32>} : memref<32x768xf32, #tpu.memory_space<vmem>>, vector<1x16xf32>,
        %get3A_251 = vector.shape_cast %get3A_250 : vector<1x16xf32> to vector<16xf32>
        %get3A_252 = arith.index_cast %scan3A_207 : i32 to index
        %get3A_253 = arith.constant 48 : index
        %get3A_254 = tpu.vector_load %arg5[%get3A_252, %get3A_253] {strides = array<i32>} : memref<32x768xf32, #tpu.memory_space<vmem>>, vector<1x16xf32>,
        %get3A_255 = vector.shape_cast %get3A_254 : vector<1x16xf32> to vector<16xf32>
        %add3A_256 = arith.addf %get3A_251, %get3A_255 : vector<16xf32>
        %swap3A_257 = arith.index_cast %scan3A_207 : i32 to index
        %swap3A_258 = arith.constant 48 : index
        %swap3A_259 = tpu.vector_load %arg8[%swap3A_257, %swap3A_258] {strides = array<i32>} : memref<32x768xf32, #tpu.memory_space<vmem>>, vector<1x16xf32>,
        %swap3A_260 = vector.shape_cast %swap3A_259 : vector<1x16xf32> to vector<16xf32>
        %swap3A_261 = vector.shape_cast %add3A_256 : vector<16xf32> to vector<1x16xf32>
        tpu.vector_store %arg8[%swap3A_257, %swap3A_258], %swap3A_261 {strides = array<i32>} : memref<32x768xf32, #tpu.memory_space<vmem>>, vector<1x16xf32>,
        %get3A_262 = arith.index_cast %scan3A_207 : i32 to index
        %get3A_263 = arith.constant 64 : index
        %get3A_264 = tpu.vector_load %arg6[%get3A_262, %get3A_263] {strides = array<i32>} : memref<32x768xf32, #tpu.memory_space<vmem>>, vector<1x16xf32>,
        %get3A_265 = vector.shape_cast %get3A_264 : vector<1x16xf32> to vector<16xf32>
        %get3A_266 = arith.index_cast %scan3A_207 : i32 to index
        %get3A_267 = arith.constant 64 : index
        %get3A_268 = tpu.vector_load %arg5[%get3A_266, %get3A_267] {strides = array<i32>} : memref<32x768xf32, #tpu.memory_space<vmem>>, vector<1x16xf32>,
        %get3A_269 = vector.shape_cast %get3A_268 : vector<1x16xf32> to vector<16xf32>
        %add3A_270 = arith.addf %get3A_265, %get3A_269 : vector<16xf32>
        %swap3A_271 = arith.index_cast %scan3A_207 : i32 to index
        %swap3A_272 = arith.constant 64 : index
        %swap3A_273 = tpu.vector_load %arg8[%swap3A_271, %swap3A_272] {strides = array<i32>} : memref<32x768xf32, #tpu.memory_space<vmem>>, vector<1x16xf32>,
        %swap3A_274 = vector.shape_cast %swap3A_273 : vector<1x16xf32> to vector<16xf32>
        %swap3A_275 = vector.shape_cast %add3A_270 : vector<16xf32> to vector<1x16xf32>
        tpu.vector_store %arg8[%swap3A_271, %swap3A_272], %swap3A_275 {strides = array<i32>} : memref<32x768xf32, #tpu.memory_space<vmem>>, vector<1x16xf32>,
        %get3A_276 = arith.index_cast %scan3A_207 : i32 to index
        %get3A_277 = arith.constant 80 : index
        %get3A_278 = tpu.vector_load %arg6[%get3A_276, %get3A_277] {strides = array<i32>} : memref<32x768xf32, #tpu.memory_space<vmem>>, vector<1x16xf32>,
        %get3A_279 = vector.shape_cast %get3A_278 : vector<1x16xf32> to vector<16xf32>
        %get3A_280 = arith.index_cast %scan3A_207 : i32 to index
        %get3A_281 = arith.constant 80 : index
        %get3A_282 = tpu.vector_load %arg5[%get3A_280, %get3A_281] {strides = array<i32>} : memref<32x768xf32, #tpu.memory_space<vmem>>, vector<1x16xf32>,
        %get3A_283 = vector.shape_cast %get3A_282 : vector<1x16xf32> to vector<16xf32>
        %add3A_284 = arith.addf %get3A_279, %get3A_283 : vector<16xf32>
        %swap3A_285 = arith.index_cast %scan3A_207 : i32 to index
        %swap3A_286 = arith.constant 80 : index
        %swap3A_287 = tpu.vector_load %arg8[%swap3A_285, %swap3A_286] {strides = array<i32>} : memref<32x768xf32, #tpu.memory_space<vmem>>, vector<1x16xf32>,
        %swap3A_288 = vector.shape_cast %swap3A_287 : vector<1x16xf32> to vector<16xf32>
        %swap3A_289 = vector.shape_cast %add3A_284 : vector<16xf32> to vector<1x16xf32>
        tpu.vector_store %arg8[%swap3A_285, %swap3A_286], %swap3A_289 {strides = array<i32>} : memref<32x768xf32, #tpu.memory_space<vmem>>, vector<1x16xf32>,
        %get3A_290 = arith.index_cast %scan3A_207 : i32 to index
        %get3A_291 = arith.constant 96 : index
        %get3A_292 = tpu.vector_load %arg6[%get3A_290, %get3A_291] {strides = array<i32>} : memref<32x768xf32, #tpu.memory_space<vmem>>, vector<1x16xf32>,
        %get3A_293 = vector.shape_cast %get3A_292 : vector<1x16xf32> to vector<16xf32>
        %get3A_294 = arith.index_cast %scan3A_207 : i32 to index
        %get3A_295 = arith.constant 96 : index
        %get3A_296 = tpu.vector_load %arg5[%get3A_294, %get3A_295] {strides = array<i32>} : memref<32x768xf32, #tpu.memory_space<vmem>>, vector<1x16xf32>,
        %get3A_297 = vector.shape_cast %get3A_296 : vector<1x16xf32> to vector<16xf32>
        %add3A_298 = arith.addf %get3A_293, %get3A_297 : vector<16xf32>
        %swap3A_299 = arith.index_cast %scan3A_207 : i32 to index
        %swap3A_300 = arith.constant 96 : index
        %swap3A_301 = tpu.vector_load %arg8[%swap3A_299, %swap3A_300] {strides = array<i32>} : memref<32x768xf32, #tpu.memory_space<vmem>>, vector<1x16xf32>,
        %swap3A_302 = vector.shape_cast %swap3A_301 : vector<1x16xf32> to vector<16xf32>
        %swap3A_303 = vector.shape_cast %add3A_298 : vector<16xf32> to vector<1x16xf32>
        tpu.vector_store %arg8[%swap3A_299, %swap3A_300], %swap3A_303 {strides = array<i32>} : memref<32x768xf32, #tpu.memory_space<vmem>>, vector<1x16xf32>,
        %get3A_304 = arith.index_cast %scan3A_207 : i32 to index
        %get3A_305 = arith.constant 112 : index
        %get3A_306 = tpu.vector_load %arg6[%get3A_304, %get3A_305] {strides = array<i32>} : memref<32x768xf32, #tpu.memory_space<vmem>>, vector<1x16xf32>,
        %get3A_307 = vector.shape_cast %get3A_306 : vector<1x16xf32> to vector<16xf32>
        %get3A_308 = arith.index_cast %scan3A_207 : i32 to index
        %get3A_309 = arith.constant 112 : index
        %get3A_310 = tpu.vector_load %arg5[%get3A_308, %get3A_309] {strides = array<i32>} : memref<32x768xf32, #tpu.memory_space<vmem>>, vector<1x16xf32>,
        %get3A_311 = vector.shape_cast %get3A_310 : vector<1x16xf32> to vector<16xf32>
        %add3A_312 = arith.addf %get3A_307, %get3A_311 : vector<16xf32>
        %swap3A_313 = arith.index_cast %scan3A_207 : i32 to index
        %swap3A_314 = arith.constant 112 : index
        %swap3A_315 = tpu.vector_load %arg8[%swap3A_313, %swap3A_314] {strides = array<i32>} : memref<32x768xf32, #tpu.memory_space<vmem>>, vector<1x16xf32>,
        %swap3A_316 = vector.shape_cast %swap3A_315 : vector<1x16xf32> to vector<16xf32>
        %swap3A_317 = vector.shape_cast %add3A_312 : vector<16xf32> to vector<1x16xf32>
        tpu.vector_store %arg8[%swap3A_313, %swap3A_314], %swap3A_317 {strides = array<i32>} : memref<32x768xf32, #tpu.memory_space<vmem>>, vector<1x16xf32>,
        %get3A_318 = arith.index_cast %scan3A_207 : i32 to index
        %get3A_319 = arith.constant 128 : index
        %get3A_320 = tpu.vector_load %arg6[%get3A_318, %get3A_319] {strides = array<i32>} : memref<32x768xf32, #tpu.memory_space<vmem>>, vector<1x16xf32>,
        %get3A_321 = vector.shape_cast %get3A_320 : vector<1x16xf32> to vector<16xf32>
        %get3A_322 = arith.index_cast %scan3A_207 : i32 to index
        %get3A_323 = arith.constant 128 : index
        %get3A_324 = tpu.vector_load %arg5[%get3A_322, %get3A_323] {strides = array<i32>} : memref<32x768xf32, #tpu.memory_space<vmem>>, vector<1x16xf32>,
        %get3A_325 = vector.shape_cast %get3A_324 : vector<1x16xf32> to vector<16xf32>
        %add3A_326 = arith.addf %get3A_321, %get3A_325 : vector<16xf32>
        %swap3A_327 = arith.index_cast %scan3A_207 : i32 to index
        %swap3A_328 = arith.constant 128 : index
        %swap3A_329 = tpu.vector_load %arg8[%swap3A_327, %swap3A_328] {strides = array<i32>} : memref<32x768xf32, #tpu.memory_space<vmem>>, vector<1x16xf32>,
        %swap3A_330 = vector.shape_cast %swap3A_329 : vector<1x16xf32> to vector<16xf32>
        %swap3A_331 = vector.shape_cast %add3A_326 : vector<16xf32> to vector<1x16xf32>
        tpu.vector_store %arg8[%swap3A_327, %swap3A_328], %swap3A_331 {strides = array<i32>} : memref<32x768xf32, #tpu.memory_space<vmem>>, vector<1x16xf32>,
        %get3A_332 = arith.index_cast %scan3A_207 : i32 to index
        %get3A_333 = arith.constant 144 : index
        %get3A_334 = tpu.vector_load %arg6[%get3A_332, %get3A_333] {strides = array<i32>} : memref<32x768xf32, #tpu.memory_space<vmem>>, vector<1x16xf32>,
        %get3A_335 = vector.shape_cast %get3A_334 : vector<1x16xf32> to vector<16xf32>
        %get3A_336 = arith.index_cast %scan3A_207 : i32 to index
        %get3A_337 = arith.constant 144 : index
        %get3A_338 = tpu.vector_load %arg5[%get3A_336, %get3A_337] {strides = array<i32>} : memref<32x768xf32, #tpu.memory_space<vmem>>, vector<1x16xf32>,
        %get3A_339 = vector.shape_cast %get3A_338 : vector<1x16xf32> to vector<16xf32>
        %add3A_340 = arith.addf %get3A_335, %get3A_339 : vector<16xf32>
        %swap3A_341 = arith.index_cast %scan3A_207 : i32 to index
        %swap3A_342 = arith.constant 144 : index
        %swap3A_343 = tpu.vector_load %arg8[%swap3A_341, %swap3A_342] {strides = array<i32>} : memref<32x768xf32, #tpu.memory_space<vmem>>, vector<1x16xf32>,
        %swap3A_344 = vector.shape_cast %swap3A_343 : vector<1x16xf32> to vector<16xf32>
        %swap3A_345 = vector.shape_cast %add3A_340 : vector<16xf32> to vector<1x16xf32>
        tpu.vector_store %arg8[%swap3A_341, %swap3A_342], %swap3A_345 {strides = array<i32>} : memref<32x768xf32, #tpu.memory_space<vmem>>, vector<1x16xf32>,
        %get3A_346 = arith.index_cast %scan3A_207 : i32 to index
        %get3A_347 = arith.constant 160 : index
        %get3A_348 = tpu.vector_load %arg6[%get3A_346, %get3A_347] {strides = array<i32>} : memref<32x768xf32, #tpu.memory_space<vmem>>, vector<1x16xf32>,
        %get3A_349 = vector.shape_cast %get3A_348 : vector<1x16xf32> to vector<16xf32>
        %get3A_350 = arith.index_cast %scan3A_207 : i32 to index
        %get3A_351 = arith.constant 160 : index
        %get3A_352 = tpu.vector_load %arg5[%get3A_350, %get3A_351] {strides = array<i32>} : memref<32x768xf32, #tpu.memory_space<vmem>>, vector<1x16xf32>,
        %get3A_353 = vector.shape_cast %get3A_352 : vector<1x16xf32> to vector<16xf32>
        %add3A_354 = arith.addf %get3A_349, %get3A_353 : vector<16xf32>
        %swap3A_355 = arith.index_cast %scan3A_207 : i32 to index
        %swap3A_356 = arith.constant 160 : index
        %swap3A_357 = tpu.vector_load %arg8[%swap3A_355, %swap3A_356] {strides = array<i32>} : memref<32x768xf32, #tpu.memory_space<vmem>>, vector<1x16xf32>,
        %swap3A_358 = vector.shape_cast %swap3A_357 : vector<1x16xf32> to vector<16xf32>
        %swap3A_359 = vector.shape_cast %add3A_354 : vector<16xf32> to vector<1x16xf32>
        tpu.vector_store %arg8[%swap3A_355, %swap3A_356], %swap3A_359 {strides = array<i32>} : memref<32x768xf32, #tpu.memory_space<vmem>>, vector<1x16xf32>,
        %get3A_360 = arith.index_cast %scan3A_207 : i32 to index
        %get3A_361 = arith.constant 176 : index
        %get3A_362 = tpu.vector_load %arg6[%get3A_360, %get3A_361] {strides = array<i32>} : memref<32x768xf32, #tpu.memory_space<vmem>>, vector<1x16xf32>,
        %get3A_363 = vector.shape_cast %get3A_362 : vector<1x16xf32> to vector<16xf32>
        %get3A_364 = arith.index_cast %scan3A_207 : i32 to index
        %get3A_365 = arith.constant 176 : index
        %get3A_366 = tpu.vector_load %arg5[%get3A_364, %get3A_365] {strides = array<i32>} : memref<32x768xf32, #tpu.memory_space<vmem>>, vector<1x16xf32>,
        %get3A_367 = vector.shape_cast %get3A_366 : vector<1x16xf32> to vector<16xf32>
        %add3A_368 = arith.addf %get3A_363, %get3A_367 : vector<16xf32>
        %swap3A_369 = arith.index_cast %scan3A_207 : i32 to index
        %swap3A_370 = arith.constant 176 : index
        %swap3A_371 = tpu.vector_load %arg8[%swap3A_369, %swap3A_370] {strides = array<i32>} : memref<32x768xf32, #tpu.memory_space<vmem>>, vector<1x16xf32>,
        %swap3A_372 = vector.shape_cast %swap3A_371 : vector<1x16xf32> to vector<16xf32>
        %swap3A_373 = vector.shape_cast %add3A_368 : vector<16xf32> to vector<1x16xf32>
        tpu.vector_store %arg8[%swap3A_369, %swap3A_370], %swap3A_373 {strides = array<i32>} : memref<32x768xf32, #tpu.memory_space<vmem>>, vector<1x16xf32>,
        %get3A_374 = arith.index_cast %scan3A_207 : i32 to index
        %get3A_375 = arith.constant 192 : index
        %get3A_376 = tpu.vector_load %arg6[%get3A_374, %get3A_375] {strides = array<i32>} : memref<32x768xf32, #tpu.memory_space<vmem>>, vector<1x16xf32>,
        %get3A_377 = vector.shape_cast %get3A_376 : vector<1x16xf32> to vector<16xf32>
        %get3A_378 = arith.index_cast %scan3A_207 : i32 to index
        %get3A_379 = arith.constant 192 : index
        %get3A_380 = tpu.vector_load %arg5[%get3A_378, %get3A_379] {strides = array<i32>} : memref<32x768xf32, #tpu.memory_space<vmem>>, vector<1x16xf32>,
        %get3A_381 = vector.shape_cast %get3A_380 : vector<1x16xf32> to vector<16xf32>
        %add3A_382 = arith.addf %get3A_377, %get3A_381 : vector<16xf32>
        %swap3A_383 = arith.index_cast %scan3A_207 : i32 to index
        %swap3A_384 = arith.constant 192 : index
        %swap3A_385 = tpu.vector_load %arg8[%swap3A_383, %swap3A_384] {strides = array<i32>} : memref<32x768xf32, #tpu.memory_space<vmem>>, vector<1x16xf32>,
        %swap3A_386 = vector.shape_cast %swap3A_385 : vector<1x16xf32> to vector<16xf32>
        %swap3A_387 = vector.shape_cast %add3A_382 : vector<16xf32> to vector<1x16xf32>
        tpu.vector_store %arg8[%swap3A_383, %swap3A_384], %swap3A_387 {strides = array<i32>} : memref<32x768xf32, #tpu.memory_space<vmem>>, vector<1x16xf32>,
        %get3A_388 = arith.index_cast %scan3A_207 : i32 to index
        %get3A_389 = arith.constant 208 : index
        %get3A_390 = tpu.vector_load %arg6[%get3A_388, %get3A_389] {strides = array<i32>} : memref<32x768xf32, #tpu.memory_space<vmem>>, vector<1x16xf32>,
        %get3A_391 = vector.shape_cast %get3A_390 : vector<1x16xf32> to vector<16xf32>
        %get3A_392 = arith.index_cast %scan3A_207 : i32 to index
        %get3A_393 = arith.constant 208 : index
        %get3A_394 = tpu.vector_load %arg5[%get3A_392, %get3A_393] {strides = array<i32>} : memref<32x768xf32, #tpu.memory_space<vmem>>, vector<1x16xf32>,
        %get3A_395 = vector.shape_cast %get3A_394 : vector<1x16xf32> to vector<16xf32>
        %add3A_396 = arith.addf %get3A_391, %get3A_395 : vector<16xf32>
        %swap3A_397 = arith.index_cast %scan3A_207 : i32 to index
        %swap3A_398 = arith.constant 208 : index
        %swap3A_399 = tpu.vector_load %arg8[%swap3A_397, %swap3A_398] {strides = array<i32>} : memref<32x768xf32, #tpu.memory_space<vmem>>, vector<1x16xf32>,
        %swap3A_400 = vector.shape_cast %swap3A_399 : vector<1x16xf32> to vector<16xf32>
        %swap3A_401 = vector.shape_cast %add3A_396 : vector<16xf32> to vector<1x16xf32>
        tpu.vector_store %arg8[%swap3A_397, %swap3A_398], %swap3A_401 {strides = array<i32>} : memref<32x768xf32, #tpu.memory_space<vmem>>, vector<1x16xf32>,
        %get3A_402 = arith.index_cast %scan3A_207 : i32 to index
        %get3A_403 = arith.constant 224 : index
        %get3A_404 = tpu.vector_load %arg6[%get3A_402, %get3A_403] {strides = array<i32>} : memref<32x768xf32, #tpu.memory_space<vmem>>, vector<1x16xf32>,
        %get3A_405 = vector.shape_cast %get3A_404 : vector<1x16xf32> to vector<16xf32>
        %get3A_406 = arith.index_cast %scan3A_207 : i32 to index
        %get3A_407 = arith.constant 224 : index
        %get3A_408 = tpu.vector_load %arg5[%get3A_406, %get3A_407] {strides = array<i32>} : memref<32x768xf32, #tpu.memory_space<vmem>>, vector<1x16xf32>,
        %get3A_409 = vector.shape_cast %get3A_408 : vector<1x16xf32> to vector<16xf32>
        %add3A_410 = arith.addf %get3A_405, %get3A_409 : vector<16xf32>
        %swap3A_411 = arith.index_cast %scan3A_207 : i32 to index
        %swap3A_412 = arith.constant 224 : index
        %swap3A_413 = tpu.vector_load %arg8[%swap3A_411, %swap3A_412] {strides = array<i32>} : memref<32x768xf32, #tpu.memory_space<vmem>>, vector<1x16xf32>,
        %swap3A_414 = vector.shape_cast %swap3A_413 : vector<1x16xf32> to vector<16xf32>
        %swap3A_415 = vector.shape_cast %add3A_410 : vector<16xf32> to vector<1x16xf32>
        tpu.vector_store %arg8[%swap3A_411, %swap3A_412], %swap3A_415 {strides = array<i32>} : memref<32x768xf32, #tpu.memory_space<vmem>>, vector<1x16xf32>,
        %get3A_416 = arith.index_cast %scan3A_207 : i32 to index
        %get3A_417 = arith.constant 240 : index
        %get3A_418 = tpu.vector_load %arg6[%get3A_416, %get3A_417] {strides = array<i32>} : memref<32x768xf32, #tpu.memory_space<vmem>>, vector<1x16xf32>,
        %get3A_419 = vector.shape_cast %get3A_418 : vector<1x16xf32> to vector<16xf32>
        %get3A_420 = arith.index_cast %scan3A_207 : i32 to index
        %get3A_421 = arith.constant 240 : index
        %get3A_422 = tpu.vector_load %arg5[%get3A_420, %get3A_421] {strides = array<i32>} : memref<32x768xf32, #tpu.memory_space<vmem>>, vector<1x16xf32>,
        %get3A_423 = vector.shape_cast %get3A_422 : vector<1x16xf32> to vector<16xf32>
        %add3A_424 = arith.addf %get3A_419, %get3A_423 : vector<16xf32>
        %swap3A_425 = arith.index_cast %scan3A_207 : i32 to index
        %swap3A_426 = arith.constant 240 : index
        %swap3A_427 = tpu.vector_load %arg8[%swap3A_425, %swap3A_426] {strides = array<i32>} : memref<32x768xf32, #tpu.memory_space<vmem>>, vector<1x16xf32>,
        %swap3A_428 = vector.shape_cast %swap3A_427 : vector<1x16xf32> to vector<16xf32>
        %swap3A_429 = vector.shape_cast %add3A_424 : vector<16xf32> to vector<1x16xf32>
        tpu.vector_store %arg8[%swap3A_425, %swap3A_426], %swap3A_429 {strides = array<i32>} : memref<32x768xf32, #tpu.memory_space<vmem>>, vector<1x16xf32>,
        %get3A_430 = arith.index_cast %scan3A_207 : i32 to index
        %get3A_431 = arith.constant 256 : index
        %get3A_432 = tpu.vector_load %arg6[%get3A_430, %get3A_431] {strides = array<i32>} : memref<32x768xf32, #tpu.memory_space<vmem>>, vector<1x16xf32>,
        %get3A_433 = vector.shape_cast %get3A_432 : vector<1x16xf32> to vector<16xf32>
        %get3A_434 = arith.index_cast %scan3A_207 : i32 to index
        %get3A_435 = arith.constant 256 : index
        %get3A_436 = tpu.vector_load %arg5[%get3A_434, %get3A_435] {strides = array<i32>} : memref<32x768xf32, #tpu.memory_space<vmem>>, vector<1x16xf32>,
        %get3A_437 = vector.shape_cast %get3A_436 : vector<1x16xf32> to vector<16xf32>
        %add3A_438 = arith.addf %get3A_433, %get3A_437 : vector<16xf32>
        %swap3A_439 = arith.index_cast %scan3A_207 : i32 to index
        %swap3A_440 = arith.constant 256 : index
        %swap3A_441 = tpu.vector_load %arg8[%swap3A_439, %swap3A_440] {strides = array<i32>} : memref<32x768xf32, #tpu.memory_space<vmem>>, vector<1x16xf32>,
        %swap3A_442 = vector.shape_cast %swap3A_441 : vector<1x16xf32> to vector<16xf32>
        %swap3A_443 = vector.shape_cast %add3A_438 : vector<16xf32> to vector<1x16xf32>
        tpu.vector_store %arg8[%swap3A_439, %swap3A_440], %swap3A_443 {strides = array<i32>} : memref<32x768xf32, #tpu.memory_space<vmem>>, vector<1x16xf32>,
        %get3A_444 = arith.index_cast %scan3A_207 : i32 to index
        %get3A_445 = arith.constant 272 : index
        %get3A_446 = tpu.vector_load %arg6[%get3A_444, %get3A_445] {strides = array<i32>} : memref<32x768xf32, #tpu.memory_space<vmem>>, vector<1x16xf32>,
        %get3A_447 = vector.shape_cast %get3A_446 : vector<1x16xf32> to vector<16xf32>
        %get3A_448 = arith.index_cast %scan3A_207 : i32 to index
        %get3A_449 = arith.constant 272 : index
        %get3A_450 = tpu.vector_load %arg5[%get3A_448, %get3A_449] {strides = array<i32>} : memref<32x768xf32, #tpu.memory_space<vmem>>, vector<1x16xf32>,
        %get3A_451 = vector.shape_cast %get3A_450 : vector<1x16xf32> to vector<16xf32>
        %add3A_452 = arith.addf %get3A_447, %get3A_451 : vector<16xf32>
        %swap3A_453 = arith.index_cast %scan3A_207 : i32 to index
        %swap3A_454 = arith.constant 272 : index
        %swap3A_455 = tpu.vector_load %arg8[%swap3A_453, %swap3A_454] {strides = array<i32>} : memref<32x768xf32, #tpu.memory_space<vmem>>, vector<1x16xf32>,
        %swap3A_456 = vector.shape_cast %swap3A_455 : vector<1x16xf32> to vector<16xf32>
        %swap3A_457 = vector.shape_cast %add3A_452 : vector<16xf32> to vector<1x16xf32>
        tpu.vector_store %arg8[%swap3A_453, %swap3A_454], %swap3A_457 {strides = array<i32>} : memref<32x768xf32, #tpu.memory_space<vmem>>, vector<1x16xf32>,
        %get3A_458 = arith.index_cast %scan3A_207 : i32 to index
        %get3A_459 = arith.constant 288 : index
        %get3A_460 = tpu.vector_load %arg6[%get3A_458, %get3A_459] {strides = array<i32>} : memref<32x768xf32, #tpu.memory_space<vmem>>, vector<1x16xf32>,
        %get3A_461 = vector.shape_cast %get3A_460 : vector<1x16xf32> to vector<16xf32>
        %get3A_462 = arith.index_cast %scan3A_207 : i32 to index
        %get3A_463 = arith.constant 288 : index
        %get3A_464 = tpu.vector_load %arg5[%get3A_462, %get3A_463] {strides = array<i32>} : memref<32x768xf32, #tpu.memory_space<vmem>>, vector<1x16xf32>,
        %get3A_465 = vector.shape_cast %get3A_464 : vector<1x16xf32> to vector<16xf32>
        %add3A_466 = arith.addf %get3A_461, %get3A_465 : vector<16xf32>
        %swap3A_467 = arith.index_cast %scan3A_207 : i32 to index
        %swap3A_468 = arith.constant 288 : index
        %swap3A_469 = tpu.vector_load %arg8[%swap3A_467, %swap3A_468] {strides = array<i32>} : memref<32x768xf32, #tpu.memory_space<vmem>>, vector<1x16xf32>,
        %swap3A_470 = vector.shape_cast %swap3A_469 : vector<1x16xf32> to vector<16xf32>
        %swap3A_471 = vector.shape_cast %add3A_466 : vector<16xf32> to vector<1x16xf32>
        tpu.vector_store %arg8[%swap3A_467, %swap3A_468], %swap3A_471 {strides = array<i32>} : memref<32x768xf32, #tpu.memory_space<vmem>>, vector<1x16xf32>,
        %get3A_472 = arith.index_cast %scan3A_207 : i32 to index
        %get3A_473 = arith.constant 304 : index
        %get3A_474 = tpu.vector_load %arg6[%get3A_472, %get3A_473] {strides = array<i32>} : memref<32x768xf32, #tpu.memory_space<vmem>>, vector<1x16xf32>,
        %get3A_475 = vector.shape_cast %get3A_474 : vector<1x16xf32> to vector<16xf32>
        %get3A_476 = arith.index_cast %scan3A_207 : i32 to index
        %get3A_477 = arith.constant 304 : index
        %get3A_478 = tpu.vector_load %arg5[%get3A_476, %get3A_477] {strides = array<i32>} : memref<32x768xf32, #tpu.memory_space<vmem>>, vector<1x16xf32>,
        %get3A_479 = vector.shape_cast %get3A_478 : vector<1x16xf32> to vector<16xf32>
        %add3A_480 = arith.addf %get3A_475, %get3A_479 : vector<16xf32>
        %swap3A_481 = arith.index_cast %scan3A_207 : i32 to index
        %swap3A_482 = arith.constant 304 : index
        %swap3A_483 = tpu.vector_load %arg8[%swap3A_481, %swap3A_482] {strides = array<i32>} : memref<32x768xf32, #tpu.memory_space<vmem>>, vector<1x16xf32>,
        %swap3A_484 = vector.shape_cast %swap3A_483 : vector<1x16xf32> to vector<16xf32>
        %swap3A_485 = vector.shape_cast %add3A_480 : vector<16xf32> to vector<1x16xf32>
        tpu.vector_store %arg8[%swap3A_481, %swap3A_482], %swap3A_485 {strides = array<i32>} : memref<32x768xf32, #tpu.memory_space<vmem>>, vector<1x16xf32>,
        %get3A_486 = arith.index_cast %scan3A_207 : i32 to index
        %get3A_487 = arith.constant 320 : index
        %get3A_488 = tpu.vector_load %arg6[%get3A_486, %get3A_487] {strides = array<i32>} : memref<32x768xf32, #tpu.memory_space<vmem>>, vector<1x16xf32>,
        %get3A_489 = vector.shape_cast %get3A_488 : vector<1x16xf32> to vector<16xf32>
        %get3A_490 = arith.index_cast %scan3A_207 : i32 to index
        %get3A_491 = arith.constant 320 : index
        %get3A_492 = tpu.vector_load %arg5[%get3A_490, %get3A_491] {strides = array<i32>} : memref<32x768xf32, #tpu.memory_space<vmem>>, vector<1x16xf32>,
        %get3A_493 = vector.shape_cast %get3A_492 : vector<1x16xf32> to vector<16xf32>
        %add3A_494 = arith.addf %get3A_489, %get3A_493 : vector<16xf32>
        %swap3A_495 = arith.index_cast %scan3A_207 : i32 to index
        %swap3A_496 = arith.constant 320 : index
        %swap3A_497 = tpu.vector_load %arg8[%swap3A_495, %swap3A_496] {strides = array<i32>} : memref<32x768xf32, #tpu.memory_space<vmem>>, vector<1x16xf32>,
        %swap3A_498 = vector.shape_cast %swap3A_497 : vector<1x16xf32> to vector<16xf32>
        %swap3A_499 = vector.shape_cast %add3A_494 : vector<16xf32> to vector<1x16xf32>
        tpu.vector_store %arg8[%swap3A_495, %swap3A_496], %swap3A_499 {strides = array<i32>} : memref<32x768xf32, #tpu.memory_space<vmem>>, vector<1x16xf32>,
        %get3A_500 = arith.index_cast %scan3A_207 : i32 to index
        %get3A_501 = arith.constant 336 : index
        %get3A_502 = tpu.vector_load %arg6[%get3A_500, %get3A_501] {strides = array<i32>} : memref<32x768xf32, #tpu.memory_space<vmem>>, vector<1x16xf32>,
        %get3A_503 = vector.shape_cast %get3A_502 : vector<1x16xf32> to vector<16xf32>
        %get3A_504 = arith.index_cast %scan3A_207 : i32 to index
        %get3A_505 = arith.constant 336 : index
        %get3A_506 = tpu.vector_load %arg5[%get3A_504, %get3A_505] {strides = array<i32>} : memref<32x768xf32, #tpu.memory_space<vmem>>, vector<1x16xf32>,
        %get3A_507 = vector.shape_cast %get3A_506 : vector<1x16xf32> to vector<16xf32>
        %add3A_508 = arith.addf %get3A_503, %get3A_507 : vector<16xf32>
        %swap3A_509 = arith.index_cast %scan3A_207 : i32 to index
        %swap3A_510 = arith.constant 336 : index
        %swap3A_511 = tpu.vector_load %arg8[%swap3A_509, %swap3A_510] {strides = array<i32>} : memref<32x768xf32, #tpu.memory_space<vmem>>, vector<1x16xf32>,
        %swap3A_512 = vector.shape_cast %swap3A_511 : vector<1x16xf32> to vector<16xf32>
        %swap3A_513 = vector.shape_cast %add3A_508 : vector<16xf32> to vector<1x16xf32>
        tpu.vector_store %arg8[%swap3A_509, %swap3A_510], %swap3A_513 {strides = array<i32>} : memref<32x768xf32, #tpu.memory_space<vmem>>, vector<1x16xf32>,
        %get3A_514 = arith.index_cast %scan3A_207 : i32 to index
        %get3A_515 = arith.constant 352 : index
        %get3A_516 = tpu.vector_load %arg6[%get3A_514, %get3A_515] {strides = array<i32>} : memref<32x768xf32, #tpu.memory_space<vmem>>, vector<1x16xf32>,
        %get3A_517 = vector.shape_cast %get3A_516 : vector<1x16xf32> to vector<16xf32>
        %get3A_518 = arith.index_cast %scan3A_207 : i32 to index
        %get3A_519 = arith.constant 352 : index
        %get3A_520 = tpu.vector_load %arg5[%get3A_518, %get3A_519] {strides = array<i32>} : memref<32x768xf32, #tpu.memory_space<vmem>>, vector<1x16xf32>,
        %get3A_521 = vector.shape_cast %get3A_520 : vector<1x16xf32> to vector<16xf32>
        %add3A_522 = arith.addf %get3A_517, %get3A_521 : vector<16xf32>
        %swap3A_523 = arith.index_cast %scan3A_207 : i32 to index
        %swap3A_524 = arith.constant 352 : index
        %swap3A_525 = tpu.vector_load %arg8[%swap3A_523, %swap3A_524] {strides = array<i32>} : memref<32x768xf32, #tpu.memory_space<vmem>>, vector<1x16xf32>,
        %swap3A_526 = vector.shape_cast %swap3A_525 : vector<1x16xf32> to vector<16xf32>
        %swap3A_527 = vector.shape_cast %add3A_522 : vector<16xf32> to vector<1x16xf32>
        tpu.vector_store %arg8[%swap3A_523, %swap3A_524], %swap3A_527 {strides = array<i32>} : memref<32x768xf32, #tpu.memory_space<vmem>>, vector<1x16xf32>,
        %get3A_528 = arith.index_cast %scan3A_207 : i32 to index
        %get3A_529 = arith.constant 368 : index
        %get3A_530 = tpu.vector_load %arg6[%get3A_528, %get3A_529] {strides = array<i32>} : memref<32x768xf32, #tpu.memory_space<vmem>>, vector<1x16xf32>,
        %get3A_531 = vector.shape_cast %get3A_530 : vector<1x16xf32> to vector<16xf32>
        %get3A_532 = arith.index_cast %scan3A_207 : i32 to index
        %get3A_533 = arith.constant 368 : index
        %get3A_534 = tpu.vector_load %arg5[%get3A_532, %get3A_533] {strides = array<i32>} : memref<32x768xf32, #tpu.memory_space<vmem>>, vector<1x16xf32>,
        %get3A_535 = vector.shape_cast %get3A_534 : vector<1x16xf32> to vector<16xf32>
        %add3A_536 = arith.addf %get3A_531, %get3A_535 : vector<16xf32>
        %swap3A_537 = arith.index_cast %scan3A_207 : i32 to index
        %swap3A_538 = arith.constant 368 : index
        %swap3A_539 = tpu.vector_load %arg8[%swap3A_537, %swap3A_538] {strides = array<i32>} : memref<32x768xf32, #tpu.memory_space<vmem>>, vector<1x16xf32>,
        %swap3A_540 = vector.shape_cast %swap3A_539 : vector<1x16xf32> to vector<16xf32>
        %swap3A_541 = vector.shape_cast %add3A_536 : vector<16xf32> to vector<1x16xf32>
        tpu.vector_store %arg8[%swap3A_537, %swap3A_538], %swap3A_541 {strides = array<i32>} : memref<32x768xf32, #tpu.memory_space<vmem>>, vector<1x16xf32>,
        %get3A_542 = arith.index_cast %scan3A_207 : i32 to index
        %get3A_543 = arith.constant 384 : index
        %get3A_544 = tpu.vector_load %arg6[%get3A_542, %get3A_543] {strides = array<i32>} : memref<32x768xf32, #tpu.memory_space<vmem>>, vector<1x16xf32>,
        %get3A_545 = vector.shape_cast %get3A_544 : vector<1x16xf32> to vector<16xf32>
        %get3A_546 = arith.index_cast %scan3A_207 : i32 to index
        %get3A_547 = arith.constant 384 : index
        %get3A_548 = tpu.vector_load %arg5[%get3A_546, %get3A_547] {strides = array<i32>} : memref<32x768xf32, #tpu.memory_space<vmem>>, vector<1x16xf32>,
        %get3A_549 = vector.shape_cast %get3A_548 : vector<1x16xf32> to vector<16xf32>
        %add3A_550 = arith.addf %get3A_545, %get3A_549 : vector<16xf32>
        %swap3A_551 = arith.index_cast %scan3A_207 : i32 to index
        %swap3A_552 = arith.constant 384 : index
        %swap3A_553 = tpu.vector_load %arg8[%swap3A_551, %swap3A_552] {strides = array<i32>} : memref<32x768xf32, #tpu.memory_space<vmem>>, vector<1x16xf32>,
        %swap3A_554 = vector.shape_cast %swap3A_553 : vector<1x16xf32> to vector<16xf32>
        %swap3A_555 = vector.shape_cast %add3A_550 : vector<16xf32> to vector<1x16xf32>
        tpu.vector_store %arg8[%swap3A_551, %swap3A_552], %swap3A_555 {strides = array<i32>} : memref<32x768xf32, #tpu.memory_space<vmem>>, vector<1x16xf32>,
        %get3A_556 = arith.index_cast %scan3A_207 : i32 to index
        %get3A_557 = arith.constant 400 : index
        %get3A_558 = tpu.vector_load %arg6[%get3A_556, %get3A_557] {strides = array<i32>} : memref<32x768xf32, #tpu.memory_space<vmem>>, vector<1x16xf32>,
        %get3A_559 = vector.shape_cast %get3A_558 : vector<1x16xf32> to vector<16xf32>
        %get3A_560 = arith.index_cast %scan3A_207 : i32 to index
        %get3A_561 = arith.constant 400 : index
        %get3A_562 = tpu.vector_load %arg5[%get3A_560, %get3A_561] {strides = array<i32>} : memref<32x768xf32, #tpu.memory_space<vmem>>, vector<1x16xf32>,
        %get3A_563 = vector.shape_cast %get3A_562 : vector<1x16xf32> to vector<16xf32>
        %add3A_564 = arith.addf %get3A_559, %get3A_563 : vector<16xf32>
        %swap3A_565 = arith.index_cast %scan3A_207 : i32 to index
        %swap3A_566 = arith.constant 400 : index
        %swap3A_567 = tpu.vector_load %arg8[%swap3A_565, %swap3A_566] {strides = array<i32>} : memref<32x768xf32, #tpu.memory_space<vmem>>, vector<1x16xf32>,
        %swap3A_568 = vector.shape_cast %swap3A_567 : vector<1x16xf32> to vector<16xf32>
        %swap3A_569 = vector.shape_cast %add3A_564 : vector<16xf32> to vector<1x16xf32>
        tpu.vector_store %arg8[%swap3A_565, %swap3A_566], %swap3A_569 {strides = array<i32>} : memref<32x768xf32, #tpu.memory_space<vmem>>, vector<1x16xf32>,
        %get3A_570 = arith.index_cast %scan3A_207 : i32 to index
        %get3A_571 = arith.constant 416 : index
        %get3A_572 = tpu.vector_load %arg6[%get3A_570, %get3A_571] {strides = array<i32>} : memref<32x768xf32, #tpu.memory_space<vmem>>, vector<1x16xf32>,
        %get3A_573 = vector.shape_cast %get3A_572 : vector<1x16xf32> to vector<16xf32>
        %get3A_574 = arith.index_cast %scan3A_207 : i32 to index
        %get3A_575 = arith.constant 416 : index
        %get3A_576 = tpu.vector_load %arg5[%get3A_574, %get3A_575] {strides = array<i32>} : memref<32x768xf32, #tpu.memory_space<vmem>>, vector<1x16xf32>,
        %get3A_577 = vector.shape_cast %get3A_576 : vector<1x16xf32> to vector<16xf32>
        %add3A_578 = arith.addf %get3A_573, %get3A_577 : vector<16xf32>
        %swap3A_579 = arith.index_cast %scan3A_207 : i32 to index
        %swap3A_580 = arith.constant 416 : index
        %swap3A_581 = tpu.vector_load %arg8[%swap3A_579, %swap3A_580] {strides = array<i32>} : memref<32x768xf32, #tpu.memory_space<vmem>>, vector<1x16xf32>,
        %swap3A_582 = vector.shape_cast %swap3A_581 : vector<1x16xf32> to vector<16xf32>
        %swap3A_583 = vector.shape_cast %add3A_578 : vector<16xf32> to vector<1x16xf32>
        tpu.vector_store %arg8[%swap3A_579, %swap3A_580], %swap3A_583 {strides = array<i32>} : memref<32x768xf32, #tpu.memory_space<vmem>>, vector<1x16xf32>,
        %get3A_584 = arith.index_cast %scan3A_207 : i32 to index
        %get3A_585 = arith.constant 432 : index
        %get3A_586 = tpu.vector_load %arg6[%get3A_584, %get3A_585] {strides = array<i32>} : memref<32x768xf32, #tpu.memory_space<vmem>>, vector<1x16xf32>,
        %get3A_587 = vector.shape_cast %get3A_586 : vector<1x16xf32> to vector<16xf32>
        %get3A_588 = arith.index_cast %scan3A_207 : i32 to index
        %get3A_589 = arith.constant 432 : index
        %get3A_590 = tpu.vector_load %arg5[%get3A_588, %get3A_589] {strides = array<i32>} : memref<32x768xf32, #tpu.memory_space<vmem>>, vector<1x16xf32>,
        %get3A_591 = vector.shape_cast %get3A_590 : vector<1x16xf32> to vector<16xf32>
        %add3A_592 = arith.addf %get3A_587, %get3A_591 : vector<16xf32>
        %swap3A_593 = arith.index_cast %scan3A_207 : i32 to index
        %swap3A_594 = arith.constant 432 : index
        %swap3A_595 = tpu.vector_load %arg8[%swap3A_593, %swap3A_594] {strides = array<i32>} : memref<32x768xf32, #tpu.memory_space<vmem>>, vector<1x16xf32>,
        %swap3A_596 = vector.shape_cast %swap3A_595 : vector<1x16xf32> to vector<16xf32>
        %swap3A_597 = vector.shape_cast %add3A_592 : vector<16xf32> to vector<1x16xf32>
        tpu.vector_store %arg8[%swap3A_593, %swap3A_594], %swap3A_597 {strides = array<i32>} : memref<32x768xf32, #tpu.memory_space<vmem>>, vector<1x16xf32>,
        %get3A_598 = arith.index_cast %scan3A_207 : i32 to index
        %get3A_599 = arith.constant 448 : index
        %get3A_600 = tpu.vector_load %arg6[%get3A_598, %get3A_599] {strides = array<i32>} : memref<32x768xf32, #tpu.memory_space<vmem>>, vector<1x16xf32>,
        %get3A_601 = vector.shape_cast %get3A_600 : vector<1x16xf32> to vector<16xf32>
        %get3A_602 = arith.index_cast %scan3A_207 : i32 to index
        %get3A_603 = arith.constant 448 : index
        %get3A_604 = tpu.vector_load %arg5[%get3A_602, %get3A_603] {strides = array<i32>} : memref<32x768xf32, #tpu.memory_space<vmem>>, vector<1x16xf32>,
        %get3A_605 = vector.shape_cast %get3A_604 : vector<1x16xf32> to vector<16xf32>
        %add3A_606 = arith.addf %get3A_601, %get3A_605 : vector<16xf32>
        %swap3A_607 = arith.index_cast %scan3A_207 : i32 to index
        %swap3A_608 = arith.constant 448 : index
        %swap3A_609 = tpu.vector_load %arg8[%swap3A_607, %swap3A_608] {strides = array<i32>} : memref<32x768xf32, #tpu.memory_space<vmem>>, vector<1x16xf32>,
        %swap3A_610 = vector.shape_cast %swap3A_609 : vector<1x16xf32> to vector<16xf32>
        %swap3A_611 = vector.shape_cast %add3A_606 : vector<16xf32> to vector<1x16xf32>
        tpu.vector_store %arg8[%swap3A_607, %swap3A_608], %swap3A_611 {strides = array<i32>} : memref<32x768xf32, #tpu.memory_space<vmem>>, vector<1x16xf32>,
        %get3A_612 = arith.index_cast %scan3A_207 : i32 to index
        %get3A_613 = arith.constant 464 : index
        %get3A_614 = tpu.vector_load %arg6[%get3A_612, %get3A_613] {strides = array<i32>} : memref<32x768xf32, #tpu.memory_space<vmem>>, vector<1x16xf32>,
        %get3A_615 = vector.shape_cast %get3A_614 : vector<1x16xf32> to vector<16xf32>
        %get3A_616 = arith.index_cast %scan3A_207 : i32 to index
        %get3A_617 = arith.constant 464 : index
        %get3A_618 = tpu.vector_load %arg5[%get3A_616, %get3A_617] {strides = array<i32>} : memref<32x768xf32, #tpu.memory_space<vmem>>, vector<1x16xf32>,
        %get3A_619 = vector.shape_cast %get3A_618 : vector<1x16xf32> to vector<16xf32>
        %add3A_620 = arith.addf %get3A_615, %get3A_619 : vector<16xf32>
        %swap3A_621 = arith.index_cast %scan3A_207 : i32 to index
        %swap3A_622 = arith.constant 464 : index
        %swap3A_623 = tpu.vector_load %arg8[%swap3A_621, %swap3A_622] {strides = array<i32>} : memref<32x768xf32, #tpu.memory_space<vmem>>, vector<1x16xf32>,
        %swap3A_624 = vector.shape_cast %swap3A_623 : vector<1x16xf32> to vector<16xf32>
        %swap3A_625 = vector.shape_cast %add3A_620 : vector<16xf32> to vector<1x16xf32>
        tpu.vector_store %arg8[%swap3A_621, %swap3A_622], %swap3A_625 {strides = array<i32>} : memref<32x768xf32, #tpu.memory_space<vmem>>, vector<1x16xf32>,
        %get3A_626 = arith.index_cast %scan3A_207 : i32 to index
        %get3A_627 = arith.constant 480 : index
        %get3A_628 = tpu.vector_load %arg6[%get3A_626, %get3A_627] {strides = array<i32>} : memref<32x768xf32, #tpu.memory_space<vmem>>, vector<1x16xf32>,
        %get3A_629 = vector.shape_cast %get3A_628 : vector<1x16xf32> to vector<16xf32>
        %get3A_630 = arith.index_cast %scan3A_207 : i32 to index
        %get3A_631 = arith.constant 480 : index
        %get3A_632 = tpu.vector_load %arg5[%get3A_630, %get3A_631] {strides = array<i32>} : memref<32x768xf32, #tpu.memory_space<vmem>>, vector<1x16xf32>,
        %get3A_633 = vector.shape_cast %get3A_632 : vector<1x16xf32> to vector<16xf32>
        %add3A_634 = arith.addf %get3A_629, %get3A_633 : vector<16xf32>
        %swap3A_635 = arith.index_cast %scan3A_207 : i32 to index
        %swap3A_636 = arith.constant 480 : index
        %swap3A_637 = tpu.vector_load %arg8[%swap3A_635, %swap3A_636] {strides = array<i32>} : memref<32x768xf32, #tpu.memory_space<vmem>>, vector<1x16xf32>,
        %swap3A_638 = vector.shape_cast %swap3A_637 : vector<1x16xf32> to vector<16xf32>
        %swap3A_639 = vector.shape_cast %add3A_634 : vector<16xf32> to vector<1x16xf32>
        tpu.vector_store %arg8[%swap3A_635, %swap3A_636], %swap3A_639 {strides = array<i32>} : memref<32x768xf32, #tpu.memory_space<vmem>>, vector<1x16xf32>,
        %get3A_640 = arith.index_cast %scan3A_207 : i32 to index
        %get3A_641 = arith.constant 496 : index
        %get3A_642 = tpu.vector_load %arg6[%get3A_640, %get3A_641] {strides = array<i32>} : memref<32x768xf32, #tpu.memory_space<vmem>>, vector<1x16xf32>,
        %get3A_643 = vector.shape_cast %get3A_642 : vector<1x16xf32> to vector<16xf32>
        %get3A_644 = arith.index_cast %scan3A_207 : i32 to index
        %get3A_645 = arith.constant 496 : index
        %get3A_646 = tpu.vector_load %arg5[%get3A_644, %get3A_645] {strides = array<i32>} : memref<32x768xf32, #tpu.memory_space<vmem>>, vector<1x16xf32>,
        %get3A_647 = vector.shape_cast %get3A_646 : vector<1x16xf32> to vector<16xf32>
        %add3A_648 = arith.addf %get3A_643, %get3A_647 : vector<16xf32>
        %swap3A_649 = arith.index_cast %scan3A_207 : i32 to index
        %swap3A_650 = arith.constant 496 : index
        %swap3A_651 = tpu.vector_load %arg8[%swap3A_649, %swap3A_650] {strides = array<i32>} : memref<32x768xf32, #tpu.memory_space<vmem>>, vector<1x16xf32>,
        %swap3A_652 = vector.shape_cast %swap3A_651 : vector<1x16xf32> to vector<16xf32>
        %swap3A_653 = vector.shape_cast %add3A_648 : vector<16xf32> to vector<1x16xf32>
        tpu.vector_store %arg8[%swap3A_649, %swap3A_650], %swap3A_653 {strides = array<i32>} : memref<32x768xf32, #tpu.memory_space<vmem>>, vector<1x16xf32>,
        %get3A_654 = arith.index_cast %scan3A_207 : i32 to index
        %get3A_655 = arith.constant 512 : index
        %get3A_656 = tpu.vector_load %arg6[%get3A_654, %get3A_655] {strides = array<i32>} : memref<32x768xf32, #tpu.memory_space<vmem>>, vector<1x16xf32>,
        %get3A_657 = vector.shape_cast %get3A_656 : vector<1x16xf32> to vector<16xf32>
        %get3A_658 = arith.index_cast %scan3A_207 : i32 to index
        %get3A_659 = arith.constant 512 : index
        %get3A_660 = tpu.vector_load %arg5[%get3A_658, %get3A_659] {strides = array<i32>} : memref<32x768xf32, #tpu.memory_space<vmem>>, vector<1x16xf32>,
        %get3A_661 = vector.shape_cast %get3A_660 : vector<1x16xf32> to vector<16xf32>
        %add3A_662 = arith.addf %get3A_657, %get3A_661 : vector<16xf32>
        %swap3A_663 = arith.index_cast %scan3A_207 : i32 to index
        %swap3A_664 = arith.constant 512 : index
        %swap3A_665 = tpu.vector_load %arg8[%swap3A_663, %swap3A_664] {strides = array<i32>} : memref<32x768xf32, #tpu.memory_space<vmem>>, vector<1x16xf32>,
        %swap3A_666 = vector.shape_cast %swap3A_665 : vector<1x16xf32> to vector<16xf32>
        %swap3A_667 = vector.shape_cast %add3A_662 : vector<16xf32> to vector<1x16xf32>
        tpu.vector_store %arg8[%swap3A_663, %swap3A_664], %swap3A_667 {strides = array<i32>} : memref<32x768xf32, #tpu.memory_space<vmem>>, vector<1x16xf32>,
        %get3A_668 = arith.index_cast %scan3A_207 : i32 to index
        %get3A_669 = arith.constant 528 : index
        %get3A_670 = tpu.vector_load %arg6[%get3A_668, %get3A_669] {strides = array<i32>} : memref<32x768xf32, #tpu.memory_space<vmem>>, vector<1x16xf32>,
        %get3A_671 = vector.shape_cast %get3A_670 : vector<1x16xf32> to vector<16xf32>
        %get3A_672 = arith.index_cast %scan3A_207 : i32 to index
        %get3A_673 = arith.constant 528 : index
        %get3A_674 = tpu.vector_load %arg5[%get3A_672, %get3A_673] {strides = array<i32>} : memref<32x768xf32, #tpu.memory_space<vmem>>, vector<1x16xf32>,
        %get3A_675 = vector.shape_cast %get3A_674 : vector<1x16xf32> to vector<16xf32>
        %add3A_676 = arith.addf %get3A_671, %get3A_675 : vector<16xf32>
        %swap3A_677 = arith.index_cast %scan3A_207 : i32 to index
        %swap3A_678 = arith.constant 528 : index
        %swap3A_679 = tpu.vector_load %arg8[%swap3A_677, %swap3A_678] {strides = array<i32>} : memref<32x768xf32, #tpu.memory_space<vmem>>, vector<1x16xf32>,
        %swap3A_680 = vector.shape_cast %swap3A_679 : vector<1x16xf32> to vector<16xf32>
        %swap3A_681 = vector.shape_cast %add3A_676 : vector<16xf32> to vector<1x16xf32>
        tpu.vector_store %arg8[%swap3A_677, %swap3A_678], %swap3A_681 {strides = array<i32>} : memref<32x768xf32, #tpu.memory_space<vmem>>, vector<1x16xf32>,
        %get3A_682 = arith.index_cast %scan3A_207 : i32 to index
        %get3A_683 = arith.constant 544 : index
        %get3A_684 = tpu.vector_load %arg6[%get3A_682, %get3A_683] {strides = array<i32>} : memref<32x768xf32, #tpu.memory_space<vmem>>, vector<1x16xf32>,
        %get3A_685 = vector.shape_cast %get3A_684 : vector<1x16xf32> to vector<16xf32>
        %get3A_686 = arith.index_cast %scan3A_207 : i32 to index
        %get3A_687 = arith.constant 544 : index
        %get3A_688 = tpu.vector_load %arg5[%get3A_686, %get3A_687] {strides = array<i32>} : memref<32x768xf32, #tpu.memory_space<vmem>>, vector<1x16xf32>,
        %get3A_689 = vector.shape_cast %get3A_688 : vector<1x16xf32> to vector<16xf32>
        %add3A_690 = arith.addf %get3A_685, %get3A_689 : vector<16xf32>
        %swap3A_691 = arith.index_cast %scan3A_207 : i32 to index
        %swap3A_692 = arith.constant 544 : index
        %swap3A_693 = tpu.vector_load %arg8[%swap3A_691, %swap3A_692] {strides = array<i32>} : memref<32x768xf32, #tpu.memory_space<vmem>>, vector<1x16xf32>,
        %swap3A_694 = vector.shape_cast %swap3A_693 : vector<1x16xf32> to vector<16xf32>
        %swap3A_695 = vector.shape_cast %add3A_690 : vector<16xf32> to vector<1x16xf32>
        tpu.vector_store %arg8[%swap3A_691, %swap3A_692], %swap3A_695 {strides = array<i32>} : memref<32x768xf32, #tpu.memory_space<vmem>>, vector<1x16xf32>,
        %get3A_696 = arith.index_cast %scan3A_207 : i32 to index
        %get3A_697 = arith.constant 560 : index
        %get3A_698 = tpu.vector_load %arg6[%get3A_696, %get3A_697] {strides = array<i32>} : memref<32x768xf32, #tpu.memory_space<vmem>>, vector<1x16xf32>,
        %get3A_699 = vector.shape_cast %get3A_698 : vector<1x16xf32> to vector<16xf32>
        %get3A_700 = arith.index_cast %scan3A_207 : i32 to index
        %get3A_701 = arith.constant 560 : index
        %get3A_702 = tpu.vector_load %arg5[%get3A_700, %get3A_701] {strides = array<i32>} : memref<32x768xf32, #tpu.memory_space<vmem>>, vector<1x16xf32>,
        %get3A_703 = vector.shape_cast %get3A_702 : vector<1x16xf32> to vector<16xf32>
        %add3A_704 = arith.addf %get3A_699, %get3A_703 : vector<16xf32>
        %swap3A_705 = arith.index_cast %scan3A_207 : i32 to index
        %swap3A_706 = arith.constant 560 : index
        %swap3A_707 = tpu.vector_load %arg8[%swap3A_705, %swap3A_706] {strides = array<i32>} : memref<32x768xf32, #tpu.memory_space<vmem>>, vector<1x16xf32>,
        %swap3A_708 = vector.shape_cast %swap3A_707 : vector<1x16xf32> to vector<16xf32>
        %swap3A_709 = vector.shape_cast %add3A_704 : vector<16xf32> to vector<1x16xf32>
        tpu.vector_store %arg8[%swap3A_705, %swap3A_706], %swap3A_709 {strides = array<i32>} : memref<32x768xf32, #tpu.memory_space<vmem>>, vector<1x16xf32>,
        %get3A_710 = arith.index_cast %scan3A_207 : i32 to index
        %get3A_711 = arith.constant 576 : index
        %get3A_712 = tpu.vector_load %arg6[%get3A_710, %get3A_711] {strides = array<i32>} : memref<32x768xf32, #tpu.memory_space<vmem>>, vector<1x16xf32>,
        %get3A_713 = vector.shape_cast %get3A_712 : vector<1x16xf32> to vector<16xf32>
        %get3A_714 = arith.index_cast %scan3A_207 : i32 to index
        %get3A_715 = arith.constant 576 : index
        %get3A_716 = tpu.vector_load %arg5[%get3A_714, %get3A_715] {strides = array<i32>} : memref<32x768xf32, #tpu.memory_space<vmem>>, vector<1x16xf32>,
        %get3A_717 = vector.shape_cast %get3A_716 : vector<1x16xf32> to vector<16xf32>
        %add3A_718 = arith.addf %get3A_713, %get3A_717 : vector<16xf32>
        %swap3A_719 = arith.index_cast %scan3A_207 : i32 to index
        %swap3A_720 = arith.constant 576 : index
        %swap3A_721 = tpu.vector_load %arg8[%swap3A_719, %swap3A_720] {strides = array<i32>} : memref<32x768xf32, #tpu.memory_space<vmem>>, vector<1x16xf32>,
        %swap3A_722 = vector.shape_cast %swap3A_721 : vector<1x16xf32> to vector<16xf32>
        %swap3A_723 = vector.shape_cast %add3A_718 : vector<16xf32> to vector<1x16xf32>
        tpu.vector_store %arg8[%swap3A_719, %swap3A_720], %swap3A_723 {strides = array<i32>} : memref<32x768xf32, #tpu.memory_space<vmem>>, vector<1x16xf32>,
        %get3A_724 = arith.index_cast %scan3A_207 : i32 to index
        %get3A_725 = arith.constant 592 : index
        %get3A_726 = tpu.vector_load %arg6[%get3A_724, %get3A_725] {strides = array<i32>} : memref<32x768xf32, #tpu.memory_space<vmem>>, vector<1x16xf32>,
        %get3A_727 = vector.shape_cast %get3A_726 : vector<1x16xf32> to vector<16xf32>
        %get3A_728 = arith.index_cast %scan3A_207 : i32 to index
        %get3A_729 = arith.constant 592 : index
        %get3A_730 = tpu.vector_load %arg5[%get3A_728, %get3A_729] {strides = array<i32>} : memref<32x768xf32, #tpu.memory_space<vmem>>, vector<1x16xf32>,
        %get3A_731 = vector.shape_cast %get3A_730 : vector<1x16xf32> to vector<16xf32>
        %add3A_732 = arith.addf %get3A_727, %get3A_731 : vector<16xf32>
        %swap3A_733 = arith.index_cast %scan3A_207 : i32 to index
        %swap3A_734 = arith.constant 592 : index
        %swap3A_735 = tpu.vector_load %arg8[%swap3A_733, %swap3A_734] {strides = array<i32>} : memref<32x768xf32, #tpu.memory_space<vmem>>, vector<1x16xf32>,
        %swap3A_736 = vector.shape_cast %swap3A_735 : vector<1x16xf32> to vector<16xf32>
        %swap3A_737 = vector.shape_cast %add3A_732 : vector<16xf32> to vector<1x16xf32>
        tpu.vector_store %arg8[%swap3A_733, %swap3A_734], %swap3A_737 {strides = array<i32>} : memref<32x768xf32, #tpu.memory_space<vmem>>, vector<1x16xf32>,
        %get3A_738 = arith.index_cast %scan3A_207 : i32 to index
        %get3A_739 = arith.constant 608 : index
        %get3A_740 = tpu.vector_load %arg6[%get3A_738, %get3A_739] {strides = array<i32>} : memref<32x768xf32, #tpu.memory_space<vmem>>, vector<1x16xf32>,
        %get3A_741 = vector.shape_cast %get3A_740 : vector<1x16xf32> to vector<16xf32>
        %get3A_742 = arith.index_cast %scan3A_207 : i32 to index
        %get3A_743 = arith.constant 608 : index
        %get3A_744 = tpu.vector_load %arg5[%get3A_742, %get3A_743] {strides = array<i32>} : memref<32x768xf32, #tpu.memory_space<vmem>>, vector<1x16xf32>,
        %get3A_745 = vector.shape_cast %get3A_744 : vector<1x16xf32> to vector<16xf32>
        %add3A_746 = arith.addf %get3A_741, %get3A_745 : vector<16xf32>
        %swap3A_747 = arith.index_cast %scan3A_207 : i32 to index
        %swap3A_748 = arith.constant 608 : index
        %swap3A_749 = tpu.vector_load %arg8[%swap3A_747, %swap3A_748] {strides = array<i32>} : memref<32x768xf32, #tpu.memory_space<vmem>>, vector<1x16xf32>,
        %swap3A_750 = vector.shape_cast %swap3A_749 : vector<1x16xf32> to vector<16xf32>
        %swap3A_751 = vector.shape_cast %add3A_746 : vector<16xf32> to vector<1x16xf32>
        tpu.vector_store %arg8[%swap3A_747, %swap3A_748], %swap3A_751 {strides = array<i32>} : memref<32x768xf32, #tpu.memory_space<vmem>>, vector<1x16xf32>,
        %get3A_752 = arith.index_cast %scan3A_207 : i32 to index
        %get3A_753 = arith.constant 624 : index
        %get3A_754 = tpu.vector_load %arg6[%get3A_752, %get3A_753] {strides = array<i32>} : memref<32x768xf32, #tpu.memory_space<vmem>>, vector<1x16xf32>,
        %get3A_755 = vector.shape_cast %get3A_754 : vector<1x16xf32> to vector<16xf32>
        %get3A_756 = arith.index_cast %scan3A_207 : i32 to index
        %get3A_757 = arith.constant 624 : index
        %get3A_758 = tpu.vector_load %arg5[%get3A_756, %get3A_757] {strides = array<i32>} : memref<32x768xf32, #tpu.memory_space<vmem>>, vector<1x16xf32>,
        %get3A_759 = vector.shape_cast %get3A_758 : vector<1x16xf32> to vector<16xf32>
        %add3A_760 = arith.addf %get3A_755, %get3A_759 : vector<16xf32>
        %swap3A_761 = arith.index_cast %scan3A_207 : i32 to index
        %swap3A_762 = arith.constant 624 : index
        %swap3A_763 = tpu.vector_load %arg8[%swap3A_761, %swap3A_762] {strides = array<i32>} : memref<32x768xf32, #tpu.memory_space<vmem>>, vector<1x16xf32>,
        %swap3A_764 = vector.shape_cast %swap3A_763 : vector<1x16xf32> to vector<16xf32>
        %swap3A_765 = vector.shape_cast %add3A_760 : vector<16xf32> to vector<1x16xf32>
        tpu.vector_store %arg8[%swap3A_761, %swap3A_762], %swap3A_765 {strides = array<i32>} : memref<32x768xf32, #tpu.memory_space<vmem>>, vector<1x16xf32>,
        %get3A_766 = arith.index_cast %scan3A_207 : i32 to index
        %get3A_767 = arith.constant 640 : index
        %get3A_768 = tpu.vector_load %arg6[%get3A_766, %get3A_767] {strides = array<i32>} : memref<32x768xf32, #tpu.memory_space<vmem>>, vector<1x16xf32>,
        %get3A_769 = vector.shape_cast %get3A_768 : vector<1x16xf32> to vector<16xf32>
        %get3A_770 = arith.index_cast %scan3A_207 : i32 to index
        %get3A_771 = arith.constant 640 : index
        %get3A_772 = tpu.vector_load %arg5[%get3A_770, %get3A_771] {strides = array<i32>} : memref<32x768xf32, #tpu.memory_space<vmem>>, vector<1x16xf32>,
        %get3A_773 = vector.shape_cast %get3A_772 : vector<1x16xf32> to vector<16xf32>
        %add3A_774 = arith.addf %get3A_769, %get3A_773 : vector<16xf32>
        %swap3A_775 = arith.index_cast %scan3A_207 : i32 to index
        %swap3A_776 = arith.constant 640 : index
        %swap3A_777 = tpu.vector_load %arg8[%swap3A_775, %swap3A_776] {strides = array<i32>} : memref<32x768xf32, #tpu.memory_space<vmem>>, vector<1x16xf32>,
        %swap3A_778 = vector.shape_cast %swap3A_777 : vector<1x16xf32> to vector<16xf32>
        %swap3A_779 = vector.shape_cast %add3A_774 : vector<16xf32> to vector<1x16xf32>
        tpu.vector_store %arg8[%swap3A_775, %swap3A_776], %swap3A_779 {strides = array<i32>} : memref<32x768xf32, #tpu.memory_space<vmem>>, vector<1x16xf32>,
        %get3A_780 = arith.index_cast %scan3A_207 : i32 to index
        %get3A_781 = arith.constant 656 : index
        %get3A_782 = tpu.vector_load %arg6[%get3A_780, %get3A_781] {strides = array<i32>} : memref<32x768xf32, #tpu.memory_space<vmem>>, vector<1x16xf32>,
        %get3A_783 = vector.shape_cast %get3A_782 : vector<1x16xf32> to vector<16xf32>
        %get3A_784 = arith.index_cast %scan3A_207 : i32 to index
        %get3A_785 = arith.constant 656 : index
        %get3A_786 = tpu.vector_load %arg5[%get3A_784, %get3A_785] {strides = array<i32>} : memref<32x768xf32, #tpu.memory_space<vmem>>, vector<1x16xf32>,
        %get3A_787 = vector.shape_cast %get3A_786 : vector<1x16xf32> to vector<16xf32>
        %add3A_788 = arith.addf %get3A_783, %get3A_787 : vector<16xf32>
        %swap3A_789 = arith.index_cast %scan3A_207 : i32 to index
        %swap3A_790 = arith.constant 656 : index
        %swap3A_791 = tpu.vector_load %arg8[%swap3A_789, %swap3A_790] {strides = array<i32>} : memref<32x768xf32, #tpu.memory_space<vmem>>, vector<1x16xf32>,
        %swap3A_792 = vector.shape_cast %swap3A_791 : vector<1x16xf32> to vector<16xf32>
        %swap3A_793 = vector.shape_cast %add3A_788 : vector<16xf32> to vector<1x16xf32>
        tpu.vector_store %arg8[%swap3A_789, %swap3A_790], %swap3A_793 {strides = array<i32>} : memref<32x768xf32, #tpu.memory_space<vmem>>, vector<1x16xf32>,
        %get3A_794 = arith.index_cast %scan3A_207 : i32 to index
        %get3A_795 = arith.constant 672 : index
        %get3A_796 = tpu.vector_load %arg6[%get3A_794, %get3A_795] {strides = array<i32>} : memref<32x768xf32, #tpu.memory_space<vmem>>, vector<1x16xf32>,
        %get3A_797 = vector.shape_cast %get3A_796 : vector<1x16xf32> to vector<16xf32>
        %get3A_798 = arith.index_cast %scan3A_207 : i32 to index
        %get3A_799 = arith.constant 672 : index
        %get3A_800 = tpu.vector_load %arg5[%get3A_798, %get3A_799] {strides = array<i32>} : memref<32x768xf32, #tpu.memory_space<vmem>>, vector<1x16xf32>,
        %get3A_801 = vector.shape_cast %get3A_800 : vector<1x16xf32> to vector<16xf32>
        %add3A_802 = arith.addf %get3A_797, %get3A_801 : vector<16xf32>
        %swap3A_803 = arith.index_cast %scan3A_207 : i32 to index
        %swap3A_804 = arith.constant 672 : index
        %swap3A_805 = tpu.vector_load %arg8[%swap3A_803, %swap3A_804] {strides = array<i32>} : memref<32x768xf32, #tpu.memory_space<vmem>>, vector<1x16xf32>,
        %swap3A_806 = vector.shape_cast %swap3A_805 : vector<1x16xf32> to vector<16xf32>
        %swap3A_807 = vector.shape_cast %add3A_802 : vector<16xf32> to vector<1x16xf32>
        tpu.vector_store %arg8[%swap3A_803, %swap3A_804], %swap3A_807 {strides = array<i32>} : memref<32x768xf32, #tpu.memory_space<vmem>>, vector<1x16xf32>,
        %get3A_808 = arith.index_cast %scan3A_207 : i32 to index
        %get3A_809 = arith.constant 688 : index
        %get3A_810 = tpu.vector_load %arg6[%get3A_808, %get3A_809] {strides = array<i32>} : memref<32x768xf32, #tpu.memory_space<vmem>>, vector<1x16xf32>,
        %get3A_811 = vector.shape_cast %get3A_810 : vector<1x16xf32> to vector<16xf32>
        %get3A_812 = arith.index_cast %scan3A_207 : i32 to index
        %get3A_813 = arith.constant 688 : index
        %get3A_814 = tpu.vector_load %arg5[%get3A_812, %get3A_813] {strides = array<i32>} : memref<32x768xf32, #tpu.memory_space<vmem>>, vector<1x16xf32>,
        %get3A_815 = vector.shape_cast %get3A_814 : vector<1x16xf32> to vector<16xf32>
        %add3A_816 = arith.addf %get3A_811, %get3A_815 : vector<16xf32>
        %swap3A_817 = arith.index_cast %scan3A_207 : i32 to index
        %swap3A_818 = arith.constant 688 : index
        %swap3A_819 = tpu.vector_load %arg8[%swap3A_817, %swap3A_818] {strides = array<i32>} : memref<32x768xf32, #tpu.memory_space<vmem>>, vector<1x16xf32>,
        %swap3A_820 = vector.shape_cast %swap3A_819 : vector<1x16xf32> to vector<16xf32>
        %swap3A_821 = vector.shape_cast %add3A_816 : vector<16xf32> to vector<1x16xf32>
        tpu.vector_store %arg8[%swap3A_817, %swap3A_818], %swap3A_821 {strides = array<i32>} : memref<32x768xf32, #tpu.memory_space<vmem>>, vector<1x16xf32>,
        %get3A_822 = arith.index_cast %scan3A_207 : i32 to index
        %get3A_823 = arith.constant 704 : index
        %get3A_824 = tpu.vector_load %arg6[%get3A_822, %get3A_823] {strides = array<i32>} : memref<32x768xf32, #tpu.memory_space<vmem>>, vector<1x16xf32>,
        %get3A_825 = vector.shape_cast %get3A_824 : vector<1x16xf32> to vector<16xf32>
        %get3A_826 = arith.index_cast %scan3A_207 : i32 to index
        %get3A_827 = arith.constant 704 : index
        %get3A_828 = tpu.vector_load %arg5[%get3A_826, %get3A_827] {strides = array<i32>} : memref<32x768xf32, #tpu.memory_space<vmem>>, vector<1x16xf32>,
        %get3A_829 = vector.shape_cast %get3A_828 : vector<1x16xf32> to vector<16xf32>
        %add3A_830 = arith.addf %get3A_825, %get3A_829 : vector<16xf32>
        %swap3A_831 = arith.index_cast %scan3A_207 : i32 to index
        %swap3A_832 = arith.constant 704 : index
        %swap3A_833 = tpu.vector_load %arg8[%swap3A_831, %swap3A_832] {strides = array<i32>} : memref<32x768xf32, #tpu.memory_space<vmem>>, vector<1x16xf32>,
        %swap3A_834 = vector.shape_cast %swap3A_833 : vector<1x16xf32> to vector<16xf32>
        %swap3A_835 = vector.shape_cast %add3A_830 : vector<16xf32> to vector<1x16xf32>
        tpu.vector_store %arg8[%swap3A_831, %swap3A_832], %swap3A_835 {strides = array<i32>} : memref<32x768xf32, #tpu.memory_space<vmem>>, vector<1x16xf32>,
        %get3A_836 = arith.index_cast %scan3A_207 : i32 to index
        %get3A_837 = arith.constant 720 : index
        %get3A_838 = tpu.vector_load %arg6[%get3A_836, %get3A_837] {strides = array<i32>} : memref<32x768xf32, #tpu.memory_space<vmem>>, vector<1x16xf32>,
        %get3A_839 = vector.shape_cast %get3A_838 : vector<1x16xf32> to vector<16xf32>
        %get3A_840 = arith.index_cast %scan3A_207 : i32 to index
        %get3A_841 = arith.constant 720 : index
        %get3A_842 = tpu.vector_load %arg5[%get3A_840, %get3A_841] {strides = array<i32>} : memref<32x768xf32, #tpu.memory_space<vmem>>, vector<1x16xf32>,
        %get3A_843 = vector.shape_cast %get3A_842 : vector<1x16xf32> to vector<16xf32>
        %add3A_844 = arith.addf %get3A_839, %get3A_843 : vector<16xf32>
        %swap3A_845 = arith.index_cast %scan3A_207 : i32 to index
        %swap3A_846 = arith.constant 720 : index
        %swap3A_847 = tpu.vector_load %arg8[%swap3A_845, %swap3A_846] {strides = array<i32>} : memref<32x768xf32, #tpu.memory_space<vmem>>, vector<1x16xf32>,
        %swap3A_848 = vector.shape_cast %swap3A_847 : vector<1x16xf32> to vector<16xf32>
        %swap3A_849 = vector.shape_cast %add3A_844 : vector<16xf32> to vector<1x16xf32>
        tpu.vector_store %arg8[%swap3A_845, %swap3A_846], %swap3A_849 {strides = array<i32>} : memref<32x768xf32, #tpu.memory_space<vmem>>, vector<1x16xf32>,
        %get3A_850 = arith.index_cast %scan3A_207 : i32 to index
        %get3A_851 = arith.constant 736 : index
        %get3A_852 = tpu.vector_load %arg6[%get3A_850, %get3A_851] {strides = array<i32>} : memref<32x768xf32, #tpu.memory_space<vmem>>, vector<1x16xf32>,
        %get3A_853 = vector.shape_cast %get3A_852 : vector<1x16xf32> to vector<16xf32>
        %get3A_854 = arith.index_cast %scan3A_207 : i32 to index
        %get3A_855 = arith.constant 736 : index
        %get3A_856 = tpu.vector_load %arg5[%get3A_854, %get3A_855] {strides = array<i32>} : memref<32x768xf32, #tpu.memory_space<vmem>>, vector<1x16xf32>,
        %get3A_857 = vector.shape_cast %get3A_856 : vector<1x16xf32> to vector<16xf32>
        %add3A_858 = arith.addf %get3A_853, %get3A_857 : vector<16xf32>
        %swap3A_859 = arith.index_cast %scan3A_207 : i32 to index
        %swap3A_860 = arith.constant 736 : index
        %swap3A_861 = tpu.vector_load %arg8[%swap3A_859, %swap3A_860] {strides = array<i32>} : memref<32x768xf32, #tpu.memory_space<vmem>>, vector<1x16xf32>,
        %swap3A_862 = vector.shape_cast %swap3A_861 : vector<1x16xf32> to vector<16xf32>
        %swap3A_863 = vector.shape_cast %add3A_858 : vector<16xf32> to vector<1x16xf32>
        tpu.vector_store %arg8[%swap3A_859, %swap3A_860], %swap3A_863 {strides = array<i32>} : memref<32x768xf32, #tpu.memory_space<vmem>>, vector<1x16xf32>,
        %get3A_864 = arith.index_cast %scan3A_207 : i32 to index
        %get3A_865 = arith.constant 752 : index
        %get3A_866 = tpu.vector_load %arg6[%get3A_864, %get3A_865] {strides = array<i32>} : memref<32x768xf32, #tpu.memory_space<vmem>>, vector<1x16xf32>,
        %get3A_867 = vector.shape_cast %get3A_866 : vector<1x16xf32> to vector<16xf32>
        %get3A_868 = arith.index_cast %scan3A_207 : i32 to index
        %get3A_869 = arith.constant 752 : index
        %get3A_870 = tpu.vector_load %arg5[%get3A_868, %get3A_869] {strides = array<i32>} : memref<32x768xf32, #tpu.memory_space<vmem>>, vector<1x16xf32>,
        %get3A_871 = vector.shape_cast %get3A_870 : vector<1x16xf32> to vector<16xf32>
        %add3A_872 = arith.addf %get3A_867, %get3A_871 : vector<16xf32>
        %swap3A_873 = arith.index_cast %scan3A_207 : i32 to index
        %swap3A_874 = arith.constant 752 : index
        %swap3A_875 = tpu.vector_load %arg8[%swap3A_873, %swap3A_874] {strides = array<i32>} : memref<32x768xf32, #tpu.memory_space<vmem>>, vector<1x16xf32>,
        %swap3A_876 = vector.shape_cast %swap3A_875 : vector<1x16xf32> to vector<16xf32>
        %swap3A_877 = vector.shape_cast %add3A_872 : vector<16xf32> to vector<1x16xf32>
        tpu.vector_store %arg8[%swap3A_873, %swap3A_874], %swap3A_877 {strides = array<i32>} : memref<32x768xf32, #tpu.memory_space<vmem>>, vector<1x16xf32>,
      }
      %scan3A_126 = arith.constant 16 : i32
      %add3A_127 = arith.constant 16 : i32
      %add3A_128 = arith.addi %mul3A_2, %add3A_127 : i32
      %dma_start3A_129 = arith.constant 16 : i32
      %dma_start3A_130 = arith.constant 0 : i32
      %dma_start3A_131 = tpu.memref_slice %arg8[%dma_start3A_129, %dma_start3A_130] : memref<32x768xf32, #tpu.memory_space<vmem>> -> memref<16x768xf32, #tpu.memory_space<vmem>>
      %dma_start3A_132 = arith.constant 0 : i32
      %dma_start3A_133 = tpu.memref_slice %arg4[%add3A_92, %add3A_128, %dma_start3A_132] : memref<64x1024x768xf32, #tpu.memory_space<hbm>> -> memref<1x16x768xf32, #tpu.memory_space<hbm>>
      %dma_start3A_134 = tpu.memref_squeeze %dma_start3A_133 : memref<1x16x768xf32, #tpu.memory_space<hbm>> -> memref<16x768xf32, #tpu.memory_space<hbm>>
      %dma_start3A_135 = arith.constant 0 : i32
      %dma_start3A_136 = tpu.memref_slice %arg4[%add3A_92, %add3A_128, %dma_start3A_135] : memref<64x1024x768xf32, #tpu.memory_space<hbm>> -> memref<1x16x768xf32, #tpu.memory_space<hbm>>
      %dma_start3A_137 = tpu.memref_squeeze %dma_start3A_136 : memref<1x16x768xf32, #tpu.memory_space<hbm>> -> memref<16x768xf32, #tpu.memory_space<hbm>>
      %dma_start3A_138 = arith.constant 16 : i32
      %dma_start3A_139 = arith.constant 0 : i32
      %dma_start3A_140 = tpu.memref_slice %arg8[%dma_start3A_138, %dma_start3A_139] : memref<32x768xf32, #tpu.memory_space<vmem>> -> memref<16x768xf32, #tpu.memory_space<vmem>>
      tpu.enqueue_dma source(%dma_start3A_140 : memref<16x768xf32, #tpu.memory_space<vmem>>) target(%dma_start3A_137 : memref<16x768xf32, #tpu.memory_space<hbm>>) target_semaphore(%arg13 : memref<!tpu.dma_semaphore, #tpu.memory_space<semaphore_mem>>)
      %add3A_141 = arith.constant 2 : i32
      %add3A_142 = arith.addi %add3A_92, %add3A_141 : i32
      %lt3A = arith.constant 64 : i32
      %lt3A_143 = arith.cmpi slt, %add3A_142, %lt3A : i32
      %convert_element_type3A_144 = arith.extui %lt3A_143 : i1 to i32
      %cond3A_145 = arith.constant 0 : i32
      %cond3A_146 = arith.cmpi ne, %convert_element_type3A_144, %cond3A_145 : i32
      scf.if %cond3A_146 {
        %add3A_207 = arith.constant 2 : i32
        %add3A_208 = arith.addi %add3A_92, %add3A_207 : i32
        %dma_start3A_209 = arith.constant 0 : i32
        %dma_start3A_210 = tpu.memref_slice %arg2[%add3A_208, %mul3A_2, %dma_start3A_209] : memref<64x1024x768xf32, #tpu.memory_space<hbm>> -> memref<1x32x768xf32, #tpu.memory_space<hbm>>
        %dma_start3A_211 = tpu.memref_squeeze %dma_start3A_210 : memref<1x32x768xf32, #tpu.memory_space<hbm>> -> memref<32x768xf32, #tpu.memory_space<hbm>>
        %dma_start3A_212 = arith.constant 0 : i32
        %dma_start3A_213 = tpu.memref_slice %arg2[%add3A_208, %mul3A_2, %dma_start3A_212] : memref<64x1024x768xf32, #tpu.memory_space<hbm>> -> memref<1x32x768xf32, #tpu.memory_space<hbm>>
        %dma_start3A_214 = tpu.memref_squeeze %dma_start3A_213 : memref<1x32x768xf32, #tpu.memory_space<hbm>> -> memref<32x768xf32, #tpu.memory_space<hbm>>
        tpu.enqueue_dma source(%dma_start3A_214 : memref<32x768xf32, #tpu.memory_space<hbm>>) target(%arg6 : memref<32x768xf32, #tpu.memory_space<vmem>>) target_semaphore(%arg11 : memref<!tpu.dma_semaphore, #tpu.memory_space<semaphore_mem>>)
      } else {
      }
      %add3A_147 = arith.constant 1 : i32
      %add3A_148 = arith.addi %mul3A_90, %add3A_147 : i32
      %dma_wait3A_149 = arith.constant 0 : i32
      %dma_wait3A_150 = tpu.memref_slice %arg2[%add3A_148, %mul3A_2, %dma_wait3A_149] : memref<64x1024x768xf32, #tpu.memory_space<hbm>> -> memref<1x32x768xf32, #tpu.memory_space<hbm>>
      %dma_wait3A_151 = tpu.memref_squeeze %dma_wait3A_150 : memref<1x32x768xf32, #tpu.memory_space<hbm>> -> memref<32x768xf32, #tpu.memory_space<hbm>>
      %dma_wait3A_152 = arith.constant 0 : i32
      %dma_wait3A_153 = tpu.memref_slice %arg2[%add3A_148, %mul3A_2, %dma_wait3A_152] : memref<64x1024x768xf32, #tpu.memory_space<hbm>> -> memref<1x32x768xf32, #tpu.memory_space<hbm>>
      %dma_wait3A_154 = tpu.memref_squeeze %dma_wait3A_153 : memref<1x32x768xf32, #tpu.memory_space<hbm>> -> memref<32x768xf32, #tpu.memory_space<hbm>>
      tpu.wait_dma2 semaphore(%arg12 : memref<!tpu.dma_semaphore, #tpu.memory_space<semaphore_mem>>) src(%dma_wait3A_154 : memref<32x768xf32, #tpu.memory_space<hbm>>) dst(%arg7 : memref<32x768xf32, #tpu.memory_space<vmem>>)
      %gt3A_155 = arith.constant 0 : i32
      %gt3A_156 = arith.cmpi sgt, %mul3A_90, %gt3A_155 : i32
      %convert_element_type3A_157 = arith.extui %gt3A_156 : i1 to i32
      %cond3A_158 = arith.constant 0 : i32
      %cond3A_159 = arith.cmpi ne, %convert_element_type3A_157, %cond3A_158 : i32
      scf.if %cond3A_159 {
        %sub3A = arith.constant 2 : i32
        %sub3A_207 = arith.subi %add3A_148, %sub3A : i32
        %add3A_208 = arith.constant 0 : i32
        %add3A_209 = arith.addi %mul3A_2, %add3A_208 : i32
        %dma_wait3A_210 = arith.constant 0 : i32
        %dma_wait3A_211 = arith.constant 0 : i32
        %dma_wait3A_212 = tpu.memref_slice %arg9[%dma_wait3A_210, %dma_wait3A_211] : memref<32x768xf32, #tpu.memory_space<vmem>> -> memref<16x768xf32, #tpu.memory_space<vmem>>
        %dma_wait3A_213 = arith.constant 0 : i32
        %dma_wait3A_214 = tpu.memref_slice %arg4[%sub3A_207, %add3A_209, %dma_wait3A_213] : memref<64x1024x768xf32, #tpu.memory_space<hbm>> -> memref<1x16x768xf32, #tpu.memory_space<hbm>>
        %dma_wait3A_215 = tpu.memref_squeeze %dma_wait3A_214 : memref<1x16x768xf32, #tpu.memory_space<hbm>> -> memref<16x768xf32, #tpu.memory_space<hbm>>
        %dma_wait3A_216 = arith.constant 0 : i32
        %dma_wait3A_217 = tpu.memref_slice %arg4[%sub3A_207, %add3A_209, %dma_wait3A_216] : memref<64x1024x768xf32, #tpu.memory_space<hbm>> -> memref<1x16x768xf32, #tpu.memory_space<hbm>>
        %dma_wait3A_218 = tpu.memref_squeeze %dma_wait3A_217 : memref<1x16x768xf32, #tpu.memory_space<hbm>> -> memref<16x768xf32, #tpu.memory_space<hbm>>
        %dma_wait3A_219 = arith.constant 0 : i32
        %dma_wait3A_220 = arith.constant 0 : i32
        %dma_wait3A_221 = tpu.memref_slice %arg9[%dma_wait3A_219, %dma_wait3A_220] : memref<32x768xf32, #tpu.memory_space<vmem>> -> memref<16x768xf32, #tpu.memory_space<vmem>>
        tpu.wait_dma2 semaphore(%arg14 : memref<!tpu.dma_semaphore, #tpu.memory_space<semaphore_mem>>) src(%dma_wait3A_221 : memref<16x768xf32, #tpu.memory_space<vmem>>) dst(%dma_wait3A_218 : memref<16x768xf32, #tpu.memory_space<hbm>>)
        %add3A_222 = arith.constant 16 : i32
        %add3A_223 = arith.addi %mul3A_2, %add3A_222 : i32
        %dma_wait3A_224 = arith.constant 16 : i32
        %dma_wait3A_225 = arith.constant 0 : i32
        %dma_wait3A_226 = tpu.memref_slice %arg9[%dma_wait3A_224, %dma_wait3A_225] : memref<32x768xf32, #tpu.memory_space<vmem>> -> memref<16x768xf32, #tpu.memory_space<vmem>>
        %dma_wait3A_227 = arith.constant 0 : i32
        %dma_wait3A_228 = tpu.memref_slice %arg4[%sub3A_207, %add3A_223, %dma_wait3A_227] : memref<64x1024x768xf32, #tpu.memory_space<hbm>> -> memref<1x16x768xf32, #tpu.memory_space<hbm>>
        %dma_wait3A_229 = tpu.memref_squeeze %dma_wait3A_228 : memref<1x16x768xf32, #tpu.memory_space<hbm>> -> memref<16x768xf32, #tpu.memory_space<hbm>>
        %dma_wait3A_230 = arith.constant 0 : i32
        %dma_wait3A_231 = tpu.memref_slice %arg4[%sub3A_207, %add3A_223, %dma_wait3A_230] : memref<64x1024x768xf32, #tpu.memory_space<hbm>> -> memref<1x16x768xf32, #tpu.memory_space<hbm>>
        %dma_wait3A_232 = tpu.memref_squeeze %dma_wait3A_231 : memref<1x16x768xf32, #tpu.memory_space<hbm>> -> memref<16x768xf32, #tpu.memory_space<hbm>>
        %dma_wait3A_233 = arith.constant 16 : i32
        %dma_wait3A_234 = arith.constant 0 : i32
        %dma_wait3A_235 = tpu.memref_slice %arg9[%dma_wait3A_233, %dma_wait3A_234] : memref<32x768xf32, #tpu.memory_space<vmem>> -> memref<16x768xf32, #tpu.memory_space<vmem>>
        tpu.wait_dma2 semaphore(%arg14 : memref<!tpu.dma_semaphore, #tpu.memory_space<semaphore_mem>>) src(%dma_wait3A_235 : memref<16x768xf32, #tpu.memory_space<vmem>>) dst(%dma_wait3A_232 : memref<16x768xf32, #tpu.memory_space<hbm>>)
      } else {
      }
      %scan3A_160 = arith.constant 0 : i32
      %scan3A_161 = arith.constant 0 : i32
      %scan3A_162 = arith.constant 16 : i32
      %scan3A_163 = arith.addi %scan3A_161, %scan3A_162 : i32
      %scan3A_164 = arith.constant 1 : i32
      scf.for %scan3A_207 = %scan3A_161 to %scan3A_163 step %scan3A_164  : i32 {
        %get3A = arith.index_cast %scan3A_207 : i32 to index
        %get3A_208 = arith.constant 0 : index
        %get3A_209 = tpu.vector_load %arg7[%get3A, %get3A_208] {strides = array<i32>} : memref<32x768xf32, #tpu.memory_space<vmem>>, vector<1x16xf32>,
        %get3A_210 = vector.shape_cast %get3A_209 : vector<1x16xf32> to vector<16xf32>
        %get3A_211 = arith.index_cast %scan3A_207 : i32 to index
        %get3A_212 = arith.constant 0 : index
        %get3A_213 = tpu.vector_load %arg5[%get3A_211, %get3A_212] {strides = array<i32>} : memref<32x768xf32, #tpu.memory_space<vmem>>, vector<1x16xf32>,
        %get3A_214 = vector.shape_cast %get3A_213 : vector<1x16xf32> to vector<16xf32>
        %add3A_215 = arith.addf %get3A_210, %get3A_214 : vector<16xf32>
        %swap3A = arith.index_cast %scan3A_207 : i32 to index
        %swap3A_216 = arith.constant 0 : index
        %swap3A_217 = tpu.vector_load %arg9[%swap3A, %swap3A_216] {strides = array<i32>} : memref<32x768xf32, #tpu.memory_space<vmem>>, vector<1x16xf32>,
        %swap3A_218 = vector.shape_cast %swap3A_217 : vector<1x16xf32> to vector<16xf32>
        %swap3A_219 = vector.shape_cast %add3A_215 : vector<16xf32> to vector<1x16xf32>
        tpu.vector_store %arg9[%swap3A, %swap3A_216], %swap3A_219 {strides = array<i32>} : memref<32x768xf32, #tpu.memory_space<vmem>>, vector<1x16xf32>,
        %get3A_220 = arith.index_cast %scan3A_207 : i32 to index
        %get3A_221 = arith.constant 16 : index
        %get3A_222 = tpu.vector_load %arg7[%get3A_220, %get3A_221] {strides = array<i32>} : memref<32x768xf32, #tpu.memory_space<vmem>>, vector<1x16xf32>,
        %get3A_223 = vector.shape_cast %get3A_222 : vector<1x16xf32> to vector<16xf32>
        %get3A_224 = arith.index_cast %scan3A_207 : i32 to index
        %get3A_225 = arith.constant 16 : index
        %get3A_226 = tpu.vector_load %arg5[%get3A_224, %get3A_225] {strides = array<i32>} : memref<32x768xf32, #tpu.memory_space<vmem>>, vector<1x16xf32>,
        %get3A_227 = vector.shape_cast %get3A_226 : vector<1x16xf32> to vector<16xf32>
        %add3A_228 = arith.addf %get3A_223, %get3A_227 : vector<16xf32>
        %swap3A_229 = arith.index_cast %scan3A_207 : i32 to index
        %swap3A_230 = arith.constant 16 : index
        %swap3A_231 = tpu.vector_load %arg9[%swap3A_229, %swap3A_230] {strides = array<i32>} : memref<32x768xf32, #tpu.memory_space<vmem>>, vector<1x16xf32>,
        %swap3A_232 = vector.shape_cast %swap3A_231 : vector<1x16xf32> to vector<16xf32>
        %swap3A_233 = vector.shape_cast %add3A_228 : vector<16xf32> to vector<1x16xf32>
        tpu.vector_store %arg9[%swap3A_229, %swap3A_230], %swap3A_233 {strides = array<i32>} : memref<32x768xf32, #tpu.memory_space<vmem>>, vector<1x16xf32>,
        %get3A_234 = arith.index_cast %scan3A_207 : i32 to index
        %get3A_235 = arith.constant 32 : index
        %get3A_236 = tpu.vector_load %arg7[%get3A_234, %get3A_235] {strides = array<i32>} : memref<32x768xf32, #tpu.memory_space<vmem>>, vector<1x16xf32>,
        %get3A_237 = vector.shape_cast %get3A_236 : vector<1x16xf32> to vector<16xf32>
        %get3A_238 = arith.index_cast %scan3A_207 : i32 to index
        %get3A_239 = arith.constant 32 : index
        %get3A_240 = tpu.vector_load %arg5[%get3A_238, %get3A_239] {strides = array<i32>} : memref<32x768xf32, #tpu.memory_space<vmem>>, vector<1x16xf32>,
        %get3A_241 = vector.shape_cast %get3A_240 : vector<1x16xf32> to vector<16xf32>
        %add3A_242 = arith.addf %get3A_237, %get3A_241 : vector<16xf32>
        %swap3A_243 = arith.index_cast %scan3A_207 : i32 to index
        %swap3A_244 = arith.constant 32 : index
        %swap3A_245 = tpu.vector_load %arg9[%swap3A_243, %swap3A_244] {strides = array<i32>} : memref<32x768xf32, #tpu.memory_space<vmem>>, vector<1x16xf32>,
        %swap3A_246 = vector.shape_cast %swap3A_245 : vector<1x16xf32> to vector<16xf32>
        %swap3A_247 = vector.shape_cast %add3A_242 : vector<16xf32> to vector<1x16xf32>
        tpu.vector_store %arg9[%swap3A_243, %swap3A_244], %swap3A_247 {strides = array<i32>} : memref<32x768xf32, #tpu.memory_space<vmem>>, vector<1x16xf32>,
        %get3A_248 = arith.index_cast %scan3A_207 : i32 to index
        %get3A_249 = arith.constant 48 : index
        %get3A_250 = tpu.vector_load %arg7[%get3A_248, %get3A_249] {strides = array<i32>} : memref<32x768xf32, #tpu.memory_space<vmem>>, vector<1x16xf32>,
        %get3A_251 = vector.shape_cast %get3A_250 : vector<1x16xf32> to vector<16xf32>
        %get3A_252 = arith.index_cast %scan3A_207 : i32 to index
        %get3A_253 = arith.constant 48 : index
        %get3A_254 = tpu.vector_load %arg5[%get3A_252, %get3A_253] {strides = array<i32>} : memref<32x768xf32, #tpu.memory_space<vmem>>, vector<1x16xf32>,
        %get3A_255 = vector.shape_cast %get3A_254 : vector<1x16xf32> to vector<16xf32>
        %add3A_256 = arith.addf %get3A_251, %get3A_255 : vector<16xf32>
        %swap3A_257 = arith.index_cast %scan3A_207 : i32 to index
        %swap3A_258 = arith.constant 48 : index
        %swap3A_259 = tpu.vector_load %arg9[%swap3A_257, %swap3A_258] {strides = array<i32>} : memref<32x768xf32, #tpu.memory_space<vmem>>, vector<1x16xf32>,
        %swap3A_260 = vector.shape_cast %swap3A_259 : vector<1x16xf32> to vector<16xf32>
        %swap3A_261 = vector.shape_cast %add3A_256 : vector<16xf32> to vector<1x16xf32>
        tpu.vector_store %arg9[%swap3A_257, %swap3A_258], %swap3A_261 {strides = array<i32>} : memref<32x768xf32, #tpu.memory_space<vmem>>, vector<1x16xf32>,
        %get3A_262 = arith.index_cast %scan3A_207 : i32 to index
        %get3A_263 = arith.constant 64 : index
        %get3A_264 = tpu.vector_load %arg7[%get3A_262, %get3A_263] {strides = array<i32>} : memref<32x768xf32, #tpu.memory_space<vmem>>, vector<1x16xf32>,
        %get3A_265 = vector.shape_cast %get3A_264 : vector<1x16xf32> to vector<16xf32>
        %get3A_266 = arith.index_cast %scan3A_207 : i32 to index
        %get3A_267 = arith.constant 64 : index
        %get3A_268 = tpu.vector_load %arg5[%get3A_266, %get3A_267] {strides = array<i32>} : memref<32x768xf32, #tpu.memory_space<vmem>>, vector<1x16xf32>,
        %get3A_269 = vector.shape_cast %get3A_268 : vector<1x16xf32> to vector<16xf32>
        %add3A_270 = arith.addf %get3A_265, %get3A_269 : vector<16xf32>
        %swap3A_271 = arith.index_cast %scan3A_207 : i32 to index
        %swap3A_272 = arith.constant 64 : index
        %swap3A_273 = tpu.vector_load %arg9[%swap3A_271, %swap3A_272] {strides = array<i32>} : memref<32x768xf32, #tpu.memory_space<vmem>>, vector<1x16xf32>,
        %swap3A_274 = vector.shape_cast %swap3A_273 : vector<1x16xf32> to vector<16xf32>
        %swap3A_275 = vector.shape_cast %add3A_270 : vector<16xf32> to vector<1x16xf32>
        tpu.vector_store %arg9[%swap3A_271, %swap3A_272], %swap3A_275 {strides = array<i32>} : memref<32x768xf32, #tpu.memory_space<vmem>>, vector<1x16xf32>,
        %get3A_276 = arith.index_cast %scan3A_207 : i32 to index
        %get3A_277 = arith.constant 80 : index
        %get3A_278 = tpu.vector_load %arg7[%get3A_276, %get3A_277] {strides = array<i32>} : memref<32x768xf32, #tpu.memory_space<vmem>>, vector<1x16xf32>,
        %get3A_279 = vector.shape_cast %get3A_278 : vector<1x16xf32> to vector<16xf32>
        %get3A_280 = arith.index_cast %scan3A_207 : i32 to index
        %get3A_281 = arith.constant 80 : index
        %get3A_282 = tpu.vector_load %arg5[%get3A_280, %get3A_281] {strides = array<i32>} : memref<32x768xf32, #tpu.memory_space<vmem>>, vector<1x16xf32>,
        %get3A_283 = vector.shape_cast %get3A_282 : vector<1x16xf32> to vector<16xf32>
        %add3A_284 = arith.addf %get3A_279, %get3A_283 : vector<16xf32>
        %swap3A_285 = arith.index_cast %scan3A_207 : i32 to index
        %swap3A_286 = arith.constant 80 : index
        %swap3A_287 = tpu.vector_load %arg9[%swap3A_285, %swap3A_286] {strides = array<i32>} : memref<32x768xf32, #tpu.memory_space<vmem>>, vector<1x16xf32>,
        %swap3A_288 = vector.shape_cast %swap3A_287 : vector<1x16xf32> to vector<16xf32>
        %swap3A_289 = vector.shape_cast %add3A_284 : vector<16xf32> to vector<1x16xf32>
        tpu.vector_store %arg9[%swap3A_285, %swap3A_286], %swap3A_289 {strides = array<i32>} : memref<32x768xf32, #tpu.memory_space<vmem>>, vector<1x16xf32>,
        %get3A_290 = arith.index_cast %scan3A_207 : i32 to index
        %get3A_291 = arith.constant 96 : index
        %get3A_292 = tpu.vector_load %arg7[%get3A_290, %get3A_291] {strides = array<i32>} : memref<32x768xf32, #tpu.memory_space<vmem>>, vector<1x16xf32>,
        %get3A_293 = vector.shape_cast %get3A_292 : vector<1x16xf32> to vector<16xf32>
        %get3A_294 = arith.index_cast %scan3A_207 : i32 to index
        %get3A_295 = arith.constant 96 : index
        %get3A_296 = tpu.vector_load %arg5[%get3A_294, %get3A_295] {strides = array<i32>} : memref<32x768xf32, #tpu.memory_space<vmem>>, vector<1x16xf32>,
        %get3A_297 = vector.shape_cast %get3A_296 : vector<1x16xf32> to vector<16xf32>
        %add3A_298 = arith.addf %get3A_293, %get3A_297 : vector<16xf32>
        %swap3A_299 = arith.index_cast %scan3A_207 : i32 to index
        %swap3A_300 = arith.constant 96 : index
        %swap3A_301 = tpu.vector_load %arg9[%swap3A_299, %swap3A_300] {strides = array<i32>} : memref<32x768xf32, #tpu.memory_space<vmem>>, vector<1x16xf32>,
        %swap3A_302 = vector.shape_cast %swap3A_301 : vector<1x16xf32> to vector<16xf32>
        %swap3A_303 = vector.shape_cast %add3A_298 : vector<16xf32> to vector<1x16xf32>
        tpu.vector_store %arg9[%swap3A_299, %swap3A_300], %swap3A_303 {strides = array<i32>} : memref<32x768xf32, #tpu.memory_space<vmem>>, vector<1x16xf32>,
        %get3A_304 = arith.index_cast %scan3A_207 : i32 to index
        %get3A_305 = arith.constant 112 : index
        %get3A_306 = tpu.vector_load %arg7[%get3A_304, %get3A_305] {strides = array<i32>} : memref<32x768xf32, #tpu.memory_space<vmem>>, vector<1x16xf32>,
        %get3A_307 = vector.shape_cast %get3A_306 : vector<1x16xf32> to vector<16xf32>
        %get3A_308 = arith.index_cast %scan3A_207 : i32 to index
        %get3A_309 = arith.constant 112 : index
        %get3A_310 = tpu.vector_load %arg5[%get3A_308, %get3A_309] {strides = array<i32>} : memref<32x768xf32, #tpu.memory_space<vmem>>, vector<1x16xf32>,
        %get3A_311 = vector.shape_cast %get3A_310 : vector<1x16xf32> to vector<16xf32>
        %add3A_312 = arith.addf %get3A_307, %get3A_311 : vector<16xf32>
        %swap3A_313 = arith.index_cast %scan3A_207 : i32 to index
        %swap3A_314 = arith.constant 112 : index
        %swap3A_315 = tpu.vector_load %arg9[%swap3A_313, %swap3A_314] {strides = array<i32>} : memref<32x768xf32, #tpu.memory_space<vmem>>, vector<1x16xf32>,
        %swap3A_316 = vector.shape_cast %swap3A_315 : vector<1x16xf32> to vector<16xf32>
        %swap3A_317 = vector.shape_cast %add3A_312 : vector<16xf32> to vector<1x16xf32>
        tpu.vector_store %arg9[%swap3A_313, %swap3A_314], %swap3A_317 {strides = array<i32>} : memref<32x768xf32, #tpu.memory_space<vmem>>, vector<1x16xf32>,
        %get3A_318 = arith.index_cast %scan3A_207 : i32 to index
        %get3A_319 = arith.constant 128 : index
        %get3A_320 = tpu.vector_load %arg7[%get3A_318, %get3A_319] {strides = array<i32>} : memref<32x768xf32, #tpu.memory_space<vmem>>, vector<1x16xf32>,
        %get3A_321 = vector.shape_cast %get3A_320 : vector<1x16xf32> to vector<16xf32>
        %get3A_322 = arith.index_cast %scan3A_207 : i32 to index
        %get3A_323 = arith.constant 128 : index
        %get3A_324 = tpu.vector_load %arg5[%get3A_322, %get3A_323] {strides = array<i32>} : memref<32x768xf32, #tpu.memory_space<vmem>>, vector<1x16xf32>,
        %get3A_325 = vector.shape_cast %get3A_324 : vector<1x16xf32> to vector<16xf32>
        %add3A_326 = arith.addf %get3A_321, %get3A_325 : vector<16xf32>
        %swap3A_327 = arith.index_cast %scan3A_207 : i32 to index
        %swap3A_328 = arith.constant 128 : index
        %swap3A_329 = tpu.vector_load %arg9[%swap3A_327, %swap3A_328] {strides = array<i32>} : memref<32x768xf32, #tpu.memory_space<vmem>>, vector<1x16xf32>,
        %swap3A_330 = vector.shape_cast %swap3A_329 : vector<1x16xf32> to vector<16xf32>
        %swap3A_331 = vector.shape_cast %add3A_326 : vector<16xf32> to vector<1x16xf32>
        tpu.vector_store %arg9[%swap3A_327, %swap3A_328], %swap3A_331 {strides = array<i32>} : memref<32x768xf32, #tpu.memory_space<vmem>>, vector<1x16xf32>,
        %get3A_332 = arith.index_cast %scan3A_207 : i32 to index
        %get3A_333 = arith.constant 144 : index
        %get3A_334 = tpu.vector_load %arg7[%get3A_332, %get3A_333] {strides = array<i32>} : memref<32x768xf32, #tpu.memory_space<vmem>>, vector<1x16xf32>,
        %get3A_335 = vector.shape_cast %get3A_334 : vector<1x16xf32> to vector<16xf32>
        %get3A_336 = arith.index_cast %scan3A_207 : i32 to index
        %get3A_337 = arith.constant 144 : index
        %get3A_338 = tpu.vector_load %arg5[%get3A_336, %get3A_337] {strides = array<i32>} : memref<32x768xf32, #tpu.memory_space<vmem>>, vector<1x16xf32>,
        %get3A_339 = vector.shape_cast %get3A_338 : vector<1x16xf32> to vector<16xf32>
        %add3A_340 = arith.addf %get3A_335, %get3A_339 : vector<16xf32>
        %swap3A_341 = arith.index_cast %scan3A_207 : i32 to index
        %swap3A_342 = arith.constant 144 : index
        %swap3A_343 = tpu.vector_load %arg9[%swap3A_341, %swap3A_342] {strides = array<i32>} : memref<32x768xf32, #tpu.memory_space<vmem>>, vector<1x16xf32>,
        %swap3A_344 = vector.shape_cast %swap3A_343 : vector<1x16xf32> to vector<16xf32>
        %swap3A_345 = vector.shape_cast %add3A_340 : vector<16xf32> to vector<1x16xf32>
        tpu.vector_store %arg9[%swap3A_341, %swap3A_342], %swap3A_345 {strides = array<i32>} : memref<32x768xf32, #tpu.memory_space<vmem>>, vector<1x16xf32>,
        %get3A_346 = arith.index_cast %scan3A_207 : i32 to index
        %get3A_347 = arith.constant 160 : index
        %get3A_348 = tpu.vector_load %arg7[%get3A_346, %get3A_347] {strides = array<i32>} : memref<32x768xf32, #tpu.memory_space<vmem>>, vector<1x16xf32>,
        %get3A_349 = vector.shape_cast %get3A_348 : vector<1x16xf32> to vector<16xf32>
        %get3A_350 = arith.index_cast %scan3A_207 : i32 to index
        %get3A_351 = arith.constant 160 : index
        %get3A_352 = tpu.vector_load %arg5[%get3A_350, %get3A_351] {strides = array<i32>} : memref<32x768xf32, #tpu.memory_space<vmem>>, vector<1x16xf32>,
        %get3A_353 = vector.shape_cast %get3A_352 : vector<1x16xf32> to vector<16xf32>
        %add3A_354 = arith.addf %get3A_349, %get3A_353 : vector<16xf32>
        %swap3A_355 = arith.index_cast %scan3A_207 : i32 to index
        %swap3A_356 = arith.constant 160 : index
        %swap3A_357 = tpu.vector_load %arg9[%swap3A_355, %swap3A_356] {strides = array<i32>} : memref<32x768xf32, #tpu.memory_space<vmem>>, vector<1x16xf32>,
        %swap3A_358 = vector.shape_cast %swap3A_357 : vector<1x16xf32> to vector<16xf32>
        %swap3A_359 = vector.shape_cast %add3A_354 : vector<16xf32> to vector<1x16xf32>
        tpu.vector_store %arg9[%swap3A_355, %swap3A_356], %swap3A_359 {strides = array<i32>} : memref<32x768xf32, #tpu.memory_space<vmem>>, vector<1x16xf32>,
        %get3A_360 = arith.index_cast %scan3A_207 : i32 to index
        %get3A_361 = arith.constant 176 : index
        %get3A_362 = tpu.vector_load %arg7[%get3A_360, %get3A_361] {strides = array<i32>} : memref<32x768xf32, #tpu.memory_space<vmem>>, vector<1x16xf32>,
        %get3A_363 = vector.shape_cast %get3A_362 : vector<1x16xf32> to vector<16xf32>
        %get3A_364 = arith.index_cast %scan3A_207 : i32 to index
        %get3A_365 = arith.constant 176 : index
        %get3A_366 = tpu.vector_load %arg5[%get3A_364, %get3A_365] {strides = array<i32>} : memref<32x768xf32, #tpu.memory_space<vmem>>, vector<1x16xf32>,
        %get3A_367 = vector.shape_cast %get3A_366 : vector<1x16xf32> to vector<16xf32>
        %add3A_368 = arith.addf %get3A_363, %get3A_367 : vector<16xf32>
        %swap3A_369 = arith.index_cast %scan3A_207 : i32 to index
        %swap3A_370 = arith.constant 176 : index
        %swap3A_371 = tpu.vector_load %arg9[%swap3A_369, %swap3A_370] {strides = array<i32>} : memref<32x768xf32, #tpu.memory_space<vmem>>, vector<1x16xf32>,
        %swap3A_372 = vector.shape_cast %swap3A_371 : vector<1x16xf32> to vector<16xf32>
        %swap3A_373 = vector.shape_cast %add3A_368 : vector<16xf32> to vector<1x16xf32>
        tpu.vector_store %arg9[%swap3A_369, %swap3A_370], %swap3A_373 {strides = array<i32>} : memref<32x768xf32, #tpu.memory_space<vmem>>, vector<1x16xf32>,
        %get3A_374 = arith.index_cast %scan3A_207 : i32 to index
        %get3A_375 = arith.constant 192 : index
        %get3A_376 = tpu.vector_load %arg7[%get3A_374, %get3A_375] {strides = array<i32>} : memref<32x768xf32, #tpu.memory_space<vmem>>, vector<1x16xf32>,
        %get3A_377 = vector.shape_cast %get3A_376 : vector<1x16xf32> to vector<16xf32>
        %get3A_378 = arith.index_cast %scan3A_207 : i32 to index
        %get3A_379 = arith.constant 192 : index
        %get3A_380 = tpu.vector_load %arg5[%get3A_378, %get3A_379] {strides = array<i32>} : memref<32x768xf32, #tpu.memory_space<vmem>>, vector<1x16xf32>,
        %get3A_381 = vector.shape_cast %get3A_380 : vector<1x16xf32> to vector<16xf32>
        %add3A_382 = arith.addf %get3A_377, %get3A_381 : vector<16xf32>
        %swap3A_383 = arith.index_cast %scan3A_207 : i32 to index
        %swap3A_384 = arith.constant 192 : index
        %swap3A_385 = tpu.vector_load %arg9[%swap3A_383, %swap3A_384] {strides = array<i32>} : memref<32x768xf32, #tpu.memory_space<vmem>>, vector<1x16xf32>,
        %swap3A_386 = vector.shape_cast %swap3A_385 : vector<1x16xf32> to vector<16xf32>
        %swap3A_387 = vector.shape_cast %add3A_382 : vector<16xf32> to vector<1x16xf32>
        tpu.vector_store %arg9[%swap3A_383, %swap3A_384], %swap3A_387 {strides = array<i32>} : memref<32x768xf32, #tpu.memory_space<vmem>>, vector<1x16xf32>,
        %get3A_388 = arith.index_cast %scan3A_207 : i32 to index
        %get3A_389 = arith.constant 208 : index
        %get3A_390 = tpu.vector_load %arg7[%get3A_388, %get3A_389] {strides = array<i32>} : memref<32x768xf32, #tpu.memory_space<vmem>>, vector<1x16xf32>,
        %get3A_391 = vector.shape_cast %get3A_390 : vector<1x16xf32> to vector<16xf32>
        %get3A_392 = arith.index_cast %scan3A_207 : i32 to index
        %get3A_393 = arith.constant 208 : index
        %get3A_394 = tpu.vector_load %arg5[%get3A_392, %get3A_393] {strides = array<i32>} : memref<32x768xf32, #tpu.memory_space<vmem>>, vector<1x16xf32>,
        %get3A_395 = vector.shape_cast %get3A_394 : vector<1x16xf32> to vector<16xf32>
        %add3A_396 = arith.addf %get3A_391, %get3A_395 : vector<16xf32>
        %swap3A_397 = arith.index_cast %scan3A_207 : i32 to index
        %swap3A_398 = arith.constant 208 : index
        %swap3A_399 = tpu.vector_load %arg9[%swap3A_397, %swap3A_398] {strides = array<i32>} : memref<32x768xf32, #tpu.memory_space<vmem>>, vector<1x16xf32>,
        %swap3A_400 = vector.shape_cast %swap3A_399 : vector<1x16xf32> to vector<16xf32>
        %swap3A_401 = vector.shape_cast %add3A_396 : vector<16xf32> to vector<1x16xf32>
        tpu.vector_store %arg9[%swap3A_397, %swap3A_398], %swap3A_401 {strides = array<i32>} : memref<32x768xf32, #tpu.memory_space<vmem>>, vector<1x16xf32>,
        %get3A_402 = arith.index_cast %scan3A_207 : i32 to index
        %get3A_403 = arith.constant 224 : index
        %get3A_404 = tpu.vector_load %arg7[%get3A_402, %get3A_403] {strides = array<i32>} : memref<32x768xf32, #tpu.memory_space<vmem>>, vector<1x16xf32>,
        %get3A_405 = vector.shape_cast %get3A_404 : vector<1x16xf32> to vector<16xf32>
        %get3A_406 = arith.index_cast %scan3A_207 : i32 to index
        %get3A_407 = arith.constant 224 : index
        %get3A_408 = tpu.vector_load %arg5[%get3A_406, %get3A_407] {strides = array<i32>} : memref<32x768xf32, #tpu.memory_space<vmem>>, vector<1x16xf32>,
        %get3A_409 = vector.shape_cast %get3A_408 : vector<1x16xf32> to vector<16xf32>
        %add3A_410 = arith.addf %get3A_405, %get3A_409 : vector<16xf32>
        %swap3A_411 = arith.index_cast %scan3A_207 : i32 to index
        %swap3A_412 = arith.constant 224 : index
        %swap3A_413 = tpu.vector_load %arg9[%swap3A_411, %swap3A_412] {strides = array<i32>} : memref<32x768xf32, #tpu.memory_space<vmem>>, vector<1x16xf32>,
        %swap3A_414 = vector.shape_cast %swap3A_413 : vector<1x16xf32> to vector<16xf32>
        %swap3A_415 = vector.shape_cast %add3A_410 : vector<16xf32> to vector<1x16xf32>
        tpu.vector_store %arg9[%swap3A_411, %swap3A_412], %swap3A_415 {strides = array<i32>} : memref<32x768xf32, #tpu.memory_space<vmem>>, vector<1x16xf32>,
        %get3A_416 = arith.index_cast %scan3A_207 : i32 to index
        %get3A_417 = arith.constant 240 : index
        %get3A_418 = tpu.vector_load %arg7[%get3A_416, %get3A_417] {strides = array<i32>} : memref<32x768xf32, #tpu.memory_space<vmem>>, vector<1x16xf32>,
        %get3A_419 = vector.shape_cast %get3A_418 : vector<1x16xf32> to vector<16xf32>
        %get3A_420 = arith.index_cast %scan3A_207 : i32 to index
        %get3A_421 = arith.constant 240 : index
        %get3A_422 = tpu.vector_load %arg5[%get3A_420, %get3A_421] {strides = array<i32>} : memref<32x768xf32, #tpu.memory_space<vmem>>, vector<1x16xf32>,
        %get3A_423 = vector.shape_cast %get3A_422 : vector<1x16xf32> to vector<16xf32>
        %add3A_424 = arith.addf %get3A_419, %get3A_423 : vector<16xf32>
        %swap3A_425 = arith.index_cast %scan3A_207 : i32 to index
        %swap3A_426 = arith.constant 240 : index
        %swap3A_427 = tpu.vector_load %arg9[%swap3A_425, %swap3A_426] {strides = array<i32>} : memref<32x768xf32, #tpu.memory_space<vmem>>, vector<1x16xf32>,
        %swap3A_428 = vector.shape_cast %swap3A_427 : vector<1x16xf32> to vector<16xf32>
        %swap3A_429 = vector.shape_cast %add3A_424 : vector<16xf32> to vector<1x16xf32>
        tpu.vector_store %arg9[%swap3A_425, %swap3A_426], %swap3A_429 {strides = array<i32>} : memref<32x768xf32, #tpu.memory_space<vmem>>, vector<1x16xf32>,
        %get3A_430 = arith.index_cast %scan3A_207 : i32 to index
        %get3A_431 = arith.constant 256 : index
        %get3A_432 = tpu.vector_load %arg7[%get3A_430, %get3A_431] {strides = array<i32>} : memref<32x768xf32, #tpu.memory_space<vmem>>, vector<1x16xf32>,
        %get3A_433 = vector.shape_cast %get3A_432 : vector<1x16xf32> to vector<16xf32>
        %get3A_434 = arith.index_cast %scan3A_207 : i32 to index
        %get3A_435 = arith.constant 256 : index
        %get3A_436 = tpu.vector_load %arg5[%get3A_434, %get3A_435] {strides = array<i32>} : memref<32x768xf32, #tpu.memory_space<vmem>>, vector<1x16xf32>,
        %get3A_437 = vector.shape_cast %get3A_436 : vector<1x16xf32> to vector<16xf32>
        %add3A_438 = arith.addf %get3A_433, %get3A_437 : vector<16xf32>
        %swap3A_439 = arith.index_cast %scan3A_207 : i32 to index
        %swap3A_440 = arith.constant 256 : index
        %swap3A_441 = tpu.vector_load %arg9[%swap3A_439, %swap3A_440] {strides = array<i32>} : memref<32x768xf32, #tpu.memory_space<vmem>>, vector<1x16xf32>,
        %swap3A_442 = vector.shape_cast %swap3A_441 : vector<1x16xf32> to vector<16xf32>
        %swap3A_443 = vector.shape_cast %add3A_438 : vector<16xf32> to vector<1x16xf32>
        tpu.vector_store %arg9[%swap3A_439, %swap3A_440], %swap3A_443 {strides = array<i32>} : memref<32x768xf32, #tpu.memory_space<vmem>>, vector<1x16xf32>,
        %get3A_444 = arith.index_cast %scan3A_207 : i32 to index
        %get3A_445 = arith.constant 272 : index
        %get3A_446 = tpu.vector_load %arg7[%get3A_444, %get3A_445] {strides = array<i32>} : memref<32x768xf32, #tpu.memory_space<vmem>>, vector<1x16xf32>,
        %get3A_447 = vector.shape_cast %get3A_446 : vector<1x16xf32> to vector<16xf32>
        %get3A_448 = arith.index_cast %scan3A_207 : i32 to index
        %get3A_449 = arith.constant 272 : index
        %get3A_450 = tpu.vector_load %arg5[%get3A_448, %get3A_449] {strides = array<i32>} : memref<32x768xf32, #tpu.memory_space<vmem>>, vector<1x16xf32>,
        %get3A_451 = vector.shape_cast %get3A_450 : vector<1x16xf32> to vector<16xf32>
        %add3A_452 = arith.addf %get3A_447, %get3A_451 : vector<16xf32>
        %swap3A_453 = arith.index_cast %scan3A_207 : i32 to index
        %swap3A_454 = arith.constant 272 : index
        %swap3A_455 = tpu.vector_load %arg9[%swap3A_453, %swap3A_454] {strides = array<i32>} : memref<32x768xf32, #tpu.memory_space<vmem>>, vector<1x16xf32>,
        %swap3A_456 = vector.shape_cast %swap3A_455 : vector<1x16xf32> to vector<16xf32>
        %swap3A_457 = vector.shape_cast %add3A_452 : vector<16xf32> to vector<1x16xf32>
        tpu.vector_store %arg9[%swap3A_453, %swap3A_454], %swap3A_457 {strides = array<i32>} : memref<32x768xf32, #tpu.memory_space<vmem>>, vector<1x16xf32>,
        %get3A_458 = arith.index_cast %scan3A_207 : i32 to index
        %get3A_459 = arith.constant 288 : index
        %get3A_460 = tpu.vector_load %arg7[%get3A_458, %get3A_459] {strides = array<i32>} : memref<32x768xf32, #tpu.memory_space<vmem>>, vector<1x16xf32>,
        %get3A_461 = vector.shape_cast %get3A_460 : vector<1x16xf32> to vector<16xf32>
        %get3A_462 = arith.index_cast %scan3A_207 : i32 to index
        %get3A_463 = arith.constant 288 : index
        %get3A_464 = tpu.vector_load %arg5[%get3A_462, %get3A_463] {strides = array<i32>} : memref<32x768xf32, #tpu.memory_space<vmem>>, vector<1x16xf32>,
        %get3A_465 = vector.shape_cast %get3A_464 : vector<1x16xf32> to vector<16xf32>
        %add3A_466 = arith.addf %get3A_461, %get3A_465 : vector<16xf32>
        %swap3A_467 = arith.index_cast %scan3A_207 : i32 to index
        %swap3A_468 = arith.constant 288 : index
        %swap3A_469 = tpu.vector_load %arg9[%swap3A_467, %swap3A_468] {strides = array<i32>} : memref<32x768xf32, #tpu.memory_space<vmem>>, vector<1x16xf32>,
        %swap3A_470 = vector.shape_cast %swap3A_469 : vector<1x16xf32> to vector<16xf32>
        %swap3A_471 = vector.shape_cast %add3A_466 : vector<16xf32> to vector<1x16xf32>
        tpu.vector_store %arg9[%swap3A_467, %swap3A_468], %swap3A_471 {strides = array<i32>} : memref<32x768xf32, #tpu.memory_space<vmem>>, vector<1x16xf32>,
        %get3A_472 = arith.index_cast %scan3A_207 : i32 to index
        %get3A_473 = arith.constant 304 : index
        %get3A_474 = tpu.vector_load %arg7[%get3A_472, %get3A_473] {strides = array<i32>} : memref<32x768xf32, #tpu.memory_space<vmem>>, vector<1x16xf32>,
        %get3A_475 = vector.shape_cast %get3A_474 : vector<1x16xf32> to vector<16xf32>
        %get3A_476 = arith.index_cast %scan3A_207 : i32 to index
        %get3A_477 = arith.constant 304 : index
        %get3A_478 = tpu.vector_load %arg5[%get3A_476, %get3A_477] {strides = array<i32>} : memref<32x768xf32, #tpu.memory_space<vmem>>, vector<1x16xf32>,
        %get3A_479 = vector.shape_cast %get3A_478 : vector<1x16xf32> to vector<16xf32>
        %add3A_480 = arith.addf %get3A_475, %get3A_479 : vector<16xf32>
        %swap3A_481 = arith.index_cast %scan3A_207 : i32 to index
        %swap3A_482 = arith.constant 304 : index
        %swap3A_483 = tpu.vector_load %arg9[%swap3A_481, %swap3A_482] {strides = array<i32>} : memref<32x768xf32, #tpu.memory_space<vmem>>, vector<1x16xf32>,
        %swap3A_484 = vector.shape_cast %swap3A_483 : vector<1x16xf32> to vector<16xf32>
        %swap3A_485 = vector.shape_cast %add3A_480 : vector<16xf32> to vector<1x16xf32>
        tpu.vector_store %arg9[%swap3A_481, %swap3A_482], %swap3A_485 {strides = array<i32>} : memref<32x768xf32, #tpu.memory_space<vmem>>, vector<1x16xf32>,
        %get3A_486 = arith.index_cast %scan3A_207 : i32 to index
        %get3A_487 = arith.constant 320 : index
        %get3A_488 = tpu.vector_load %arg7[%get3A_486, %get3A_487] {strides = array<i32>} : memref<32x768xf32, #tpu.memory_space<vmem>>, vector<1x16xf32>,
        %get3A_489 = vector.shape_cast %get3A_488 : vector<1x16xf32> to vector<16xf32>
        %get3A_490 = arith.index_cast %scan3A_207 : i32 to index
        %get3A_491 = arith.constant 320 : index
        %get3A_492 = tpu.vector_load %arg5[%get3A_490, %get3A_491] {strides = array<i32>} : memref<32x768xf32, #tpu.memory_space<vmem>>, vector<1x16xf32>,
        %get3A_493 = vector.shape_cast %get3A_492 : vector<1x16xf32> to vector<16xf32>
        %add3A_494 = arith.addf %get3A_489, %get3A_493 : vector<16xf32>
        %swap3A_495 = arith.index_cast %scan3A_207 : i32 to index
        %swap3A_496 = arith.constant 320 : index
        %swap3A_497 = tpu.vector_load %arg9[%swap3A_495, %swap3A_496] {strides = array<i32>} : memref<32x768xf32, #tpu.memory_space<vmem>>, vector<1x16xf32>,
        %swap3A_498 = vector.shape_cast %swap3A_497 : vector<1x16xf32> to vector<16xf32>
        %swap3A_499 = vector.shape_cast %add3A_494 : vector<16xf32> to vector<1x16xf32>
        tpu.vector_store %arg9[%swap3A_495, %swap3A_496], %swap3A_499 {strides = array<i32>} : memref<32x768xf32, #tpu.memory_space<vmem>>, vector<1x16xf32>,
        %get3A_500 = arith.index_cast %scan3A_207 : i32 to index
        %get3A_501 = arith.constant 336 : index
        %get3A_502 = tpu.vector_load %arg7[%get3A_500, %get3A_501] {strides = array<i32>} : memref<32x768xf32, #tpu.memory_space<vmem>>, vector<1x16xf32>,
        %get3A_503 = vector.shape_cast %get3A_502 : vector<1x16xf32> to vector<16xf32>
        %get3A_504 = arith.index_cast %scan3A_207 : i32 to index
        %get3A_505 = arith.constant 336 : index
        %get3A_506 = tpu.vector_load %arg5[%get3A_504, %get3A_505] {strides = array<i32>} : memref<32x768xf32, #tpu.memory_space<vmem>>, vector<1x16xf32>,
        %get3A_507 = vector.shape_cast %get3A_506 : vector<1x16xf32> to vector<16xf32>
        %add3A_508 = arith.addf %get3A_503, %get3A_507 : vector<16xf32>
        %swap3A_509 = arith.index_cast %scan3A_207 : i32 to index
        %swap3A_510 = arith.constant 336 : index
        %swap3A_511 = tpu.vector_load %arg9[%swap3A_509, %swap3A_510] {strides = array<i32>} : memref<32x768xf32, #tpu.memory_space<vmem>>, vector<1x16xf32>,
        %swap3A_512 = vector.shape_cast %swap3A_511 : vector<1x16xf32> to vector<16xf32>
        %swap3A_513 = vector.shape_cast %add3A_508 : vector<16xf32> to vector<1x16xf32>
        tpu.vector_store %arg9[%swap3A_509, %swap3A_510], %swap3A_513 {strides = array<i32>} : memref<32x768xf32, #tpu.memory_space<vmem>>, vector<1x16xf32>,
        %get3A_514 = arith.index_cast %scan3A_207 : i32 to index
        %get3A_515 = arith.constant 352 : index
        %get3A_516 = tpu.vector_load %arg7[%get3A_514, %get3A_515] {strides = array<i32>} : memref<32x768xf32, #tpu.memory_space<vmem>>, vector<1x16xf32>,
        %get3A_517 = vector.shape_cast %get3A_516 : vector<1x16xf32> to vector<16xf32>
        %get3A_518 = arith.index_cast %scan3A_207 : i32 to index
        %get3A_519 = arith.constant 352 : index
        %get3A_520 = tpu.vector_load %arg5[%get3A_518, %get3A_519] {strides = array<i32>} : memref<32x768xf32, #tpu.memory_space<vmem>>, vector<1x16xf32>,
        %get3A_521 = vector.shape_cast %get3A_520 : vector<1x16xf32> to vector<16xf32>
        %add3A_522 = arith.addf %get3A_517, %get3A_521 : vector<16xf32>
        %swap3A_523 = arith.index_cast %scan3A_207 : i32 to index
        %swap3A_524 = arith.constant 352 : index
        %swap3A_525 = tpu.vector_load %arg9[%swap3A_523, %swap3A_524] {strides = array<i32>} : memref<32x768xf32, #tpu.memory_space<vmem>>, vector<1x16xf32>,
        %swap3A_526 = vector.shape_cast %swap3A_525 : vector<1x16xf32> to vector<16xf32>
        %swap3A_527 = vector.shape_cast %add3A_522 : vector<16xf32> to vector<1x16xf32>
        tpu.vector_store %arg9[%swap3A_523, %swap3A_524], %swap3A_527 {strides = array<i32>} : memref<32x768xf32, #tpu.memory_space<vmem>>, vector<1x16xf32>,
        %get3A_528 = arith.index_cast %scan3A_207 : i32 to index
        %get3A_529 = arith.constant 368 : index
        %get3A_530 = tpu.vector_load %arg7[%get3A_528, %get3A_529] {strides = array<i32>} : memref<32x768xf32, #tpu.memory_space<vmem>>, vector<1x16xf32>,
        %get3A_531 = vector.shape_cast %get3A_530 : vector<1x16xf32> to vector<16xf32>
        %get3A_532 = arith.index_cast %scan3A_207 : i32 to index
        %get3A_533 = arith.constant 368 : index
        %get3A_534 = tpu.vector_load %arg5[%get3A_532, %get3A_533] {strides = array<i32>} : memref<32x768xf32, #tpu.memory_space<vmem>>, vector<1x16xf32>,
        %get3A_535 = vector.shape_cast %get3A_534 : vector<1x16xf32> to vector<16xf32>
        %add3A_536 = arith.addf %get3A_531, %get3A_535 : vector<16xf32>
        %swap3A_537 = arith.index_cast %scan3A_207 : i32 to index
        %swap3A_538 = arith.constant 368 : index
        %swap3A_539 = tpu.vector_load %arg9[%swap3A_537, %swap3A_538] {strides = array<i32>} : memref<32x768xf32, #tpu.memory_space<vmem>>, vector<1x16xf32>,
        %swap3A_540 = vector.shape_cast %swap3A_539 : vector<1x16xf32> to vector<16xf32>
        %swap3A_541 = vector.shape_cast %add3A_536 : vector<16xf32> to vector<1x16xf32>
        tpu.vector_store %arg9[%swap3A_537, %swap3A_538], %swap3A_541 {strides = array<i32>} : memref<32x768xf32, #tpu.memory_space<vmem>>, vector<1x16xf32>,
        %get3A_542 = arith.index_cast %scan3A_207 : i32 to index
        %get3A_543 = arith.constant 384 : index
        %get3A_544 = tpu.vector_load %arg7[%get3A_542, %get3A_543] {strides = array<i32>} : memref<32x768xf32, #tpu.memory_space<vmem>>, vector<1x16xf32>,
        %get3A_545 = vector.shape_cast %get3A_544 : vector<1x16xf32> to vector<16xf32>
        %get3A_546 = arith.index_cast %scan3A_207 : i32 to index
        %get3A_547 = arith.constant 384 : index
        %get3A_548 = tpu.vector_load %arg5[%get3A_546, %get3A_547] {strides = array<i32>} : memref<32x768xf32, #tpu.memory_space<vmem>>, vector<1x16xf32>,
        %get3A_549 = vector.shape_cast %get3A_548 : vector<1x16xf32> to vector<16xf32>
        %add3A_550 = arith.addf %get3A_545, %get3A_549 : vector<16xf32>
        %swap3A_551 = arith.index_cast %scan3A_207 : i32 to index
        %swap3A_552 = arith.constant 384 : index
        %swap3A_553 = tpu.vector_load %arg9[%swap3A_551, %swap3A_552] {strides = array<i32>} : memref<32x768xf32, #tpu.memory_space<vmem>>, vector<1x16xf32>,
        %swap3A_554 = vector.shape_cast %swap3A_553 : vector<1x16xf32> to vector<16xf32>
        %swap3A_555 = vector.shape_cast %add3A_550 : vector<16xf32> to vector<1x16xf32>
        tpu.vector_store %arg9[%swap3A_551, %swap3A_552], %swap3A_555 {strides = array<i32>} : memref<32x768xf32, #tpu.memory_space<vmem>>, vector<1x16xf32>,
        %get3A_556 = arith.index_cast %scan3A_207 : i32 to index
        %get3A_557 = arith.constant 400 : index
        %get3A_558 = tpu.vector_load %arg7[%get3A_556, %get3A_557] {strides = array<i32>} : memref<32x768xf32, #tpu.memory_space<vmem>>, vector<1x16xf32>,
        %get3A_559 = vector.shape_cast %get3A_558 : vector<1x16xf32> to vector<16xf32>
        %get3A_560 = arith.index_cast %scan3A_207 : i32 to index
        %get3A_561 = arith.constant 400 : index
        %get3A_562 = tpu.vector_load %arg5[%get3A_560, %get3A_561] {strides = array<i32>} : memref<32x768xf32, #tpu.memory_space<vmem>>, vector<1x16xf32>,
        %get3A_563 = vector.shape_cast %get3A_562 : vector<1x16xf32> to vector<16xf32>
        %add3A_564 = arith.addf %get3A_559, %get3A_563 : vector<16xf32>
        %swap3A_565 = arith.index_cast %scan3A_207 : i32 to index
        %swap3A_566 = arith.constant 400 : index
        %swap3A_567 = tpu.vector_load %arg9[%swap3A_565, %swap3A_566] {strides = array<i32>} : memref<32x768xf32, #tpu.memory_space<vmem>>, vector<1x16xf32>,
        %swap3A_568 = vector.shape_cast %swap3A_567 : vector<1x16xf32> to vector<16xf32>
        %swap3A_569 = vector.shape_cast %add3A_564 : vector<16xf32> to vector<1x16xf32>
        tpu.vector_store %arg9[%swap3A_565, %swap3A_566], %swap3A_569 {strides = array<i32>} : memref<32x768xf32, #tpu.memory_space<vmem>>, vector<1x16xf32>,
        %get3A_570 = arith.index_cast %scan3A_207 : i32 to index
        %get3A_571 = arith.constant 416 : index
        %get3A_572 = tpu.vector_load %arg7[%get3A_570, %get3A_571] {strides = array<i32>} : memref<32x768xf32, #tpu.memory_space<vmem>>, vector<1x16xf32>,
        %get3A_573 = vector.shape_cast %get3A_572 : vector<1x16xf32> to vector<16xf32>
        %get3A_574 = arith.index_cast %scan3A_207 : i32 to index
        %get3A_575 = arith.constant 416 : index
        %get3A_576 = tpu.vector_load %arg5[%get3A_574, %get3A_575] {strides = array<i32>} : memref<32x768xf32, #tpu.memory_space<vmem>>, vector<1x16xf32>,
        %get3A_577 = vector.shape_cast %get3A_576 : vector<1x16xf32> to vector<16xf32>
        %add3A_578 = arith.addf %get3A_573, %get3A_577 : vector<16xf32>
        %swap3A_579 = arith.index_cast %scan3A_207 : i32 to index
        %swap3A_580 = arith.constant 416 : index
        %swap3A_581 = tpu.vector_load %arg9[%swap3A_579, %swap3A_580] {strides = array<i32>} : memref<32x768xf32, #tpu.memory_space<vmem>>, vector<1x16xf32>,
        %swap3A_582 = vector.shape_cast %swap3A_581 : vector<1x16xf32> to vector<16xf32>
        %swap3A_583 = vector.shape_cast %add3A_578 : vector<16xf32> to vector<1x16xf32>
        tpu.vector_store %arg9[%swap3A_579, %swap3A_580], %swap3A_583 {strides = array<i32>} : memref<32x768xf32, #tpu.memory_space<vmem>>, vector<1x16xf32>,
        %get3A_584 = arith.index_cast %scan3A_207 : i32 to index
        %get3A_585 = arith.constant 432 : index
        %get3A_586 = tpu.vector_load %arg7[%get3A_584, %get3A_585] {strides = array<i32>} : memref<32x768xf32, #tpu.memory_space<vmem>>, vector<1x16xf32>,
        %get3A_587 = vector.shape_cast %get3A_586 : vector<1x16xf32> to vector<16xf32>
        %get3A_588 = arith.index_cast %scan3A_207 : i32 to index
        %get3A_589 = arith.constant 432 : index
        %get3A_590 = tpu.vector_load %arg5[%get3A_588, %get3A_589] {strides = array<i32>} : memref<32x768xf32, #tpu.memory_space<vmem>>, vector<1x16xf32>,
        %get3A_591 = vector.shape_cast %get3A_590 : vector<1x16xf32> to vector<16xf32>
        %add3A_592 = arith.addf %get3A_587, %get3A_591 : vector<16xf32>
        %swap3A_593 = arith.index_cast %scan3A_207 : i32 to index
        %swap3A_594 = arith.constant 432 : index
        %swap3A_595 = tpu.vector_load %arg9[%swap3A_593, %swap3A_594] {strides = array<i32>} : memref<32x768xf32, #tpu.memory_space<vmem>>, vector<1x16xf32>,
        %swap3A_596 = vector.shape_cast %swap3A_595 : vector<1x16xf32> to vector<16xf32>
        %swap3A_597 = vector.shape_cast %add3A_592 : vector<16xf32> to vector<1x16xf32>
        tpu.vector_store %arg9[%swap3A_593, %swap3A_594], %swap3A_597 {strides = array<i32>} : memref<32x768xf32, #tpu.memory_space<vmem>>, vector<1x16xf32>,
        %get3A_598 = arith.index_cast %scan3A_207 : i32 to index
        %get3A_599 = arith.constant 448 : index
        %get3A_600 = tpu.vector_load %arg7[%get3A_598, %get3A_599] {strides = array<i32>} : memref<32x768xf32, #tpu.memory_space<vmem>>, vector<1x16xf32>,
        %get3A_601 = vector.shape_cast %get3A_600 : vector<1x16xf32> to vector<16xf32>
        %get3A_602 = arith.index_cast %scan3A_207 : i32 to index
        %get3A_603 = arith.constant 448 : index
        %get3A_604 = tpu.vector_load %arg5[%get3A_602, %get3A_603] {strides = array<i32>} : memref<32x768xf32, #tpu.memory_space<vmem>>, vector<1x16xf32>,
        %get3A_605 = vector.shape_cast %get3A_604 : vector<1x16xf32> to vector<16xf32>
        %add3A_606 = arith.addf %get3A_601, %get3A_605 : vector<16xf32>
        %swap3A_607 = arith.index_cast %scan3A_207 : i32 to index
        %swap3A_608 = arith.constant 448 : index
        %swap3A_609 = tpu.vector_load %arg9[%swap3A_607, %swap3A_608] {strides = array<i32>} : memref<32x768xf32, #tpu.memory_space<vmem>>, vector<1x16xf32>,
        %swap3A_610 = vector.shape_cast %swap3A_609 : vector<1x16xf32> to vector<16xf32>
        %swap3A_611 = vector.shape_cast %add3A_606 : vector<16xf32> to vector<1x16xf32>
        tpu.vector_store %arg9[%swap3A_607, %swap3A_608], %swap3A_611 {strides = array<i32>} : memref<32x768xf32, #tpu.memory_space<vmem>>, vector<1x16xf32>,
        %get3A_612 = arith.index_cast %scan3A_207 : i32 to index
        %get3A_613 = arith.constant 464 : index
        %get3A_614 = tpu.vector_load %arg7[%get3A_612, %get3A_613] {strides = array<i32>} : memref<32x768xf32, #tpu.memory_space<vmem>>, vector<1x16xf32>,
        %get3A_615 = vector.shape_cast %get3A_614 : vector<1x16xf32> to vector<16xf32>
        %get3A_616 = arith.index_cast %scan3A_207 : i32 to index
        %get3A_617 = arith.constant 464 : index
        %get3A_618 = tpu.vector_load %arg5[%get3A_616, %get3A_617] {strides = array<i32>} : memref<32x768xf32, #tpu.memory_space<vmem>>, vector<1x16xf32>,
        %get3A_619 = vector.shape_cast %get3A_618 : vector<1x16xf32> to vector<16xf32>
        %add3A_620 = arith.addf %get3A_615, %get3A_619 : vector<16xf32>
        %swap3A_621 = arith.index_cast %scan3A_207 : i32 to index
        %swap3A_622 = arith.constant 464 : index
        %swap3A_623 = tpu.vector_load %arg9[%swap3A_621, %swap3A_622] {strides = array<i32>} : memref<32x768xf32, #tpu.memory_space<vmem>>, vector<1x16xf32>,
        %swap3A_624 = vector.shape_cast %swap3A_623 : vector<1x16xf32> to vector<16xf32>
        %swap3A_625 = vector.shape_cast %add3A_620 : vector<16xf32> to vector<1x16xf32>
        tpu.vector_store %arg9[%swap3A_621, %swap3A_622], %swap3A_625 {strides = array<i32>} : memref<32x768xf32, #tpu.memory_space<vmem>>, vector<1x16xf32>,
        %get3A_626 = arith.index_cast %scan3A_207 : i32 to index
        %get3A_627 = arith.constant 480 : index
        %get3A_628 = tpu.vector_load %arg7[%get3A_626, %get3A_627] {strides = array<i32>} : memref<32x768xf32, #tpu.memory_space<vmem>>, vector<1x16xf32>,
        %get3A_629 = vector.shape_cast %get3A_628 : vector<1x16xf32> to vector<16xf32>
        %get3A_630 = arith.index_cast %scan3A_207 : i32 to index
        %get3A_631 = arith.constant 480 : index
        %get3A_632 = tpu.vector_load %arg5[%get3A_630, %get3A_631] {strides = array<i32>} : memref<32x768xf32, #tpu.memory_space<vmem>>, vector<1x16xf32>,
        %get3A_633 = vector.shape_cast %get3A_632 : vector<1x16xf32> to vector<16xf32>
        %add3A_634 = arith.addf %get3A_629, %get3A_633 : vector<16xf32>
        %swap3A_635 = arith.index_cast %scan3A_207 : i32 to index
        %swap3A_636 = arith.constant 480 : index
        %swap3A_637 = tpu.vector_load %arg9[%swap3A_635, %swap3A_636] {strides = array<i32>} : memref<32x768xf32, #tpu.memory_space<vmem>>, vector<1x16xf32>,
        %swap3A_638 = vector.shape_cast %swap3A_637 : vector<1x16xf32> to vector<16xf32>
        %swap3A_639 = vector.shape_cast %add3A_634 : vector<16xf32> to vector<1x16xf32>
        tpu.vector_store %arg9[%swap3A_635, %swap3A_636], %swap3A_639 {strides = array<i32>} : memref<32x768xf32, #tpu.memory_space<vmem>>, vector<1x16xf32>,
        %get3A_640 = arith.index_cast %scan3A_207 : i32 to index
        %get3A_641 = arith.constant 496 : index
        %get3A_642 = tpu.vector_load %arg7[%get3A_640, %get3A_641] {strides = array<i32>} : memref<32x768xf32, #tpu.memory_space<vmem>>, vector<1x16xf32>,
        %get3A_643 = vector.shape_cast %get3A_642 : vector<1x16xf32> to vector<16xf32>
        %get3A_644 = arith.index_cast %scan3A_207 : i32 to index
        %get3A_645 = arith.constant 496 : index
        %get3A_646 = tpu.vector_load %arg5[%get3A_644, %get3A_645] {strides = array<i32>} : memref<32x768xf32, #tpu.memory_space<vmem>>, vector<1x16xf32>,
        %get3A_647 = vector.shape_cast %get3A_646 : vector<1x16xf32> to vector<16xf32>
        %add3A_648 = arith.addf %get3A_643, %get3A_647 : vector<16xf32>
        %swap3A_649 = arith.index_cast %scan3A_207 : i32 to index
        %swap3A_650 = arith.constant 496 : index
        %swap3A_651 = tpu.vector_load %arg9[%swap3A_649, %swap3A_650] {strides = array<i32>} : memref<32x768xf32, #tpu.memory_space<vmem>>, vector<1x16xf32>,
        %swap3A_652 = vector.shape_cast %swap3A_651 : vector<1x16xf32> to vector<16xf32>
        %swap3A_653 = vector.shape_cast %add3A_648 : vector<16xf32> to vector<1x16xf32>
        tpu.vector_store %arg9[%swap3A_649, %swap3A_650], %swap3A_653 {strides = array<i32>} : memref<32x768xf32, #tpu.memory_space<vmem>>, vector<1x16xf32>,
        %get3A_654 = arith.index_cast %scan3A_207 : i32 to index
        %get3A_655 = arith.constant 512 : index
        %get3A_656 = tpu.vector_load %arg7[%get3A_654, %get3A_655] {strides = array<i32>} : memref<32x768xf32, #tpu.memory_space<vmem>>, vector<1x16xf32>,
        %get3A_657 = vector.shape_cast %get3A_656 : vector<1x16xf32> to vector<16xf32>
        %get3A_658 = arith.index_cast %scan3A_207 : i32 to index
        %get3A_659 = arith.constant 512 : index
        %get3A_660 = tpu.vector_load %arg5[%get3A_658, %get3A_659] {strides = array<i32>} : memref<32x768xf32, #tpu.memory_space<vmem>>, vector<1x16xf32>,
        %get3A_661 = vector.shape_cast %get3A_660 : vector<1x16xf32> to vector<16xf32>
        %add3A_662 = arith.addf %get3A_657, %get3A_661 : vector<16xf32>
        %swap3A_663 = arith.index_cast %scan3A_207 : i32 to index
        %swap3A_664 = arith.constant 512 : index
        %swap3A_665 = tpu.vector_load %arg9[%swap3A_663, %swap3A_664] {strides = array<i32>} : memref<32x768xf32, #tpu.memory_space<vmem>>, vector<1x16xf32>,
        %swap3A_666 = vector.shape_cast %swap3A_665 : vector<1x16xf32> to vector<16xf32>
        %swap3A_667 = vector.shape_cast %add3A_662 : vector<16xf32> to vector<1x16xf32>
        tpu.vector_store %arg9[%swap3A_663, %swap3A_664], %swap3A_667 {strides = array<i32>} : memref<32x768xf32, #tpu.memory_space<vmem>>, vector<1x16xf32>,
        %get3A_668 = arith.index_cast %scan3A_207 : i32 to index
        %get3A_669 = arith.constant 528 : index
        %get3A_670 = tpu.vector_load %arg7[%get3A_668, %get3A_669] {strides = array<i32>} : memref<32x768xf32, #tpu.memory_space<vmem>>, vector<1x16xf32>,
        %get3A_671 = vector.shape_cast %get3A_670 : vector<1x16xf32> to vector<16xf32>
        %get3A_672 = arith.index_cast %scan3A_207 : i32 to index
        %get3A_673 = arith.constant 528 : index
        %get3A_674 = tpu.vector_load %arg5[%get3A_672, %get3A_673] {strides = array<i32>} : memref<32x768xf32, #tpu.memory_space<vmem>>, vector<1x16xf32>,
        %get3A_675 = vector.shape_cast %get3A_674 : vector<1x16xf32> to vector<16xf32>
        %add3A_676 = arith.addf %get3A_671, %get3A_675 : vector<16xf32>
        %swap3A_677 = arith.index_cast %scan3A_207 : i32 to index
        %swap3A_678 = arith.constant 528 : index
        %swap3A_679 = tpu.vector_load %arg9[%swap3A_677, %swap3A_678] {strides = array<i32>} : memref<32x768xf32, #tpu.memory_space<vmem>>, vector<1x16xf32>,
        %swap3A_680 = vector.shape_cast %swap3A_679 : vector<1x16xf32> to vector<16xf32>
        %swap3A_681 = vector.shape_cast %add3A_676 : vector<16xf32> to vector<1x16xf32>
        tpu.vector_store %arg9[%swap3A_677, %swap3A_678], %swap3A_681 {strides = array<i32>} : memref<32x768xf32, #tpu.memory_space<vmem>>, vector<1x16xf32>,
        %get3A_682 = arith.index_cast %scan3A_207 : i32 to index
        %get3A_683 = arith.constant 544 : index
        %get3A_684 = tpu.vector_load %arg7[%get3A_682, %get3A_683] {strides = array<i32>} : memref<32x768xf32, #tpu.memory_space<vmem>>, vector<1x16xf32>,
        %get3A_685 = vector.shape_cast %get3A_684 : vector<1x16xf32> to vector<16xf32>
        %get3A_686 = arith.index_cast %scan3A_207 : i32 to index
        %get3A_687 = arith.constant 544 : index
        %get3A_688 = tpu.vector_load %arg5[%get3A_686, %get3A_687] {strides = array<i32>} : memref<32x768xf32, #tpu.memory_space<vmem>>, vector<1x16xf32>,
        %get3A_689 = vector.shape_cast %get3A_688 : vector<1x16xf32> to vector<16xf32>
        %add3A_690 = arith.addf %get3A_685, %get3A_689 : vector<16xf32>
        %swap3A_691 = arith.index_cast %scan3A_207 : i32 to index
        %swap3A_692 = arith.constant 544 : index
        %swap3A_693 = tpu.vector_load %arg9[%swap3A_691, %swap3A_692] {strides = array<i32>} : memref<32x768xf32, #tpu.memory_space<vmem>>, vector<1x16xf32>,
        %swap3A_694 = vector.shape_cast %swap3A_693 : vector<1x16xf32> to vector<16xf32>
        %swap3A_695 = vector.shape_cast %add3A_690 : vector<16xf32> to vector<1x16xf32>
        tpu.vector_store %arg9[%swap3A_691, %swap3A_692], %swap3A_695 {strides = array<i32>} : memref<32x768xf32, #tpu.memory_space<vmem>>, vector<1x16xf32>,
        %get3A_696 = arith.index_cast %scan3A_207 : i32 to index
        %get3A_697 = arith.constant 560 : index
        %get3A_698 = tpu.vector_load %arg7[%get3A_696, %get3A_697] {strides = array<i32>} : memref<32x768xf32, #tpu.memory_space<vmem>>, vector<1x16xf32>,
        %get3A_699 = vector.shape_cast %get3A_698 : vector<1x16xf32> to vector<16xf32>
        %get3A_700 = arith.index_cast %scan3A_207 : i32 to index
        %get3A_701 = arith.constant 560 : index
        %get3A_702 = tpu.vector_load %arg5[%get3A_700, %get3A_701] {strides = array<i32>} : memref<32x768xf32, #tpu.memory_space<vmem>>, vector<1x16xf32>,
        %get3A_703 = vector.shape_cast %get3A_702 : vector<1x16xf32> to vector<16xf32>
        %add3A_704 = arith.addf %get3A_699, %get3A_703 : vector<16xf32>
        %swap3A_705 = arith.index_cast %scan3A_207 : i32 to index
        %swap3A_706 = arith.constant 560 : index
        %swap3A_707 = tpu.vector_load %arg9[%swap3A_705, %swap3A_706] {strides = array<i32>} : memref<32x768xf32, #tpu.memory_space<vmem>>, vector<1x16xf32>,
        %swap3A_708 = vector.shape_cast %swap3A_707 : vector<1x16xf32> to vector<16xf32>
        %swap3A_709 = vector.shape_cast %add3A_704 : vector<16xf32> to vector<1x16xf32>
        tpu.vector_store %arg9[%swap3A_705, %swap3A_706], %swap3A_709 {strides = array<i32>} : memref<32x768xf32, #tpu.memory_space<vmem>>, vector<1x16xf32>,
        %get3A_710 = arith.index_cast %scan3A_207 : i32 to index
        %get3A_711 = arith.constant 576 : index
        %get3A_712 = tpu.vector_load %arg7[%get3A_710, %get3A_711] {strides = array<i32>} : memref<32x768xf32, #tpu.memory_space<vmem>>, vector<1x16xf32>,
        %get3A_713 = vector.shape_cast %get3A_712 : vector<1x16xf32> to vector<16xf32>
        %get3A_714 = arith.index_cast %scan3A_207 : i32 to index
        %get3A_715 = arith.constant 576 : index
        %get3A_716 = tpu.vector_load %arg5[%get3A_714, %get3A_715] {strides = array<i32>} : memref<32x768xf32, #tpu.memory_space<vmem>>, vector<1x16xf32>,
        %get3A_717 = vector.shape_cast %get3A_716 : vector<1x16xf32> to vector<16xf32>
        %add3A_718 = arith.addf %get3A_713, %get3A_717 : vector<16xf32>
        %swap3A_719 = arith.index_cast %scan3A_207 : i32 to index
        %swap3A_720 = arith.constant 576 : index
        %swap3A_721 = tpu.vector_load %arg9[%swap3A_719, %swap3A_720] {strides = array<i32>} : memref<32x768xf32, #tpu.memory_space<vmem>>, vector<1x16xf32>,
        %swap3A_722 = vector.shape_cast %swap3A_721 : vector<1x16xf32> to vector<16xf32>
        %swap3A_723 = vector.shape_cast %add3A_718 : vector<16xf32> to vector<1x16xf32>
        tpu.vector_store %arg9[%swap3A_719, %swap3A_720], %swap3A_723 {strides = array<i32>} : memref<32x768xf32, #tpu.memory_space<vmem>>, vector<1x16xf32>,
        %get3A_724 = arith.index_cast %scan3A_207 : i32 to index
        %get3A_725 = arith.constant 592 : index
        %get3A_726 = tpu.vector_load %arg7[%get3A_724, %get3A_725] {strides = array<i32>} : memref<32x768xf32, #tpu.memory_space<vmem>>, vector<1x16xf32>,
        %get3A_727 = vector.shape_cast %get3A_726 : vector<1x16xf32> to vector<16xf32>
        %get3A_728 = arith.index_cast %scan3A_207 : i32 to index
        %get3A_729 = arith.constant 592 : index
        %get3A_730 = tpu.vector_load %arg5[%get3A_728, %get3A_729] {strides = array<i32>} : memref<32x768xf32, #tpu.memory_space<vmem>>, vector<1x16xf32>,
        %get3A_731 = vector.shape_cast %get3A_730 : vector<1x16xf32> to vector<16xf32>
        %add3A_732 = arith.addf %get3A_727, %get3A_731 : vector<16xf32>
        %swap3A_733 = arith.index_cast %scan3A_207 : i32 to index
        %swap3A_734 = arith.constant 592 : index
        %swap3A_735 = tpu.vector_load %arg9[%swap3A_733, %swap3A_734] {strides = array<i32>} : memref<32x768xf32, #tpu.memory_space<vmem>>, vector<1x16xf32>,
        %swap3A_736 = vector.shape_cast %swap3A_735 : vector<1x16xf32> to vector<16xf32>
        %swap3A_737 = vector.shape_cast %add3A_732 : vector<16xf32> to vector<1x16xf32>
        tpu.vector_store %arg9[%swap3A_733, %swap3A_734], %swap3A_737 {strides = array<i32>} : memref<32x768xf32, #tpu.memory_space<vmem>>, vector<1x16xf32>,
        %get3A_738 = arith.index_cast %scan3A_207 : i32 to index
        %get3A_739 = arith.constant 608 : index
        %get3A_740 = tpu.vector_load %arg7[%get3A_738, %get3A_739] {strides = array<i32>} : memref<32x768xf32, #tpu.memory_space<vmem>>, vector<1x16xf32>,
        %get3A_741 = vector.shape_cast %get3A_740 : vector<1x16xf32> to vector<16xf32>
        %get3A_742 = arith.index_cast %scan3A_207 : i32 to index
        %get3A_743 = arith.constant 608 : index
        %get3A_744 = tpu.vector_load %arg5[%get3A_742, %get3A_743] {strides = array<i32>} : memref<32x768xf32, #tpu.memory_space<vmem>>, vector<1x16xf32>,
        %get3A_745 = vector.shape_cast %get3A_744 : vector<1x16xf32> to vector<16xf32>
        %add3A_746 = arith.addf %get3A_741, %get3A_745 : vector<16xf32>
        %swap3A_747 = arith.index_cast %scan3A_207 : i32 to index
        %swap3A_748 = arith.constant 608 : index
        %swap3A_749 = tpu.vector_load %arg9[%swap3A_747, %swap3A_748] {strides = array<i32>} : memref<32x768xf32, #tpu.memory_space<vmem>>, vector<1x16xf32>,
        %swap3A_750 = vector.shape_cast %swap3A_749 : vector<1x16xf32> to vector<16xf32>
        %swap3A_751 = vector.shape_cast %add3A_746 : vector<16xf32> to vector<1x16xf32>
        tpu.vector_store %arg9[%swap3A_747, %swap3A_748], %swap3A_751 {strides = array<i32>} : memref<32x768xf32, #tpu.memory_space<vmem>>, vector<1x16xf32>,
        %get3A_752 = arith.index_cast %scan3A_207 : i32 to index
        %get3A_753 = arith.constant 624 : index
        %get3A_754 = tpu.vector_load %arg7[%get3A_752, %get3A_753] {strides = array<i32>} : memref<32x768xf32, #tpu.memory_space<vmem>>, vector<1x16xf32>,
        %get3A_755 = vector.shape_cast %get3A_754 : vector<1x16xf32> to vector<16xf32>
        %get3A_756 = arith.index_cast %scan3A_207 : i32 to index
        %get3A_757 = arith.constant 624 : index
        %get3A_758 = tpu.vector_load %arg5[%get3A_756, %get3A_757] {strides = array<i32>} : memref<32x768xf32, #tpu.memory_space<vmem>>, vector<1x16xf32>,
        %get3A_759 = vector.shape_cast %get3A_758 : vector<1x16xf32> to vector<16xf32>
        %add3A_760 = arith.addf %get3A_755, %get3A_759 : vector<16xf32>
        %swap3A_761 = arith.index_cast %scan3A_207 : i32 to index
        %swap3A_762 = arith.constant 624 : index
        %swap3A_763 = tpu.vector_load %arg9[%swap3A_761, %swap3A_762] {strides = array<i32>} : memref<32x768xf32, #tpu.memory_space<vmem>>, vector<1x16xf32>,
        %swap3A_764 = vector.shape_cast %swap3A_763 : vector<1x16xf32> to vector<16xf32>
        %swap3A_765 = vector.shape_cast %add3A_760 : vector<16xf32> to vector<1x16xf32>
        tpu.vector_store %arg9[%swap3A_761, %swap3A_762], %swap3A_765 {strides = array<i32>} : memref<32x768xf32, #tpu.memory_space<vmem>>, vector<1x16xf32>,
        %get3A_766 = arith.index_cast %scan3A_207 : i32 to index
        %get3A_767 = arith.constant 640 : index
        %get3A_768 = tpu.vector_load %arg7[%get3A_766, %get3A_767] {strides = array<i32>} : memref<32x768xf32, #tpu.memory_space<vmem>>, vector<1x16xf32>,
        %get3A_769 = vector.shape_cast %get3A_768 : vector<1x16xf32> to vector<16xf32>
        %get3A_770 = arith.index_cast %scan3A_207 : i32 to index
        %get3A_771 = arith.constant 640 : index
        %get3A_772 = tpu.vector_load %arg5[%get3A_770, %get3A_771] {strides = array<i32>} : memref<32x768xf32, #tpu.memory_space<vmem>>, vector<1x16xf32>,
        %get3A_773 = vector.shape_cast %get3A_772 : vector<1x16xf32> to vector<16xf32>
        %add3A_774 = arith.addf %get3A_769, %get3A_773 : vector<16xf32>
        %swap3A_775 = arith.index_cast %scan3A_207 : i32 to index
        %swap3A_776 = arith.constant 640 : index
        %swap3A_777 = tpu.vector_load %arg9[%swap3A_775, %swap3A_776] {strides = array<i32>} : memref<32x768xf32, #tpu.memory_space<vmem>>, vector<1x16xf32>,
        %swap3A_778 = vector.shape_cast %swap3A_777 : vector<1x16xf32> to vector<16xf32>
        %swap3A_779 = vector.shape_cast %add3A_774 : vector<16xf32> to vector<1x16xf32>
        tpu.vector_store %arg9[%swap3A_775, %swap3A_776], %swap3A_779 {strides = array<i32>} : memref<32x768xf32, #tpu.memory_space<vmem>>, vector<1x16xf32>,
        %get3A_780 = arith.index_cast %scan3A_207 : i32 to index
        %get3A_781 = arith.constant 656 : index
        %get3A_782 = tpu.vector_load %arg7[%get3A_780, %get3A_781] {strides = array<i32>} : memref<32x768xf32, #tpu.memory_space<vmem>>, vector<1x16xf32>,
        %get3A_783 = vector.shape_cast %get3A_782 : vector<1x16xf32> to vector<16xf32>
        %get3A_784 = arith.index_cast %scan3A_207 : i32 to index
        %get3A_785 = arith.constant 656 : index
        %get3A_786 = tpu.vector_load %arg5[%get3A_784, %get3A_785] {strides = array<i32>} : memref<32x768xf32, #tpu.memory_space<vmem>>, vector<1x16xf32>,
        %get3A_787 = vector.shape_cast %get3A_786 : vector<1x16xf32> to vector<16xf32>
        %add3A_788 = arith.addf %get3A_783, %get3A_787 : vector<16xf32>
        %swap3A_789 = arith.index_cast %scan3A_207 : i32 to index
        %swap3A_790 = arith.constant 656 : index
        %swap3A_791 = tpu.vector_load %arg9[%swap3A_789, %swap3A_790] {strides = array<i32>} : memref<32x768xf32, #tpu.memory_space<vmem>>, vector<1x16xf32>,
        %swap3A_792 = vector.shape_cast %swap3A_791 : vector<1x16xf32> to vector<16xf32>
        %swap3A_793 = vector.shape_cast %add3A_788 : vector<16xf32> to vector<1x16xf32>
        tpu.vector_store %arg9[%swap3A_789, %swap3A_790], %swap3A_793 {strides = array<i32>} : memref<32x768xf32, #tpu.memory_space<vmem>>, vector<1x16xf32>,
        %get3A_794 = arith.index_cast %scan3A_207 : i32 to index
        %get3A_795 = arith.constant 672 : index
        %get3A_796 = tpu.vector_load %arg7[%get3A_794, %get3A_795] {strides = array<i32>} : memref<32x768xf32, #tpu.memory_space<vmem>>, vector<1x16xf32>,
        %get3A_797 = vector.shape_cast %get3A_796 : vector<1x16xf32> to vector<16xf32>
        %get3A_798 = arith.index_cast %scan3A_207 : i32 to index
        %get3A_799 = arith.constant 672 : index
        %get3A_800 = tpu.vector_load %arg5[%get3A_798, %get3A_799] {strides = array<i32>} : memref<32x768xf32, #tpu.memory_space<vmem>>, vector<1x16xf32>,
        %get3A_801 = vector.shape_cast %get3A_800 : vector<1x16xf32> to vector<16xf32>
        %add3A_802 = arith.addf %get3A_797, %get3A_801 : vector<16xf32>
        %swap3A_803 = arith.index_cast %scan3A_207 : i32 to index
        %swap3A_804 = arith.constant 672 : index
        %swap3A_805 = tpu.vector_load %arg9[%swap3A_803, %swap3A_804] {strides = array<i32>} : memref<32x768xf32, #tpu.memory_space<vmem>>, vector<1x16xf32>,
        %swap3A_806 = vector.shape_cast %swap3A_805 : vector<1x16xf32> to vector<16xf32>
        %swap3A_807 = vector.shape_cast %add3A_802 : vector<16xf32> to vector<1x16xf32>
        tpu.vector_store %arg9[%swap3A_803, %swap3A_804], %swap3A_807 {strides = array<i32>} : memref<32x768xf32, #tpu.memory_space<vmem>>, vector<1x16xf32>,
        %get3A_808 = arith.index_cast %scan3A_207 : i32 to index
        %get3A_809 = arith.constant 688 : index
        %get3A_810 = tpu.vector_load %arg7[%get3A_808, %get3A_809] {strides = array<i32>} : memref<32x768xf32, #tpu.memory_space<vmem>>, vector<1x16xf32>,
        %get3A_811 = vector.shape_cast %get3A_810 : vector<1x16xf32> to vector<16xf32>
        %get3A_812 = arith.index_cast %scan3A_207 : i32 to index
        %get3A_813 = arith.constant 688 : index
        %get3A_814 = tpu.vector_load %arg5[%get3A_812, %get3A_813] {strides = array<i32>} : memref<32x768xf32, #tpu.memory_space<vmem>>, vector<1x16xf32>,
        %get3A_815 = vector.shape_cast %get3A_814 : vector<1x16xf32> to vector<16xf32>
        %add3A_816 = arith.addf %get3A_811, %get3A_815 : vector<16xf32>
        %swap3A_817 = arith.index_cast %scan3A_207 : i32 to index
        %swap3A_818 = arith.constant 688 : index
        %swap3A_819 = tpu.vector_load %arg9[%swap3A_817, %swap3A_818] {strides = array<i32>} : memref<32x768xf32, #tpu.memory_space<vmem>>, vector<1x16xf32>,
        %swap3A_820 = vector.shape_cast %swap3A_819 : vector<1x16xf32> to vector<16xf32>
        %swap3A_821 = vector.shape_cast %add3A_816 : vector<16xf32> to vector<1x16xf32>
        tpu.vector_store %arg9[%swap3A_817, %swap3A_818], %swap3A_821 {strides = array<i32>} : memref<32x768xf32, #tpu.memory_space<vmem>>, vector<1x16xf32>,
        %get3A_822 = arith.index_cast %scan3A_207 : i32 to index
        %get3A_823 = arith.constant 704 : index
        %get3A_824 = tpu.vector_load %arg7[%get3A_822, %get3A_823] {strides = array<i32>} : memref<32x768xf32, #tpu.memory_space<vmem>>, vector<1x16xf32>,
        %get3A_825 = vector.shape_cast %get3A_824 : vector<1x16xf32> to vector<16xf32>
        %get3A_826 = arith.index_cast %scan3A_207 : i32 to index
        %get3A_827 = arith.constant 704 : index
        %get3A_828 = tpu.vector_load %arg5[%get3A_826, %get3A_827] {strides = array<i32>} : memref<32x768xf32, #tpu.memory_space<vmem>>, vector<1x16xf32>,
        %get3A_829 = vector.shape_cast %get3A_828 : vector<1x16xf32> to vector<16xf32>
        %add3A_830 = arith.addf %get3A_825, %get3A_829 : vector<16xf32>
        %swap3A_831 = arith.index_cast %scan3A_207 : i32 to index
        %swap3A_832 = arith.constant 704 : index
        %swap3A_833 = tpu.vector_load %arg9[%swap3A_831, %swap3A_832] {strides = array<i32>} : memref<32x768xf32, #tpu.memory_space<vmem>>, vector<1x16xf32>,
        %swap3A_834 = vector.shape_cast %swap3A_833 : vector<1x16xf32> to vector<16xf32>
        %swap3A_835 = vector.shape_cast %add3A_830 : vector<16xf32> to vector<1x16xf32>
        tpu.vector_store %arg9[%swap3A_831, %swap3A_832], %swap3A_835 {strides = array<i32>} : memref<32x768xf32, #tpu.memory_space<vmem>>, vector<1x16xf32>,
        %get3A_836 = arith.index_cast %scan3A_207 : i32 to index
        %get3A_837 = arith.constant 720 : index
        %get3A_838 = tpu.vector_load %arg7[%get3A_836, %get3A_837] {strides = array<i32>} : memref<32x768xf32, #tpu.memory_space<vmem>>, vector<1x16xf32>,
        %get3A_839 = vector.shape_cast %get3A_838 : vector<1x16xf32> to vector<16xf32>
        %get3A_840 = arith.index_cast %scan3A_207 : i32 to index
        %get3A_841 = arith.constant 720 : index
        %get3A_842 = tpu.vector_load %arg5[%get3A_840, %get3A_841] {strides = array<i32>} : memref<32x768xf32, #tpu.memory_space<vmem>>, vector<1x16xf32>,
        %get3A_843 = vector.shape_cast %get3A_842 : vector<1x16xf32> to vector<16xf32>
        %add3A_844 = arith.addf %get3A_839, %get3A_843 : vector<16xf32>
        %swap3A_845 = arith.index_cast %scan3A_207 : i32 to index
        %swap3A_846 = arith.constant 720 : index
        %swap3A_847 = tpu.vector_load %arg9[%swap3A_845, %swap3A_846] {strides = array<i32>} : memref<32x768xf32, #tpu.memory_space<vmem>>, vector<1x16xf32>,
        %swap3A_848 = vector.shape_cast %swap3A_847 : vector<1x16xf32> to vector<16xf32>
        %swap3A_849 = vector.shape_cast %add3A_844 : vector<16xf32> to vector<1x16xf32>
        tpu.vector_store %arg9[%swap3A_845, %swap3A_846], %swap3A_849 {strides = array<i32>} : memref<32x768xf32, #tpu.memory_space<vmem>>, vector<1x16xf32>,
        %get3A_850 = arith.index_cast %scan3A_207 : i32 to index
        %get3A_851 = arith.constant 736 : index
        %get3A_852 = tpu.vector_load %arg7[%get3A_850, %get3A_851] {strides = array<i32>} : memref<32x768xf32, #tpu.memory_space<vmem>>, vector<1x16xf32>,
        %get3A_853 = vector.shape_cast %get3A_852 : vector<1x16xf32> to vector<16xf32>
        %get3A_854 = arith.index_cast %scan3A_207 : i32 to index
        %get3A_855 = arith.constant 736 : index
        %get3A_856 = tpu.vector_load %arg5[%get3A_854, %get3A_855] {strides = array<i32>} : memref<32x768xf32, #tpu.memory_space<vmem>>, vector<1x16xf32>,
        %get3A_857 = vector.shape_cast %get3A_856 : vector<1x16xf32> to vector<16xf32>
        %add3A_858 = arith.addf %get3A_853, %get3A_857 : vector<16xf32>
        %swap3A_859 = arith.index_cast %scan3A_207 : i32 to index
        %swap3A_860 = arith.constant 736 : index
        %swap3A_861 = tpu.vector_load %arg9[%swap3A_859, %swap3A_860] {strides = array<i32>} : memref<32x768xf32, #tpu.memory_space<vmem>>, vector<1x16xf32>,
        %swap3A_862 = vector.shape_cast %swap3A_861 : vector<1x16xf32> to vector<16xf32>
        %swap3A_863 = vector.shape_cast %add3A_858 : vector<16xf32> to vector<1x16xf32>
        tpu.vector_store %arg9[%swap3A_859, %swap3A_860], %swap3A_863 {strides = array<i32>} : memref<32x768xf32, #tpu.memory_space<vmem>>, vector<1x16xf32>,
        %get3A_864 = arith.index_cast %scan3A_207 : i32 to index
        %get3A_865 = arith.constant 752 : index
        %get3A_866 = tpu.vector_load %arg7[%get3A_864, %get3A_865] {strides = array<i32>} : memref<32x768xf32, #tpu.memory_space<vmem>>, vector<1x16xf32>,
        %get3A_867 = vector.shape_cast %get3A_866 : vector<1x16xf32> to vector<16xf32>
        %get3A_868 = arith.index_cast %scan3A_207 : i32 to index
        %get3A_869 = arith.constant 752 : index
        %get3A_870 = tpu.vector_load %arg5[%get3A_868, %get3A_869] {strides = array<i32>} : memref<32x768xf32, #tpu.memory_space<vmem>>, vector<1x16xf32>,
        %get3A_871 = vector.shape_cast %get3A_870 : vector<1x16xf32> to vector<16xf32>
        %add3A_872 = arith.addf %get3A_867, %get3A_871 : vector<16xf32>
        %swap3A_873 = arith.index_cast %scan3A_207 : i32 to index
        %swap3A_874 = arith.constant 752 : index
        %swap3A_875 = tpu.vector_load %arg9[%swap3A_873, %swap3A_874] {strides = array<i32>} : memref<32x768xf32, #tpu.memory_space<vmem>>, vector<1x16xf32>,
        %swap3A_876 = vector.shape_cast %swap3A_875 : vector<1x16xf32> to vector<16xf32>
        %swap3A_877 = vector.shape_cast %add3A_872 : vector<16xf32> to vector<1x16xf32>
        tpu.vector_store %arg9[%swap3A_873, %swap3A_874], %swap3A_877 {strides = array<i32>} : memref<32x768xf32, #tpu.memory_space<vmem>>, vector<1x16xf32>,
      }
      %scan3A_165 = arith.constant 16 : i32
      %add3A_166 = arith.constant 0 : i32
      %add3A_167 = arith.addi %mul3A_2, %add3A_166 : i32
      %dma_start3A_168 = arith.constant 0 : i32
      %dma_start3A_169 = arith.constant 0 : i32
      %dma_start3A_170 = tpu.memref_slice %arg9[%dma_start3A_168, %dma_start3A_169] : memref<32x768xf32, #tpu.memory_space<vmem>> -> memref<16x768xf32, #tpu.memory_space<vmem>>
      %dma_start3A_171 = arith.constant 0 : i32
      %dma_start3A_172 = tpu.memref_slice %arg4[%add3A_148, %add3A_167, %dma_start3A_171] : memref<64x1024x768xf32, #tpu.memory_space<hbm>> -> memref<1x16x768xf32, #tpu.memory_space<hbm>>
      %dma_start3A_173 = tpu.memref_squeeze %dma_start3A_172 : memref<1x16x768xf32, #tpu.memory_space<hbm>> -> memref<16x768xf32, #tpu.memory_space<hbm>>
      %dma_start3A_174 = arith.constant 0 : i32
      %dma_start3A_175 = tpu.memref_slice %arg4[%add3A_148, %add3A_167, %dma_start3A_174] : memref<64x1024x768xf32, #tpu.memory_space<hbm>> -> memref<1x16x768xf32, #tpu.memory_space<hbm>>
      %dma_start3A_176 = tpu.memref_squeeze %dma_start3A_175 : memref<1x16x768xf32, #tpu.memory_space<hbm>> -> memref<16x768xf32, #tpu.memory_space<hbm>>
      %dma_start3A_177 = arith.constant 0 : i32
      %dma_start3A_178 = arith.constant 0 : i32
      %dma_start3A_179 = tpu.memref_slice %arg9[%dma_start3A_177, %dma_start3A_178] : memref<32x768xf32, #tpu.memory_space<vmem>> -> memref<16x768xf32, #tpu.memory_space<vmem>>
      tpu.enqueue_dma source(%dma_start3A_179 : memref<16x768xf32, #tpu.memory_space<vmem>>) target(%dma_start3A_176 : memref<16x768xf32, #tpu.memory_space<hbm>>) target_semaphore(%arg14 : memref<!tpu.dma_semaphore, #tpu.memory_space<semaphore_mem>>)
      %scan3A_180 = arith.constant 0 : i32
      %scan3A_181 = arith.constant 16 : i32
      %scan3A_182 = arith.constant 16 : i32
      %scan3A_183 = arith.addi %scan3A_181, %scan3A_182 : i32
      %scan3A_184 = arith.constant 1 : i32
      scf.for %scan3A_207 = %scan3A_181 to %scan3A_183 step %scan3A_184  : i32 {
        %get3A = arith.index_cast %scan3A_207 : i32 to index
        %get3A_208 = arith.constant 0 : index
        %get3A_209 = tpu.vector_load %arg7[%get3A, %get3A_208] {strides = array<i32>} : memref<32x768xf32, #tpu.memory_space<vmem>>, vector<1x16xf32>,
        %get3A_210 = vector.shape_cast %get3A_209 : vector<1x16xf32> to vector<16xf32>
        %get3A_211 = arith.index_cast %scan3A_207 : i32 to index
        %get3A_212 = arith.constant 0 : index
        %get3A_213 = tpu.vector_load %arg5[%get3A_211, %get3A_212] {strides = array<i32>} : memref<32x768xf32, #tpu.memory_space<vmem>>, vector<1x16xf32>,
        %get3A_214 = vector.shape_cast %get3A_213 : vector<1x16xf32> to vector<16xf32>
        %add3A_215 = arith.addf %get3A_210, %get3A_214 : vector<16xf32>
        %swap3A = arith.index_cast %scan3A_207 : i32 to index
        %swap3A_216 = arith.constant 0 : index
        %swap3A_217 = tpu.vector_load %arg9[%swap3A, %swap3A_216] {strides = array<i32>} : memref<32x768xf32, #tpu.memory_space<vmem>>, vector<1x16xf32>,
        %swap3A_218 = vector.shape_cast %swap3A_217 : vector<1x16xf32> to vector<16xf32>
        %swap3A_219 = vector.shape_cast %add3A_215 : vector<16xf32> to vector<1x16xf32>
        tpu.vector_store %arg9[%swap3A, %swap3A_216], %swap3A_219 {strides = array<i32>} : memref<32x768xf32, #tpu.memory_space<vmem>>, vector<1x16xf32>,
        %get3A_220 = arith.index_cast %scan3A_207 : i32 to index
        %get3A_221 = arith.constant 16 : index
        %get3A_222 = tpu.vector_load %arg7[%get3A_220, %get3A_221] {strides = array<i32>} : memref<32x768xf32, #tpu.memory_space<vmem>>, vector<1x16xf32>,
        %get3A_223 = vector.shape_cast %get3A_222 : vector<1x16xf32> to vector<16xf32>
        %get3A_224 = arith.index_cast %scan3A_207 : i32 to index
        %get3A_225 = arith.constant 16 : index
        %get3A_226 = tpu.vector_load %arg5[%get3A_224, %get3A_225] {strides = array<i32>} : memref<32x768xf32, #tpu.memory_space<vmem>>, vector<1x16xf32>,
        %get3A_227 = vector.shape_cast %get3A_226 : vector<1x16xf32> to vector<16xf32>
        %add3A_228 = arith.addf %get3A_223, %get3A_227 : vector<16xf32>
        %swap3A_229 = arith.index_cast %scan3A_207 : i32 to index
        %swap3A_230 = arith.constant 16 : index
        %swap3A_231 = tpu.vector_load %arg9[%swap3A_229, %swap3A_230] {strides = array<i32>} : memref<32x768xf32, #tpu.memory_space<vmem>>, vector<1x16xf32>,
        %swap3A_232 = vector.shape_cast %swap3A_231 : vector<1x16xf32> to vector<16xf32>
        %swap3A_233 = vector.shape_cast %add3A_228 : vector<16xf32> to vector<1x16xf32>
        tpu.vector_store %arg9[%swap3A_229, %swap3A_230], %swap3A_233 {strides = array<i32>} : memref<32x768xf32, #tpu.memory_space<vmem>>, vector<1x16xf32>,
        %get3A_234 = arith.index_cast %scan3A_207 : i32 to index
        %get3A_235 = arith.constant 32 : index
        %get3A_236 = tpu.vector_load %arg7[%get3A_234, %get3A_235] {strides = array<i32>} : memref<32x768xf32, #tpu.memory_space<vmem>>, vector<1x16xf32>,
        %get3A_237 = vector.shape_cast %get3A_236 : vector<1x16xf32> to vector<16xf32>
        %get3A_238 = arith.index_cast %scan3A_207 : i32 to index
        %get3A_239 = arith.constant 32 : index
        %get3A_240 = tpu.vector_load %arg5[%get3A_238, %get3A_239] {strides = array<i32>} : memref<32x768xf32, #tpu.memory_space<vmem>>, vector<1x16xf32>,
        %get3A_241 = vector.shape_cast %get3A_240 : vector<1x16xf32> to vector<16xf32>
        %add3A_242 = arith.addf %get3A_237, %get3A_241 : vector<16xf32>
        %swap3A_243 = arith.index_cast %scan3A_207 : i32 to index
        %swap3A_244 = arith.constant 32 : index
        %swap3A_245 = tpu.vector_load %arg9[%swap3A_243, %swap3A_244] {strides = array<i32>} : memref<32x768xf32, #tpu.memory_space<vmem>>, vector<1x16xf32>,
        %swap3A_246 = vector.shape_cast %swap3A_245 : vector<1x16xf32> to vector<16xf32>
        %swap3A_247 = vector.shape_cast %add3A_242 : vector<16xf32> to vector<1x16xf32>
        tpu.vector_store %arg9[%swap3A_243, %swap3A_244], %swap3A_247 {strides = array<i32>} : memref<32x768xf32, #tpu.memory_space<vmem>>, vector<1x16xf32>,
        %get3A_248 = arith.index_cast %scan3A_207 : i32 to index
        %get3A_249 = arith.constant 48 : index
        %get3A_250 = tpu.vector_load %arg7[%get3A_248, %get3A_249] {strides = array<i32>} : memref<32x768xf32, #tpu.memory_space<vmem>>, vector<1x16xf32>,
        %get3A_251 = vector.shape_cast %get3A_250 : vector<1x16xf32> to vector<16xf32>
        %get3A_252 = arith.index_cast %scan3A_207 : i32 to index
        %get3A_253 = arith.constant 48 : index
        %get3A_254 = tpu.vector_load %arg5[%get3A_252, %get3A_253] {strides = array<i32>} : memref<32x768xf32, #tpu.memory_space<vmem>>, vector<1x16xf32>,
        %get3A_255 = vector.shape_cast %get3A_254 : vector<1x16xf32> to vector<16xf32>
        %add3A_256 = arith.addf %get3A_251, %get3A_255 : vector<16xf32>
        %swap3A_257 = arith.index_cast %scan3A_207 : i32 to index
        %swap3A_258 = arith.constant 48 : index
        %swap3A_259 = tpu.vector_load %arg9[%swap3A_257, %swap3A_258] {strides = array<i32>} : memref<32x768xf32, #tpu.memory_space<vmem>>, vector<1x16xf32>,
        %swap3A_260 = vector.shape_cast %swap3A_259 : vector<1x16xf32> to vector<16xf32>
        %swap3A_261 = vector.shape_cast %add3A_256 : vector<16xf32> to vector<1x16xf32>
        tpu.vector_store %arg9[%swap3A_257, %swap3A_258], %swap3A_261 {strides = array<i32>} : memref<32x768xf32, #tpu.memory_space<vmem>>, vector<1x16xf32>,
        %get3A_262 = arith.index_cast %scan3A_207 : i32 to index
        %get3A_263 = arith.constant 64 : index
        %get3A_264 = tpu.vector_load %arg7[%get3A_262, %get3A_263] {strides = array<i32>} : memref<32x768xf32, #tpu.memory_space<vmem>>, vector<1x16xf32>,
        %get3A_265 = vector.shape_cast %get3A_264 : vector<1x16xf32> to vector<16xf32>
        %get3A_266 = arith.index_cast %scan3A_207 : i32 to index
        %get3A_267 = arith.constant 64 : index
        %get3A_268 = tpu.vector_load %arg5[%get3A_266, %get3A_267] {strides = array<i32>} : memref<32x768xf32, #tpu.memory_space<vmem>>, vector<1x16xf32>,
        %get3A_269 = vector.shape_cast %get3A_268 : vector<1x16xf32> to vector<16xf32>
        %add3A_270 = arith.addf %get3A_265, %get3A_269 : vector<16xf32>
        %swap3A_271 = arith.index_cast %scan3A_207 : i32 to index
        %swap3A_272 = arith.constant 64 : index
        %swap3A_273 = tpu.vector_load %arg9[%swap3A_271, %swap3A_272] {strides = array<i32>} : memref<32x768xf32, #tpu.memory_space<vmem>>, vector<1x16xf32>,
        %swap3A_274 = vector.shape_cast %swap3A_273 : vector<1x16xf32> to vector<16xf32>
        %swap3A_275 = vector.shape_cast %add3A_270 : vector<16xf32> to vector<1x16xf32>
        tpu.vector_store %arg9[%swap3A_271, %swap3A_272], %swap3A_275 {strides = array<i32>} : memref<32x768xf32, #tpu.memory_space<vmem>>, vector<1x16xf32>,
        %get3A_276 = arith.index_cast %scan3A_207 : i32 to index
        %get3A_277 = arith.constant 80 : index
        %get3A_278 = tpu.vector_load %arg7[%get3A_276, %get3A_277] {strides = array<i32>} : memref<32x768xf32, #tpu.memory_space<vmem>>, vector<1x16xf32>,
        %get3A_279 = vector.shape_cast %get3A_278 : vector<1x16xf32> to vector<16xf32>
        %get3A_280 = arith.index_cast %scan3A_207 : i32 to index
        %get3A_281 = arith.constant 80 : index
        %get3A_282 = tpu.vector_load %arg5[%get3A_280, %get3A_281] {strides = array<i32>} : memref<32x768xf32, #tpu.memory_space<vmem>>, vector<1x16xf32>,
        %get3A_283 = vector.shape_cast %get3A_282 : vector<1x16xf32> to vector<16xf32>
        %add3A_284 = arith.addf %get3A_279, %get3A_283 : vector<16xf32>
        %swap3A_285 = arith.index_cast %scan3A_207 : i32 to index
        %swap3A_286 = arith.constant 80 : index
        %swap3A_287 = tpu.vector_load %arg9[%swap3A_285, %swap3A_286] {strides = array<i32>} : memref<32x768xf32, #tpu.memory_space<vmem>>, vector<1x16xf32>,
        %swap3A_288 = vector.shape_cast %swap3A_287 : vector<1x16xf32> to vector<16xf32>
        %swap3A_289 = vector.shape_cast %add3A_284 : vector<16xf32> to vector<1x16xf32>
        tpu.vector_store %arg9[%swap3A_285, %swap3A_286], %swap3A_289 {strides = array<i32>} : memref<32x768xf32, #tpu.memory_space<vmem>>, vector<1x16xf32>,
        %get3A_290 = arith.index_cast %scan3A_207 : i32 to index
        %get3A_291 = arith.constant 96 : index
        %get3A_292 = tpu.vector_load %arg7[%get3A_290, %get3A_291] {strides = array<i32>} : memref<32x768xf32, #tpu.memory_space<vmem>>, vector<1x16xf32>,
        %get3A_293 = vector.shape_cast %get3A_292 : vector<1x16xf32> to vector<16xf32>
        %get3A_294 = arith.index_cast %scan3A_207 : i32 to index
        %get3A_295 = arith.constant 96 : index
        %get3A_296 = tpu.vector_load %arg5[%get3A_294, %get3A_295] {strides = array<i32>} : memref<32x768xf32, #tpu.memory_space<vmem>>, vector<1x16xf32>,
        %get3A_297 = vector.shape_cast %get3A_296 : vector<1x16xf32> to vector<16xf32>
        %add3A_298 = arith.addf %get3A_293, %get3A_297 : vector<16xf32>
        %swap3A_299 = arith.index_cast %scan3A_207 : i32 to index
        %swap3A_300 = arith.constant 96 : index
        %swap3A_301 = tpu.vector_load %arg9[%swap3A_299, %swap3A_300] {strides = array<i32>} : memref<32x768xf32, #tpu.memory_space<vmem>>, vector<1x16xf32>,
        %swap3A_302 = vector.shape_cast %swap3A_301 : vector<1x16xf32> to vector<16xf32>
        %swap3A_303 = vector.shape_cast %add3A_298 : vector<16xf32> to vector<1x16xf32>
        tpu.vector_store %arg9[%swap3A_299, %swap3A_300], %swap3A_303 {strides = array<i32>} : memref<32x768xf32, #tpu.memory_space<vmem>>, vector<1x16xf32>,
        %get3A_304 = arith.index_cast %scan3A_207 : i32 to index
        %get3A_305 = arith.constant 112 : index
        %get3A_306 = tpu.vector_load %arg7[%get3A_304, %get3A_305] {strides = array<i32>} : memref<32x768xf32, #tpu.memory_space<vmem>>, vector<1x16xf32>,
        %get3A_307 = vector.shape_cast %get3A_306 : vector<1x16xf32> to vector<16xf32>
        %get3A_308 = arith.index_cast %scan3A_207 : i32 to index
        %get3A_309 = arith.constant 112 : index
        %get3A_310 = tpu.vector_load %arg5[%get3A_308, %get3A_309] {strides = array<i32>} : memref<32x768xf32, #tpu.memory_space<vmem>>, vector<1x16xf32>,
        %get3A_311 = vector.shape_cast %get3A_310 : vector<1x16xf32> to vector<16xf32>
        %add3A_312 = arith.addf %get3A_307, %get3A_311 : vector<16xf32>
        %swap3A_313 = arith.index_cast %scan3A_207 : i32 to index
        %swap3A_314 = arith.constant 112 : index
        %swap3A_315 = tpu.vector_load %arg9[%swap3A_313, %swap3A_314] {strides = array<i32>} : memref<32x768xf32, #tpu.memory_space<vmem>>, vector<1x16xf32>,
        %swap3A_316 = vector.shape_cast %swap3A_315 : vector<1x16xf32> to vector<16xf32>
        %swap3A_317 = vector.shape_cast %add3A_312 : vector<16xf32> to vector<1x16xf32>
        tpu.vector_store %arg9[%swap3A_313, %swap3A_314], %swap3A_317 {strides = array<i32>} : memref<32x768xf32, #tpu.memory_space<vmem>>, vector<1x16xf32>,
        %get3A_318 = arith.index_cast %scan3A_207 : i32 to index
        %get3A_319 = arith.constant 128 : index
        %get3A_320 = tpu.vector_load %arg7[%get3A_318, %get3A_319] {strides = array<i32>} : memref<32x768xf32, #tpu.memory_space<vmem>>, vector<1x16xf32>,
        %get3A_321 = vector.shape_cast %get3A_320 : vector<1x16xf32> to vector<16xf32>
        %get3A_322 = arith.index_cast %scan3A_207 : i32 to index
        %get3A_323 = arith.constant 128 : index
        %get3A_324 = tpu.vector_load %arg5[%get3A_322, %get3A_323] {strides = array<i32>} : memref<32x768xf32, #tpu.memory_space<vmem>>, vector<1x16xf32>,
        %get3A_325 = vector.shape_cast %get3A_324 : vector<1x16xf32> to vector<16xf32>
        %add3A_326 = arith.addf %get3A_321, %get3A_325 : vector<16xf32>
        %swap3A_327 = arith.index_cast %scan3A_207 : i32 to index
        %swap3A_328 = arith.constant 128 : index
        %swap3A_329 = tpu.vector_load %arg9[%swap3A_327, %swap3A_328] {strides = array<i32>} : memref<32x768xf32, #tpu.memory_space<vmem>>, vector<1x16xf32>,
        %swap3A_330 = vector.shape_cast %swap3A_329 : vector<1x16xf32> to vector<16xf32>
        %swap3A_331 = vector.shape_cast %add3A_326 : vector<16xf32> to vector<1x16xf32>
        tpu.vector_store %arg9[%swap3A_327, %swap3A_328], %swap3A_331 {strides = array<i32>} : memref<32x768xf32, #tpu.memory_space<vmem>>, vector<1x16xf32>,
        %get3A_332 = arith.index_cast %scan3A_207 : i32 to index
        %get3A_333 = arith.constant 144 : index
        %get3A_334 = tpu.vector_load %arg7[%get3A_332, %get3A_333] {strides = array<i32>} : memref<32x768xf32, #tpu.memory_space<vmem>>, vector<1x16xf32>,
        %get3A_335 = vector.shape_cast %get3A_334 : vector<1x16xf32> to vector<16xf32>
        %get3A_336 = arith.index_cast %scan3A_207 : i32 to index
        %get3A_337 = arith.constant 144 : index
        %get3A_338 = tpu.vector_load %arg5[%get3A_336, %get3A_337] {strides = array<i32>} : memref<32x768xf32, #tpu.memory_space<vmem>>, vector<1x16xf32>,
        %get3A_339 = vector.shape_cast %get3A_338 : vector<1x16xf32> to vector<16xf32>
        %add3A_340 = arith.addf %get3A_335, %get3A_339 : vector<16xf32>
        %swap3A_341 = arith.index_cast %scan3A_207 : i32 to index
        %swap3A_342 = arith.constant 144 : index
        %swap3A_343 = tpu.vector_load %arg9[%swap3A_341, %swap3A_342] {strides = array<i32>} : memref<32x768xf32, #tpu.memory_space<vmem>>, vector<1x16xf32>,
        %swap3A_344 = vector.shape_cast %swap3A_343 : vector<1x16xf32> to vector<16xf32>
        %swap3A_345 = vector.shape_cast %add3A_340 : vector<16xf32> to vector<1x16xf32>
        tpu.vector_store %arg9[%swap3A_341, %swap3A_342], %swap3A_345 {strides = array<i32>} : memref<32x768xf32, #tpu.memory_space<vmem>>, vector<1x16xf32>,
        %get3A_346 = arith.index_cast %scan3A_207 : i32 to index
        %get3A_347 = arith.constant 160 : index
        %get3A_348 = tpu.vector_load %arg7[%get3A_346, %get3A_347] {strides = array<i32>} : memref<32x768xf32, #tpu.memory_space<vmem>>, vector<1x16xf32>,
        %get3A_349 = vector.shape_cast %get3A_348 : vector<1x16xf32> to vector<16xf32>
        %get3A_350 = arith.index_cast %scan3A_207 : i32 to index
        %get3A_351 = arith.constant 160 : index
        %get3A_352 = tpu.vector_load %arg5[%get3A_350, %get3A_351] {strides = array<i32>} : memref<32x768xf32, #tpu.memory_space<vmem>>, vector<1x16xf32>,
        %get3A_353 = vector.shape_cast %get3A_352 : vector<1x16xf32> to vector<16xf32>
        %add3A_354 = arith.addf %get3A_349, %get3A_353 : vector<16xf32>
        %swap3A_355 = arith.index_cast %scan3A_207 : i32 to index
        %swap3A_356 = arith.constant 160 : index
        %swap3A_357 = tpu.vector_load %arg9[%swap3A_355, %swap3A_356] {strides = array<i32>} : memref<32x768xf32, #tpu.memory_space<vmem>>, vector<1x16xf32>,
        %swap3A_358 = vector.shape_cast %swap3A_357 : vector<1x16xf32> to vector<16xf32>
        %swap3A_359 = vector.shape_cast %add3A_354 : vector<16xf32> to vector<1x16xf32>
        tpu.vector_store %arg9[%swap3A_355, %swap3A_356], %swap3A_359 {strides = array<i32>} : memref<32x768xf32, #tpu.memory_space<vmem>>, vector<1x16xf32>,
        %get3A_360 = arith.index_cast %scan3A_207 : i32 to index
        %get3A_361 = arith.constant 176 : index
        %get3A_362 = tpu.vector_load %arg7[%get3A_360, %get3A_361] {strides = array<i32>} : memref<32x768xf32, #tpu.memory_space<vmem>>, vector<1x16xf32>,
        %get3A_363 = vector.shape_cast %get3A_362 : vector<1x16xf32> to vector<16xf32>
        %get3A_364 = arith.index_cast %scan3A_207 : i32 to index
        %get3A_365 = arith.constant 176 : index
        %get3A_366 = tpu.vector_load %arg5[%get3A_364, %get3A_365] {strides = array<i32>} : memref<32x768xf32, #tpu.memory_space<vmem>>, vector<1x16xf32>,
        %get3A_367 = vector.shape_cast %get3A_366 : vector<1x16xf32> to vector<16xf32>
        %add3A_368 = arith.addf %get3A_363, %get3A_367 : vector<16xf32>
        %swap3A_369 = arith.index_cast %scan3A_207 : i32 to index
        %swap3A_370 = arith.constant 176 : index
        %swap3A_371 = tpu.vector_load %arg9[%swap3A_369, %swap3A_370] {strides = array<i32>} : memref<32x768xf32, #tpu.memory_space<vmem>>, vector<1x16xf32>,
        %swap3A_372 = vector.shape_cast %swap3A_371 : vector<1x16xf32> to vector<16xf32>
        %swap3A_373 = vector.shape_cast %add3A_368 : vector<16xf32> to vector<1x16xf32>
        tpu.vector_store %arg9[%swap3A_369, %swap3A_370], %swap3A_373 {strides = array<i32>} : memref<32x768xf32, #tpu.memory_space<vmem>>, vector<1x16xf32>,
        %get3A_374 = arith.index_cast %scan3A_207 : i32 to index
        %get3A_375 = arith.constant 192 : index
        %get3A_376 = tpu.vector_load %arg7[%get3A_374, %get3A_375] {strides = array<i32>} : memref<32x768xf32, #tpu.memory_space<vmem>>, vector<1x16xf32>,
        %get3A_377 = vector.shape_cast %get3A_376 : vector<1x16xf32> to vector<16xf32>
        %get3A_378 = arith.index_cast %scan3A_207 : i32 to index
        %get3A_379 = arith.constant 192 : index
        %get3A_380 = tpu.vector_load %arg5[%get3A_378, %get3A_379] {strides = array<i32>} : memref<32x768xf32, #tpu.memory_space<vmem>>, vector<1x16xf32>,
        %get3A_381 = vector.shape_cast %get3A_380 : vector<1x16xf32> to vector<16xf32>
        %add3A_382 = arith.addf %get3A_377, %get3A_381 : vector<16xf32>
        %swap3A_383 = arith.index_cast %scan3A_207 : i32 to index
        %swap3A_384 = arith.constant 192 : index
        %swap3A_385 = tpu.vector_load %arg9[%swap3A_383, %swap3A_384] {strides = array<i32>} : memref<32x768xf32, #tpu.memory_space<vmem>>, vector<1x16xf32>,
        %swap3A_386 = vector.shape_cast %swap3A_385 : vector<1x16xf32> to vector<16xf32>
        %swap3A_387 = vector.shape_cast %add3A_382 : vector<16xf32> to vector<1x16xf32>
        tpu.vector_store %arg9[%swap3A_383, %swap3A_384], %swap3A_387 {strides = array<i32>} : memref<32x768xf32, #tpu.memory_space<vmem>>, vector<1x16xf32>,
        %get3A_388 = arith.index_cast %scan3A_207 : i32 to index
        %get3A_389 = arith.constant 208 : index
        %get3A_390 = tpu.vector_load %arg7[%get3A_388, %get3A_389] {strides = array<i32>} : memref<32x768xf32, #tpu.memory_space<vmem>>, vector<1x16xf32>,
        %get3A_391 = vector.shape_cast %get3A_390 : vector<1x16xf32> to vector<16xf32>
        %get3A_392 = arith.index_cast %scan3A_207 : i32 to index
        %get3A_393 = arith.constant 208 : index
        %get3A_394 = tpu.vector_load %arg5[%get3A_392, %get3A_393] {strides = array<i32>} : memref<32x768xf32, #tpu.memory_space<vmem>>, vector<1x16xf32>,
        %get3A_395 = vector.shape_cast %get3A_394 : vector<1x16xf32> to vector<16xf32>
        %add3A_396 = arith.addf %get3A_391, %get3A_395 : vector<16xf32>
        %swap3A_397 = arith.index_cast %scan3A_207 : i32 to index
        %swap3A_398 = arith.constant 208 : index
        %swap3A_399 = tpu.vector_load %arg9[%swap3A_397, %swap3A_398] {strides = array<i32>} : memref<32x768xf32, #tpu.memory_space<vmem>>, vector<1x16xf32>,
        %swap3A_400 = vector.shape_cast %swap3A_399 : vector<1x16xf32> to vector<16xf32>
        %swap3A_401 = vector.shape_cast %add3A_396 : vector<16xf32> to vector<1x16xf32>
        tpu.vector_store %arg9[%swap3A_397, %swap3A_398], %swap3A_401 {strides = array<i32>} : memref<32x768xf32, #tpu.memory_space<vmem>>, vector<1x16xf32>,
        %get3A_402 = arith.index_cast %scan3A_207 : i32 to index
        %get3A_403 = arith.constant 224 : index
        %get3A_404 = tpu.vector_load %arg7[%get3A_402, %get3A_403] {strides = array<i32>} : memref<32x768xf32, #tpu.memory_space<vmem>>, vector<1x16xf32>,
        %get3A_405 = vector.shape_cast %get3A_404 : vector<1x16xf32> to vector<16xf32>
        %get3A_406 = arith.index_cast %scan3A_207 : i32 to index
        %get3A_407 = arith.constant 224 : index
        %get3A_408 = tpu.vector_load %arg5[%get3A_406, %get3A_407] {strides = array<i32>} : memref<32x768xf32, #tpu.memory_space<vmem>>, vector<1x16xf32>,
        %get3A_409 = vector.shape_cast %get3A_408 : vector<1x16xf32> to vector<16xf32>
        %add3A_410 = arith.addf %get3A_405, %get3A_409 : vector<16xf32>
        %swap3A_411 = arith.index_cast %scan3A_207 : i32 to index
        %swap3A_412 = arith.constant 224 : index
        %swap3A_413 = tpu.vector_load %arg9[%swap3A_411, %swap3A_412] {strides = array<i32>} : memref<32x768xf32, #tpu.memory_space<vmem>>, vector<1x16xf32>,
        %swap3A_414 = vector.shape_cast %swap3A_413 : vector<1x16xf32> to vector<16xf32>
        %swap3A_415 = vector.shape_cast %add3A_410 : vector<16xf32> to vector<1x16xf32>
        tpu.vector_store %arg9[%swap3A_411, %swap3A_412], %swap3A_415 {strides = array<i32>} : memref<32x768xf32, #tpu.memory_space<vmem>>, vector<1x16xf32>,
        %get3A_416 = arith.index_cast %scan3A_207 : i32 to index
        %get3A_417 = arith.constant 240 : index
        %get3A_418 = tpu.vector_load %arg7[%get3A_416, %get3A_417] {strides = array<i32>} : memref<32x768xf32, #tpu.memory_space<vmem>>, vector<1x16xf32>,
        %get3A_419 = vector.shape_cast %get3A_418 : vector<1x16xf32> to vector<16xf32>
        %get3A_420 = arith.index_cast %scan3A_207 : i32 to index
        %get3A_421 = arith.constant 240 : index
        %get3A_422 = tpu.vector_load %arg5[%get3A_420, %get3A_421] {strides = array<i32>} : memref<32x768xf32, #tpu.memory_space<vmem>>, vector<1x16xf32>,
        %get3A_423 = vector.shape_cast %get3A_422 : vector<1x16xf32> to vector<16xf32>
        %add3A_424 = arith.addf %get3A_419, %get3A_423 : vector<16xf32>
        %swap3A_425 = arith.index_cast %scan3A_207 : i32 to index
        %swap3A_426 = arith.constant 240 : index
        %swap3A_427 = tpu.vector_load %arg9[%swap3A_425, %swap3A_426] {strides = array<i32>} : memref<32x768xf32, #tpu.memory_space<vmem>>, vector<1x16xf32>,
        %swap3A_428 = vector.shape_cast %swap3A_427 : vector<1x16xf32> to vector<16xf32>
        %swap3A_429 = vector.shape_cast %add3A_424 : vector<16xf32> to vector<1x16xf32>
        tpu.vector_store %arg9[%swap3A_425, %swap3A_426], %swap3A_429 {strides = array<i32>} : memref<32x768xf32, #tpu.memory_space<vmem>>, vector<1x16xf32>,
        %get3A_430 = arith.index_cast %scan3A_207 : i32 to index
        %get3A_431 = arith.constant 256 : index
        %get3A_432 = tpu.vector_load %arg7[%get3A_430, %get3A_431] {strides = array<i32>} : memref<32x768xf32, #tpu.memory_space<vmem>>, vector<1x16xf32>,
        %get3A_433 = vector.shape_cast %get3A_432 : vector<1x16xf32> to vector<16xf32>
        %get3A_434 = arith.index_cast %scan3A_207 : i32 to index
        %get3A_435 = arith.constant 256 : index
        %get3A_436 = tpu.vector_load %arg5[%get3A_434, %get3A_435] {strides = array<i32>} : memref<32x768xf32, #tpu.memory_space<vmem>>, vector<1x16xf32>,
        %get3A_437 = vector.shape_cast %get3A_436 : vector<1x16xf32> to vector<16xf32>
        %add3A_438 = arith.addf %get3A_433, %get3A_437 : vector<16xf32>
        %swap3A_439 = arith.index_cast %scan3A_207 : i32 to index
        %swap3A_440 = arith.constant 256 : index
        %swap3A_441 = tpu.vector_load %arg9[%swap3A_439, %swap3A_440] {strides = array<i32>} : memref<32x768xf32, #tpu.memory_space<vmem>>, vector<1x16xf32>,
        %swap3A_442 = vector.shape_cast %swap3A_441 : vector<1x16xf32> to vector<16xf32>
        %swap3A_443 = vector.shape_cast %add3A_438 : vector<16xf32> to vector<1x16xf32>
        tpu.vector_store %arg9[%swap3A_439, %swap3A_440], %swap3A_443 {strides = array<i32>} : memref<32x768xf32, #tpu.memory_space<vmem>>, vector<1x16xf32>,
        %get3A_444 = arith.index_cast %scan3A_207 : i32 to index
        %get3A_445 = arith.constant 272 : index
        %get3A_446 = tpu.vector_load %arg7[%get3A_444, %get3A_445] {strides = array<i32>} : memref<32x768xf32, #tpu.memory_space<vmem>>, vector<1x16xf32>,
        %get3A_447 = vector.shape_cast %get3A_446 : vector<1x16xf32> to vector<16xf32>
        %get3A_448 = arith.index_cast %scan3A_207 : i32 to index
        %get3A_449 = arith.constant 272 : index
        %get3A_450 = tpu.vector_load %arg5[%get3A_448, %get3A_449] {strides = array<i32>} : memref<32x768xf32, #tpu.memory_space<vmem>>, vector<1x16xf32>,
        %get3A_451 = vector.shape_cast %get3A_450 : vector<1x16xf32> to vector<16xf32>
        %add3A_452 = arith.addf %get3A_447, %get3A_451 : vector<16xf32>
        %swap3A_453 = arith.index_cast %scan3A_207 : i32 to index
        %swap3A_454 = arith.constant 272 : index
        %swap3A_455 = tpu.vector_load %arg9[%swap3A_453, %swap3A_454] {strides = array<i32>} : memref<32x768xf32, #tpu.memory_space<vmem>>, vector<1x16xf32>,
        %swap3A_456 = vector.shape_cast %swap3A_455 : vector<1x16xf32> to vector<16xf32>
        %swap3A_457 = vector.shape_cast %add3A_452 : vector<16xf32> to vector<1x16xf32>
        tpu.vector_store %arg9[%swap3A_453, %swap3A_454], %swap3A_457 {strides = array<i32>} : memref<32x768xf32, #tpu.memory_space<vmem>>, vector<1x16xf32>,
        %get3A_458 = arith.index_cast %scan3A_207 : i32 to index
        %get3A_459 = arith.constant 288 : index
        %get3A_460 = tpu.vector_load %arg7[%get3A_458, %get3A_459] {strides = array<i32>} : memref<32x768xf32, #tpu.memory_space<vmem>>, vector<1x16xf32>,
        %get3A_461 = vector.shape_cast %get3A_460 : vector<1x16xf32> to vector<16xf32>
        %get3A_462 = arith.index_cast %scan3A_207 : i32 to index
        %get3A_463 = arith.constant 288 : index
        %get3A_464 = tpu.vector_load %arg5[%get3A_462, %get3A_463] {strides = array<i32>} : memref<32x768xf32, #tpu.memory_space<vmem>>, vector<1x16xf32>,
        %get3A_465 = vector.shape_cast %get3A_464 : vector<1x16xf32> to vector<16xf32>
        %add3A_466 = arith.addf %get3A_461, %get3A_465 : vector<16xf32>
        %swap3A_467 = arith.index_cast %scan3A_207 : i32 to index
        %swap3A_468 = arith.constant 288 : index
        %swap3A_469 = tpu.vector_load %arg9[%swap3A_467, %swap3A_468] {strides = array<i32>} : memref<32x768xf32, #tpu.memory_space<vmem>>, vector<1x16xf32>,
        %swap3A_470 = vector.shape_cast %swap3A_469 : vector<1x16xf32> to vector<16xf32>
        %swap3A_471 = vector.shape_cast %add3A_466 : vector<16xf32> to vector<1x16xf32>
        tpu.vector_store %arg9[%swap3A_467, %swap3A_468], %swap3A_471 {strides = array<i32>} : memref<32x768xf32, #tpu.memory_space<vmem>>, vector<1x16xf32>,
        %get3A_472 = arith.index_cast %scan3A_207 : i32 to index
        %get3A_473 = arith.constant 304 : index
        %get3A_474 = tpu.vector_load %arg7[%get3A_472, %get3A_473] {strides = array<i32>} : memref<32x768xf32, #tpu.memory_space<vmem>>, vector<1x16xf32>,
        %get3A_475 = vector.shape_cast %get3A_474 : vector<1x16xf32> to vector<16xf32>
        %get3A_476 = arith.index_cast %scan3A_207 : i32 to index
        %get3A_477 = arith.constant 304 : index
        %get3A_478 = tpu.vector_load %arg5[%get3A_476, %get3A_477] {strides = array<i32>} : memref<32x768xf32, #tpu.memory_space<vmem>>, vector<1x16xf32>,
        %get3A_479 = vector.shape_cast %get3A_478 : vector<1x16xf32> to vector<16xf32>
        %add3A_480 = arith.addf %get3A_475, %get3A_479 : vector<16xf32>
        %swap3A_481 = arith.index_cast %scan3A_207 : i32 to index
        %swap3A_482 = arith.constant 304 : index
        %swap3A_483 = tpu.vector_load %arg9[%swap3A_481, %swap3A_482] {strides = array<i32>} : memref<32x768xf32, #tpu.memory_space<vmem>>, vector<1x16xf32>,
        %swap3A_484 = vector.shape_cast %swap3A_483 : vector<1x16xf32> to vector<16xf32>
        %swap3A_485 = vector.shape_cast %add3A_480 : vector<16xf32> to vector<1x16xf32>
        tpu.vector_store %arg9[%swap3A_481, %swap3A_482], %swap3A_485 {strides = array<i32>} : memref<32x768xf32, #tpu.memory_space<vmem>>, vector<1x16xf32>,
        %get3A_486 = arith.index_cast %scan3A_207 : i32 to index
        %get3A_487 = arith.constant 320 : index
        %get3A_488 = tpu.vector_load %arg7[%get3A_486, %get3A_487] {strides = array<i32>} : memref<32x768xf32, #tpu.memory_space<vmem>>, vector<1x16xf32>,
        %get3A_489 = vector.shape_cast %get3A_488 : vector<1x16xf32> to vector<16xf32>
        %get3A_490 = arith.index_cast %scan3A_207 : i32 to index
        %get3A_491 = arith.constant 320 : index
        %get3A_492 = tpu.vector_load %arg5[%get3A_490, %get3A_491] {strides = array<i32>} : memref<32x768xf32, #tpu.memory_space<vmem>>, vector<1x16xf32>,
        %get3A_493 = vector.shape_cast %get3A_492 : vector<1x16xf32> to vector<16xf32>
        %add3A_494 = arith.addf %get3A_489, %get3A_493 : vector<16xf32>
        %swap3A_495 = arith.index_cast %scan3A_207 : i32 to index
        %swap3A_496 = arith.constant 320 : index
        %swap3A_497 = tpu.vector_load %arg9[%swap3A_495, %swap3A_496] {strides = array<i32>} : memref<32x768xf32, #tpu.memory_space<vmem>>, vector<1x16xf32>,
        %swap3A_498 = vector.shape_cast %swap3A_497 : vector<1x16xf32> to vector<16xf32>
        %swap3A_499 = vector.shape_cast %add3A_494 : vector<16xf32> to vector<1x16xf32>
        tpu.vector_store %arg9[%swap3A_495, %swap3A_496], %swap3A_499 {strides = array<i32>} : memref<32x768xf32, #tpu.memory_space<vmem>>, vector<1x16xf32>,
        %get3A_500 = arith.index_cast %scan3A_207 : i32 to index
        %get3A_501 = arith.constant 336 : index
        %get3A_502 = tpu.vector_load %arg7[%get3A_500, %get3A_501] {strides = array<i32>} : memref<32x768xf32, #tpu.memory_space<vmem>>, vector<1x16xf32>,
        %get3A_503 = vector.shape_cast %get3A_502 : vector<1x16xf32> to vector<16xf32>
        %get3A_504 = arith.index_cast %scan3A_207 : i32 to index
        %get3A_505 = arith.constant 336 : index
        %get3A_506 = tpu.vector_load %arg5[%get3A_504, %get3A_505] {strides = array<i32>} : memref<32x768xf32, #tpu.memory_space<vmem>>, vector<1x16xf32>,
        %get3A_507 = vector.shape_cast %get3A_506 : vector<1x16xf32> to vector<16xf32>
        %add3A_508 = arith.addf %get3A_503, %get3A_507 : vector<16xf32>
        %swap3A_509 = arith.index_cast %scan3A_207 : i32 to index
        %swap3A_510 = arith.constant 336 : index
        %swap3A_511 = tpu.vector_load %arg9[%swap3A_509, %swap3A_510] {strides = array<i32>} : memref<32x768xf32, #tpu.memory_space<vmem>>, vector<1x16xf32>,
        %swap3A_512 = vector.shape_cast %swap3A_511 : vector<1x16xf32> to vector<16xf32>
        %swap3A_513 = vector.shape_cast %add3A_508 : vector<16xf32> to vector<1x16xf32>
        tpu.vector_store %arg9[%swap3A_509, %swap3A_510], %swap3A_513 {strides = array<i32>} : memref<32x768xf32, #tpu.memory_space<vmem>>, vector<1x16xf32>,
        %get3A_514 = arith.index_cast %scan3A_207 : i32 to index
        %get3A_515 = arith.constant 352 : index
        %get3A_516 = tpu.vector_load %arg7[%get3A_514, %get3A_515] {strides = array<i32>} : memref<32x768xf32, #tpu.memory_space<vmem>>, vector<1x16xf32>,
        %get3A_517 = vector.shape_cast %get3A_516 : vector<1x16xf32> to vector<16xf32>
        %get3A_518 = arith.index_cast %scan3A_207 : i32 to index
        %get3A_519 = arith.constant 352 : index
        %get3A_520 = tpu.vector_load %arg5[%get3A_518, %get3A_519] {strides = array<i32>} : memref<32x768xf32, #tpu.memory_space<vmem>>, vector<1x16xf32>,
        %get3A_521 = vector.shape_cast %get3A_520 : vector<1x16xf32> to vector<16xf32>
        %add3A_522 = arith.addf %get3A_517, %get3A_521 : vector<16xf32>
        %swap3A_523 = arith.index_cast %scan3A_207 : i32 to index
        %swap3A_524 = arith.constant 352 : index
        %swap3A_525 = tpu.vector_load %arg9[%swap3A_523, %swap3A_524] {strides = array<i32>} : memref<32x768xf32, #tpu.memory_space<vmem>>, vector<1x16xf32>,
        %swap3A_526 = vector.shape_cast %swap3A_525 : vector<1x16xf32> to vector<16xf32>
        %swap3A_527 = vector.shape_cast %add3A_522 : vector<16xf32> to vector<1x16xf32>
        tpu.vector_store %arg9[%swap3A_523, %swap3A_524], %swap3A_527 {strides = array<i32>} : memref<32x768xf32, #tpu.memory_space<vmem>>, vector<1x16xf32>,
        %get3A_528 = arith.index_cast %scan3A_207 : i32 to index
        %get3A_529 = arith.constant 368 : index
        %get3A_530 = tpu.vector_load %arg7[%get3A_528, %get3A_529] {strides = array<i32>} : memref<32x768xf32, #tpu.memory_space<vmem>>, vector<1x16xf32>,
        %get3A_531 = vector.shape_cast %get3A_530 : vector<1x16xf32> to vector<16xf32>
        %get3A_532 = arith.index_cast %scan3A_207 : i32 to index
        %get3A_533 = arith.constant 368 : index
        %get3A_534 = tpu.vector_load %arg5[%get3A_532, %get3A_533] {strides = array<i32>} : memref<32x768xf32, #tpu.memory_space<vmem>>, vector<1x16xf32>,
        %get3A_535 = vector.shape_cast %get3A_534 : vector<1x16xf32> to vector<16xf32>
        %add3A_536 = arith.addf %get3A_531, %get3A_535 : vector<16xf32>
        %swap3A_537 = arith.index_cast %scan3A_207 : i32 to index
        %swap3A_538 = arith.constant 368 : index
        %swap3A_539 = tpu.vector_load %arg9[%swap3A_537, %swap3A_538] {strides = array<i32>} : memref<32x768xf32, #tpu.memory_space<vmem>>, vector<1x16xf32>,
        %swap3A_540 = vector.shape_cast %swap3A_539 : vector<1x16xf32> to vector<16xf32>
        %swap3A_541 = vector.shape_cast %add3A_536 : vector<16xf32> to vector<1x16xf32>
        tpu.vector_store %arg9[%swap3A_537, %swap3A_538], %swap3A_541 {strides = array<i32>} : memref<32x768xf32, #tpu.memory_space<vmem>>, vector<1x16xf32>,
        %get3A_542 = arith.index_cast %scan3A_207 : i32 to index
        %get3A_543 = arith.constant 384 : index
        %get3A_544 = tpu.vector_load %arg7[%get3A_542, %get3A_543] {strides = array<i32>} : memref<32x768xf32, #tpu.memory_space<vmem>>, vector<1x16xf32>,
        %get3A_545 = vector.shape_cast %get3A_544 : vector<1x16xf32> to vector<16xf32>
        %get3A_546 = arith.index_cast %scan3A_207 : i32 to index
        %get3A_547 = arith.constant 384 : index
        %get3A_548 = tpu.vector_load %arg5[%get3A_546, %get3A_547] {strides = array<i32>} : memref<32x768xf32, #tpu.memory_space<vmem>>, vector<1x16xf32>,
        %get3A_549 = vector.shape_cast %get3A_548 : vector<1x16xf32> to vector<16xf32>
        %add3A_550 = arith.addf %get3A_545, %get3A_549 : vector<16xf32>
        %swap3A_551 = arith.index_cast %scan3A_207 : i32 to index
        %swap3A_552 = arith.constant 384 : index
        %swap3A_553 = tpu.vector_load %arg9[%swap3A_551, %swap3A_552] {strides = array<i32>} : memref<32x768xf32, #tpu.memory_space<vmem>>, vector<1x16xf32>,
        %swap3A_554 = vector.shape_cast %swap3A_553 : vector<1x16xf32> to vector<16xf32>
        %swap3A_555 = vector.shape_cast %add3A_550 : vector<16xf32> to vector<1x16xf32>
        tpu.vector_store %arg9[%swap3A_551, %swap3A_552], %swap3A_555 {strides = array<i32>} : memref<32x768xf32, #tpu.memory_space<vmem>>, vector<1x16xf32>,
        %get3A_556 = arith.index_cast %scan3A_207 : i32 to index
        %get3A_557 = arith.constant 400 : index
        %get3A_558 = tpu.vector_load %arg7[%get3A_556, %get3A_557] {strides = array<i32>} : memref<32x768xf32, #tpu.memory_space<vmem>>, vector<1x16xf32>,
        %get3A_559 = vector.shape_cast %get3A_558 : vector<1x16xf32> to vector<16xf32>
        %get3A_560 = arith.index_cast %scan3A_207 : i32 to index
        %get3A_561 = arith.constant 400 : index
        %get3A_562 = tpu.vector_load %arg5[%get3A_560, %get3A_561] {strides = array<i32>} : memref<32x768xf32, #tpu.memory_space<vmem>>, vector<1x16xf32>,
        %get3A_563 = vector.shape_cast %get3A_562 : vector<1x16xf32> to vector<16xf32>
        %add3A_564 = arith.addf %get3A_559, %get3A_563 : vector<16xf32>
        %swap3A_565 = arith.index_cast %scan3A_207 : i32 to index
        %swap3A_566 = arith.constant 400 : index
        %swap3A_567 = tpu.vector_load %arg9[%swap3A_565, %swap3A_566] {strides = array<i32>} : memref<32x768xf32, #tpu.memory_space<vmem>>, vector<1x16xf32>,
        %swap3A_568 = vector.shape_cast %swap3A_567 : vector<1x16xf32> to vector<16xf32>
        %swap3A_569 = vector.shape_cast %add3A_564 : vector<16xf32> to vector<1x16xf32>
        tpu.vector_store %arg9[%swap3A_565, %swap3A_566], %swap3A_569 {strides = array<i32>} : memref<32x768xf32, #tpu.memory_space<vmem>>, vector<1x16xf32>,
        %get3A_570 = arith.index_cast %scan3A_207 : i32 to index
        %get3A_571 = arith.constant 416 : index
        %get3A_572 = tpu.vector_load %arg7[%get3A_570, %get3A_571] {strides = array<i32>} : memref<32x768xf32, #tpu.memory_space<vmem>>, vector<1x16xf32>,
        %get3A_573 = vector.shape_cast %get3A_572 : vector<1x16xf32> to vector<16xf32>
        %get3A_574 = arith.index_cast %scan3A_207 : i32 to index
        %get3A_575 = arith.constant 416 : index
        %get3A_576 = tpu.vector_load %arg5[%get3A_574, %get3A_575] {strides = array<i32>} : memref<32x768xf32, #tpu.memory_space<vmem>>, vector<1x16xf32>,
        %get3A_577 = vector.shape_cast %get3A_576 : vector<1x16xf32> to vector<16xf32>
        %add3A_578 = arith.addf %get3A_573, %get3A_577 : vector<16xf32>
        %swap3A_579 = arith.index_cast %scan3A_207 : i32 to index
        %swap3A_580 = arith.constant 416 : index
        %swap3A_581 = tpu.vector_load %arg9[%swap3A_579, %swap3A_580] {strides = array<i32>} : memref<32x768xf32, #tpu.memory_space<vmem>>, vector<1x16xf32>,
        %swap3A_582 = vector.shape_cast %swap3A_581 : vector<1x16xf32> to vector<16xf32>
        %swap3A_583 = vector.shape_cast %add3A_578 : vector<16xf32> to vector<1x16xf32>
        tpu.vector_store %arg9[%swap3A_579, %swap3A_580], %swap3A_583 {strides = array<i32>} : memref<32x768xf32, #tpu.memory_space<vmem>>, vector<1x16xf32>,
        %get3A_584 = arith.index_cast %scan3A_207 : i32 to index
        %get3A_585 = arith.constant 432 : index
        %get3A_586 = tpu.vector_load %arg7[%get3A_584, %get3A_585] {strides = array<i32>} : memref<32x768xf32, #tpu.memory_space<vmem>>, vector<1x16xf32>,
        %get3A_587 = vector.shape_cast %get3A_586 : vector<1x16xf32> to vector<16xf32>
        %get3A_588 = arith.index_cast %scan3A_207 : i32 to index
        %get3A_589 = arith.constant 432 : index
        %get3A_590 = tpu.vector_load %arg5[%get3A_588, %get3A_589] {strides = array<i32>} : memref<32x768xf32, #tpu.memory_space<vmem>>, vector<1x16xf32>,
        %get3A_591 = vector.shape_cast %get3A_590 : vector<1x16xf32> to vector<16xf32>
        %add3A_592 = arith.addf %get3A_587, %get3A_591 : vector<16xf32>
        %swap3A_593 = arith.index_cast %scan3A_207 : i32 to index
        %swap3A_594 = arith.constant 432 : index
        %swap3A_595 = tpu.vector_load %arg9[%swap3A_593, %swap3A_594] {strides = array<i32>} : memref<32x768xf32, #tpu.memory_space<vmem>>, vector<1x16xf32>,
        %swap3A_596 = vector.shape_cast %swap3A_595 : vector<1x16xf32> to vector<16xf32>
        %swap3A_597 = vector.shape_cast %add3A_592 : vector<16xf32> to vector<1x16xf32>
        tpu.vector_store %arg9[%swap3A_593, %swap3A_594], %swap3A_597 {strides = array<i32>} : memref<32x768xf32, #tpu.memory_space<vmem>>, vector<1x16xf32>,
        %get3A_598 = arith.index_cast %scan3A_207 : i32 to index
        %get3A_599 = arith.constant 448 : index
        %get3A_600 = tpu.vector_load %arg7[%get3A_598, %get3A_599] {strides = array<i32>} : memref<32x768xf32, #tpu.memory_space<vmem>>, vector<1x16xf32>,
        %get3A_601 = vector.shape_cast %get3A_600 : vector<1x16xf32> to vector<16xf32>
        %get3A_602 = arith.index_cast %scan3A_207 : i32 to index
        %get3A_603 = arith.constant 448 : index
        %get3A_604 = tpu.vector_load %arg5[%get3A_602, %get3A_603] {strides = array<i32>} : memref<32x768xf32, #tpu.memory_space<vmem>>, vector<1x16xf32>,
        %get3A_605 = vector.shape_cast %get3A_604 : vector<1x16xf32> to vector<16xf32>
        %add3A_606 = arith.addf %get3A_601, %get3A_605 : vector<16xf32>
        %swap3A_607 = arith.index_cast %scan3A_207 : i32 to index
        %swap3A_608 = arith.constant 448 : index
        %swap3A_609 = tpu.vector_load %arg9[%swap3A_607, %swap3A_608] {strides = array<i32>} : memref<32x768xf32, #tpu.memory_space<vmem>>, vector<1x16xf32>,
        %swap3A_610 = vector.shape_cast %swap3A_609 : vector<1x16xf32> to vector<16xf32>
        %swap3A_611 = vector.shape_cast %add3A_606 : vector<16xf32> to vector<1x16xf32>
        tpu.vector_store %arg9[%swap3A_607, %swap3A_608], %swap3A_611 {strides = array<i32>} : memref<32x768xf32, #tpu.memory_space<vmem>>, vector<1x16xf32>,
        %get3A_612 = arith.index_cast %scan3A_207 : i32 to index
        %get3A_613 = arith.constant 464 : index
        %get3A_614 = tpu.vector_load %arg7[%get3A_612, %get3A_613] {strides = array<i32>} : memref<32x768xf32, #tpu.memory_space<vmem>>, vector<1x16xf32>,
        %get3A_615 = vector.shape_cast %get3A_614 : vector<1x16xf32> to vector<16xf32>
        %get3A_616 = arith.index_cast %scan3A_207 : i32 to index
        %get3A_617 = arith.constant 464 : index
        %get3A_618 = tpu.vector_load %arg5[%get3A_616, %get3A_617] {strides = array<i32>} : memref<32x768xf32, #tpu.memory_space<vmem>>, vector<1x16xf32>,
        %get3A_619 = vector.shape_cast %get3A_618 : vector<1x16xf32> to vector<16xf32>
        %add3A_620 = arith.addf %get3A_615, %get3A_619 : vector<16xf32>
        %swap3A_621 = arith.index_cast %scan3A_207 : i32 to index
        %swap3A_622 = arith.constant 464 : index
        %swap3A_623 = tpu.vector_load %arg9[%swap3A_621, %swap3A_622] {strides = array<i32>} : memref<32x768xf32, #tpu.memory_space<vmem>>, vector<1x16xf32>,
        %swap3A_624 = vector.shape_cast %swap3A_623 : vector<1x16xf32> to vector<16xf32>
        %swap3A_625 = vector.shape_cast %add3A_620 : vector<16xf32> to vector<1x16xf32>
        tpu.vector_store %arg9[%swap3A_621, %swap3A_622], %swap3A_625 {strides = array<i32>} : memref<32x768xf32, #tpu.memory_space<vmem>>, vector<1x16xf32>,
        %get3A_626 = arith.index_cast %scan3A_207 : i32 to index
        %get3A_627 = arith.constant 480 : index
        %get3A_628 = tpu.vector_load %arg7[%get3A_626, %get3A_627] {strides = array<i32>} : memref<32x768xf32, #tpu.memory_space<vmem>>, vector<1x16xf32>,
        %get3A_629 = vector.shape_cast %get3A_628 : vector<1x16xf32> to vector<16xf32>
        %get3A_630 = arith.index_cast %scan3A_207 : i32 to index
        %get3A_631 = arith.constant 480 : index
        %get3A_632 = tpu.vector_load %arg5[%get3A_630, %get3A_631] {strides = array<i32>} : memref<32x768xf32, #tpu.memory_space<vmem>>, vector<1x16xf32>,
        %get3A_633 = vector.shape_cast %get3A_632 : vector<1x16xf32> to vector<16xf32>
        %add3A_634 = arith.addf %get3A_629, %get3A_633 : vector<16xf32>
        %swap3A_635 = arith.index_cast %scan3A_207 : i32 to index
        %swap3A_636 = arith.constant 480 : index
        %swap3A_637 = tpu.vector_load %arg9[%swap3A_635, %swap3A_636] {strides = array<i32>} : memref<32x768xf32, #tpu.memory_space<vmem>>, vector<1x16xf32>,
        %swap3A_638 = vector.shape_cast %swap3A_637 : vector<1x16xf32> to vector<16xf32>
        %swap3A_639 = vector.shape_cast %add3A_634 : vector<16xf32> to vector<1x16xf32>
        tpu.vector_store %arg9[%swap3A_635, %swap3A_636], %swap3A_639 {strides = array<i32>} : memref<32x768xf32, #tpu.memory_space<vmem>>, vector<1x16xf32>,
        %get3A_640 = arith.index_cast %scan3A_207 : i32 to index
        %get3A_641 = arith.constant 496 : index
        %get3A_642 = tpu.vector_load %arg7[%get3A_640, %get3A_641] {strides = array<i32>} : memref<32x768xf32, #tpu.memory_space<vmem>>, vector<1x16xf32>,
        %get3A_643 = vector.shape_cast %get3A_642 : vector<1x16xf32> to vector<16xf32>
        %get3A_644 = arith.index_cast %scan3A_207 : i32 to index
        %get3A_645 = arith.constant 496 : index
        %get3A_646 = tpu.vector_load %arg5[%get3A_644, %get3A_645] {strides = array<i32>} : memref<32x768xf32, #tpu.memory_space<vmem>>, vector<1x16xf32>,
        %get3A_647 = vector.shape_cast %get3A_646 : vector<1x16xf32> to vector<16xf32>
        %add3A_648 = arith.addf %get3A_643, %get3A_647 : vector<16xf32>
        %swap3A_649 = arith.index_cast %scan3A_207 : i32 to index
        %swap3A_650 = arith.constant 496 : index
        %swap3A_651 = tpu.vector_load %arg9[%swap3A_649, %swap3A_650] {strides = array<i32>} : memref<32x768xf32, #tpu.memory_space<vmem>>, vector<1x16xf32>,
        %swap3A_652 = vector.shape_cast %swap3A_651 : vector<1x16xf32> to vector<16xf32>
        %swap3A_653 = vector.shape_cast %add3A_648 : vector<16xf32> to vector<1x16xf32>
        tpu.vector_store %arg9[%swap3A_649, %swap3A_650], %swap3A_653 {strides = array<i32>} : memref<32x768xf32, #tpu.memory_space<vmem>>, vector<1x16xf32>,
        %get3A_654 = arith.index_cast %scan3A_207 : i32 to index
        %get3A_655 = arith.constant 512 : index
        %get3A_656 = tpu.vector_load %arg7[%get3A_654, %get3A_655] {strides = array<i32>} : memref<32x768xf32, #tpu.memory_space<vmem>>, vector<1x16xf32>,
        %get3A_657 = vector.shape_cast %get3A_656 : vector<1x16xf32> to vector<16xf32>
        %get3A_658 = arith.index_cast %scan3A_207 : i32 to index
        %get3A_659 = arith.constant 512 : index
        %get3A_660 = tpu.vector_load %arg5[%get3A_658, %get3A_659] {strides = array<i32>} : memref<32x768xf32, #tpu.memory_space<vmem>>, vector<1x16xf32>,
        %get3A_661 = vector.shape_cast %get3A_660 : vector<1x16xf32> to vector<16xf32>
        %add3A_662 = arith.addf %get3A_657, %get3A_661 : vector<16xf32>
        %swap3A_663 = arith.index_cast %scan3A_207 : i32 to index
        %swap3A_664 = arith.constant 512 : index
        %swap3A_665 = tpu.vector_load %arg9[%swap3A_663, %swap3A_664] {strides = array<i32>} : memref<32x768xf32, #tpu.memory_space<vmem>>, vector<1x16xf32>,
        %swap3A_666 = vector.shape_cast %swap3A_665 : vector<1x16xf32> to vector<16xf32>
        %swap3A_667 = vector.shape_cast %add3A_662 : vector<16xf32> to vector<1x16xf32>
        tpu.vector_store %arg9[%swap3A_663, %swap3A_664], %swap3A_667 {strides = array<i32>} : memref<32x768xf32, #tpu.memory_space<vmem>>, vector<1x16xf32>,
        %get3A_668 = arith.index_cast %scan3A_207 : i32 to index
        %get3A_669 = arith.constant 528 : index
        %get3A_670 = tpu.vector_load %arg7[%get3A_668, %get3A_669] {strides = array<i32>} : memref<32x768xf32, #tpu.memory_space<vmem>>, vector<1x16xf32>,
        %get3A_671 = vector.shape_cast %get3A_670 : vector<1x16xf32> to vector<16xf32>
        %get3A_672 = arith.index_cast %scan3A_207 : i32 to index
        %get3A_673 = arith.constant 528 : index
        %get3A_674 = tpu.vector_load %arg5[%get3A_672, %get3A_673] {strides = array<i32>} : memref<32x768xf32, #tpu.memory_space<vmem>>, vector<1x16xf32>,
        %get3A_675 = vector.shape_cast %get3A_674 : vector<1x16xf32> to vector<16xf32>
        %add3A_676 = arith.addf %get3A_671, %get3A_675 : vector<16xf32>
        %swap3A_677 = arith.index_cast %scan3A_207 : i32 to index
        %swap3A_678 = arith.constant 528 : index
        %swap3A_679 = tpu.vector_load %arg9[%swap3A_677, %swap3A_678] {strides = array<i32>} : memref<32x768xf32, #tpu.memory_space<vmem>>, vector<1x16xf32>,
        %swap3A_680 = vector.shape_cast %swap3A_679 : vector<1x16xf32> to vector<16xf32>
        %swap3A_681 = vector.shape_cast %add3A_676 : vector<16xf32> to vector<1x16xf32>
        tpu.vector_store %arg9[%swap3A_677, %swap3A_678], %swap3A_681 {strides = array<i32>} : memref<32x768xf32, #tpu.memory_space<vmem>>, vector<1x16xf32>,
        %get3A_682 = arith.index_cast %scan3A_207 : i32 to index
        %get3A_683 = arith.constant 544 : index
        %get3A_684 = tpu.vector_load %arg7[%get3A_682, %get3A_683] {strides = array<i32>} : memref<32x768xf32, #tpu.memory_space<vmem>>, vector<1x16xf32>,
        %get3A_685 = vector.shape_cast %get3A_684 : vector<1x16xf32> to vector<16xf32>
        %get3A_686 = arith.index_cast %scan3A_207 : i32 to index
        %get3A_687 = arith.constant 544 : index
        %get3A_688 = tpu.vector_load %arg5[%get3A_686, %get3A_687] {strides = array<i32>} : memref<32x768xf32, #tpu.memory_space<vmem>>, vector<1x16xf32>,
        %get3A_689 = vector.shape_cast %get3A_688 : vector<1x16xf32> to vector<16xf32>
        %add3A_690 = arith.addf %get3A_685, %get3A_689 : vector<16xf32>
        %swap3A_691 = arith.index_cast %scan3A_207 : i32 to index
        %swap3A_692 = arith.constant 544 : index
        %swap3A_693 = tpu.vector_load %arg9[%swap3A_691, %swap3A_692] {strides = array<i32>} : memref<32x768xf32, #tpu.memory_space<vmem>>, vector<1x16xf32>,
        %swap3A_694 = vector.shape_cast %swap3A_693 : vector<1x16xf32> to vector<16xf32>
        %swap3A_695 = vector.shape_cast %add3A_690 : vector<16xf32> to vector<1x16xf32>
        tpu.vector_store %arg9[%swap3A_691, %swap3A_692], %swap3A_695 {strides = array<i32>} : memref<32x768xf32, #tpu.memory_space<vmem>>, vector<1x16xf32>,
        %get3A_696 = arith.index_cast %scan3A_207 : i32 to index
        %get3A_697 = arith.constant 560 : index
        %get3A_698 = tpu.vector_load %arg7[%get3A_696, %get3A_697] {strides = array<i32>} : memref<32x768xf32, #tpu.memory_space<vmem>>, vector<1x16xf32>,
        %get3A_699 = vector.shape_cast %get3A_698 : vector<1x16xf32> to vector<16xf32>
        %get3A_700 = arith.index_cast %scan3A_207 : i32 to index
        %get3A_701 = arith.constant 560 : index
        %get3A_702 = tpu.vector_load %arg5[%get3A_700, %get3A_701] {strides = array<i32>} : memref<32x768xf32, #tpu.memory_space<vmem>>, vector<1x16xf32>,
        %get3A_703 = vector.shape_cast %get3A_702 : vector<1x16xf32> to vector<16xf32>
        %add3A_704 = arith.addf %get3A_699, %get3A_703 : vector<16xf32>
        %swap3A_705 = arith.index_cast %scan3A_207 : i32 to index
        %swap3A_706 = arith.constant 560 : index
        %swap3A_707 = tpu.vector_load %arg9[%swap3A_705, %swap3A_706] {strides = array<i32>} : memref<32x768xf32, #tpu.memory_space<vmem>>, vector<1x16xf32>,
        %swap3A_708 = vector.shape_cast %swap3A_707 : vector<1x16xf32> to vector<16xf32>
        %swap3A_709 = vector.shape_cast %add3A_704 : vector<16xf32> to vector<1x16xf32>
        tpu.vector_store %arg9[%swap3A_705, %swap3A_706], %swap3A_709 {strides = array<i32>} : memref<32x768xf32, #tpu.memory_space<vmem>>, vector<1x16xf32>,
        %get3A_710 = arith.index_cast %scan3A_207 : i32 to index
        %get3A_711 = arith.constant 576 : index
        %get3A_712 = tpu.vector_load %arg7[%get3A_710, %get3A_711] {strides = array<i32>} : memref<32x768xf32, #tpu.memory_space<vmem>>, vector<1x16xf32>,
        %get3A_713 = vector.shape_cast %get3A_712 : vector<1x16xf32> to vector<16xf32>
        %get3A_714 = arith.index_cast %scan3A_207 : i32 to index
        %get3A_715 = arith.constant 576 : index
        %get3A_716 = tpu.vector_load %arg5[%get3A_714, %get3A_715] {strides = array<i32>} : memref<32x768xf32, #tpu.memory_space<vmem>>, vector<1x16xf32>,
        %get3A_717 = vector.shape_cast %get3A_716 : vector<1x16xf32> to vector<16xf32>
        %add3A_718 = arith.addf %get3A_713, %get3A_717 : vector<16xf32>
        %swap3A_719 = arith.index_cast %scan3A_207 : i32 to index
        %swap3A_720 = arith.constant 576 : index
        %swap3A_721 = tpu.vector_load %arg9[%swap3A_719, %swap3A_720] {strides = array<i32>} : memref<32x768xf32, #tpu.memory_space<vmem>>, vector<1x16xf32>,
        %swap3A_722 = vector.shape_cast %swap3A_721 : vector<1x16xf32> to vector<16xf32>
        %swap3A_723 = vector.shape_cast %add3A_718 : vector<16xf32> to vector<1x16xf32>
        tpu.vector_store %arg9[%swap3A_719, %swap3A_720], %swap3A_723 {strides = array<i32>} : memref<32x768xf32, #tpu.memory_space<vmem>>, vector<1x16xf32>,
        %get3A_724 = arith.index_cast %scan3A_207 : i32 to index
        %get3A_725 = arith.constant 592 : index
        %get3A_726 = tpu.vector_load %arg7[%get3A_724, %get3A_725] {strides = array<i32>} : memref<32x768xf32, #tpu.memory_space<vmem>>, vector<1x16xf32>,
        %get3A_727 = vector.shape_cast %get3A_726 : vector<1x16xf32> to vector<16xf32>
        %get3A_728 = arith.index_cast %scan3A_207 : i32 to index
        %get3A_729 = arith.constant 592 : index
        %get3A_730 = tpu.vector_load %arg5[%get3A_728, %get3A_729] {strides = array<i32>} : memref<32x768xf32, #tpu.memory_space<vmem>>, vector<1x16xf32>,
        %get3A_731 = vector.shape_cast %get3A_730 : vector<1x16xf32> to vector<16xf32>
        %add3A_732 = arith.addf %get3A_727, %get3A_731 : vector<16xf32>
        %swap3A_733 = arith.index_cast %scan3A_207 : i32 to index
        %swap3A_734 = arith.constant 592 : index
        %swap3A_735 = tpu.vector_load %arg9[%swap3A_733, %swap3A_734] {strides = array<i32>} : memref<32x768xf32, #tpu.memory_space<vmem>>, vector<1x16xf32>,
        %swap3A_736 = vector.shape_cast %swap3A_735 : vector<1x16xf32> to vector<16xf32>
        %swap3A_737 = vector.shape_cast %add3A_732 : vector<16xf32> to vector<1x16xf32>
        tpu.vector_store %arg9[%swap3A_733, %swap3A_734], %swap3A_737 {strides = array<i32>} : memref<32x768xf32, #tpu.memory_space<vmem>>, vector<1x16xf32>,
        %get3A_738 = arith.index_cast %scan3A_207 : i32 to index
        %get3A_739 = arith.constant 608 : index
        %get3A_740 = tpu.vector_load %arg7[%get3A_738, %get3A_739] {strides = array<i32>} : memref<32x768xf32, #tpu.memory_space<vmem>>, vector<1x16xf32>,
        %get3A_741 = vector.shape_cast %get3A_740 : vector<1x16xf32> to vector<16xf32>
        %get3A_742 = arith.index_cast %scan3A_207 : i32 to index
        %get3A_743 = arith.constant 608 : index
        %get3A_744 = tpu.vector_load %arg5[%get3A_742, %get3A_743] {strides = array<i32>} : memref<32x768xf32, #tpu.memory_space<vmem>>, vector<1x16xf32>,
        %get3A_745 = vector.shape_cast %get3A_744 : vector<1x16xf32> to vector<16xf32>
        %add3A_746 = arith.addf %get3A_741, %get3A_745 : vector<16xf32>
        %swap3A_747 = arith.index_cast %scan3A_207 : i32 to index
        %swap3A_748 = arith.constant 608 : index
        %swap3A_749 = tpu.vector_load %arg9[%swap3A_747, %swap3A_748] {strides = array<i32>} : memref<32x768xf32, #tpu.memory_space<vmem>>, vector<1x16xf32>,
        %swap3A_750 = vector.shape_cast %swap3A_749 : vector<1x16xf32> to vector<16xf32>
        %swap3A_751 = vector.shape_cast %add3A_746 : vector<16xf32> to vector<1x16xf32>
        tpu.vector_store %arg9[%swap3A_747, %swap3A_748], %swap3A_751 {strides = array<i32>} : memref<32x768xf32, #tpu.memory_space<vmem>>, vector<1x16xf32>,
        %get3A_752 = arith.index_cast %scan3A_207 : i32 to index
        %get3A_753 = arith.constant 624 : index
        %get3A_754 = tpu.vector_load %arg7[%get3A_752, %get3A_753] {strides = array<i32>} : memref<32x768xf32, #tpu.memory_space<vmem>>, vector<1x16xf32>,
        %get3A_755 = vector.shape_cast %get3A_754 : vector<1x16xf32> to vector<16xf32>
        %get3A_756 = arith.index_cast %scan3A_207 : i32 to index
        %get3A_757 = arith.constant 624 : index
        %get3A_758 = tpu.vector_load %arg5[%get3A_756, %get3A_757] {strides = array<i32>} : memref<32x768xf32, #tpu.memory_space<vmem>>, vector<1x16xf32>,
        %get3A_759 = vector.shape_cast %get3A_758 : vector<1x16xf32> to vector<16xf32>
        %add3A_760 = arith.addf %get3A_755, %get3A_759 : vector<16xf32>
        %swap3A_761 = arith.index_cast %scan3A_207 : i32 to index
        %swap3A_762 = arith.constant 624 : index
        %swap3A_763 = tpu.vector_load %arg9[%swap3A_761, %swap3A_762] {strides = array<i32>} : memref<32x768xf32, #tpu.memory_space<vmem>>, vector<1x16xf32>,
        %swap3A_764 = vector.shape_cast %swap3A_763 : vector<1x16xf32> to vector<16xf32>
        %swap3A_765 = vector.shape_cast %add3A_760 : vector<16xf32> to vector<1x16xf32>
        tpu.vector_store %arg9[%swap3A_761, %swap3A_762], %swap3A_765 {strides = array<i32>} : memref<32x768xf32, #tpu.memory_space<vmem>>, vector<1x16xf32>,
        %get3A_766 = arith.index_cast %scan3A_207 : i32 to index
        %get3A_767 = arith.constant 640 : index
        %get3A_768 = tpu.vector_load %arg7[%get3A_766, %get3A_767] {strides = array<i32>} : memref<32x768xf32, #tpu.memory_space<vmem>>, vector<1x16xf32>,
        %get3A_769 = vector.shape_cast %get3A_768 : vector<1x16xf32> to vector<16xf32>
        %get3A_770 = arith.index_cast %scan3A_207 : i32 to index
        %get3A_771 = arith.constant 640 : index
        %get3A_772 = tpu.vector_load %arg5[%get3A_770, %get3A_771] {strides = array<i32>} : memref<32x768xf32, #tpu.memory_space<vmem>>, vector<1x16xf32>,
        %get3A_773 = vector.shape_cast %get3A_772 : vector<1x16xf32> to vector<16xf32>
        %add3A_774 = arith.addf %get3A_769, %get3A_773 : vector<16xf32>
        %swap3A_775 = arith.index_cast %scan3A_207 : i32 to index
        %swap3A_776 = arith.constant 640 : index
        %swap3A_777 = tpu.vector_load %arg9[%swap3A_775, %swap3A_776] {strides = array<i32>} : memref<32x768xf32, #tpu.memory_space<vmem>>, vector<1x16xf32>,
        %swap3A_778 = vector.shape_cast %swap3A_777 : vector<1x16xf32> to vector<16xf32>
        %swap3A_779 = vector.shape_cast %add3A_774 : vector<16xf32> to vector<1x16xf32>
        tpu.vector_store %arg9[%swap3A_775, %swap3A_776], %swap3A_779 {strides = array<i32>} : memref<32x768xf32, #tpu.memory_space<vmem>>, vector<1x16xf32>,
        %get3A_780 = arith.index_cast %scan3A_207 : i32 to index
        %get3A_781 = arith.constant 656 : index
        %get3A_782 = tpu.vector_load %arg7[%get3A_780, %get3A_781] {strides = array<i32>} : memref<32x768xf32, #tpu.memory_space<vmem>>, vector<1x16xf32>,
        %get3A_783 = vector.shape_cast %get3A_782 : vector<1x16xf32> to vector<16xf32>
        %get3A_784 = arith.index_cast %scan3A_207 : i32 to index
        %get3A_785 = arith.constant 656 : index
        %get3A_786 = tpu.vector_load %arg5[%get3A_784, %get3A_785] {strides = array<i32>} : memref<32x768xf32, #tpu.memory_space<vmem>>, vector<1x16xf32>,
        %get3A_787 = vector.shape_cast %get3A_786 : vector<1x16xf32> to vector<16xf32>
        %add3A_788 = arith.addf %get3A_783, %get3A_787 : vector<16xf32>
        %swap3A_789 = arith.index_cast %scan3A_207 : i32 to index
        %swap3A_790 = arith.constant 656 : index
        %swap3A_791 = tpu.vector_load %arg9[%swap3A_789, %swap3A_790] {strides = array<i32>} : memref<32x768xf32, #tpu.memory_space<vmem>>, vector<1x16xf32>,
        %swap3A_792 = vector.shape_cast %swap3A_791 : vector<1x16xf32> to vector<16xf32>
        %swap3A_793 = vector.shape_cast %add3A_788 : vector<16xf32> to vector<1x16xf32>
        tpu.vector_store %arg9[%swap3A_789, %swap3A_790], %swap3A_793 {strides = array<i32>} : memref<32x768xf32, #tpu.memory_space<vmem>>, vector<1x16xf32>,
        %get3A_794 = arith.index_cast %scan3A_207 : i32 to index
        %get3A_795 = arith.constant 672 : index
        %get3A_796 = tpu.vector_load %arg7[%get3A_794, %get3A_795] {strides = array<i32>} : memref<32x768xf32, #tpu.memory_space<vmem>>, vector<1x16xf32>,
        %get3A_797 = vector.shape_cast %get3A_796 : vector<1x16xf32> to vector<16xf32>
        %get3A_798 = arith.index_cast %scan3A_207 : i32 to index
        %get3A_799 = arith.constant 672 : index
        %get3A_800 = tpu.vector_load %arg5[%get3A_798, %get3A_799] {strides = array<i32>} : memref<32x768xf32, #tpu.memory_space<vmem>>, vector<1x16xf32>,
        %get3A_801 = vector.shape_cast %get3A_800 : vector<1x16xf32> to vector<16xf32>
        %add3A_802 = arith.addf %get3A_797, %get3A_801 : vector<16xf32>
        %swap3A_803 = arith.index_cast %scan3A_207 : i32 to index
        %swap3A_804 = arith.constant 672 : index
        %swap3A_805 = tpu.vector_load %arg9[%swap3A_803, %swap3A_804] {strides = array<i32>} : memref<32x768xf32, #tpu.memory_space<vmem>>, vector<1x16xf32>,
        %swap3A_806 = vector.shape_cast %swap3A_805 : vector<1x16xf32> to vector<16xf32>
        %swap3A_807 = vector.shape_cast %add3A_802 : vector<16xf32> to vector<1x16xf32>
        tpu.vector_store %arg9[%swap3A_803, %swap3A_804], %swap3A_807 {strides = array<i32>} : memref<32x768xf32, #tpu.memory_space<vmem>>, vector<1x16xf32>,
        %get3A_808 = arith.index_cast %scan3A_207 : i32 to index
        %get3A_809 = arith.constant 688 : index
        %get3A_810 = tpu.vector_load %arg7[%get3A_808, %get3A_809] {strides = array<i32>} : memref<32x768xf32, #tpu.memory_space<vmem>>, vector<1x16xf32>,
        %get3A_811 = vector.shape_cast %get3A_810 : vector<1x16xf32> to vector<16xf32>
        %get3A_812 = arith.index_cast %scan3A_207 : i32 to index
        %get3A_813 = arith.constant 688 : index
        %get3A_814 = tpu.vector_load %arg5[%get3A_812, %get3A_813] {strides = array<i32>} : memref<32x768xf32, #tpu.memory_space<vmem>>, vector<1x16xf32>,
        %get3A_815 = vector.shape_cast %get3A_814 : vector<1x16xf32> to vector<16xf32>
        %add3A_816 = arith.addf %get3A_811, %get3A_815 : vector<16xf32>
        %swap3A_817 = arith.index_cast %scan3A_207 : i32 to index
        %swap3A_818 = arith.constant 688 : index
        %swap3A_819 = tpu.vector_load %arg9[%swap3A_817, %swap3A_818] {strides = array<i32>} : memref<32x768xf32, #tpu.memory_space<vmem>>, vector<1x16xf32>,
        %swap3A_820 = vector.shape_cast %swap3A_819 : vector<1x16xf32> to vector<16xf32>
        %swap3A_821 = vector.shape_cast %add3A_816 : vector<16xf32> to vector<1x16xf32>
        tpu.vector_store %arg9[%swap3A_817, %swap3A_818], %swap3A_821 {strides = array<i32>} : memref<32x768xf32, #tpu.memory_space<vmem>>, vector<1x16xf32>,
        %get3A_822 = arith.index_cast %scan3A_207 : i32 to index
        %get3A_823 = arith.constant 704 : index
        %get3A_824 = tpu.vector_load %arg7[%get3A_822, %get3A_823] {strides = array<i32>} : memref<32x768xf32, #tpu.memory_space<vmem>>, vector<1x16xf32>,
        %get3A_825 = vector.shape_cast %get3A_824 : vector<1x16xf32> to vector<16xf32>
        %get3A_826 = arith.index_cast %scan3A_207 : i32 to index
        %get3A_827 = arith.constant 704 : index
        %get3A_828 = tpu.vector_load %arg5[%get3A_826, %get3A_827] {strides = array<i32>} : memref<32x768xf32, #tpu.memory_space<vmem>>, vector<1x16xf32>,
        %get3A_829 = vector.shape_cast %get3A_828 : vector<1x16xf32> to vector<16xf32>
        %add3A_830 = arith.addf %get3A_825, %get3A_829 : vector<16xf32>
        %swap3A_831 = arith.index_cast %scan3A_207 : i32 to index
        %swap3A_832 = arith.constant 704 : index
        %swap3A_833 = tpu.vector_load %arg9[%swap3A_831, %swap3A_832] {strides = array<i32>} : memref<32x768xf32, #tpu.memory_space<vmem>>, vector<1x16xf32>,
        %swap3A_834 = vector.shape_cast %swap3A_833 : vector<1x16xf32> to vector<16xf32>
        %swap3A_835 = vector.shape_cast %add3A_830 : vector<16xf32> to vector<1x16xf32>
        tpu.vector_store %arg9[%swap3A_831, %swap3A_832], %swap3A_835 {strides = array<i32>} : memref<32x768xf32, #tpu.memory_space<vmem>>, vector<1x16xf32>,
        %get3A_836 = arith.index_cast %scan3A_207 : i32 to index
        %get3A_837 = arith.constant 720 : index
        %get3A_838 = tpu.vector_load %arg7[%get3A_836, %get3A_837] {strides = array<i32>} : memref<32x768xf32, #tpu.memory_space<vmem>>, vector<1x16xf32>,
        %get3A_839 = vector.shape_cast %get3A_838 : vector<1x16xf32> to vector<16xf32>
        %get3A_840 = arith.index_cast %scan3A_207 : i32 to index
        %get3A_841 = arith.constant 720 : index
        %get3A_842 = tpu.vector_load %arg5[%get3A_840, %get3A_841] {strides = array<i32>} : memref<32x768xf32, #tpu.memory_space<vmem>>, vector<1x16xf32>,
        %get3A_843 = vector.shape_cast %get3A_842 : vector<1x16xf32> to vector<16xf32>
        %add3A_844 = arith.addf %get3A_839, %get3A_843 : vector<16xf32>
        %swap3A_845 = arith.index_cast %scan3A_207 : i32 to index
        %swap3A_846 = arith.constant 720 : index
        %swap3A_847 = tpu.vector_load %arg9[%swap3A_845, %swap3A_846] {strides = array<i32>} : memref<32x768xf32, #tpu.memory_space<vmem>>, vector<1x16xf32>,
        %swap3A_848 = vector.shape_cast %swap3A_847 : vector<1x16xf32> to vector<16xf32>
        %swap3A_849 = vector.shape_cast %add3A_844 : vector<16xf32> to vector<1x16xf32>
        tpu.vector_store %arg9[%swap3A_845, %swap3A_846], %swap3A_849 {strides = array<i32>} : memref<32x768xf32, #tpu.memory_space<vmem>>, vector<1x16xf32>,
        %get3A_850 = arith.index_cast %scan3A_207 : i32 to index
        %get3A_851 = arith.constant 736 : index
        %get3A_852 = tpu.vector_load %arg7[%get3A_850, %get3A_851] {strides = array<i32>} : memref<32x768xf32, #tpu.memory_space<vmem>>, vector<1x16xf32>,
        %get3A_853 = vector.shape_cast %get3A_852 : vector<1x16xf32> to vector<16xf32>
        %get3A_854 = arith.index_cast %scan3A_207 : i32 to index
        %get3A_855 = arith.constant 736 : index
        %get3A_856 = tpu.vector_load %arg5[%get3A_854, %get3A_855] {strides = array<i32>} : memref<32x768xf32, #tpu.memory_space<vmem>>, vector<1x16xf32>,
        %get3A_857 = vector.shape_cast %get3A_856 : vector<1x16xf32> to vector<16xf32>
        %add3A_858 = arith.addf %get3A_853, %get3A_857 : vector<16xf32>
        %swap3A_859 = arith.index_cast %scan3A_207 : i32 to index
        %swap3A_860 = arith.constant 736 : index
        %swap3A_861 = tpu.vector_load %arg9[%swap3A_859, %swap3A_860] {strides = array<i32>} : memref<32x768xf32, #tpu.memory_space<vmem>>, vector<1x16xf32>,
        %swap3A_862 = vector.shape_cast %swap3A_861 : vector<1x16xf32> to vector<16xf32>
        %swap3A_863 = vector.shape_cast %add3A_858 : vector<16xf32> to vector<1x16xf32>
        tpu.vector_store %arg9[%swap3A_859, %swap3A_860], %swap3A_863 {strides = array<i32>} : memref<32x768xf32, #tpu.memory_space<vmem>>, vector<1x16xf32>,
        %get3A_864 = arith.index_cast %scan3A_207 : i32 to index
        %get3A_865 = arith.constant 752 : index
        %get3A_866 = tpu.vector_load %arg7[%get3A_864, %get3A_865] {strides = array<i32>} : memref<32x768xf32, #tpu.memory_space<vmem>>, vector<1x16xf32>,
        %get3A_867 = vector.shape_cast %get3A_866 : vector<1x16xf32> to vector<16xf32>
        %get3A_868 = arith.index_cast %scan3A_207 : i32 to index
        %get3A_869 = arith.constant 752 : index
        %get3A_870 = tpu.vector_load %arg5[%get3A_868, %get3A_869] {strides = array<i32>} : memref<32x768xf32, #tpu.memory_space<vmem>>, vector<1x16xf32>,
        %get3A_871 = vector.shape_cast %get3A_870 : vector<1x16xf32> to vector<16xf32>
        %add3A_872 = arith.addf %get3A_867, %get3A_871 : vector<16xf32>
        %swap3A_873 = arith.index_cast %scan3A_207 : i32 to index
        %swap3A_874 = arith.constant 752 : index
        %swap3A_875 = tpu.vector_load %arg9[%swap3A_873, %swap3A_874] {strides = array<i32>} : memref<32x768xf32, #tpu.memory_space<vmem>>, vector<1x16xf32>,
        %swap3A_876 = vector.shape_cast %swap3A_875 : vector<1x16xf32> to vector<16xf32>
        %swap3A_877 = vector.shape_cast %add3A_872 : vector<16xf32> to vector<1x16xf32>
        tpu.vector_store %arg9[%swap3A_873, %swap3A_874], %swap3A_877 {strides = array<i32>} : memref<32x768xf32, #tpu.memory_space<vmem>>, vector<1x16xf32>,
      }
      %scan3A_185 = arith.constant 16 : i32
      %add3A_186 = arith.constant 16 : i32
      %add3A_187 = arith.addi %mul3A_2, %add3A_186 : i32
      %dma_start3A_188 = arith.constant 16 : i32
      %dma_start3A_189 = arith.constant 0 : i32
      %dma_start3A_190 = tpu.memref_slice %arg9[%dma_start3A_188, %dma_start3A_189] : memref<32x768xf32, #tpu.memory_space<vmem>> -> memref<16x768xf32, #tpu.memory_space<vmem>>
      %dma_start3A_191 = arith.constant 0 : i32
      %dma_start3A_192 = tpu.memref_slice %arg4[%add3A_148, %add3A_187, %dma_start3A_191] : memref<64x1024x768xf32, #tpu.memory_space<hbm>> -> memref<1x16x768xf32, #tpu.memory_space<hbm>>
      %dma_start3A_193 = tpu.memref_squeeze %dma_start3A_192 : memref<1x16x768xf32, #tpu.memory_space<hbm>> -> memref<16x768xf32, #tpu.memory_space<hbm>>
      %dma_start3A_194 = arith.constant 0 : i32
      %dma_start3A_195 = tpu.memref_slice %arg4[%add3A_148, %add3A_187, %dma_start3A_194] : memref<64x1024x768xf32, #tpu.memory_space<hbm>> -> memref<1x16x768xf32, #tpu.memory_space<hbm>>
      %dma_start3A_196 = tpu.memref_squeeze %dma_start3A_195 : memref<1x16x768xf32, #tpu.memory_space<hbm>> -> memref<16x768xf32, #tpu.memory_space<hbm>>
      %dma_start3A_197 = arith.constant 16 : i32
      %dma_start3A_198 = arith.constant 0 : i32
      %dma_start3A_199 = tpu.memref_slice %arg9[%dma_start3A_197, %dma_start3A_198] : memref<32x768xf32, #tpu.memory_space<vmem>> -> memref<16x768xf32, #tpu.memory_space<vmem>>
      tpu.enqueue_dma source(%dma_start3A_199 : memref<16x768xf32, #tpu.memory_space<vmem>>) target(%dma_start3A_196 : memref<16x768xf32, #tpu.memory_space<hbm>>) target_semaphore(%arg14 : memref<!tpu.dma_semaphore, #tpu.memory_space<semaphore_mem>>)
      %add3A_200 = arith.constant 2 : i32
      %add3A_201 = arith.addi %add3A_148, %add3A_200 : i32
      %lt3A_202 = arith.constant 64 : i32
      %lt3A_203 = arith.cmpi slt, %add3A_201, %lt3A_202 : i32
      %convert_element_type3A_204 = arith.extui %lt3A_203 : i1 to i32
      %cond3A_205 = arith.constant 0 : i32
      %cond3A_206 = arith.cmpi ne, %convert_element_type3A_204, %cond3A_205 : i32
      scf.if %cond3A_206 {
        %add3A_207 = arith.constant 2 : i32
        %add3A_208 = arith.addi %add3A_148, %add3A_207 : i32
        %dma_start3A_209 = arith.constant 0 : i32
        %dma_start3A_210 = tpu.memref_slice %arg2[%add3A_208, %mul3A_2, %dma_start3A_209] : memref<64x1024x768xf32, #tpu.memory_space<hbm>> -> memref<1x32x768xf32, #tpu.memory_space<hbm>>
        %dma_start3A_211 = tpu.memref_squeeze %dma_start3A_210 : memref<1x32x768xf32, #tpu.memory_space<hbm>> -> memref<32x768xf32, #tpu.memory_space<hbm>>
        %dma_start3A_212 = arith.constant 0 : i32
        %dma_start3A_213 = tpu.memref_slice %arg2[%add3A_208, %mul3A_2, %dma_start3A_212] : memref<64x1024x768xf32, #tpu.memory_space<hbm>> -> memref<1x32x768xf32, #tpu.memory_space<hbm>>
        %dma_start3A_214 = tpu.memref_squeeze %dma_start3A_213 : memref<1x32x768xf32, #tpu.memory_space<hbm>> -> memref<32x768xf32, #tpu.memory_space<hbm>>
        tpu.enqueue_dma source(%dma_start3A_214 : memref<32x768xf32, #tpu.memory_space<hbm>>) target(%arg7 : memref<32x768xf32, #tpu.memory_space<vmem>>) target_semaphore(%arg12 : memref<!tpu.dma_semaphore, #tpu.memory_space<semaphore_mem>>)
      } else {
      }
    }
    %scan3A_27 = arith.constant 32 : i32
    %add3A_28 = arith.constant 0 : i32
    %add3A_29 = arith.addi %mul3A_2, %add3A_28 : i32
    %dma_wait3A_30 = arith.constant 62 : i32
    %dma_wait3A_31 = arith.constant 0 : i32
    %dma_wait3A_32 = arith.constant 0 : i32
    %dma_wait3A_33 = tpu.memref_slice %arg8[%dma_wait3A_31, %dma_wait3A_32] : memref<32x768xf32, #tpu.memory_space<vmem>> -> memref<16x768xf32, #tpu.memory_space<vmem>>
    %dma_wait3A_34 = arith.constant 0 : i32
    %dma_wait3A_35 = tpu.memref_slice %arg4[%dma_wait3A_30, %add3A_29, %dma_wait3A_34] : memref<64x1024x768xf32, #tpu.memory_space<hbm>> -> memref<1x16x768xf32, #tpu.memory_space<hbm>>
    %dma_wait3A_36 = tpu.memref_squeeze %dma_wait3A_35 : memref<1x16x768xf32, #tpu.memory_space<hbm>> -> memref<16x768xf32, #tpu.memory_space<hbm>>
    %dma_wait3A_37 = arith.constant 0 : i32
    %dma_wait3A_38 = tpu.memref_slice %arg4[%dma_wait3A_30, %add3A_29, %dma_wait3A_37] : memref<64x1024x768xf32, #tpu.memory_space<hbm>> -> memref<1x16x768xf32, #tpu.memory_space<hbm>>
    %dma_wait3A_39 = tpu.memref_squeeze %dma_wait3A_38 : memref<1x16x768xf32, #tpu.memory_space<hbm>> -> memref<16x768xf32, #tpu.memory_space<hbm>>
    %dma_wait3A_40 = arith.constant 0 : i32
    %dma_wait3A_41 = arith.constant 0 : i32
    %dma_wait3A_42 = tpu.memref_slice %arg8[%dma_wait3A_40, %dma_wait3A_41] : memref<32x768xf32, #tpu.memory_space<vmem>> -> memref<16x768xf32, #tpu.memory_space<vmem>>
    tpu.wait_dma2 semaphore(%arg13 : memref<!tpu.dma_semaphore, #tpu.memory_space<semaphore_mem>>) src(%dma_wait3A_42 : memref<16x768xf32, #tpu.memory_space<vmem>>) dst(%dma_wait3A_39 : memref<16x768xf32, #tpu.memory_space<hbm>>)
    %add3A_43 = arith.constant 16 : i32
    %add3A_44 = arith.addi %mul3A_2, %add3A_43 : i32
    %dma_wait3A_45 = arith.constant 62 : i32
    %dma_wait3A_46 = arith.constant 16 : i32
    %dma_wait3A_47 = arith.constant 0 : i32
    %dma_wait3A_48 = tpu.memref_slice %arg8[%dma_wait3A_46, %dma_wait3A_47] : memref<32x768xf32, #tpu.memory_space<vmem>> -> memref<16x768xf32, #tpu.memory_space<vmem>>
    %dma_wait3A_49 = arith.constant 0 : i32
    %dma_wait3A_50 = tpu.memref_slice %arg4[%dma_wait3A_45, %add3A_44, %dma_wait3A_49] : memref<64x1024x768xf32, #tpu.memory_space<hbm>> -> memref<1x16x768xf32, #tpu.memory_space<hbm>>
    %dma_wait3A_51 = tpu.memref_squeeze %dma_wait3A_50 : memref<1x16x768xf32, #tpu.memory_space<hbm>> -> memref<16x768xf32, #tpu.memory_space<hbm>>
    %dma_wait3A_52 = arith.constant 0 : i32
    %dma_wait3A_53 = tpu.memref_slice %arg4[%dma_wait3A_45, %add3A_44, %dma_wait3A_52] : memref<64x1024x768xf32, #tpu.memory_space<hbm>> -> memref<1x16x768xf32, #tpu.memory_space<hbm>>
    %dma_wait3A_54 = tpu.memref_squeeze %dma_wait3A_53 : memref<1x16x768xf32, #tpu.memory_space<hbm>> -> memref<16x768xf32, #tpu.memory_space<hbm>>
    %dma_wait3A_55 = arith.constant 16 : i32
    %dma_wait3A_56 = arith.constant 0 : i32
    %dma_wait3A_57 = tpu.memref_slice %arg8[%dma_wait3A_55, %dma_wait3A_56] : memref<32x768xf32, #tpu.memory_space<vmem>> -> memref<16x768xf32, #tpu.memory_space<vmem>>
    tpu.wait_dma2 semaphore(%arg13 : memref<!tpu.dma_semaphore, #tpu.memory_space<semaphore_mem>>) src(%dma_wait3A_57 : memref<16x768xf32, #tpu.memory_space<vmem>>) dst(%dma_wait3A_54 : memref<16x768xf32, #tpu.memory_space<hbm>>)
    %add3A_58 = arith.constant 0 : i32
    %add3A_59 = arith.addi %mul3A_2, %add3A_58 : i32
    %dma_wait3A_60 = arith.constant 63 : i32
    %dma_wait3A_61 = arith.constant 0 : i32
    %dma_wait3A_62 = arith.constant 0 : i32
    %dma_wait3A_63 = tpu.memref_slice %arg9[%dma_wait3A_61, %dma_wait3A_62] : memref<32x768xf32, #tpu.memory_space<vmem>> -> memref<16x768xf32, #tpu.memory_space<vmem>>
    %dma_wait3A_64 = arith.constant 0 : i32
    %dma_wait3A_65 = tpu.memref_slice %arg4[%dma_wait3A_60, %add3A_59, %dma_wait3A_64] : memref<64x1024x768xf32, #tpu.memory_space<hbm>> -> memref<1x16x768xf32, #tpu.memory_space<hbm>>
    %dma_wait3A_66 = tpu.memref_squeeze %dma_wait3A_65 : memref<1x16x768xf32, #tpu.memory_space<hbm>> -> memref<16x768xf32, #tpu.memory_space<hbm>>
    %dma_wait3A_67 = arith.constant 0 : i32
    %dma_wait3A_68 = tpu.memref_slice %arg4[%dma_wait3A_60, %add3A_59, %dma_wait3A_67] : memref<64x1024x768xf32, #tpu.memory_space<hbm>> -> memref<1x16x768xf32, #tpu.memory_space<hbm>>
    %dma_wait3A_69 = tpu.memref_squeeze %dma_wait3A_68 : memref<1x16x768xf32, #tpu.memory_space<hbm>> -> memref<16x768xf32, #tpu.memory_space<hbm>>
    %dma_wait3A_70 = arith.constant 0 : i32
    %dma_wait3A_71 = arith.constant 0 : i32
    %dma_wait3A_72 = tpu.memref_slice %arg9[%dma_wait3A_70, %dma_wait3A_71] : memref<32x768xf32, #tpu.memory_space<vmem>> -> memref<16x768xf32, #tpu.memory_space<vmem>>
    tpu.wait_dma2 semaphore(%arg14 : memref<!tpu.dma_semaphore, #tpu.memory_space<semaphore_mem>>) src(%dma_wait3A_72 : memref<16x768xf32, #tpu.memory_space<vmem>>) dst(%dma_wait3A_69 : memref<16x768xf32, #tpu.memory_space<hbm>>)
    %add3A_73 = arith.constant 16 : i32
    %add3A_74 = arith.addi %mul3A_2, %add3A_73 : i32
    %dma_wait3A_75 = arith.constant 63 : i32
    %dma_wait3A_76 = arith.constant 16 : i32
    %dma_wait3A_77 = arith.constant 0 : i32
    %dma_wait3A_78 = tpu.memref_slice %arg9[%dma_wait3A_76, %dma_wait3A_77] : memref<32x768xf32, #tpu.memory_space<vmem>> -> memref<16x768xf32, #tpu.memory_space<vmem>>
    %dma_wait3A_79 = arith.constant 0 : i32
    %dma_wait3A_80 = tpu.memref_slice %arg4[%dma_wait3A_75, %add3A_74, %dma_wait3A_79] : memref<64x1024x768xf32, #tpu.memory_space<hbm>> -> memref<1x16x768xf32, #tpu.memory_space<hbm>>
    %dma_wait3A_81 = tpu.memref_squeeze %dma_wait3A_80 : memref<1x16x768xf32, #tpu.memory_space<hbm>> -> memref<16x768xf32, #tpu.memory_space<hbm>>
    %dma_wait3A_82 = arith.constant 0 : i32
    %dma_wait3A_83 = tpu.memref_slice %arg4[%dma_wait3A_75, %add3A_74, %dma_wait3A_82] : memref<64x1024x768xf32, #tpu.memory_space<hbm>> -> memref<1x16x768xf32, #tpu.memory_space<hbm>>
    %dma_wait3A_84 = tpu.memref_squeeze %dma_wait3A_83 : memref<1x16x768xf32, #tpu.memory_space<hbm>> -> memref<16x768xf32, #tpu.memory_space<hbm>>
    %dma_wait3A_85 = arith.constant 16 : i32
    %dma_wait3A_86 = arith.constant 0 : i32
    %dma_wait3A_87 = tpu.memref_slice %arg9[%dma_wait3A_85, %dma_wait3A_86] : memref<32x768xf32, #tpu.memory_space<vmem>> -> memref<16x768xf32, #tpu.memory_space<vmem>>
    tpu.wait_dma2 semaphore(%arg14 : memref<!tpu.dma_semaphore, #tpu.memory_space<semaphore_mem>>) src(%dma_wait3A_87 : memref<16x768xf32, #tpu.memory_space<vmem>>) dst(%dma_wait3A_84 : memref<16x768xf32, #tpu.memory_space<hbm>>)
    return
  }
}

</mosaic_0001>

<sc_bundles>
// kernel: pos_embed_add_sc.3.cloned.1.call-start
scs
__scs_entry_jumppad:
0x0: {  	(pc) =	sbr.rel $0x88, $3  }
0x1: {  	(tag) =	ssettag $0x0;
	lr =	simm.s32 $0x1  }
0x2: {  	[smem:$0x3F9F] =	sst lr;
	_ =	strace $0xD0000000  }
0x3: {  	_ = 	snop  }
0x4: {  	_ = 	snop  }
0x5: {  	_ = 	snop  }
0x6: {  	_ = 	snop  }
0x7: {  	_ = 	snop  }
__scs_overlays_trampoline_lowered:
0x8: {  	[smem:$0x3FAE] =	sst s0  }
0x9: {  	[smem:$0x3FAF] =	sst s1  }
0xa: {  	[smem:$0x3FB0] =	sst s2  }
0xb: {  	[smem:$0x3FB1] =	sst s3  }
0xc: {  	[smem:$0x3FB2] =	sst s4  }
0xd: {  	[smem:$0x3FB3] =	sst s5  }
0xe: {  	[smem:$0x3FB4] =	sst s6  }
0xf: {  	[smem:$0x3FB5] =	sst s7  }
0x10: {  	[smem:$0x3FB6] =	sst s8  }
0x11: {  	[smem:$0x3FB7] =	sst s9;
	s0 =	simm.s32 @!p0 $0x0  }
0x12: {  	s1 =	sld [smem:$0x3F9D];
	s0 =	simm.s32 @p0 $0x1  }
0x13: {  	[smem:$0x3FB8] =	sst s0;
	s0 =	simm.s32 @!p1 $0x0  }
0x14: {  	s2 =	sld [smem:$0x3F9C];
	s0 =	simm.s32 @p1 $0x1  }
0x15: {  	[smem:$0x3FB9] =	sst s0;
	s0 =	simm.s32 @!p2 $0x0  }
0x16: {  	s3 =	sld [smem:$0x3FDB];
	s0 =	simm.s32 @p2 $0x1  }
0x17: {  	s4 =	simm.s32 $0x1BF5;
	[smem:$0x3FBB] =	sst s0  }
0x18: {  	s0 =	sld [smem:$0x3F9E];
	_ =	swait.ge [sflag:s4], $0x0  }
0x19: {  	s7 =	sld [smem:$0x3F9F]  }
0x1a: {  	s8 =	sadd.s32 $0xFFFFE003, lr  }
0x1b: {  	s9 =	sadd.s32 $0xFFFFFEF7, lr;
	s5 =	simm.s32 $0xFFFFFFFF;
	p2 =	slt.u32 s8, $0xFFFFF086  }
0x1c: {  	p1 =	slt.u32 s9, $0xF7A;
	s5 =	simm.s32 @!p2 $0x0  }
0x1d: {  	s5 =	simm.s32 @p1 $0x1;
	p0 =	seq.s32 s7, s2  }
0x1e: {  	s7 =	smul.u32 @!p0 $0xF7A, s2;
	p2 =	seq.s32 @!p0 s5, $0x0  }
0x1f: {  	s9 =	smul.u32 $0xF7A, s1;
	s8 =	simm.s32 @!p0 $0x1BF5;
	p2 =	por !p2, p0  }
0x20: {  	[sflag:s8] =	ssyncset.s32 @!p0 $0xFFFFF086;
	s6 =	sadd.s32 @!p0 s3, s7;
	s7 =	simm.s32 @!p0 $0x108  }
0x21: {  	s3 =	sadd.s32 s3, s9;
	s6 =	sadd.s32 @!p0 $0x88, s6;
	s7 =	simm.s32 @p2 $0x1082  }
0x22: {  	[simem:s7], [sflag:s8] =	dma.local @!p0 [hbm:s6], $0xF7A  }
0x23: {  	s9 =	sor.u32 $0xD0000000, s2;
	s6 =	simm.s32 $0x108;
	_ =	swait.ge @!p0 [sflag:s8], $0x0  }
0x24: {  	s3 =	sadd.s32 $0x88, s3;
	s6 =	simm.s32 @!p1 $0x1082;
	[sflag:s4] =	ssyncset.s32 $0xFFFFF086  }
0x25: {  	[simem:s6], [sflag:s4] =	dma.local [hbm:s3], $0xF7A  }
0x26: {  	[smem:$0x3F9F] =	sst s1;
	(tag) =	ssettag s2;
	_ =	strace s9  }
0x27: {  	s1 =	sld [smem:$0x3FAF]  }
0x28: {  	s2 =	sld [smem:$0x3FB0]  }
0x29: {  	s4 =	sld [smem:$0x3FB2]  }
0x2a: {  	p0 =	seq.s32 s5, $0x0;
	s5 =	sld [smem:$0x3FB3]  }
0x2b: {  	s6 =	sld [smem:$0x3FB4]  }
0x2c: {  	s7 =	sld [smem:$0x3FB5]  }
0x2d: {  	s3 =	simm.s32 $0x108;
	s8 =	sld [smem:$0x3FB6]  }
0x2e: {  	s3 =	simm.s32 @!p0 $0x1082;
	s9 =	sld [smem:$0x3FB7]  }
0x2f: {  	lr =	sadd.s32 s0, s3;
	s0 =	sld [smem:$0x3FAE]  }
0x30: {  	s3 =	sld [smem:$0x3FB1]  }
0x31: {  	[smem:$0x3FBA] =	sst s10  }
0x32: {  	s10 =	sld [smem:$0x3FB8];
	_ =	sdelay $0x3  }
0x33: {  	p0 =	seq.s32 s10, $0x1;
	s10 =	sld [smem:$0x3FBA];
	_ =	sdelay $0x3  }
0x34: {  	[smem:$0x3FBA] =	sst s10  }
0x35: {  	s10 =	sld [smem:$0x3FB9];
	_ =	sdelay $0x3  }
0x36: {  	p1 =	seq.s32 s10, $0x1;
	s10 =	sld [smem:$0x3FBA];
	_ =	sdelay $0x3  }
0x37: {  	[smem:$0x3FBA] =	sst s10  }
0x38: {  	s10 =	sld [smem:$0x3FBB]  }
0x39: {  	_ = 	snop;
	(pc) =	sbr.ind lr, $3  }
0x3a: {  	_ = 	snop  }
0x3b: {  	_ = 	snop  }
0x3c: {  	p2 =	seq.s32 s10, $0x1;
	s10 =	sld [smem:$0x3FBA]  }
0x3d: {  	_ =	shalt  }
0x3e: {  	_ =	shalt  }
0x3f: {  	_ =	shalt  }
0x40: {  	_ =	shalt  }
0x41: {  	_ =	shalt  }
0x42: {  	_ =	shalt  }
0x43: {  	_ =	shalt  }
0x44: {  	_ =	shalt  }
0x45: {  	_ =	shalt  }
0x46: {  	_ =	shalt  }
0x47: {  	_ =	shalt  }
0x48: {  	_ =	shalt  }
0x49: {  	_ =	shalt  }
0x4a: {  	_ =	shalt  }
0x4b: {  	_ =	shalt  }
0x4c: {  	_ =	shalt  }
0x4d: {  	_ =	shalt  }
0x4e: {  	_ =	shalt  }
0x4f: {  	_ =	shalt  }
0x50: {  	_ =	shalt  }
0x51: {  	_ =	shalt  }
0x52: {  	_ =	shalt  }
0x53: {  	_ =	shalt  }
0x54: {  	_ =	shalt  }
0x55: {  	_ =	shalt  }
0x56: {  	_ =	shalt  }
0x57: {  	_ =	shalt  }
0x58: {  	_ =	shalt  }
0x59: {  	_ =	shalt  }
0x5a: {  	_ =	shalt  }
0x5b: {  	_ =	shalt  }
0x5c: {  	_ =	shalt  }
0x5d: {  	_ =	shalt  }
0x5e: {  	_ =	shalt  }
0x5f: {  	_ =	shalt  }
0x60: {  	_ =	shalt  }
0x61: {  	_ =	shalt  }
0x62: {  	_ =	shalt  }
0x63: {  	_ =	shalt  }
0x64: {  	_ =	shalt  }
0x65: {  	_ =	shalt  }
0x66: {  	_ =	shalt  }
0x67: {  	_ =	shalt  }
0x68: {  	_ =	shalt  }
0x69: {  	_ =	shalt  }
0x6a: {  	_ =	shalt  }
0x6b: {  	_ =	shalt  }
0x6c: {  	_ =	shalt  }
0x6d: {  	_ =	shalt  }
0x6e: {  	_ =	shalt  }
0x6f: {  	_ =	shalt  }
0x70: {  	_ =	shalt  }
0x71: {  	_ =	shalt  }
0x72: {  	_ =	shalt  }
0x73: {  	_ =	shalt  }
0x74: {  	_ =	shalt  }
0x75: {  	_ =	shalt  }
0x76: {  	_ =	shalt  }
0x77: {  	_ =	shalt  }
0x78: {  	_ =	shalt  }
0x79: {  	_ =	shalt  }
0x7a: {  	_ =	shalt  }
0x7b: {  	_ =	shalt  }
0x7c: {  	_ =	shalt  }
0x7d: {  	_ =	shalt  }
0x7e: {  	_ =	shalt  }
0x7f: {  	_ =	shalt  }
0x80: {  	_ =	shalt  }
0x81: {  	_ =	shalt  }
0x82: {  	_ =	shalt  }
0x83: {  	_ =	shalt  }
0x84: {  	_ =	shalt  }
0x85: {  	_ =	shalt  }
0x86: {  	_ =	shalt  }
0x87: {  	_ =	shalt  }
.Lfunc_end0:
.L_simem_size_0:
called_computation_lowered:
.L_overlay_start_0:
0x88: {  	s2 =	sld [smem:$0x3FD9]  }
0x89: {  	s3 =	sld [smem:$0x3FFE];
	_ =	sdelay $0x1  }
0x8a: {  	s1 =	srdreg.scid  }
0x8b: {  	s0 =	sand.u32 $0x1, s1  }
0x8c: {  	s18 =	sshll.u32 s0, $0xA;
	s2 =	sadd.s32 s3, s2  }
0x8d: {  	s2 =	sadd.s32 s2, s18  }
0x8e: {  	[smem:$0x3FC6] =	sst s2  }
0x8f: {  	_ = 	snop  }
0x90: {  	s2 =	sld [smem:$0x3FC9]  }
0x91: {  	s19 =	sld [smem:$0x3FC8]  }
0x92: {  	s4 =	sld [smem:$0x3FD0];
	(tm) =	ssettm $0x1  }
0x93: {  	s5 =	sld [smem:$0x3FFB];
	_ =	sdelay $0x3  }
0x94: {  	_ =	strace s5  }
0x95: {  	s5 =	sld [smem:$0x3FFC];
	_ =	sdelay $0x3  }
0x96: {  	_ =	strace s5  }
0x97: {  	s5 =	sld [smem:$0x3FFD];
	_ =	sdelay $0x3  }
0x98: {  	_ =	strace s5  }
0x99: {  	_ =	strace $0x8FFFFFFF  }
0x9a: {  	s20 =	sld [smem:$0x3FDB];
	_ =	sdelay $0x1  }
0x9b: {  	s6 =	simm.s32 $_scs_section_size  }
0x9c: {  	s7 =	simm.s32 $_size__tile_overlayer_lowered;
	s8 =	simm.s32 $_tile_overlayer_lowered  }
0x9d: {  	s23 =	simm.s32 $0x1BFF;
	s22 =	sshll.u32 s8, $0x1;
	s5 =	sadd.s32 s6, s20  }
0x9e: {  	s9 =	simm.s32 $0x0;
	s21 =	sshll.u32 s7, $0x1;
	s7 =	sadd.s32 s22, s5  }
0x9f: {  	[timem:s9], [sflag:s23] =	dma.local [hbm:s7], s21  }
0xa0: {  	_ =	swait.ge [sflag:s23], s21  }
0xa1: {  	s6 =	ssub.s32 $0x0, s21;
	[sflag:s23] =	ssyncset.done $0x0  }
0xa2: {  	[sflag:s23] =	ssyncadd.s32 s6;
	_ =	sdelay $0x1  }
0xa3: {  	s24 =	simm.s32 $0x1B8B  }
0xa4: {  	_ =	swait.ge [sflag:s24], $0x1  }
0xa5: {  	[sflag:s24] =	ssyncset.done $0x0  }
0xa6: {  	s25 =	simm.s32 $0x1B8E;
	[sflag:s24] =	ssyncadd.s32 $0xFFFFFFFF  }
0xa7: {  	s26 =	simm.s32 $execute0_lowered;
	[smem:$0x3FD2] =	sst s25  }
0xa8: {  	s6 =	sshll.u32 s26, $0x1;
	_ =	strace $0x80000046;
	[dreg:$0x1] =	wrdreg $0xFFFFFFFF  }
0xa9: {  	s28 =	simm.s32 $_size_execute0_lowered;
	s5 =	sadd.s32 s5, s6;
	[dreg:$0x0] =	wrdreg $0x0  }
0xaa: {  	s6 =	sshll.u32 s28, $0x1;
	[dreg:$0x2] =	wrdreg s5  }
0xab: {  	[dreg:$0x3] =	wrdreg s6  }
0xac: {  	[dreg:$0x4] =	wrdreg $0xC0  }
0xad: {  	_ =	task [dreg:s9], $0x5FFFF  }
0xae: {  	[dreg:$0x1] =	wrdreg $0xFFFFFFFF  }
0xaf: {  	[dreg:$0x0] =	wrdreg $0x60  }
0xb0: {  	[dreg:$0x2] =	wrdreg s2  }
0xb1: {  	[dreg:$0x3] =	wrdreg s19  }
0xb2: {  	[dreg:$0x4] =	wrdreg s4  }
0xb3: {  	[dreg:$0x5] =	wrdreg $0x9  }
0xb4: {  	_ =	task.clear_ibuf [dreg:s9], $0x6FFFF;
	_ =	strace $0x90000046  }
0xb5: {  	s29 =	simm.s32 $0x9;
	_ =	strace $0x80000048  }
0xb6: {  	_ =	swait.ge [sflag:s29], $0x1  }
0xb7: {  	[sflag:s29] =	ssyncadd.s32 $0xFFFFFFFF  }
0xb8: {  	_ =	strace $0x90000048  }
0xb9: {  	_ =	sfence  }
0xba: {  	s30 =	sld [smem:$0x0];
	_ =	sdelay $0x2  }
0xbb: {  	s31 =	sshll.u32 s1, $0xD;
	s1 =	sshrl.u32 s1, $0x2  }
0xbc: {  	s3 =	sand.u32 $0x4000, s31;
	s1 =	sadd.s32 s1, s30  }
0xbd: {  	s0 =	sor.u32 s3, s0;
	s1 =	sshll.u32 s1, $0x11  }
0xbe: {  	s0 =	sor.u32 s1, s0  }
0xbf: {  	s0 =	sadd.s32 $0x8F2B, s0  }
0xc0: {  	[sflag:s0] =	ssyncadd.remote.s32 $0x1  }
0xc1: {  	_ =	sfence.sel $0xFFFF  }
0xc2: {  	[dreg:$0x0] =	wrdreg $0xFFFFFFFF;
	(pc) =	sbr.abs _section_cstart, $3  }
0xc3: {  	[dreg:$0x1] =	wrdreg $0xFFFFFFFF  }
0xc4: {  	_ =	task.clear_ibuf [dreg:s9], $0x2FFFF;
	_ =	strace $0x9FFFFFFF  }
0xc5: {  	(tm) =	ssettm $0x7FFFFFFF  }
tec
execute0_lowered:
.L_overlay_start_1:
0x0: {  	(tag) =	ssettag $0x1  }
0x1: {  	s1 =	srdreg.scid  }
0x2: {  	s0 =	stileid.u32;
	s7 =	rddreg [dreg:$0x1];
	s5 =	simm.s32 $0x0  }
0x3: {  	s13 =	simm.s32 $0x6000;
	s14 =	simm.s32 $0xC000;
	s15 =	simm.s32 $0x1  }
0x4: {  	s16 =	simm.s32 $0x2;
	s17 =	simm.s32 $0x12000;
	s18 =	simm.s32 $0x15000  }
0x5: {  	s19 =	simm.s32 $0x3;
	s20 =	simm.s32 $0x5;
	s2 =	sand.u32 $0x1, s1  }
0x6: {  	s21 =	simm.s32 $0x18000;
	s3 =	sshll.u32 s0, $0x3;
	s4 =	sshll.u32 s2, $0x2  }
0x7: {  	s22 =	simm.s32 $0x1B000;
	s23 =	simm.s32 $0x4;
	s4 =	sor.u32 s4, s3  }
0x8: {  	s1 =	rddreg [dreg:$0x0];
	s2 =	ssub.s32 $0x2, s2;
	s4 =	smul.u32 $0x1800, s4  }
.Ltmp0:
0x9: {  	[smem:$0x7FF] =	sst s5;
	s6 =	sshrl.u32 s2, $0x1;
	(pc) =	sbr.rel .LBB2_1-.Ltmp0, $4  }
0xa: {  	s24 =	simm.s32 $0x0;
	s3 =	rddreg [dreg:$0x2];
	s2 =	ssub.s32 s2, s6  }
0xb: {  	_ =	strace $0x80000047;
	s12 =	smax.u32 s2, $0x1;
	s8 =	sshrl.u32 s4, $0x3  }
0xc: {  	s9 =	sadd.s32 $0x3000, s4;
	s10 =	sadd.s32 $0x180000, s4;
	s6 =	sadd.s32 s1, s8  }
0xd: {  	s11 =	sadd.s32 $0x240000, s4;
	s7 =	sadd.s32 s7, s8;
	s8 =	sadd.s32 $0x18000, s6  }
.LBB2_16:
0xe: {  	_ =	swait.ge [sflag:s23], $0x3000  }
0xf: {  	[sflag:s23] =	ssyncset.done $0x0  }
0x10: {  	[sflag:s23] =	ssyncadd.s32 $0xFFFFD000  }
0x11: {  	_ =	swait.ge [sflag:s23], $0x3000  }
0x12: {  	[sflag:s23] =	ssyncset.done $0x0  }
0x13: {  	s24 =	sadd.s32 $0x1, s24;
	[sflag:s23] =	ssyncadd.s32 $0xFFFFD000  }
0x14: {  	p0 =	sne.s32 s24, s12;
	_ =	swait.ge [sflag:s20], $0x3000  }
.Ltmp1:
0x15: {  	[sflag:s20] =	ssyncset.done $0x0;
	(pc) =	sbr.rel @!p0 .LBB2_17-.Ltmp1, $4  }
0x16: {  	[sflag:s20] =	ssyncadd.s32 $0xFFFFD000  }
0x17: {  	_ =	swait.ge [sflag:s20], $0x3000  }
0x18: {  	[sflag:s20] =	ssyncset.done $0x0  }
0x19: {  	[sflag:s20] =	ssyncadd.s32 $0xFFFFD000  }
.LBB2_1:
0x1a: {  	[tilespmem:s5], [sflag:$0x1] =	stream.linear.gather [hbm4b:s7+s5], $0x6000, $0x38;
	[tilespmem:$0x1E000] =	vst v63  }
0x1b: {  	_ = 	snop  }
0x1c: {  	[tilespmem:s13], [sflag:$0x2] =	stream.linear.gather [hbm4b:s6+s5], $0x6000, $0x38;
	[tilespmem:$0x1E000] =	vst v63  }
0x1d: {  	_ = 	snop  }
0x1e: {  	[tilespmem:s14], [sflag:$0x3] =	stream.linear.gather [hbm4b:s8+s5], $0x6000, $0x38;
	[tilespmem:$0x1E000] =	vst v63  }
0x1f: {  	_ =	swait.ge [sflag:s15], $0x6000  }
0x20: {  	[sflag:s15] =	ssyncset.done $0x0  }
0x21: {  	s25 =	simm.s32 $0x0;
	[sflag:s15] =	ssyncadd.s32 $0xFFFFA000  }
.LBB2_2:
0x22: {  	_ =	swait.ge [sflag:s16], $0x6000  }
0x23: {  	p0 =	seq.s32 s25, $0x0;
	[sflag:s16] =	ssyncset.done $0x0  }
0x24: {  	s2 =	simm.s32 @!p0 $0x4;
	[sflag:s16] =	ssyncadd.s32 $0xFFFFA000  }
0x25: {  	_ =	swait.ge @!p0 [sflag:s2], $0x3000  }
0x26: {  	[sflag:s2] =	ssyncset.done @!p0 $0x0  }
0x27: {  	s26 =	simm.s32 $0x0;
	[sflag:s2] =	ssyncadd.s32 @!p0 $0xFFFFD000  }
0x28: {  	s28 =	simm.s32 $0x0;
	s26 =	smul.u32 $0x1800, s26;
	_ =	swait.ge @!p0 [sflag:s2], $0x3000  }
0x29: {  	s28 =	sand.u32 $0x380, s28;
	[sflag:s2] =	ssyncset.done @!p0 $0x0  }
0x2a: {  	s26 =	sor.u32 s28, s26;
	[sflag:s2] =	ssyncadd.s32 @!p0 $0xFFFFD000  }
0x2b: {  	v0 =	vld [tilespmem:s26+$0x7470]  }
0x2c: {  	v1 =	vld [tilespmem:s26+$0x1470]  }
0x2d: {  	v2 =	vld [tilespmem:s26+$0x6000]  }
0x2e: {  	v3 =	vld [tilespmem:s26+$0x0]  }
0x2f: {  	v4 =	vld [tilespmem:s26+$0x6010]  }
0x30: {  	v5 =	vld [tilespmem:s26+$0x10]  }
0x31: {  	v6 =	vld [tilespmem:s26+$0x6020]  }
0x32: {  	v7 =	vld [tilespmem:s26+$0x6030]  }
0x33: {  	v8 =	vld [tilespmem:s26+$0x1420];
	v0 =	vadd.f32 v1, v0  }
0x34: {  	v1 =	vld [tilespmem:s26+$0x20]  }
0x35: {  	v2 =	vadd.f32 v3, v2;
	[tilespmem:s26+$0x13470] =	vst v0;
	v0 =	vld [tilespmem:s26+$0x30]  }
0x36: {  	v3 =	vld [tilespmem:s26+$0x6040]  }
0x37: {  	[tilespmem:s26+$0x12000] =	vst v2;
	v2 =	vadd.f32 v5, v4;
	v4 =	vld [tilespmem:s26+$0x40]  }
0x38: {  	v5 =	vld [tilespmem:s26+$0x50]  }
0x39: {  	[tilespmem:s26+$0x12010] =	vst v2;
	v2 =	vld [tilespmem:s26+$0x6050];
	v1 =	vadd.f32 v1, v6  }
0x3a: {  	v6 =	vld [tilespmem:s26+$0x60];
	v0 =	vadd.f32 v0, v7  }
0x3b: {  	[tilespmem:s26+$0x12020] =	vst v1;
	v1 =	vld [tilespmem:s26+$0x6060]  }
0x3c: {  	[tilespmem:s26+$0x12030] =	vst v0;
	v0 =	vadd.f32 v4, v3;
	v3 =	vld [tilespmem:s26+$0x6070]  }
0x3d: {  	v4 =	vld [tilespmem:s26+$0x70]  }
0x3e: {  	[tilespmem:s26+$0x12040] =	vst v0;
	v0 =	vadd.f32 v5, v2;
	v2 =	vld [tilespmem:s26+$0x6400]  }
0x3f: {  	v5 =	vld [tilespmem:s26+$0x400]  }
0x40: {  	[tilespmem:s26+$0x12050] =	vst v0;
	v0 =	vadd.f32 v6, v1;
	v1 =	vld [tilespmem:s26+$0x6410]  }
0x41: {  	v6 =	vld [tilespmem:s26+$0x410]  }
0x42: {  	[tilespmem:s26+$0x12060] =	vst v0;
	v0 =	vadd.f32 v4, v3;
	v3 =	vld [tilespmem:s26+$0x6420]  }
0x43: {  	v4 =	vld [tilespmem:s26+$0x420]  }
0x44: {  	[tilespmem:s26+$0x12070] =	vst v0;
	v0 =	vadd.f32 v5, v2;
	v2 =	vld [tilespmem:s26+$0x6430]  }
0x45: {  	v5 =	vld [tilespmem:s26+$0x430]  }
0x46: {  	[tilespmem:s26+$0x12400] =	vst v0;
	v0 =	vadd.f32 v6, v1;
	v1 =	vld [tilespmem:s26+$0x6440]  }
0x47: {  	v6 =	vld [tilespmem:s26+$0x440]  }
0x48: {  	[tilespmem:s26+$0x12410] =	vst v0;
	v0 =	vadd.f32 v4, v3;
	v3 =	vld [tilespmem:s26+$0x6450]  }
0x49: {  	v4 =	vld [tilespmem:s26+$0x450]  }
0x4a: {  	[tilespmem:s26+$0x12420] =	vst v0;
	v0 =	vadd.f32 v5, v2;
	v2 =	vld [tilespmem:s26+$0x6460]  }
0x4b: {  	v5 =	vld [tilespmem:s26+$0x460]  }
0x4c: {  	[tilespmem:s26+$0x12430] =	vst v0;
	v0 =	vadd.f32 v6, v1;
	v1 =	vld [tilespmem:s26+$0x6470]  }
0x4d: {  	v6 =	vld [tilespmem:s26+$0x470]  }
0x4e: {  	[tilespmem:s26+$0x12440] =	vst v0;
	v0 =	vadd.f32 v4, v3;
	v3 =	vld [tilespmem:s26+$0x6800]  }
0x4f: {  	v4 =	vld [tilespmem:s26+$0x800]  }
0x50: {  	[tilespmem:s26+$0x12450] =	vst v0;
	v0 =	vadd.f32 v5, v2;
	v2 =	vld [tilespmem:s26+$0x6810]  }
0x51: {  	v5 =	vld [tilespmem:s26+$0x810]  }
0x52: {  	[tilespmem:s26+$0x12460] =	vst v0;
	v0 =	vadd.f32 v6, v1;
	v1 =	vld [tilespmem:s26+$0x6820]  }
0x53: {  	v6 =	vld [tilespmem:s26+$0x820]  }
0x54: {  	[tilespmem:s26+$0x12470] =	vst v0;
	v0 =	vadd.f32 v4, v3;
	v3 =	vld [tilespmem:s26+$0x6830]  }
0x55: {  	v4 =	vld [tilespmem:s26+$0x830]  }
0x56: {  	[tilespmem:s26+$0x12800] =	vst v0;
	v0 =	vadd.f32 v5, v2;
	v2 =	vld [tilespmem:s26+$0x6840]  }
0x57: {  	v5 =	vld [tilespmem:s26+$0x840]  }
0x58: {  	[tilespmem:s26+$0x12810] =	vst v0;
	v0 =	vadd.f32 v6, v1;
	v1 =	vld [tilespmem:s26+$0x6850]  }
0x59: {  	v6 =	vld [tilespmem:s26+$0x850]  }
0x5a: {  	[tilespmem:s26+$0x12820] =	vst v0;
	v0 =	vadd.f32 v4, v3;
	v3 =	vld [tilespmem:s26+$0x6860]  }
0x5b: {  	v4 =	vld [tilespmem:s26+$0x860]  }
0x5c: {  	[tilespmem:s26+$0x12830] =	vst v0;
	v0 =	vadd.f32 v5, v2;
	v2 =	vld [tilespmem:s26+$0x6870]  }
0x5d: {  	v5 =	vld [tilespmem:s26+$0x870]  }
0x5e: {  	[tilespmem:s26+$0x12840] =	vst v0;
	v0 =	vadd.f32 v6, v1;
	v1 =	vld [tilespmem:s26+$0x6C00]  }
0x5f: {  	v6 =	vld [tilespmem:s26+$0xC00]  }
0x60: {  	[tilespmem:s26+$0x12850] =	vst v0;
	v0 =	vadd.f32 v4, v3;
	v3 =	vld [tilespmem:s26+$0x6C10]  }
0x61: {  	v4 =	vld [tilespmem:s26+$0xC10]  }
0x62: {  	[tilespmem:s26+$0x12860] =	vst v0;
	v0 =	vadd.f32 v5, v2;
	v2 =	vld [tilespmem:s26+$0x6C20]  }
0x63: {  	v5 =	vld [tilespmem:s26+$0xC20]  }
0x64: {  	[tilespmem:s26+$0x12870] =	vst v0;
	v0 =	vadd.f32 v6, v1;
	v1 =	vld [tilespmem:s26+$0x6C30]  }
0x65: {  	v6 =	vld [tilespmem:s26+$0xC30]  }
0x66: {  	[tilespmem:s26+$0x12C00] =	vst v0;
	v0 =	vadd.f32 v4, v3;
	v3 =	vld [tilespmem:s26+$0x6C40]  }
0x67: {  	v4 =	vld [tilespmem:s26+$0xC40]  }
0x68: {  	[tilespmem:s26+$0x12C10] =	vst v0;
	v0 =	vadd.f32 v5, v2;
	v2 =	vld [tilespmem:s26+$0x6C50]  }
0x69: {  	v5 =	vld [tilespmem:s26+$0xC50]  }
0x6a: {  	[tilespmem:s26+$0x12C20] =	vst v0;
	v0 =	vadd.f32 v6, v1;
	v1 =	vld [tilespmem:s26+$0x6C60]  }
0x6b: {  	v6 =	vld [tilespmem:s26+$0xC60]  }
0x6c: {  	[tilespmem:s26+$0x12C30] =	vst v0;
	v0 =	vadd.f32 v4, v3;
	v3 =	vld [tilespmem:s26+$0x6C70]  }
0x6d: {  	v4 =	vld [tilespmem:s26+$0xC70]  }
0x6e: {  	[tilespmem:s26+$0x12C40] =	vst v0;
	v0 =	vadd.f32 v5, v2;
	v2 =	vld [tilespmem:s26+$0x7000]  }
0x6f: {  	v5 =	vld [tilespmem:s26+$0x1000]  }
0x70: {  	[tilespmem:s26+$0x12C50] =	vst v0;
	v0 =	vadd.f32 v6, v1;
	v1 =	vld [tilespmem:s26+$0x7010]  }
0x71: {  	v6 =	vld [tilespmem:s26+$0x1010]  }
0x72: {  	[tilespmem:s26+$0x12C60] =	vst v0;
	v0 =	vadd.f32 v4, v3;
	v3 =	vld [tilespmem:s26+$0x7020]  }
0x73: {  	v4 =	vld [tilespmem:s26+$0x1020]  }
0x74: {  	[tilespmem:s26+$0x12C70] =	vst v0;
	v0 =	vadd.f32 v5, v2;
	v2 =	vld [tilespmem:s26+$0x7030]  }
0x75: {  	v5 =	vld [tilespmem:s26+$0x1030]  }
0x76: {  	[tilespmem:s26+$0x13000] =	vst v0;
	v0 =	vadd.f32 v6, v1;
	v1 =	vld [tilespmem:s26+$0x7040]  }
0x77: {  	v6 =	vld [tilespmem:s26+$0x1040]  }
0x78: {  	[tilespmem:s26+$0x13010] =	vst v0;
	v0 =	vadd.f32 v4, v3;
	v3 =	vld [tilespmem:s26+$0x7050]  }
0x79: {  	v4 =	vld [tilespmem:s26+$0x1050]  }
0x7a: {  	[tilespmem:s26+$0x13020] =	vst v0;
	v0 =	vadd.f32 v5, v2;
	v2 =	vld [tilespmem:s26+$0x7060]  }
0x7b: {  	v5 =	vld [tilespmem:s26+$0x1060]  }
0x7c: {  	[tilespmem:s26+$0x13030] =	vst v0;
	v0 =	vadd.f32 v6, v1;
	v1 =	vld [tilespmem:s26+$0x7070]  }
0x7d: {  	v6 =	vld [tilespmem:s26+$0x1070]  }
0x7e: {  	[tilespmem:s26+$0x13040] =	vst v0;
	v0 =	vadd.f32 v4, v3;
	v3 =	vld [tilespmem:s26+$0x7400]  }
0x7f: {  	v4 =	vld [tilespmem:s26+$0x1400]  }
0x80: {  	v7 =	vld [tilespmem:s26+$0x1410];
	[tilespmem:s26+$0x13050] =	vst v0;
	v0 =	vadd.f32 v5, v2  }
0x81: {  	v5 =	vld [tilespmem:s26+$0x7410]  }
0x82: {  	[tilespmem:s26+$0x13060] =	vst v0;
	v0 =	vadd.f32 v6, v1;
	v6 =	vld [tilespmem:s26+$0x7420]  }
0x83: {  	v2 =	vld [tilespmem:s26+$0x7430]  }
0x84: {  	[tilespmem:s26+$0x13070] =	vst v0;
	v0 =	vadd.f32 v4, v3;
	v4 =	vld [tilespmem:s26+$0x1430]  }
0x85: {  	v3 =	vld [tilespmem:s26+$0x1440]  }
0x86: {  	v1 =	vadd.f32 v7, v5;
	[tilespmem:s26+$0x13400] =	vst v0;
	v0 =	vld [tilespmem:s26+$0x7440]  }
0x87: {  	s31 =	simm.s32 $0x0;
	v5 =	vld [tilespmem:s26+$0x1450];
	v6 =	vadd.f32 v8, v6  }
0x88: {  	s29 =	simm.s32 $0x2;
	s30 =	smul.u32 $0x1800, s31;
	s28 =	simm.s32 $0x80;
	[tilespmem:s26+$0x13410] =	vst v1;
	v1 =	vld [tilespmem:s26+$0x7450]  }
.LBB2_3:
0x89: {  	p1 =	sne.s32 s29, $0xF;
	s2 =	sand.u32 $0x380, s28;
	[tilespmem:s26+$0x13420] =	vst v6;
	v2 =	vadd.f32 v4, v2;
	v4 =	vld [tilespmem:s26+$0x7460]  }
0x8a: {  	s2 =	sor.u32 s2, s30;
	v6 =	vld [tilespmem:s26+$0x1460]  }
0x8b: {  	v7 =	vld [tilespmem:s2+$0x7470];
	[tilespmem:s26+$0x13430] =	vst v2;
	v0 =	vadd.f32 v3, v0  }
0x8c: {  	v2 =	vld [tilespmem:s2+$0x1470]  }
0x8d: {  	v3 =	vld [tilespmem:s2+$0x6000];
	[tilespmem:s26+$0x13440] =	vst v0;
	v0 =	vadd.f32 v5, v1  }
0x8e: {  	v1 =	vld [tilespmem:s2+$0x0]  }
0x8f: {  	v5 =	vld [tilespmem:s2+$0x6010];
	[tilespmem:s26+$0x13450] =	vst v0;
	v0 =	vadd.f32 v6, v4  }
0x90: {  	v4 =	vld [tilespmem:s2+$0x10]  }
0x91: {  	v6 =	vld [tilespmem:s2+$0x6020];
	v2 =	vadd.f32 v2, v7;
	[tilespmem:s26+$0x13460] =	vst v0;
	s26 =	smov.u32 s2  }
0x92: {  	v0 =	vld [tilespmem:s26+$0x20]  }
0x93: {  	v1 =	vadd.f32 v1, v3;
	v3 =	vld [tilespmem:s26+$0x6030];
	[tilespmem:s26+$0x13470] =	vst v2  }
0x94: {  	v2 =	vld [tilespmem:s26+$0x30]  }
0x95: {  	[tilespmem:s26+$0x12000] =	vst v1;
	v1 =	vadd.f32 v4, v5;
	v4 =	vld [tilespmem:s26+$0x6040]  }
0x96: {  	v5 =	vld [tilespmem:s26+$0x40]  }
0x97: {  	[tilespmem:s26+$0x12010] =	vst v1;
	v0 =	vadd.f32 v0, v6;
	v1 =	vld [tilespmem:s26+$0x6050]  }
0x98: {  	v6 =	vld [tilespmem:s26+$0x50]  }
0x99: {  	[tilespmem:s26+$0x12020] =	vst v0;
	v0 =	vadd.f32 v2, v3;
	v2 =	vld [tilespmem:s26+$0x6060]  }
0x9a: {  	v3 =	vld [tilespmem:s26+$0x60]  }
0x9b: {  	[tilespmem:s26+$0x12030] =	vst v0;
	v0 =	vadd.f32 v5, v4;
	v4 =	vld [tilespmem:s26+$0x6070]  }
0x9c: {  	v5 =	vld [tilespmem:s26+$0x70]  }
0x9d: {  	[tilespmem:s26+$0x12040] =	vst v0;
	v0 =	vadd.f32 v6, v1;
	v1 =	vld [tilespmem:s26+$0x6400]  }
0x9e: {  	v6 =	vld [tilespmem:s26+$0x400]  }
0x9f: {  	[tilespmem:s26+$0x12050] =	vst v0;
	v0 =	vadd.f32 v3, v2;
	v2 =	vld [tilespmem:s26+$0x6410]  }
0xa0: {  	v3 =	vld [tilespmem:s26+$0x410]  }
0xa1: {  	[tilespmem:s26+$0x12060] =	vst v0;
	v0 =	vadd.f32 v5, v4;
	v4 =	vld [tilespmem:s26+$0x6420]  }
0xa2: {  	v5 =	vld [tilespmem:s26+$0x420]  }
0xa3: {  	[tilespmem:s26+$0x12070] =	vst v0;
	v0 =	vadd.f32 v6, v1;
	v1 =	vld [tilespmem:s26+$0x6430]  }
0xa4: {  	v6 =	vld [tilespmem:s26+$0x430]  }
0xa5: {  	[tilespmem:s26+$0x12400] =	vst v0;
	v0 =	vadd.f32 v3, v2;
	v2 =	vld [tilespmem:s26+$0x6440]  }
0xa6: {  	v3 =	vld [tilespmem:s26+$0x440]  }
0xa7: {  	[tilespmem:s26+$0x12410] =	vst v0;
	v0 =	vadd.f32 v5, v4;
	v4 =	vld [tilespmem:s26+$0x6450]  }
0xa8: {  	v5 =	vld [tilespmem:s26+$0x450]  }
0xa9: {  	[tilespmem:s26+$0x12420] =	vst v0;
	v0 =	vadd.f32 v6, v1;
	v1 =	vld [tilespmem:s26+$0x6460]  }
0xaa: {  	v6 =	vld [tilespmem:s26+$0x460]  }
0xab: {  	[tilespmem:s26+$0x12430] =	vst v0;
	v0 =	vadd.f32 v3, v2;
	v2 =	vld [tilespmem:s26+$0x6470]  }
0xac: {  	v3 =	vld [tilespmem:s26+$0x470]  }
0xad: {  	[tilespmem:s26+$0x12440] =	vst v0;
	v0 =	vadd.f32 v5, v4;
	v4 =	vld [tilespmem:s26+$0x6800]  }
0xae: {  	v5 =	vld [tilespmem:s26+$0x800]  }
0xaf: {  	[tilespmem:s26+$0x12450] =	vst v0;
	v0 =	vadd.f32 v6, v1;
	v1 =	vld [tilespmem:s26+$0x6810]  }
0xb0: {  	v6 =	vld [tilespmem:s26+$0x810]  }
0xb1: {  	[tilespmem:s26+$0x12460] =	vst v0;
	v0 =	vadd.f32 v3, v2;
	v2 =	vld [tilespmem:s26+$0x6820]  }
0xb2: {  	v3 =	vld [tilespmem:s26+$0x820]  }
0xb3: {  	[tilespmem:s26+$0x12470] =	vst v0;
	v0 =	vadd.f32 v5, v4;
	v4 =	vld [tilespmem:s26+$0x6830]  }
0xb4: {  	v5 =	vld [tilespmem:s26+$0x830]  }
0xb5: {  	[tilespmem:s26+$0x12800] =	vst v0;
	v0 =	vadd.f32 v6, v1;
	v1 =	vld [tilespmem:s26+$0x6840]  }
0xb6: {  	v6 =	vld [tilespmem:s26+$0x840]  }
0xb7: {  	[tilespmem:s26+$0x12810] =	vst v0;
	v0 =	vadd.f32 v3, v2;
	v2 =	vld [tilespmem:s26+$0x6850]  }
0xb8: {  	v3 =	vld [tilespmem:s26+$0x850]  }
0xb9: {  	[tilespmem:s26+$0x12820] =	vst v0;
	v0 =	vadd.f32 v5, v4;
	v4 =	vld [tilespmem:s26+$0x6860]  }
0xba: {  	v5 =	vld [tilespmem:s26+$0x860]  }
0xbb: {  	[tilespmem:s26+$0x12830] =	vst v0;
	v0 =	vadd.f32 v6, v1;
	v1 =	vld [tilespmem:s26+$0x6870]  }
0xbc: {  	v6 =	vld [tilespmem:s26+$0x870]  }
0xbd: {  	[tilespmem:s26+$0x12840] =	vst v0;
	v0 =	vadd.f32 v3, v2;
	v2 =	vld [tilespmem:s26+$0x6C00]  }
0xbe: {  	v3 =	vld [tilespmem:s26+$0xC00]  }
0xbf: {  	[tilespmem:s26+$0x12850] =	vst v0;
	v0 =	vadd.f32 v5, v4;
	v4 =	vld [tilespmem:s26+$0x6C10]  }
0xc0: {  	v5 =	vld [tilespmem:s26+$0xC10]  }
0xc1: {  	[tilespmem:s26+$0x12860] =	vst v0;
	v0 =	vadd.f32 v6, v1;
	v1 =	vld [tilespmem:s26+$0x6C20]  }
0xc2: {  	v6 =	vld [tilespmem:s26+$0xC20]  }
0xc3: {  	[tilespmem:s26+$0x12870] =	vst v0;
	v0 =	vadd.f32 v3, v2;
	v2 =	vld [tilespmem:s26+$0x6C30]  }
0xc4: {  	v3 =	vld [tilespmem:s26+$0xC30]  }
0xc5: {  	[tilespmem:s26+$0x12C00] =	vst v0;
	v0 =	vadd.f32 v5, v4;
	v4 =	vld [tilespmem:s26+$0x6C40]  }
0xc6: {  	v5 =	vld [tilespmem:s26+$0xC40]  }
0xc7: {  	[tilespmem:s26+$0x12C10] =	vst v0;
	v0 =	vadd.f32 v6, v1;
	v1 =	vld [tilespmem:s26+$0x6C50]  }
0xc8: {  	v6 =	vld [tilespmem:s26+$0xC50]  }
0xc9: {  	[tilespmem:s26+$0x12C20] =	vst v0;
	v0 =	vadd.f32 v3, v2;
	v2 =	vld [tilespmem:s26+$0x6C60]  }
0xca: {  	v3 =	vld [tilespmem:s26+$0xC60]  }
0xcb: {  	[tilespmem:s26+$0x12C30] =	vst v0;
	v0 =	vadd.f32 v5, v4;
	v4 =	vld [tilespmem:s26+$0x6C70]  }
0xcc: {  	v5 =	vld [tilespmem:s26+$0xC70]  }
0xcd: {  	[tilespmem:s26+$0x12C40] =	vst v0;
	v0 =	vadd.f32 v6, v1;
	v1 =	vld [tilespmem:s26+$0x7000]  }
0xce: {  	v6 =	vld [tilespmem:s26+$0x1000]  }
0xcf: {  	[tilespmem:s26+$0x12C50] =	vst v0;
	v0 =	vadd.f32 v3, v2;
	v2 =	vld [tilespmem:s26+$0x7010]  }
0xd0: {  	v3 =	vld [tilespmem:s26+$0x1010]  }
0xd1: {  	[tilespmem:s26+$0x12C60] =	vst v0;
	v0 =	vadd.f32 v5, v4;
	v4 =	vld [tilespmem:s26+$0x7020]  }
0xd2: {  	v5 =	vld [tilespmem:s26+$0x1020]  }
0xd3: {  	[tilespmem:s26+$0x12C70] =	vst v0;
	v0 =	vadd.f32 v6, v1;
	v1 =	vld [tilespmem:s26+$0x7030]  }
0xd4: {  	v6 =	vld [tilespmem:s26+$0x1030]  }
0xd5: {  	[tilespmem:s26+$0x13000] =	vst v0;
	v0 =	vadd.f32 v3, v2;
	v2 =	vld [tilespmem:s26+$0x7040]  }
0xd6: {  	v3 =	vld [tilespmem:s26+$0x1040]  }
0xd7: {  	[tilespmem:s26+$0x13010] =	vst v0;
	v0 =	vadd.f32 v5, v4;
	v4 =	vld [tilespmem:s26+$0x7050]  }
0xd8: {  	v5 =	vld [tilespmem:s26+$0x1050]  }
0xd9: {  	[tilespmem:s26+$0x13020] =	vst v0;
	v0 =	vadd.f32 v6, v1;
	v1 =	vld [tilespmem:s26+$0x7060]  }
0xda: {  	v6 =	vld [tilespmem:s26+$0x1060]  }
0xdb: {  	[tilespmem:s26+$0x13030] =	vst v0;
	v0 =	vadd.f32 v3, v2;
	v2 =	vld [tilespmem:s26+$0x7070]  }
0xdc: {  	v3 =	vld [tilespmem:s26+$0x1070]  }
0xdd: {  	[tilespmem:s26+$0x13040] =	vst v0;
	v0 =	vadd.f32 v5, v4;
	v4 =	vld [tilespmem:s26+$0x7400]  }
0xde: {  	v5 =	vld [tilespmem:s26+$0x1400]  }
0xdf: {  	[tilespmem:s26+$0x13050] =	vst v0;
	v0 =	vadd.f32 v6, v1;
	v1 =	vld [tilespmem:s26+$0x7410]  }
0xe0: {  	v6 =	vld [tilespmem:s26+$0x1410]  }
0xe1: {  	[tilespmem:s26+$0x13060] =	vst v0;
	v0 =	vadd.f32 v3, v2;
	v7 =	vld [tilespmem:s26+$0x7420]  }
0xe2: {  	v8 =	vld [tilespmem:s26+$0x1420]  }
0xe3: {  	[tilespmem:s26+$0x13070] =	vst v0;
	v0 =	vadd.f32 v5, v4;
	v2 =	vld [tilespmem:s26+$0x7430]  }
.Ltmp2:
0xe4: {  	v4 =	vld [tilespmem:s26+$0x1430];
	(pc) =	sbr.rel @p1 .LBB2_3-.Ltmp2, $4  }
0xe5: {  	[tilespmem:s26+$0x13400] =	vst v0;
	v1 =	vadd.f32 v6, v1;
	v0 =	vld [tilespmem:s26+$0x7440]  }
0xe6: {  	v3 =	vld [tilespmem:s26+$0x1440]  }
0xe7: {  	s2 =	sshrl.u32 s29, $0x3;
	[tilespmem:s26+$0x13410] =	vst v1;
	v6 =	vadd.f32 v8, v7;
	v1 =	vld [tilespmem:s26+$0x7450]  }
0xe8: {  	s28 =	sadd.s32 $0x80, s28;
	s29 =	sadd.s32 $0x1, s29;
	s30 =	smul.u32 $0x1800, s2;
	v5 =	vld [tilespmem:s26+$0x1450]  }
0xe9: {  	[tilespmem:s26+$0x13420] =	vst v6;
	s2 =	sand.u32 $0x380, s28;
	v6 =	vld [tilespmem:s26+$0x7460];
	v2 =	vadd.f32 v4, v2  }
0xea: {  	v4 =	vld [tilespmem:s26+$0x1460];
	s28 =	sor.u32 s2, s30  }
0xeb: {  	v7 =	vld [tilespmem:s28+$0x7470];
	[tilespmem:s26+$0x13430] =	vst v2;
	v0 =	vadd.f32 v3, v0  }
0xec: {  	v2 =	vld [tilespmem:s28+$0x1470]  }
0xed: {  	v3 =	vld [tilespmem:s28+$0x6000];
	[tilespmem:s26+$0x13440] =	vst v0;
	v0 =	vadd.f32 v5, v1  }
0xee: {  	v1 =	vld [tilespmem:s28+$0x0]  }
0xef: {  	v5 =	vld [tilespmem:s28+$0x6010];
	[tilespmem:s26+$0x13450] =	vst v0;
	v0 =	vadd.f32 v4, v6  }
0xf0: {  	v4 =	vld [tilespmem:s28+$0x10]  }
0xf1: {  	v6 =	vld [tilespmem:s28+$0x6020];
	[tilespmem:s26+$0x13460] =	vst v0  }
0xf2: {  	v0 =	vld [tilespmem:s28+$0x20]  }
0xf3: {  	v8 =	vld [tilespmem:s28+$0x6030]  }
0xf4: {  	v9 =	vld [tilespmem:s28+$0x30]  }
0xf5: {  	v10 =	vld [tilespmem:s28+$0x6040]  }
0xf6: {  	v11 =	vld [tilespmem:s28+$0x40]  }
0xf7: {  	v12 =	vld [tilespmem:s28+$0x6050]  }
0xf8: {  	v13 =	vld [tilespmem:s28+$0x50]  }
0xf9: {  	v14 =	vld [tilespmem:s28+$0x6060]  }
0xfa: {  	v15 =	vld [tilespmem:s28+$0x60]  }
0xfb: {  	v16 =	vld [tilespmem:s28+$0x6070]  }
0xfc: {  	v17 =	vld [tilespmem:s28+$0x70]  }
0xfd: {  	v18 =	vld [tilespmem:s28+$0x6400]  }
0xfe: {  	v19 =	vld [tilespmem:s28+$0x400]  }
0xff: {  	v20 =	vld [tilespmem:s28+$0x6410]  }
0x100: {  	v21 =	vld [tilespmem:s28+$0x410]  }
0x101: {  	v22 =	vld [tilespmem:s28+$0x6420]  }
0x102: {  	v23 =	vld [tilespmem:s28+$0x420]  }
0x103: {  	v24 =	vld [tilespmem:s28+$0x6430]  }
0x104: {  	v25 =	vld [tilespmem:s28+$0x430]  }
0x105: {  	v26 =	vld [tilespmem:s28+$0x6440]  }
0x106: {  	v27 =	vld [tilespmem:s28+$0x440]  }
0x107: {  	v28 =	vld [tilespmem:s28+$0x6450]  }
0x108: {  	v29 =	vld [tilespmem:s28+$0x450]  }
0x109: {  	v30 =	vld [tilespmem:s28+$0x6460]  }
0x10a: {  	v31 =	vld [tilespmem:s28+$0x460]  }
0x10b: {  	v32 =	vld [tilespmem:s28+$0x6470]  }
0x10c: {  	v33 =	vld [tilespmem:s28+$0x470]  }
0x10d: {  	v34 =	vld [tilespmem:s28+$0x6800]  }
0x10e: {  	v35 =	vld [tilespmem:s28+$0x800]  }
0x10f: {  	v36 =	vld [tilespmem:s28+$0x6810]  }
0x110: {  	v37 =	vld [tilespmem:s28+$0x810]  }
0x111: {  	v38 =	vld [tilespmem:s28+$0x6820]  }
0x112: {  	v39 =	vld [tilespmem:s28+$0x820]  }
0x113: {  	v40 =	vld [tilespmem:s28+$0x6830]  }
0x114: {  	v41 =	vld [tilespmem:s28+$0x830]  }
0x115: {  	v42 =	vld [tilespmem:s28+$0x6840]  }
0x116: {  	v43 =	vld [tilespmem:s28+$0x840]  }
0x117: {  	v44 =	vld [tilespmem:s28+$0x6850]  }
0x118: {  	v45 =	vld [tilespmem:s28+$0x850]  }
0x119: {  	v46 =	vld [tilespmem:s28+$0x6860]  }
0x11a: {  	v47 =	vld [tilespmem:s28+$0x860]  }
0x11b: {  	v48 =	vld [tilespmem:s28+$0x6870]  }
0x11c: {  	v49 =	vld [tilespmem:s28+$0x870]  }
0x11d: {  	v50 =	vld [tilespmem:s28+$0x6C00];
	v1 =	vadd.f32 v1, v3  }
0x11e: {  	v2 =	vadd.f32 v2, v7;
	v51 =	vld [tilespmem:s28+$0xC00]  }
0x11f: {  	[tilespmem:s28+$0x12000] =	vst v1;
	v1 =	vld [tilespmem:s28+$0x6C30]  }
0x120: {  	[tilespmem:s28+$0x13470] =	vst v2;
	v2 =	vadd.f32 v4, v5;
	v5 =	vld [tilespmem:s28+$0xC30]  }
0x121: {  	v52 =	vld [tilespmem:s28+$0x6C10];
	v0 =	vadd.f32 v0, v6  }
0x122: {  	v7 =	vld [tilespmem:s28+$0xC10];
	[tilespmem:s28+$0x12010] =	vst v2;
	v2 =	vadd.f32 v9, v8  }
0x123: {  	v58 =	vld [tilespmem:s28+$0x6C60];
	[tilespmem:s28+$0x12020] =	vst v0;
	v0 =	vadd.f32 v11, v10  }
0x124: {  	v9 =	vld [tilespmem:s28+$0x6C50];
	[tilespmem:s28+$0x12030] =	vst v2;
	v2 =	vadd.f32 v13, v12  }
0x125: {  	v10 =	vld [tilespmem:s28+$0xC50];
	v1 =	vadd.f32 v5, v1;
	[tilespmem:s28+$0x12040] =	vst v0  }
0x126: {  	v59 =	vld [tilespmem:s28+$0xC60];
	v0 =	vadd.f32 v15, v14;
	[tilespmem:s28+$0x12050] =	vst v2  }
0x127: {  	v60 =	vld [tilespmem:s28+$0x6C70];
	v2 =	vadd.f32 v17, v16;
	[tilespmem:s28+$0x12C30] =	vst v1  }
0x128: {  	v61 =	vld [tilespmem:s28+$0xC70];
	[tilespmem:s28+$0x12060] =	vst v0;
	v0 =	vadd.f32 v19, v18  }
0x129: {  	v62 =	vld [tilespmem:s28+$0x7000];
	[tilespmem:s28+$0x12070] =	vst v2;
	v2 =	vadd.f32 v21, v20  }
0x12a: {  	v63 =	vld [tilespmem:s28+$0x1000];
	v1 =	vadd.f32 v10, v9;
	[tilespmem:s28+$0x12400] =	vst v0  }
0x12b: {  	v53 =	vld [tilespmem:s28+$0x7040];
	v0 =	vadd.f32 v23, v22;
	[tilespmem:s28+$0x12410] =	vst v2  }
0x12c: {  	v54 =	vld [tilespmem:s28+$0x1040];
	v2 =	vadd.f32 v25, v24;
	[tilespmem:s28+$0x12C50] =	vst v1  }
0x12d: {  	v55 =	vld [tilespmem:s28+$0x7050];
	[tilespmem:s28+$0x12420] =	vst v0;
	v0 =	vadd.f32 v27, v26  }
0x12e: {  	v56 =	vld [tilespmem:s28+$0x1050];
	v1 =	vadd.f32 v61, v60;
	[tilespmem:s28+$0x12430] =	vst v2  }
0x12f: {  	v57 =	vld [tilespmem:s28+$0x7060];
	[tilespmem:s28+$0x12440] =	vst v0;
	v0 =	vadd.f32 v31, v30  }
0x130: {  	v3 =	vld [tilespmem:s28+$0x6C20];
	v2 =	vadd.f32 v29, v28;
	[tilespmem:s28+$0x12C70] =	vst v1  }
0x131: {  	v4 =	vld [tilespmem:s28+$0xC20];
	[tilespmem:s28+$0x12460] =	vst v0;
	v0 =	vadd.f32 v35, v34  }
0x132: {  	v6 =	vld [tilespmem:s28+$0x6C40];
	[tilespmem:s28+$0x12450] =	vst v2;
	v2 =	vadd.f32 v33, v32  }
0x133: {  	v8 =	vld [tilespmem:s28+$0xC40];
	[tilespmem:s28+$0x12800] =	vst v0;
	v0 =	vadd.f32 v39, v38  }
0x134: {  	v5 =	vld [tilespmem:s28+$0x1400];
	[tilespmem:s28+$0x12470] =	vst v2;
	v2 =	vadd.f32 v37, v36  }
0x135: {  	v60 =	vld [tilespmem:s28+$0x7430];
	[tilespmem:s28+$0x12820] =	vst v0;
	v0 =	vadd.f32 v43, v42  }
0x136: {  	v61 =	vld [tilespmem:s28+$0x1430];
	[tilespmem:s28+$0x12810] =	vst v2;
	v2 =	vadd.f32 v41, v40  }
0x137: {  	v31 =	vld [tilespmem:s28+$0x7010];
	[tilespmem:s28+$0x12840] =	vst v0;
	v0 =	vadd.f32 v47, v46  }
0x138: {  	v33 =	vld [tilespmem:s28+$0x1010];
	[tilespmem:s28+$0x12830] =	vst v2;
	v2 =	vadd.f32 v45, v44  }
0x139: {  	v35 =	vld [tilespmem:s28+$0x7020];
	[tilespmem:s28+$0x12860] =	vst v0;
	v0 =	vadd.f32 v51, v50  }
0x13a: {  	v39 =	vld [tilespmem:s28+$0x7030];
	[tilespmem:s28+$0x12850] =	vst v2;
	v2 =	vadd.f32 v49, v48  }
0x13b: {  	v41 =	vld [tilespmem:s28+$0x1030];
	[tilespmem:s28+$0x12C00] =	vst v0;
	v0 =	vadd.f32 v4, v3  }
0x13c: {  	v37 =	vld [tilespmem:s28+$0x1020];
	[tilespmem:s28+$0x12870] =	vst v2;
	v2 =	vadd.f32 v7, v52  }
0x13d: {  	v7 =	vld [tilespmem:s28+$0x1060];
	[tilespmem:s28+$0x12C20] =	vst v0;
	v0 =	vadd.f32 v8, v6  }
0x13e: {  	v1 =	vadd.f32 v33, v31;
	v3 =	vld [tilespmem:s28+$0x7070];
	[tilespmem:s28+$0x12C10] =	vst v2  }
0x13f: {  	v2 =	vld [tilespmem:s28+$0x1070];
	[tilespmem:s28+$0x12C40] =	vst v0;
	v0 =	vadd.f32 v59, v58  }
0x140: {  	[tilespmem:s28+$0x13010] =	vst v1;
	v1 =	vadd.f32 v41, v39;
	v4 =	vld [tilespmem:s28+$0x7400]  }
0x141: {  	v6 =	vld [tilespmem:s28+$0x7410];
	[tilespmem:s28+$0x12C60] =	vst v0;
	v0 =	vadd.f32 v63, v62  }
0x142: {  	[tilespmem:s28+$0x13030] =	vst v1;
	v1 =	vadd.f32 v56, v55;
	v8 =	vld [tilespmem:s28+$0x1410]  }
0x143: {  	v58 =	vld [tilespmem:s28+$0x7420];
	[tilespmem:s28+$0x13000] =	vst v0;
	v0 =	vadd.f32 v37, v35  }
0x144: {  	[tilespmem:s28+$0x13050] =	vst v1;
	v59 =	vld [tilespmem:s28+$0x1420]  }
0x145: {  	v1 =	vadd.f32 v2, v3;
	v2 =	vld [tilespmem:s28+$0x1450];
	[tilespmem:s28+$0x13020] =	vst v0;
	v0 =	vadd.f32 v54, v53  }
0x146: {  	v3 =	vld [tilespmem:s28+$0x7460]  }
0x147: {  	v62 =	vld [tilespmem:s28+$0x7440];
	[tilespmem:s28+$0x13040] =	vst v0;
	v0 =	vadd.f32 v7, v57  }
0x148: {  	v63 =	vld [tilespmem:s28+$0x1440]  }
0x149: {  	v7 =	vld [tilespmem:s28+$0x7450];
	[tilespmem:s28+$0x13060] =	vst v0;
	v0 =	vadd.f32 v5, v4  }
0x14a: {  	[tilespmem:s28+$0x13070] =	vst v1;
	v1 =	vadd.f32 v8, v6;
	v4 =	vld [tilespmem:s28+$0x1460]  }
0x14b: {  	[tilespmem:s28+$0x13400] =	vst v0;
	v0 =	vadd.f32 v59, v58  }
0x14c: {  	[tilespmem:s28+$0x13410] =	vst v1;
	v1 =	vadd.f32 v61, v60  }
0x14d: {  	s26 =	smul.u32 $0x180000, s25;
	[tilespmem:s28+$0x13420] =	vst v0;
	v0 =	vadd.f32 v63, v62  }
0x14e: {  	[tilespmem:s28+$0x13430] =	vst v1;
	v1 =	vadd.f32 v2, v7  }
0x14f: {  	s0 =	sadd.s32 s4, s26;
	[tilespmem:s28+$0x13440] =	vst v0;
	v0 =	vadd.f32 v4, v3  }
0x150: {  	s2 =	sshrl.u32 s0, $0x3;
	[tilespmem:s28+$0x13450] =	vst v1  }
0x151: {  	s0 =	simm.s32 $0x2;
	s2 =	sadd.s32 s3, s2;
	[tilespmem:s28+$0x13460] =	vst v0  }
0x152: {  	[hbm4b:s2+s5] =	stream.linear.scatter [tilespmem:s17], [sflag:$0x4], $0x3000, $0x38;
	[tilespmem:$0x1E000] =	vst v63  }
0x153: {  	s28 =	simm.s32 $0x800;
	s2 =	smul.u32 $0x1800, s0  }
0x154: {  	s28 =	sand.u32 $0x380, s28  }
0x155: {  	s28 =	sor.u32 s28, s2  }
0x156: {  	v0 =	vld [tilespmem:s28+$0x7470]  }
0x157: {  	v1 =	vld [tilespmem:s28+$0x1470]  }
0x158: {  	v2 =	vld [tilespmem:s28+$0x6000]  }
0x159: {  	v3 =	vld [tilespmem:s28+$0x0]  }
0x15a: {  	v4 =	vld [tilespmem:s28+$0x6010]  }
0x15b: {  	v5 =	vld [tilespmem:s28+$0x10]  }
0x15c: {  	v6 =	vld [tilespmem:s28+$0x6020]  }
0x15d: {  	v7 =	vld [tilespmem:s28+$0x6030]  }
0x15e: {  	v8 =	vld [tilespmem:s28+$0x1420];
	v0 =	vadd.f32 v1, v0  }
0x15f: {  	v1 =	vld [tilespmem:s28+$0x20]  }
0x160: {  	v2 =	vadd.f32 v3, v2;
	[tilespmem:s28+$0x13470] =	vst v0;
	v0 =	vld [tilespmem:s28+$0x30]  }
0x161: {  	v3 =	vld [tilespmem:s28+$0x6040]  }
0x162: {  	[tilespmem:s28+$0x12000] =	vst v2;
	v2 =	vadd.f32 v5, v4;
	v4 =	vld [tilespmem:s28+$0x40]  }
0x163: {  	v5 =	vld [tilespmem:s28+$0x50]  }
0x164: {  	[tilespmem:s28+$0x12010] =	vst v2;
	v2 =	vld [tilespmem:s28+$0x6050];
	v1 =	vadd.f32 v1, v6  }
0x165: {  	v6 =	vld [tilespmem:s28+$0x60];
	v0 =	vadd.f32 v0, v7  }
0x166: {  	[tilespmem:s28+$0x12020] =	vst v1;
	v1 =	vld [tilespmem:s28+$0x6060]  }
0x167: {  	[tilespmem:s28+$0x12030] =	vst v0;
	v0 =	vadd.f32 v4, v3;
	v3 =	vld [tilespmem:s28+$0x6070]  }
0x168: {  	v4 =	vld [tilespmem:s28+$0x70]  }
0x169: {  	[tilespmem:s28+$0x12040] =	vst v0;
	v0 =	vadd.f32 v5, v2;
	v2 =	vld [tilespmem:s28+$0x6400]  }
0x16a: {  	v5 =	vld [tilespmem:s28+$0x400]  }
0x16b: {  	[tilespmem:s28+$0x12050] =	vst v0;
	v0 =	vadd.f32 v6, v1;
	v1 =	vld [tilespmem:s28+$0x6410]  }
0x16c: {  	v6 =	vld [tilespmem:s28+$0x410]  }
0x16d: {  	[tilespmem:s28+$0x12060] =	vst v0;
	v0 =	vadd.f32 v4, v3;
	v3 =	vld [tilespmem:s28+$0x6420]  }
0x16e: {  	v4 =	vld [tilespmem:s28+$0x420]  }
0x16f: {  	[tilespmem:s28+$0x12070] =	vst v0;
	v0 =	vadd.f32 v5, v2;
	v2 =	vld [tilespmem:s28+$0x6430]  }
0x170: {  	v5 =	vld [tilespmem:s28+$0x430]  }
0x171: {  	[tilespmem:s28+$0x12400] =	vst v0;
	v0 =	vadd.f32 v6, v1;
	v1 =	vld [tilespmem:s28+$0x6440]  }
0x172: {  	v6 =	vld [tilespmem:s28+$0x440]  }
0x173: {  	[tilespmem:s28+$0x12410] =	vst v0;
	v0 =	vadd.f32 v4, v3;
	v3 =	vld [tilespmem:s28+$0x6450]  }
0x174: {  	v4 =	vld [tilespmem:s28+$0x450]  }
0x175: {  	[tilespmem:s28+$0x12420] =	vst v0;
	v0 =	vadd.f32 v5, v2;
	v2 =	vld [tilespmem:s28+$0x6460]  }
0x176: {  	v5 =	vld [tilespmem:s28+$0x460]  }
0x177: {  	[tilespmem:s28+$0x12430] =	vst v0;
	v0 =	vadd.f32 v6, v1;
	v1 =	vld [tilespmem:s28+$0x6470]  }
0x178: {  	v6 =	vld [tilespmem:s28+$0x470]  }
0x179: {  	[tilespmem:s28+$0x12440] =	vst v0;
	v0 =	vadd.f32 v4, v3;
	v3 =	vld [tilespmem:s28+$0x6800]  }
0x17a: {  	v4 =	vld [tilespmem:s28+$0x800]  }
0x17b: {  	[tilespmem:s28+$0x12450] =	vst v0;
	v0 =	vadd.f32 v5, v2;
	v2 =	vld [tilespmem:s28+$0x6810]  }
0x17c: {  	v5 =	vld [tilespmem:s28+$0x810]  }
0x17d: {  	[tilespmem:s28+$0x12460] =	vst v0;
	v0 =	vadd.f32 v6, v1;
	v1 =	vld [tilespmem:s28+$0x6820]  }
0x17e: {  	v6 =	vld [tilespmem:s28+$0x820]  }
0x17f: {  	[tilespmem:s28+$0x12470] =	vst v0;
	v0 =	vadd.f32 v4, v3;
	v3 =	vld [tilespmem:s28+$0x6830]  }
0x180: {  	v4 =	vld [tilespmem:s28+$0x830]  }
0x181: {  	[tilespmem:s28+$0x12800] =	vst v0;
	v0 =	vadd.f32 v5, v2;
	v2 =	vld [tilespmem:s28+$0x6840]  }
0x182: {  	v5 =	vld [tilespmem:s28+$0x840]  }
0x183: {  	[tilespmem:s28+$0x12810] =	vst v0;
	v0 =	vadd.f32 v6, v1;
	v1 =	vld [tilespmem:s28+$0x6850]  }
0x184: {  	v6 =	vld [tilespmem:s28+$0x850]  }
0x185: {  	[tilespmem:s28+$0x12820] =	vst v0;
	v0 =	vadd.f32 v4, v3;
	v3 =	vld [tilespmem:s28+$0x6860]  }
0x186: {  	v4 =	vld [tilespmem:s28+$0x860]  }
0x187: {  	[tilespmem:s28+$0x12830] =	vst v0;
	v0 =	vadd.f32 v5, v2;
	v2 =	vld [tilespmem:s28+$0x6870]  }
0x188: {  	v5 =	vld [tilespmem:s28+$0x870]  }
0x189: {  	[tilespmem:s28+$0x12840] =	vst v0;
	v0 =	vadd.f32 v6, v1;
	v1 =	vld [tilespmem:s28+$0x6C00]  }
0x18a: {  	v6 =	vld [tilespmem:s28+$0xC00]  }
0x18b: {  	[tilespmem:s28+$0x12850] =	vst v0;
	v0 =	vadd.f32 v4, v3;
	v3 =	vld [tilespmem:s28+$0x6C10]  }
0x18c: {  	v4 =	vld [tilespmem:s28+$0xC10]  }
0x18d: {  	[tilespmem:s28+$0x12860] =	vst v0;
	v0 =	vadd.f32 v5, v2;
	v2 =	vld [tilespmem:s28+$0x6C20]  }
0x18e: {  	v5 =	vld [tilespmem:s28+$0xC20]  }
0x18f: {  	[tilespmem:s28+$0x12870] =	vst v0;
	v0 =	vadd.f32 v6, v1;
	v1 =	vld [tilespmem:s28+$0x6C30]  }
0x190: {  	v6 =	vld [tilespmem:s28+$0xC30]  }
0x191: {  	[tilespmem:s28+$0x12C00] =	vst v0;
	v0 =	vadd.f32 v4, v3;
	v3 =	vld [tilespmem:s28+$0x6C40]  }
0x192: {  	v4 =	vld [tilespmem:s28+$0xC40]  }
0x193: {  	[tilespmem:s28+$0x12C10] =	vst v0;
	v0 =	vadd.f32 v5, v2;
	v2 =	vld [tilespmem:s28+$0x6C50]  }
0x194: {  	v5 =	vld [tilespmem:s28+$0xC50]  }
0x195: {  	[tilespmem:s28+$0x12C20] =	vst v0;
	v0 =	vadd.f32 v6, v1;
	v1 =	vld [tilespmem:s28+$0x6C60]  }
0x196: {  	v6 =	vld [tilespmem:s28+$0xC60]  }
0x197: {  	[tilespmem:s28+$0x12C30] =	vst v0;
	v0 =	vadd.f32 v4, v3;
	v3 =	vld [tilespmem:s28+$0x6C70]  }
0x198: {  	v4 =	vld [tilespmem:s28+$0xC70]  }
0x199: {  	[tilespmem:s28+$0x12C40] =	vst v0;
	v0 =	vadd.f32 v5, v2;
	v2 =	vld [tilespmem:s28+$0x7000]  }
0x19a: {  	v5 =	vld [tilespmem:s28+$0x1000]  }
0x19b: {  	[tilespmem:s28+$0x12C50] =	vst v0;
	v0 =	vadd.f32 v6, v1;
	v1 =	vld [tilespmem:s28+$0x7010]  }
0x19c: {  	v6 =	vld [tilespmem:s28+$0x1010]  }
0x19d: {  	[tilespmem:s28+$0x12C60] =	vst v0;
	v0 =	vadd.f32 v4, v3;
	v3 =	vld [tilespmem:s28+$0x7020]  }
0x19e: {  	v4 =	vld [tilespmem:s28+$0x1020]  }
0x19f: {  	[tilespmem:s28+$0x12C70] =	vst v0;
	v0 =	vadd.f32 v5, v2;
	v2 =	vld [tilespmem:s28+$0x7030]  }
0x1a0: {  	v5 =	vld [tilespmem:s28+$0x1030]  }
0x1a1: {  	[tilespmem:s28+$0x13000] =	vst v0;
	v0 =	vadd.f32 v6, v1;
	v1 =	vld [tilespmem:s28+$0x7040]  }
0x1a2: {  	v6 =	vld [tilespmem:s28+$0x1040]  }
0x1a3: {  	[tilespmem:s28+$0x13010] =	vst v0;
	v0 =	vadd.f32 v4, v3;
	v3 =	vld [tilespmem:s28+$0x7050]  }
0x1a4: {  	v4 =	vld [tilespmem:s28+$0x1050]  }
0x1a5: {  	[tilespmem:s28+$0x13020] =	vst v0;
	v0 =	vadd.f32 v5, v2;
	v2 =	vld [tilespmem:s28+$0x7060]  }
0x1a6: {  	v5 =	vld [tilespmem:s28+$0x1060]  }
0x1a7: {  	[tilespmem:s28+$0x13030] =	vst v0;
	v0 =	vadd.f32 v6, v1;
	v1 =	vld [tilespmem:s28+$0x7070]  }
0x1a8: {  	v6 =	vld [tilespmem:s28+$0x1070]  }
0x1a9: {  	[tilespmem:s28+$0x13040] =	vst v0;
	v0 =	vadd.f32 v4, v3;
	v3 =	vld [tilespmem:s28+$0x7400]  }
0x1aa: {  	v4 =	vld [tilespmem:s28+$0x1400]  }
0x1ab: {  	v7 =	vld [tilespmem:s28+$0x1410];
	[tilespmem:s28+$0x13050] =	vst v0;
	v0 =	vadd.f32 v5, v2  }
0x1ac: {  	v5 =	vld [tilespmem:s28+$0x7410]  }
0x1ad: {  	[tilespmem:s28+$0x13060] =	vst v0;
	v0 =	vadd.f32 v6, v1;
	v6 =	vld [tilespmem:s28+$0x7420]  }
0x1ae: {  	v2 =	vld [tilespmem:s28+$0x7430]  }
0x1af: {  	[tilespmem:s28+$0x13070] =	vst v0;
	v0 =	vadd.f32 v4, v3;
	v4 =	vld [tilespmem:s28+$0x1430]  }
0x1b0: {  	v3 =	vld [tilespmem:s28+$0x1440]  }
0x1b1: {  	v1 =	vadd.f32 v7, v5;
	[tilespmem:s28+$0x13400] =	vst v0;
	v0 =	vld [tilespmem:s28+$0x7440]  }
0x1b2: {  	s0 =	simm.s32 $0x2;
	v5 =	vld [tilespmem:s28+$0x1450];
	v6 =	vadd.f32 v8, v6  }
0x1b3: {  	s29 =	simm.s32 $0x880;
	s30 =	simm.s32 $0x12;
	s31 =	smul.u32 $0x1800, s0;
	[tilespmem:s28+$0x13410] =	vst v1;
	v1 =	vld [tilespmem:s28+$0x7450]  }
.LBB2_5:
0x1b4: {  	p1 =	sne.s32 s30, $0x1F;
	s2 =	sand.u32 $0x380, s29;
	[tilespmem:s28+$0x13420] =	vst v6;
	v2 =	vadd.f32 v4, v2;
	v4 =	vld [tilespmem:s28+$0x7460]  }
0x1b5: {  	s2 =	sor.u32 s2, s31;
	v6 =	vld [tilespmem:s28+$0x1460]  }
0x1b6: {  	v7 =	vld [tilespmem:s2+$0x7470];
	[tilespmem:s28+$0x13430] =	vst v2;
	v0 =	vadd.f32 v3, v0  }
0x1b7: {  	v2 =	vld [tilespmem:s2+$0x1470]  }
0x1b8: {  	v3 =	vld [tilespmem:s2+$0x6000];
	[tilespmem:s28+$0x13440] =	vst v0;
	v0 =	vadd.f32 v5, v1  }
0x1b9: {  	v1 =	vld [tilespmem:s2+$0x0]  }
0x1ba: {  	v5 =	vld [tilespmem:s2+$0x6010];
	[tilespmem:s28+$0x13450] =	vst v0;
	v0 =	vadd.f32 v6, v4  }
0x1bb: {  	v4 =	vld [tilespmem:s2+$0x10]  }
0x1bc: {  	v6 =	vld [tilespmem:s2+$0x6020];
	v2 =	vadd.f32 v2, v7;
	[tilespmem:s28+$0x13460] =	vst v0;
	s28 =	smov.u32 s2  }
0x1bd: {  	v0 =	vld [tilespmem:s28+$0x20]  }
0x1be: {  	v1 =	vadd.f32 v1, v3;
	v3 =	vld [tilespmem:s28+$0x6030];
	[tilespmem:s28+$0x13470] =	vst v2  }
0x1bf: {  	v2 =	vld [tilespmem:s28+$0x30]  }
0x1c0: {  	[tilespmem:s28+$0x12000] =	vst v1;
	v1 =	vadd.f32 v4, v5;
	v4 =	vld [tilespmem:s28+$0x6040]  }
0x1c1: {  	v5 =	vld [tilespmem:s28+$0x40]  }
0x1c2: {  	[tilespmem:s28+$0x12010] =	vst v1;
	v0 =	vadd.f32 v0, v6;
	v1 =	vld [tilespmem:s28+$0x6050]  }
0x1c3: {  	v6 =	vld [tilespmem:s28+$0x50]  }
0x1c4: {  	[tilespmem:s28+$0x12020] =	vst v0;
	v0 =	vadd.f32 v2, v3;
	v2 =	vld [tilespmem:s28+$0x6060]  }
0x1c5: {  	v3 =	vld [tilespmem:s28+$0x60]  }
0x1c6: {  	[tilespmem:s28+$0x12030] =	vst v0;
	v0 =	vadd.f32 v5, v4;
	v4 =	vld [tilespmem:s28+$0x6070]  }
0x1c7: {  	v5 =	vld [tilespmem:s28+$0x70]  }
0x1c8: {  	[tilespmem:s28+$0x12040] =	vst v0;
	v0 =	vadd.f32 v6, v1;
	v1 =	vld [tilespmem:s28+$0x6400]  }
0x1c9: {  	v6 =	vld [tilespmem:s28+$0x400]  }
0x1ca: {  	[tilespmem:s28+$0x12050] =	vst v0;
	v0 =	vadd.f32 v3, v2;
	v2 =	vld [tilespmem:s28+$0x6410]  }
0x1cb: {  	v3 =	vld [tilespmem:s28+$0x410]  }
0x1cc: {  	[tilespmem:s28+$0x12060] =	vst v0;
	v0 =	vadd.f32 v5, v4;
	v4 =	vld [tilespmem:s28+$0x6420]  }
0x1cd: {  	v5 =	vld [tilespmem:s28+$0x420]  }
0x1ce: {  	[tilespmem:s28+$0x12070] =	vst v0;
	v0 =	vadd.f32 v6, v1;
	v1 =	vld [tilespmem:s28+$0x6430]  }
0x1cf: {  	v6 =	vld [tilespmem:s28+$0x430]  }
0x1d0: {  	[tilespmem:s28+$0x12400] =	vst v0;
	v0 =	vadd.f32 v3, v2;
	v2 =	vld [tilespmem:s28+$0x6440]  }
0x1d1: {  	v3 =	vld [tilespmem:s28+$0x440]  }
0x1d2: {  	[tilespmem:s28+$0x12410] =	vst v0;
	v0 =	vadd.f32 v5, v4;
	v4 =	vld [tilespmem:s28+$0x6450]  }
0x1d3: {  	v5 =	vld [tilespmem:s28+$0x450]  }
0x1d4: {  	[tilespmem:s28+$0x12420] =	vst v0;
	v0 =	vadd.f32 v6, v1;
	v1 =	vld [tilespmem:s28+$0x6460]  }
0x1d5: {  	v6 =	vld [tilespmem:s28+$0x460]  }
0x1d6: {  	[tilespmem:s28+$0x12430] =	vst v0;
	v0 =	vadd.f32 v3, v2;
	v2 =	vld [tilespmem:s28+$0x6470]  }
0x1d7: {  	v3 =	vld [tilespmem:s28+$0x470]  }
0x1d8: {  	[tilespmem:s28+$0x12440] =	vst v0;
	v0 =	vadd.f32 v5, v4;
	v4 =	vld [tilespmem:s28+$0x6800]  }
0x1d9: {  	v5 =	vld [tilespmem:s28+$0x800]  }
0x1da: {  	[tilespmem:s28+$0x12450] =	vst v0;
	v0 =	vadd.f32 v6, v1;
	v1 =	vld [tilespmem:s28+$0x6810]  }
0x1db: {  	v6 =	vld [tilespmem:s28+$0x810]  }
0x1dc: {  	[tilespmem:s28+$0x12460] =	vst v0;
	v0 =	vadd.f32 v3, v2;
	v2 =	vld [tilespmem:s28+$0x6820]  }
0x1dd: {  	v3 =	vld [tilespmem:s28+$0x820]  }
0x1de: {  	[tilespmem:s28+$0x12470] =	vst v0;
	v0 =	vadd.f32 v5, v4;
	v4 =	vld [tilespmem:s28+$0x6830]  }
0x1df: {  	v5 =	vld [tilespmem:s28+$0x830]  }
0x1e0: {  	[tilespmem:s28+$0x12800] =	vst v0;
	v0 =	vadd.f32 v6, v1;
	v1 =	vld [tilespmem:s28+$0x6840]  }
0x1e1: {  	v6 =	vld [tilespmem:s28+$0x840]  }
0x1e2: {  	[tilespmem:s28+$0x12810] =	vst v0;
	v0 =	vadd.f32 v3, v2;
	v2 =	vld [tilespmem:s28+$0x6850]  }
0x1e3: {  	v3 =	vld [tilespmem:s28+$0x850]  }
0x1e4: {  	[tilespmem:s28+$0x12820] =	vst v0;
	v0 =	vadd.f32 v5, v4;
	v4 =	vld [tilespmem:s28+$0x6860]  }
0x1e5: {  	v5 =	vld [tilespmem:s28+$0x860]  }
0x1e6: {  	[tilespmem:s28+$0x12830] =	vst v0;
	v0 =	vadd.f32 v6, v1;
	v1 =	vld [tilespmem:s28+$0x6870]  }
0x1e7: {  	v6 =	vld [tilespmem:s28+$0x870]  }
0x1e8: {  	[tilespmem:s28+$0x12840] =	vst v0;
	v0 =	vadd.f32 v3, v2;
	v2 =	vld [tilespmem:s28+$0x6C00]  }
0x1e9: {  	v3 =	vld [tilespmem:s28+$0xC00]  }
0x1ea: {  	[tilespmem:s28+$0x12850] =	vst v0;
	v0 =	vadd.f32 v5, v4;
	v4 =	vld [tilespmem:s28+$0x6C10]  }
0x1eb: {  	v5 =	vld [tilespmem:s28+$0xC10]  }
0x1ec: {  	[tilespmem:s28+$0x12860] =	vst v0;
	v0 =	vadd.f32 v6, v1;
	v1 =	vld [tilespmem:s28+$0x6C20]  }
0x1ed: {  	v6 =	vld [tilespmem:s28+$0xC20]  }
0x1ee: {  	[tilespmem:s28+$0x12870] =	vst v0;
	v0 =	vadd.f32 v3, v2;
	v2 =	vld [tilespmem:s28+$0x6C30]  }
0x1ef: {  	v3 =	vld [tilespmem:s28+$0xC30]  }
0x1f0: {  	[tilespmem:s28+$0x12C00] =	vst v0;
	v0 =	vadd.f32 v5, v4;
	v4 =	vld [tilespmem:s28+$0x6C40]  }
0x1f1: {  	v5 =	vld [tilespmem:s28+$0xC40]  }
0x1f2: {  	[tilespmem:s28+$0x12C10] =	vst v0;
	v0 =	vadd.f32 v6, v1;
	v1 =	vld [tilespmem:s28+$0x6C50]  }
0x1f3: {  	v6 =	vld [tilespmem:s28+$0xC50]  }
0x1f4: {  	[tilespmem:s28+$0x12C20] =	vst v0;
	v0 =	vadd.f32 v3, v2;
	v2 =	vld [tilespmem:s28+$0x6C60]  }
0x1f5: {  	v3 =	vld [tilespmem:s28+$0xC60]  }
0x1f6: {  	[tilespmem:s28+$0x12C30] =	vst v0;
	v0 =	vadd.f32 v5, v4;
	v4 =	vld [tilespmem:s28+$0x6C70]  }
0x1f7: {  	v5 =	vld [tilespmem:s28+$0xC70]  }
0x1f8: {  	[tilespmem:s28+$0x12C40] =	vst v0;
	v0 =	vadd.f32 v6, v1;
	v1 =	vld [tilespmem:s28+$0x7000]  }
0x1f9: {  	v6 =	vld [tilespmem:s28+$0x1000]  }
0x1fa: {  	[tilespmem:s28+$0x12C50] =	vst v0;
	v0 =	vadd.f32 v3, v2;
	v2 =	vld [tilespmem:s28+$0x7010]  }
0x1fb: {  	v3 =	vld [tilespmem:s28+$0x1010]  }
0x1fc: {  	[tilespmem:s28+$0x12C60] =	vst v0;
	v0 =	vadd.f32 v5, v4;
	v4 =	vld [tilespmem:s28+$0x7020]  }
0x1fd: {  	v5 =	vld [tilespmem:s28+$0x1020]  }
0x1fe: {  	[tilespmem:s28+$0x12C70] =	vst v0;
	v0 =	vadd.f32 v6, v1;
	v1 =	vld [tilespmem:s28+$0x7030]  }
0x1ff: {  	v6 =	vld [tilespmem:s28+$0x1030]  }
0x200: {  	[tilespmem:s28+$0x13000] =	vst v0;
	v0 =	vadd.f32 v3, v2;
	v2 =	vld [tilespmem:s28+$0x7040]  }
0x201: {  	v3 =	vld [tilespmem:s28+$0x1040]  }
0x202: {  	[tilespmem:s28+$0x13010] =	vst v0;
	v0 =	vadd.f32 v5, v4;
	v4 =	vld [tilespmem:s28+$0x7050]  }
0x203: {  	v5 =	vld [tilespmem:s28+$0x1050]  }
0x204: {  	[tilespmem:s28+$0x13020] =	vst v0;
	v0 =	vadd.f32 v6, v1;
	v1 =	vld [tilespmem:s28+$0x7060]  }
0x205: {  	v6 =	vld [tilespmem:s28+$0x1060]  }
0x206: {  	[tilespmem:s28+$0x13030] =	vst v0;
	v0 =	vadd.f32 v3, v2;
	v2 =	vld [tilespmem:s28+$0x7070]  }
0x207: {  	v3 =	vld [tilespmem:s28+$0x1070]  }
0x208: {  	[tilespmem:s28+$0x13040] =	vst v0;
	v0 =	vadd.f32 v5, v4;
	v4 =	vld [tilespmem:s28+$0x7400]  }
0x209: {  	v5 =	vld [tilespmem:s28+$0x1400]  }
0x20a: {  	[tilespmem:s28+$0x13050] =	vst v0;
	v0 =	vadd.f32 v6, v1;
	v1 =	vld [tilespmem:s28+$0x7410]  }
0x20b: {  	v6 =	vld [tilespmem:s28+$0x1410]  }
0x20c: {  	[tilespmem:s28+$0x13060] =	vst v0;
	v0 =	vadd.f32 v3, v2;
	v7 =	vld [tilespmem:s28+$0x7420]  }
0x20d: {  	v8 =	vld [tilespmem:s28+$0x1420]  }
0x20e: {  	[tilespmem:s28+$0x13070] =	vst v0;
	v0 =	vadd.f32 v5, v4;
	v2 =	vld [tilespmem:s28+$0x7430]  }
.Ltmp3:
0x20f: {  	v4 =	vld [tilespmem:s28+$0x1430];
	(pc) =	sbr.rel @p1 .LBB2_5-.Ltmp3, $4  }
0x210: {  	[tilespmem:s28+$0x13400] =	vst v0;
	v1 =	vadd.f32 v6, v1;
	v0 =	vld [tilespmem:s28+$0x7440]  }
0x211: {  	v3 =	vld [tilespmem:s28+$0x1440]  }
0x212: {  	s2 =	sshrl.u32 s30, $0x3;
	[tilespmem:s28+$0x13410] =	vst v1;
	v6 =	vadd.f32 v8, v7;
	v1 =	vld [tilespmem:s28+$0x7450]  }
0x213: {  	s29 =	sadd.s32 $0x80, s29;
	s30 =	sadd.s32 $0x1, s30;
	s31 =	smul.u32 $0x1800, s2;
	v5 =	vld [tilespmem:s28+$0x1450]  }
0x214: {  	s2 =	sand.u32 $0x380, s29;
	v61 =	vld [tilespmem:s28+$0x7460];
	v2 =	vadd.f32 v4, v2  }
0x215: {  	[tilespmem:s28+$0x13420] =	vst v6;
	v62 =	vld [tilespmem:s28+$0x1460];
	s29 =	sor.u32 s2, s31  }
0x216: {  	v7 =	vld [tilespmem:s29+$0x7470];
	[tilespmem:s28+$0x13430] =	vst v2;
	v0 =	vadd.f32 v3, v0  }
0x217: {  	v2 =	vld [tilespmem:s29+$0x1470]  }
0x218: {  	v63 =	vld [tilespmem:s29+$0x6000];
	[tilespmem:s28+$0x13440] =	vst v0;
	v55 =	vadd.f32 v5, v1  }
0x219: {  	v56 =	vld [tilespmem:s29+$0x0]  }
0x21a: {  	v57 =	vld [tilespmem:s29+$0x6010];
	v58 =	vadd.f32 v62, v61;
	[tilespmem:s28+$0x13450] =	vst v55  }
0x21b: {  	v59 =	vld [tilespmem:s29+$0x10]  }
0x21c: {  	v60 =	vld [tilespmem:s29+$0x6020];
	[tilespmem:s28+$0x13460] =	vst v58  }
0x21d: {  	v0 =	vld [tilespmem:s29+$0x20]  }
0x21e: {  	v8 =	vld [tilespmem:s29+$0x6030]  }
0x21f: {  	v9 =	vld [tilespmem:s29+$0x30]  }
0x220: {  	v10 =	vld [tilespmem:s29+$0x6040]  }
0x221: {  	v11 =	vld [tilespmem:s29+$0x40]  }
0x222: {  	v12 =	vld [tilespmem:s29+$0x6050]  }
0x223: {  	v13 =	vld [tilespmem:s29+$0x50]  }
0x224: {  	v14 =	vld [tilespmem:s29+$0x6060]  }
0x225: {  	v15 =	vld [tilespmem:s29+$0x60]  }
0x226: {  	v16 =	vld [tilespmem:s29+$0x6070]  }
0x227: {  	v17 =	vld [tilespmem:s29+$0x70]  }
0x228: {  	v18 =	vld [tilespmem:s29+$0x6400]  }
0x229: {  	v19 =	vld [tilespmem:s29+$0x400]  }
0x22a: {  	v20 =	vld [tilespmem:s29+$0x6410]  }
0x22b: {  	v21 =	vld [tilespmem:s29+$0x410]  }
0x22c: {  	v22 =	vld [tilespmem:s29+$0x6420]  }
0x22d: {  	v23 =	vld [tilespmem:s29+$0x420]  }
0x22e: {  	v24 =	vld [tilespmem:s29+$0x6430]  }
0x22f: {  	v25 =	vld [tilespmem:s29+$0x430]  }
0x230: {  	v26 =	vld [tilespmem:s29+$0x6440]  }
0x231: {  	v27 =	vld [tilespmem:s29+$0x440]  }
0x232: {  	v28 =	vld [tilespmem:s29+$0x6450]  }
0x233: {  	v29 =	vld [tilespmem:s29+$0x450]  }
0x234: {  	v30 =	vld [tilespmem:s29+$0x6460]  }
0x235: {  	v31 =	vld [tilespmem:s29+$0x460]  }
0x236: {  	v32 =	vld [tilespmem:s29+$0x6470]  }
0x237: {  	v33 =	vld [tilespmem:s29+$0x470]  }
0x238: {  	v34 =	vld [tilespmem:s29+$0x6800]  }
0x239: {  	v35 =	vld [tilespmem:s29+$0x800]  }
0x23a: {  	v36 =	vld [tilespmem:s29+$0x6810]  }
0x23b: {  	v37 =	vld [tilespmem:s29+$0x810]  }
0x23c: {  	v38 =	vld [tilespmem:s29+$0x6820]  }
0x23d: {  	v39 =	vld [tilespmem:s29+$0x820]  }
0x23e: {  	v40 =	vld [tilespmem:s29+$0x6830]  }
0x23f: {  	v41 =	vld [tilespmem:s29+$0x830]  }
0x240: {  	v42 =	vld [tilespmem:s29+$0x6840]  }
0x241: {  	v43 =	vld [tilespmem:s29+$0x840]  }
0x242: {  	v44 =	vld [tilespmem:s29+$0x6850]  }
0x243: {  	v45 =	vld [tilespmem:s29+$0x850]  }
0x244: {  	v46 =	vld [tilespmem:s29+$0x6860]  }
0x245: {  	v47 =	vld [tilespmem:s29+$0x860]  }
0x246: {  	v48 =	vld [tilespmem:s29+$0x6870]  }
0x247: {  	v49 =	vld [tilespmem:s29+$0x870]  }
0x248: {  	v50 =	vld [tilespmem:s29+$0x6C00]  }
0x249: {  	v51 =	vld [tilespmem:s29+$0xC00]  }
0x24a: {  	v52 =	vld [tilespmem:s29+$0x6C10]  }
0x24b: {  	v2 =	vadd.f32 v2, v7;
	v7 =	vld [tilespmem:s29+$0xC10]  }
0x24c: {  	v3 =	vld [tilespmem:s29+$0x6C20];
	v1 =	vadd.f32 v56, v63  }
0x24d: {  	v4 =	vld [tilespmem:s29+$0xC20];
	[tilespmem:s29+$0x13470] =	vst v2;
	v61 =	vadd.f32 v59, v57  }
0x24e: {  	v5 =	vld [tilespmem:s29+$0xC30];
	[tilespmem:s29+$0x12000] =	vst v1;
	v0 =	vadd.f32 v0, v60  }
0x24f: {  	v6 =	vld [tilespmem:s29+$0x6C40];
	v62 =	vadd.f32 v9, v8;
	[tilespmem:s29+$0x12010] =	vst v61  }
0x250: {  	v53 =	vld [tilespmem:s29+$0x7040];
	v63 =	vadd.f32 v11, v10;
	[tilespmem:s29+$0x12020] =	vst v0  }
0x251: {  	v55 =	vld [tilespmem:s29+$0x1040];
	v13 =	vadd.f32 v13, v12;
	[tilespmem:s29+$0x12030] =	vst v62  }
0x252: {  	v1 =	vld [tilespmem:s29+$0x6C30];
	v15 =	vadd.f32 v15, v14;
	[tilespmem:s29+$0x12040] =	vst v63  }
0x253: {  	v57 =	vld [tilespmem:s29+$0x7050];
	v17 =	vadd.f32 v17, v16;
	[tilespmem:s29+$0x12050] =	vst v13  }
0x254: {  	v59 =	vld [tilespmem:s29+$0x1050];
	v19 =	vadd.f32 v19, v18;
	[tilespmem:s29+$0x12060] =	vst v15  }
0x255: {  	v8 =	vld [tilespmem:s29+$0xC40];
	v21 =	vadd.f32 v21, v20;
	[tilespmem:s29+$0x12070] =	vst v17  }
0x256: {  	v9 =	vld [tilespmem:s29+$0x6C50];
	v23 =	vadd.f32 v23, v22;
	[tilespmem:s29+$0x12400] =	vst v19  }
0x257: {  	v10 =	vld [tilespmem:s29+$0xC50];
	v25 =	vadd.f32 v25, v24;
	[tilespmem:s29+$0x12410] =	vst v21  }
0x258: {  	v11 =	vld [tilespmem:s29+$0x6C60];
	v27 =	vadd.f32 v27, v26;
	[tilespmem:s29+$0x12420] =	vst v23  }
0x259: {  	v12 =	vld [tilespmem:s29+$0xC60];
	v29 =	vadd.f32 v29, v28;
	[tilespmem:s29+$0x12430] =	vst v25  }
0x25a: {  	v14 =	vld [tilespmem:s29+$0xC70];
	v31 =	vadd.f32 v31, v30;
	[tilespmem:s29+$0x12440] =	vst v27  }
0x25b: {  	v16 =	vld [tilespmem:s29+$0x1000];
	v33 =	vadd.f32 v33, v32;
	[tilespmem:s29+$0x12450] =	vst v29  }
0x25c: {  	v18 =	vld [tilespmem:s29+$0x1010];
	v35 =	vadd.f32 v35, v34;
	[tilespmem:s29+$0x12460] =	vst v31  }
0x25d: {  	v37 =	vadd.f32 v37, v36;
	v20 =	vld [tilespmem:s29+$0x1020];
	[tilespmem:s29+$0x12470] =	vst v33  }
0x25e: {  	v39 =	vadd.f32 v39, v38;
	v22 =	vld [tilespmem:s29+$0x1030];
	[tilespmem:s29+$0x12800] =	vst v35  }
0x25f: {  	v41 =	vadd.f32 v41, v40;
	v30 =	vld [tilespmem:s29+$0x1070];
	[tilespmem:s29+$0x12810] =	vst v37  }
0x260: {  	v43 =	vadd.f32 v43, v42;
	v32 =	vld [tilespmem:s29+$0x7400];
	[tilespmem:s29+$0x12820] =	vst v39  }
0x261: {  	v54 =	vadd.f32 v45, v44;
	v34 =	vld [tilespmem:s29+$0x1400];
	[tilespmem:s29+$0x12830] =	vst v41  }
0x262: {  	v56 =	vadd.f32 v47, v46;
	v36 =	vld [tilespmem:s29+$0x7410];
	[tilespmem:s29+$0x12840] =	vst v43  }
0x263: {  	v58 =	vadd.f32 v49, v48;
	v38 =	vld [tilespmem:s29+$0x1410];
	[tilespmem:s29+$0x12850] =	vst v54  }
0x264: {  	v60 =	vadd.f32 v51, v50;
	v40 =	vld [tilespmem:s29+$0x7420];
	[tilespmem:s29+$0x12860] =	vst v56  }
0x265: {  	v28 =	vadd.f32 v4, v3;
	v42 =	vld [tilespmem:s29+$0x1420];
	[tilespmem:s29+$0x12870] =	vst v58  }
0x266: {  	v44 =	vld [tilespmem:s29+$0x7430];
	v47 =	vadd.f32 v55, v53;
	[tilespmem:s29+$0x12C00] =	vst v60  }
0x267: {  	v46 =	vld [tilespmem:s29+$0x1430];
	v62 =	vadd.f32 v7, v52;
	[tilespmem:s29+$0x12C20] =	vst v28  }
0x268: {  	v48 =	vld [tilespmem:s29+$0x7440];
	[tilespmem:s29+$0x13040] =	vst v47;
	v1 =	vadd.f32 v5, v1  }
0x269: {  	v50 =	vld [tilespmem:s29+$0x1440];
	[tilespmem:s29+$0x12C10] =	vst v62;
	v49 =	vadd.f32 v59, v57  }
0x26a: {  	v61 =	vld [tilespmem:s29+$0x7060];
	v31 =	vadd.f32 v8, v6;
	[tilespmem:s29+$0x12C30] =	vst v1  }
0x26b: {  	v13 =	vld [tilespmem:s29+$0x6C70];
	v33 =	vadd.f32 v10, v9;
	[tilespmem:s29+$0x13050] =	vst v49  }
0x26c: {  	v15 =	vld [tilespmem:s29+$0x7000];
	v35 =	vadd.f32 v12, v11;
	[tilespmem:s29+$0x12C40] =	vst v31  }
0x26d: {  	v17 =	vld [tilespmem:s29+$0x7010];
	v55 =	vadd.f32 v34, v32;
	[tilespmem:s29+$0x12C50] =	vst v33  }
0x26e: {  	v19 =	vld [tilespmem:s29+$0x7020];
	v57 =	vadd.f32 v38, v36;
	[tilespmem:s29+$0x12C60] =	vst v35  }
0x26f: {  	v21 =	vld [tilespmem:s29+$0x7030];
	v59 =	vadd.f32 v42, v40;
	[tilespmem:s29+$0x13400] =	vst v55  }
0x270: {  	v63 =	vld [tilespmem:s29+$0x1060];
	v60 =	vadd.f32 v46, v44;
	[tilespmem:s29+$0x13410] =	vst v57  }
0x271: {  	v29 =	vld [tilespmem:s29+$0x7070];
	v37 =	vadd.f32 v14, v13;
	[tilespmem:s29+$0x13420] =	vst v59  }
0x272: {  	v52 =	vld [tilespmem:s29+$0x7450];
	v39 =	vadd.f32 v16, v15;
	[tilespmem:s29+$0x13430] =	vst v60  }
0x273: {  	v54 =	vld [tilespmem:s29+$0x1450];
	v41 =	vadd.f32 v18, v17;
	[tilespmem:s29+$0x12C70] =	vst v37  }
0x274: {  	v56 =	vld [tilespmem:s29+$0x7460];
	v43 =	vadd.f32 v20, v19;
	[tilespmem:s29+$0x13000] =	vst v39  }
0x275: {  	v58 =	vld [tilespmem:s29+$0x1460];
	v45 =	vadd.f32 v22, v21;
	[tilespmem:s29+$0x13010] =	vst v41  }
0x276: {  	v51 =	vadd.f32 v63, v61;
	[tilespmem:s29+$0x13020] =	vst v43  }
0x277: {  	v53 =	vadd.f32 v30, v29;
	[tilespmem:s29+$0x13030] =	vst v45  }
0x278: {  	p1 =	sne.s32 s25, $0x1F;
	v61 =	vadd.f32 v50, v48;
	[tilespmem:s29+$0x13060] =	vst v51  }
.Ltmp4:
0x279: {  	v62 =	vadd.f32 v54, v52;
	[tilespmem:s29+$0x13070] =	vst v53;
	(pc) =	sbr.rel @p1 .LBB2_8-.Ltmp4, $4  }
0x27a: {  	s31 =	sadd.s32 s9, s26;
	v63 =	vadd.f32 v58, v56;
	[tilespmem:s29+$0x13440] =	vst v61  }
0x27b: {  	s2 =	sshrl.u32 s31, $0x3;
	[tilespmem:s29+$0x13450] =	vst v62  }
0x27c: {  	s2 =	sadd.s32 s3, s2;
	[tilespmem:s29+$0x13460] =	vst v63  }
0x27d: {  	[hbm4b:s2+s5] =	stream.linear.scatter [tilespmem:s18], [sflag:$0x4], $0x3000, $0x38;
	[tilespmem:$0x1E000] =	vst v63  }
.Ltmp5:
0x27e: {  	(pc) =	sbr.rel .LBB2_9-.Ltmp5, $4  }
0x27f: {  	_ = 	snop  }
0x280: {  	_ =	swait.ge [sflag:s19], $0x6000  }
0x281: {  	[sflag:s19] =	ssyncset.done $0x0  }
0x282: {  	[sflag:s19] =	ssyncadd.s32 $0xFFFFA000  }
.LBB2_8:
0x283: {  	s2 =	sadd.s32 s26, s10  }
0x284: {  	s2 =	sshrl.u32 s2, $0x3  }
.Ltmp6:
0x285: {  	s2 =	sadd.s32 s1, s2;
	(pc) =	sbr.rel @p0 .LBB2_10-.Ltmp6, $4  }
0x286: {  	[tilespmem:s13], [sflag:$0x2] =	stream.linear.gather [hbm4b:s2+s5], $0x6000, $0x38;
	[tilespmem:$0x1E000] =	vst v63  }
0x287: {  	_ =	swait.ge [sflag:s19], $0x6000  }
0x288: {  	[sflag:s19] =	ssyncset.done $0x0  }
0x289: {  	[sflag:s19] =	ssyncadd.s32 $0xFFFFA000  }
.LBB2_9:
0x28a: {  	_ =	swait.ge [sflag:s20], $0x3000  }
0x28b: {  	[sflag:s20] =	ssyncset.done $0x0  }
0x28c: {  	[sflag:s20] =	ssyncadd.s32 $0xFFFFD000  }
0x28d: {  	_ =	swait.ge [sflag:s20], $0x3000  }
0x28e: {  	[sflag:s20] =	ssyncset.done $0x0  }
0x28f: {  	[sflag:s20] =	ssyncadd.s32 $0xFFFFD000  }
.LBB2_10:
0x290: {  	s2 =	simm.s32 $0x0  }
0x291: {  	s28 =	simm.s32 $0x0;
	s2 =	smul.u32 $0x1800, s2  }
0x292: {  	s28 =	sand.u32 $0x380, s28  }
0x293: {  	s28 =	sor.u32 s28, s2  }
0x294: {  	v0 =	vld [tilespmem:s28+$0xD470]  }
0x295: {  	v1 =	vld [tilespmem:s28+$0x1470]  }
0x296: {  	v2 =	vld [tilespmem:s28+$0xC000]  }
0x297: {  	v3 =	vld [tilespmem:s28+$0x0]  }
0x298: {  	v4 =	vld [tilespmem:s28+$0xC010]  }
0x299: {  	v5 =	vld [tilespmem:s28+$0x10]  }
0x29a: {  	v6 =	vld [tilespmem:s28+$0xC020]  }
0x29b: {  	v7 =	vld [tilespmem:s28+$0xC030]  }
0x29c: {  	v8 =	vld [tilespmem:s28+$0x1420];
	v0 =	vadd.f32 v1, v0  }
0x29d: {  	v1 =	vld [tilespmem:s28+$0x20]  }
0x29e: {  	v2 =	vadd.f32 v3, v2;
	[tilespmem:s28+$0x19470] =	vst v0;
	v0 =	vld [tilespmem:s28+$0x30]  }
0x29f: {  	v3 =	vld [tilespmem:s28+$0xC040]  }
0x2a0: {  	[tilespmem:s28+$0x18000] =	vst v2;
	v2 =	vadd.f32 v5, v4;
	v4 =	vld [tilespmem:s28+$0x40]  }
0x2a1: {  	v5 =	vld [tilespmem:s28+$0x50]  }
0x2a2: {  	[tilespmem:s28+$0x18010] =	vst v2;
	v2 =	vld [tilespmem:s28+$0xC050];
	v1 =	vadd.f32 v1, v6  }
0x2a3: {  	v6 =	vld [tilespmem:s28+$0x60];
	v0 =	vadd.f32 v0, v7  }
0x2a4: {  	[tilespmem:s28+$0x18020] =	vst v1;
	v1 =	vld [tilespmem:s28+$0xC060]  }
0x2a5: {  	[tilespmem:s28+$0x18030] =	vst v0;
	v0 =	vadd.f32 v4, v3;
	v3 =	vld [tilespmem:s28+$0xC070]  }
0x2a6: {  	v4 =	vld [tilespmem:s28+$0x70]  }
0x2a7: {  	[tilespmem:s28+$0x18040] =	vst v0;
	v0 =	vadd.f32 v5, v2;
	v2 =	vld [tilespmem:s28+$0xC400]  }
0x2a8: {  	v5 =	vld [tilespmem:s28+$0x400]  }
0x2a9: {  	[tilespmem:s28+$0x18050] =	vst v0;
	v0 =	vadd.f32 v6, v1;
	v1 =	vld [tilespmem:s28+$0xC410]  }
0x2aa: {  	v6 =	vld [tilespmem:s28+$0x410]  }
0x2ab: {  	[tilespmem:s28+$0x18060] =	vst v0;
	v0 =	vadd.f32 v4, v3;
	v3 =	vld [tilespmem:s28+$0xC420]  }
0x2ac: {  	v4 =	vld [tilespmem:s28+$0x420]  }
0x2ad: {  	[tilespmem:s28+$0x18070] =	vst v0;
	v0 =	vadd.f32 v5, v2;
	v2 =	vld [tilespmem:s28+$0xC430]  }
0x2ae: {  	v5 =	vld [tilespmem:s28+$0x430]  }
0x2af: {  	[tilespmem:s28+$0x18400] =	vst v0;
	v0 =	vadd.f32 v6, v1;
	v1 =	vld [tilespmem:s28+$0xC440]  }
0x2b0: {  	v6 =	vld [tilespmem:s28+$0x440]  }
0x2b1: {  	[tilespmem:s28+$0x18410] =	vst v0;
	v0 =	vadd.f32 v4, v3;
	v3 =	vld [tilespmem:s28+$0xC450]  }
0x2b2: {  	v4 =	vld [tilespmem:s28+$0x450]  }
0x2b3: {  	[tilespmem:s28+$0x18420] =	vst v0;
	v0 =	vadd.f32 v5, v2;
	v2 =	vld [tilespmem:s28+$0xC460]  }
0x2b4: {  	v5 =	vld [tilespmem:s28+$0x460]  }
0x2b5: {  	[tilespmem:s28+$0x18430] =	vst v0;
	v0 =	vadd.f32 v6, v1;
	v1 =	vld [tilespmem:s28+$0xC470]  }
0x2b6: {  	v6 =	vld [tilespmem:s28+$0x470]  }
0x2b7: {  	[tilespmem:s28+$0x18440] =	vst v0;
	v0 =	vadd.f32 v4, v3;
	v3 =	vld [tilespmem:s28+$0xC800]  }
0x2b8: {  	v4 =	vld [tilespmem:s28+$0x800]  }
0x2b9: {  	[tilespmem:s28+$0x18450] =	vst v0;
	v0 =	vadd.f32 v5, v2;
	v2 =	vld [tilespmem:s28+$0xC810]  }
0x2ba: {  	v5 =	vld [tilespmem:s28+$0x810]  }
0x2bb: {  	[tilespmem:s28+$0x18460] =	vst v0;
	v0 =	vadd.f32 v6, v1;
	v1 =	vld [tilespmem:s28+$0xC820]  }
0x2bc: {  	v6 =	vld [tilespmem:s28+$0x820]  }
0x2bd: {  	[tilespmem:s28+$0x18470] =	vst v0;
	v0 =	vadd.f32 v4, v3;
	v3 =	vld [tilespmem:s28+$0xC830]  }
0x2be: {  	v4 =	vld [tilespmem:s28+$0x830]  }
0x2bf: {  	[tilespmem:s28+$0x18800] =	vst v0;
	v0 =	vadd.f32 v5, v2;
	v2 =	vld [tilespmem:s28+$0xC840]  }
0x2c0: {  	v5 =	vld [tilespmem:s28+$0x840]  }
0x2c1: {  	[tilespmem:s28+$0x18810] =	vst v0;
	v0 =	vadd.f32 v6, v1;
	v1 =	vld [tilespmem:s28+$0xC850]  }
0x2c2: {  	v6 =	vld [tilespmem:s28+$0x850]  }
0x2c3: {  	[tilespmem:s28+$0x18820] =	vst v0;
	v0 =	vadd.f32 v4, v3;
	v3 =	vld [tilespmem:s28+$0xC860]  }
0x2c4: {  	v4 =	vld [tilespmem:s28+$0x860]  }
0x2c5: {  	[tilespmem:s28+$0x18830] =	vst v0;
	v0 =	vadd.f32 v5, v2;
	v2 =	vld [tilespmem:s28+$0xC870]  }
0x2c6: {  	v5 =	vld [tilespmem:s28+$0x870]  }
0x2c7: {  	[tilespmem:s28+$0x18840] =	vst v0;
	v0 =	vadd.f32 v6, v1;
	v1 =	vld [tilespmem:s28+$0xCC00]  }
0x2c8: {  	v6 =	vld [tilespmem:s28+$0xC00]  }
0x2c9: {  	[tilespmem:s28+$0x18850] =	vst v0;
	v0 =	vadd.f32 v4, v3;
	v3 =	vld [tilespmem:s28+$0xCC10]  }
0x2ca: {  	v4 =	vld [tilespmem:s28+$0xC10]  }
0x2cb: {  	[tilespmem:s28+$0x18860] =	vst v0;
	v0 =	vadd.f32 v5, v2;
	v2 =	vld [tilespmem:s28+$0xCC20]  }
0x2cc: {  	v5 =	vld [tilespmem:s28+$0xC20]  }
0x2cd: {  	[tilespmem:s28+$0x18870] =	vst v0;
	v0 =	vadd.f32 v6, v1;
	v1 =	vld [tilespmem:s28+$0xCC30]  }
0x2ce: {  	v6 =	vld [tilespmem:s28+$0xC30]  }
0x2cf: {  	[tilespmem:s28+$0x18C00] =	vst v0;
	v0 =	vadd.f32 v4, v3;
	v3 =	vld [tilespmem:s28+$0xCC40]  }
0x2d0: {  	v4 =	vld [tilespmem:s28+$0xC40]  }
0x2d1: {  	[tilespmem:s28+$0x18C10] =	vst v0;
	v0 =	vadd.f32 v5, v2;
	v2 =	vld [tilespmem:s28+$0xCC50]  }
0x2d2: {  	v5 =	vld [tilespmem:s28+$0xC50]  }
0x2d3: {  	[tilespmem:s28+$0x18C20] =	vst v0;
	v0 =	vadd.f32 v6, v1;
	v1 =	vld [tilespmem:s28+$0xCC60]  }
0x2d4: {  	v6 =	vld [tilespmem:s28+$0xC60]  }
0x2d5: {  	[tilespmem:s28+$0x18C30] =	vst v0;
	v0 =	vadd.f32 v4, v3;
	v3 =	vld [tilespmem:s28+$0xCC70]  }
0x2d6: {  	v4 =	vld [tilespmem:s28+$0xC70]  }
0x2d7: {  	[tilespmem:s28+$0x18C40] =	vst v0;
	v0 =	vadd.f32 v5, v2;
	v2 =	vld [tilespmem:s28+$0xD000]  }
0x2d8: {  	v5 =	vld [tilespmem:s28+$0x1000]  }
0x2d9: {  	[tilespmem:s28+$0x18C50] =	vst v0;
	v0 =	vadd.f32 v6, v1;
	v1 =	vld [tilespmem:s28+$0xD010]  }
0x2da: {  	v6 =	vld [tilespmem:s28+$0x1010]  }
0x2db: {  	[tilespmem:s28+$0x18C60] =	vst v0;
	v0 =	vadd.f32 v4, v3;
	v3 =	vld [tilespmem:s28+$0xD020]  }
0x2dc: {  	v4 =	vld [tilespmem:s28+$0x1020]  }
0x2dd: {  	[tilespmem:s28+$0x18C70] =	vst v0;
	v0 =	vadd.f32 v5, v2;
	v2 =	vld [tilespmem:s28+$0xD030]  }
0x2de: {  	v5 =	vld [tilespmem:s28+$0x1030]  }
0x2df: {  	[tilespmem:s28+$0x19000] =	vst v0;
	v0 =	vadd.f32 v6, v1;
	v1 =	vld [tilespmem:s28+$0xD040]  }
0x2e0: {  	v6 =	vld [tilespmem:s28+$0x1040]  }
0x2e1: {  	[tilespmem:s28+$0x19010] =	vst v0;
	v0 =	vadd.f32 v4, v3;
	v3 =	vld [tilespmem:s28+$0xD050]  }
0x2e2: {  	v4 =	vld [tilespmem:s28+$0x1050]  }
0x2e3: {  	[tilespmem:s28+$0x19020] =	vst v0;
	v0 =	vadd.f32 v5, v2;
	v2 =	vld [tilespmem:s28+$0xD060]  }
0x2e4: {  	v5 =	vld [tilespmem:s28+$0x1060]  }
0x2e5: {  	[tilespmem:s28+$0x19030] =	vst v0;
	v0 =	vadd.f32 v6, v1;
	v1 =	vld [tilespmem:s28+$0xD070]  }
0x2e6: {  	v6 =	vld [tilespmem:s28+$0x1070]  }
0x2e7: {  	[tilespmem:s28+$0x19040] =	vst v0;
	v0 =	vadd.f32 v4, v3;
	v3 =	vld [tilespmem:s28+$0xD400]  }
0x2e8: {  	v4 =	vld [tilespmem:s28+$0x1400]  }
0x2e9: {  	v7 =	vld [tilespmem:s28+$0x1410];
	[tilespmem:s28+$0x19050] =	vst v0;
	v0 =	vadd.f32 v5, v2  }
0x2ea: {  	v5 =	vld [tilespmem:s28+$0xD410]  }
0x2eb: {  	[tilespmem:s28+$0x19060] =	vst v0;
	v0 =	vadd.f32 v6, v1;
	v6 =	vld [tilespmem:s28+$0xD420]  }
0x2ec: {  	v2 =	vld [tilespmem:s28+$0xD430]  }
0x2ed: {  	[tilespmem:s28+$0x19070] =	vst v0;
	v0 =	vadd.f32 v4, v3;
	v4 =	vld [tilespmem:s28+$0x1430]  }
0x2ee: {  	v3 =	vld [tilespmem:s28+$0x1440]  }
0x2ef: {  	v1 =	vadd.f32 v7, v5;
	[tilespmem:s28+$0x19400] =	vst v0;
	v0 =	vld [tilespmem:s28+$0xD440]  }
0x2f0: {  	s0 =	simm.s32 $0x0;
	v5 =	vld [tilespmem:s28+$0x1450];
	v6 =	vadd.f32 v8, v6  }
0x2f1: {  	s30 =	simm.s32 $0x2;
	s29 =	simm.s32 $0x80;
	s31 =	smul.u32 $0x1800, s0;
	[tilespmem:s28+$0x19410] =	vst v1;
	v1 =	vld [tilespmem:s28+$0xD450]  }
.LBB2_11:
0x2f2: {  	p0 =	sne.s32 s30, $0xF;
	s2 =	sand.u32 $0x380, s29;
	[tilespmem:s28+$0x19420] =	vst v6;
	v2 =	vadd.f32 v4, v2;
	v4 =	vld [tilespmem:s28+$0xD460]  }
0x2f3: {  	s2 =	sor.u32 s2, s31;
	v6 =	vld [tilespmem:s28+$0x1460]  }
0x2f4: {  	v7 =	vld [tilespmem:s2+$0xD470];
	[tilespmem:s28+$0x19430] =	vst v2;
	v0 =	vadd.f32 v3, v0  }
0x2f5: {  	v2 =	vld [tilespmem:s2+$0x1470]  }
0x2f6: {  	v3 =	vld [tilespmem:s2+$0xC000];
	[tilespmem:s28+$0x19440] =	vst v0;
	v0 =	vadd.f32 v5, v1  }
0x2f7: {  	v1 =	vld [tilespmem:s2+$0x0]  }
0x2f8: {  	v5 =	vld [tilespmem:s2+$0xC010];
	[tilespmem:s28+$0x19450] =	vst v0;
	v0 =	vadd.f32 v6, v4  }
0x2f9: {  	v4 =	vld [tilespmem:s2+$0x10]  }
0x2fa: {  	v6 =	vld [tilespmem:s2+$0xC020];
	v2 =	vadd.f32 v2, v7;
	[tilespmem:s28+$0x19460] =	vst v0;
	s28 =	smov.u32 s2  }
0x2fb: {  	v0 =	vld [tilespmem:s28+$0x20]  }
0x2fc: {  	v1 =	vadd.f32 v1, v3;
	v3 =	vld [tilespmem:s28+$0xC030];
	[tilespmem:s28+$0x19470] =	vst v2  }
0x2fd: {  	v2 =	vld [tilespmem:s28+$0x30]  }
0x2fe: {  	[tilespmem:s28+$0x18000] =	vst v1;
	v1 =	vadd.f32 v4, v5;
	v4 =	vld [tilespmem:s28+$0xC040]  }
0x2ff: {  	v5 =	vld [tilespmem:s28+$0x40]  }
0x300: {  	[tilespmem:s28+$0x18010] =	vst v1;
	v0 =	vadd.f32 v0, v6;
	v1 =	vld [tilespmem:s28+$0xC050]  }
0x301: {  	v6 =	vld [tilespmem:s28+$0x50]  }
0x302: {  	[tilespmem:s28+$0x18020] =	vst v0;
	v0 =	vadd.f32 v2, v3;
	v2 =	vld [tilespmem:s28+$0xC060]  }
0x303: {  	v3 =	vld [tilespmem:s28+$0x60]  }
0x304: {  	[tilespmem:s28+$0x18030] =	vst v0;
	v0 =	vadd.f32 v5, v4;
	v4 =	vld [tilespmem:s28+$0xC070]  }
0x305: {  	v5 =	vld [tilespmem:s28+$0x70]  }
0x306: {  	[tilespmem:s28+$0x18040] =	vst v0;
	v0 =	vadd.f32 v6, v1;
	v1 =	vld [tilespmem:s28+$0xC400]  }
0x307: {  	v6 =	vld [tilespmem:s28+$0x400]  }
0x308: {  	[tilespmem:s28+$0x18050] =	vst v0;
	v0 =	vadd.f32 v3, v2;
	v2 =	vld [tilespmem:s28+$0xC410]  }
0x309: {  	v3 =	vld [tilespmem:s28+$0x410]  }
0x30a: {  	[tilespmem:s28+$0x18060] =	vst v0;
	v0 =	vadd.f32 v5, v4;
	v4 =	vld [tilespmem:s28+$0xC420]  }
0x30b: {  	v5 =	vld [tilespmem:s28+$0x420]  }
0x30c: {  	[tilespmem:s28+$0x18070] =	vst v0;
	v0 =	vadd.f32 v6, v1;
	v1 =	vld [tilespmem:s28+$0xC430]  }
0x30d: {  	v6 =	vld [tilespmem:s28+$0x430]  }
0x30e: {  	[tilespmem:s28+$0x18400] =	vst v0;
	v0 =	vadd.f32 v3, v2;
	v2 =	vld [tilespmem:s28+$0xC440]  }
0x30f: {  	v3 =	vld [tilespmem:s28+$0x440]  }
0x310: {  	[tilespmem:s28+$0x18410] =	vst v0;
	v0 =	vadd.f32 v5, v4;
	v4 =	vld [tilespmem:s28+$0xC450]  }
0x311: {  	v5 =	vld [tilespmem:s28+$0x450]  }
0x312: {  	[tilespmem:s28+$0x18420] =	vst v0;
	v0 =	vadd.f32 v6, v1;
	v1 =	vld [tilespmem:s28+$0xC460]  }
0x313: {  	v6 =	vld [tilespmem:s28+$0x460]  }
0x314: {  	[tilespmem:s28+$0x18430] =	vst v0;
	v0 =	vadd.f32 v3, v2;
	v2 =	vld [tilespmem:s28+$0xC470]  }
0x315: {  	v3 =	vld [tilespmem:s28+$0x470]  }
0x316: {  	[tilespmem:s28+$0x18440] =	vst v0;
	v0 =	vadd.f32 v5, v4;
	v4 =	vld [tilespmem:s28+$0xC800]  }
0x317: {  	v5 =	vld [tilespmem:s28+$0x800]  }
0x318: {  	[tilespmem:s28+$0x18450] =	vst v0;
	v0 =	vadd.f32 v6, v1;
	v1 =	vld [tilespmem:s28+$0xC810]  }
0x319: {  	v6 =	vld [tilespmem:s28+$0x810]  }
0x31a: {  	[tilespmem:s28+$0x18460] =	vst v0;
	v0 =	vadd.f32 v3, v2;
	v2 =	vld [tilespmem:s28+$0xC820]  }
0x31b: {  	v3 =	vld [tilespmem:s28+$0x820]  }
0x31c: {  	[tilespmem:s28+$0x18470] =	vst v0;
	v0 =	vadd.f32 v5, v4;
	v4 =	vld [tilespmem:s28+$0xC830]  }
0x31d: {  	v5 =	vld [tilespmem:s28+$0x830]  }
0x31e: {  	[tilespmem:s28+$0x18800] =	vst v0;
	v0 =	vadd.f32 v6, v1;
	v1 =	vld [tilespmem:s28+$0xC840]  }
0x31f: {  	v6 =	vld [tilespmem:s28+$0x840]  }
0x320: {  	[tilespmem:s28+$0x18810] =	vst v0;
	v0 =	vadd.f32 v3, v2;
	v2 =	vld [tilespmem:s28+$0xC850]  }
0x321: {  	v3 =	vld [tilespmem:s28+$0x850]  }
0x322: {  	[tilespmem:s28+$0x18820] =	vst v0;
	v0 =	vadd.f32 v5, v4;
	v4 =	vld [tilespmem:s28+$0xC860]  }
0x323: {  	v5 =	vld [tilespmem:s28+$0x860]  }
0x324: {  	[tilespmem:s28+$0x18830] =	vst v0;
	v0 =	vadd.f32 v6, v1;
	v1 =	vld [tilespmem:s28+$0xC870]  }
0x325: {  	v6 =	vld [tilespmem:s28+$0x870]  }
0x326: {  	[tilespmem:s28+$0x18840] =	vst v0;
	v0 =	vadd.f32 v3, v2;
	v2 =	vld [tilespmem:s28+$0xCC00]  }
0x327: {  	v3 =	vld [tilespmem:s28+$0xC00]  }
0x328: {  	[tilespmem:s28+$0x18850] =	vst v0;
	v0 =	vadd.f32 v5, v4;
	v4 =	vld [tilespmem:s28+$0xCC10]  }
0x329: {  	v5 =	vld [tilespmem:s28+$0xC10]  }
0x32a: {  	[tilespmem:s28+$0x18860] =	vst v0;
	v0 =	vadd.f32 v6, v1;
	v1 =	vld [tilespmem:s28+$0xCC20]  }
0x32b: {  	v6 =	vld [tilespmem:s28+$0xC20]  }
0x32c: {  	[tilespmem:s28+$0x18870] =	vst v0;
	v0 =	vadd.f32 v3, v2;
	v2 =	vld [tilespmem:s28+$0xCC30]  }
0x32d: {  	v3 =	vld [tilespmem:s28+$0xC30]  }
0x32e: {  	[tilespmem:s28+$0x18C00] =	vst v0;
	v0 =	vadd.f32 v5, v4;
	v4 =	vld [tilespmem:s28+$0xCC40]  }
0x32f: {  	v5 =	vld [tilespmem:s28+$0xC40]  }
0x330: {  	[tilespmem:s28+$0x18C10] =	vst v0;
	v0 =	vadd.f32 v6, v1;
	v1 =	vld [tilespmem:s28+$0xCC50]  }
0x331: {  	v6 =	vld [tilespmem:s28+$0xC50]  }
0x332: {  	[tilespmem:s28+$0x18C20] =	vst v0;
	v0 =	vadd.f32 v3, v2;
	v2 =	vld [tilespmem:s28+$0xCC60]  }
0x333: {  	v3 =	vld [tilespmem:s28+$0xC60]  }
0x334: {  	[tilespmem:s28+$0x18C30] =	vst v0;
	v0 =	vadd.f32 v5, v4;
	v4 =	vld [tilespmem:s28+$0xCC70]  }
0x335: {  	v5 =	vld [tilespmem:s28+$0xC70]  }
0x336: {  	[tilespmem:s28+$0x18C40] =	vst v0;
	v0 =	vadd.f32 v6, v1;
	v1 =	vld [tilespmem:s28+$0xD000]  }
0x337: {  	v6 =	vld [tilespmem:s28+$0x1000]  }
0x338: {  	[tilespmem:s28+$0x18C50] =	vst v0;
	v0 =	vadd.f32 v3, v2;
	v2 =	vld [tilespmem:s28+$0xD010]  }
0x339: {  	v3 =	vld [tilespmem:s28+$0x1010]  }
0x33a: {  	[tilespmem:s28+$0x18C60] =	vst v0;
	v0 =	vadd.f32 v5, v4;
	v4 =	vld [tilespmem:s28+$0xD020]  }
0x33b: {  	v5 =	vld [tilespmem:s28+$0x1020]  }
0x33c: {  	[tilespmem:s28+$0x18C70] =	vst v0;
	v0 =	vadd.f32 v6, v1;
	v1 =	vld [tilespmem:s28+$0xD030]  }
0x33d: {  	v6 =	vld [tilespmem:s28+$0x1030]  }
0x33e: {  	[tilespmem:s28+$0x19000] =	vst v0;
	v0 =	vadd.f32 v3, v2;
	v2 =	vld [tilespmem:s28+$0xD040]  }
0x33f: {  	v3 =	vld [tilespmem:s28+$0x1040]  }
0x340: {  	[tilespmem:s28+$0x19010] =	vst v0;
	v0 =	vadd.f32 v5, v4;
	v4 =	vld [tilespmem:s28+$0xD050]  }
0x341: {  	v5 =	vld [tilespmem:s28+$0x1050]  }
0x342: {  	[tilespmem:s28+$0x19020] =	vst v0;
	v0 =	vadd.f32 v6, v1;
	v1 =	vld [tilespmem:s28+$0xD060]  }
0x343: {  	v6 =	vld [tilespmem:s28+$0x1060]  }
0x344: {  	[tilespmem:s28+$0x19030] =	vst v0;
	v0 =	vadd.f32 v3, v2;
	v2 =	vld [tilespmem:s28+$0xD070]  }
0x345: {  	v3 =	vld [tilespmem:s28+$0x1070]  }
0x346: {  	[tilespmem:s28+$0x19040] =	vst v0;
	v0 =	vadd.f32 v5, v4;
	v4 =	vld [tilespmem:s28+$0xD400]  }
0x347: {  	v5 =	vld [tilespmem:s28+$0x1400]  }
0x348: {  	[tilespmem:s28+$0x19050] =	vst v0;
	v0 =	vadd.f32 v6, v1;
	v1 =	vld [tilespmem:s28+$0xD410]  }
0x349: {  	v6 =	vld [tilespmem:s28+$0x1410]  }
0x34a: {  	[tilespmem:s28+$0x19060] =	vst v0;
	v0 =	vadd.f32 v3, v2;
	v7 =	vld [tilespmem:s28+$0xD420]  }
0x34b: {  	v8 =	vld [tilespmem:s28+$0x1420]  }
0x34c: {  	[tilespmem:s28+$0x19070] =	vst v0;
	v0 =	vadd.f32 v5, v4;
	v2 =	vld [tilespmem:s28+$0xD430]  }
.Ltmp7:
0x34d: {  	v4 =	vld [tilespmem:s28+$0x1430];
	(pc) =	sbr.rel @p0 .LBB2_11-.Ltmp7, $4  }
0x34e: {  	[tilespmem:s28+$0x19400] =	vst v0;
	v1 =	vadd.f32 v6, v1;
	v0 =	vld [tilespmem:s28+$0xD440]  }
0x34f: {  	v3 =	vld [tilespmem:s28+$0x1440]  }
0x350: {  	s2 =	sshrl.u32 s30, $0x3;
	[tilespmem:s28+$0x19410] =	vst v1;
	v6 =	vadd.f32 v8, v7;
	v1 =	vld [tilespmem:s28+$0xD450]  }
0x351: {  	s29 =	sadd.s32 $0x80, s29;
	s30 =	sadd.s32 $0x1, s30;
	s31 =	smul.u32 $0x1800, s2;
	v5 =	vld [tilespmem:s28+$0x1450]  }
0x352: {  	[tilespmem:s28+$0x19420] =	vst v6;
	s2 =	sand.u32 $0x380, s29;
	v6 =	vld [tilespmem:s28+$0xD460];
	v2 =	vadd.f32 v4, v2  }
0x353: {  	v4 =	vld [tilespmem:s28+$0x1460];
	s29 =	sor.u32 s2, s31  }
0x354: {  	v7 =	vld [tilespmem:s29+$0xD470];
	[tilespmem:s28+$0x19430] =	vst v2;
	v0 =	vadd.f32 v3, v0  }
0x355: {  	v2 =	vld [tilespmem:s29+$0x1470]  }
0x356: {  	v3 =	vld [tilespmem:s29+$0xC000];
	[tilespmem:s28+$0x19440] =	vst v0;
	v0 =	vadd.f32 v5, v1  }
0x357: {  	v1 =	vld [tilespmem:s29+$0x0]  }
0x358: {  	v5 =	vld [tilespmem:s29+$0xC010];
	[tilespmem:s28+$0x19450] =	vst v0;
	v0 =	vadd.f32 v4, v6  }
0x359: {  	v4 =	vld [tilespmem:s29+$0x10]  }
0x35a: {  	v6 =	vld [tilespmem:s29+$0xC020];
	[tilespmem:s28+$0x19460] =	vst v0  }
0x35b: {  	v0 =	vld [tilespmem:s29+$0x20]  }
0x35c: {  	v8 =	vld [tilespmem:s29+$0xC030]  }
0x35d: {  	v9 =	vld [tilespmem:s29+$0x30]  }
0x35e: {  	v10 =	vld [tilespmem:s29+$0xC040]  }
0x35f: {  	v11 =	vld [tilespmem:s29+$0x40]  }
0x360: {  	v12 =	vld [tilespmem:s29+$0xC050]  }
0x361: {  	v13 =	vld [tilespmem:s29+$0x50]  }
0x362: {  	v14 =	vld [tilespmem:s29+$0xC060]  }
0x363: {  	v15 =	vld [tilespmem:s29+$0x60]  }
0x364: {  	v16 =	vld [tilespmem:s29+$0xC070]  }
0x365: {  	v17 =	vld [tilespmem:s29+$0x70]  }
0x366: {  	v18 =	vld [tilespmem:s29+$0xC400]  }
0x367: {  	v19 =	vld [tilespmem:s29+$0x400]  }
0x368: {  	v20 =	vld [tilespmem:s29+$0xC410]  }
0x369: {  	v21 =	vld [tilespmem:s29+$0x410]  }
0x36a: {  	v22 =	vld [tilespmem:s29+$0xC420]  }
0x36b: {  	v23 =	vld [tilespmem:s29+$0x420]  }
0x36c: {  	v24 =	vld [tilespmem:s29+$0xC430]  }
0x36d: {  	v25 =	vld [tilespmem:s29+$0x430]  }
0x36e: {  	v26 =	vld [tilespmem:s29+$0xC440]  }
0x36f: {  	v27 =	vld [tilespmem:s29+$0x440]  }
0x370: {  	v28 =	vld [tilespmem:s29+$0xC450]  }
0x371: {  	v29 =	vld [tilespmem:s29+$0x450]  }
0x372: {  	v30 =	vld [tilespmem:s29+$0xC460]  }
0x373: {  	v31 =	vld [tilespmem:s29+$0x460]  }
0x374: {  	v32 =	vld [tilespmem:s29+$0xC470]  }
0x375: {  	v33 =	vld [tilespmem:s29+$0x470]  }
0x376: {  	v34 =	vld [tilespmem:s29+$0xC800]  }
0x377: {  	v35 =	vld [tilespmem:s29+$0x800]  }
0x378: {  	v36 =	vld [tilespmem:s29+$0xC810]  }
0x379: {  	v37 =	vld [tilespmem:s29+$0x810]  }
0x37a: {  	v38 =	vld [tilespmem:s29+$0xC820]  }
0x37b: {  	v39 =	vld [tilespmem:s29+$0x820]  }
0x37c: {  	v40 =	vld [tilespmem:s29+$0xC830]  }
0x37d: {  	v41 =	vld [tilespmem:s29+$0x830]  }
0x37e: {  	v42 =	vld [tilespmem:s29+$0xC840]  }
0x37f: {  	v43 =	vld [tilespmem:s29+$0x840]  }
0x380: {  	v44 =	vld [tilespmem:s29+$0xC850]  }
0x381: {  	v45 =	vld [tilespmem:s29+$0x850]  }
0x382: {  	v46 =	vld [tilespmem:s29+$0xC860]  }
0x383: {  	v47 =	vld [tilespmem:s29+$0x860]  }
0x384: {  	v48 =	vld [tilespmem:s29+$0xC870]  }
0x385: {  	v49 =	vld [tilespmem:s29+$0x870]  }
0x386: {  	v50 =	vld [tilespmem:s29+$0xCC00];
	v1 =	vadd.f32 v1, v3  }
0x387: {  	v2 =	vadd.f32 v2, v7;
	v51 =	vld [tilespmem:s29+$0xC00]  }
0x388: {  	[tilespmem:s29+$0x18000] =	vst v1;
	v1 =	vld [tilespmem:s29+$0xCC30]  }
0x389: {  	[tilespmem:s29+$0x19470] =	vst v2;
	v2 =	vadd.f32 v4, v5;
	v5 =	vld [tilespmem:s29+$0xC30]  }
0x38a: {  	v52 =	vld [tilespmem:s29+$0xCC10];
	v0 =	vadd.f32 v0, v6  }
0x38b: {  	v7 =	vld [tilespmem:s29+$0xC10];
	[tilespmem:s29+$0x18010] =	vst v2;
	v2 =	vadd.f32 v9, v8  }
0x38c: {  	v58 =	vld [tilespmem:s29+$0xCC60];
	[tilespmem:s29+$0x18020] =	vst v0;
	v0 =	vadd.f32 v11, v10  }
0x38d: {  	v9 =	vld [tilespmem:s29+$0xCC50];
	[tilespmem:s29+$0x18030] =	vst v2;
	v2 =	vadd.f32 v13, v12  }
0x38e: {  	v10 =	vld [tilespmem:s29+$0xC50];
	v1 =	vadd.f32 v5, v1;
	[tilespmem:s29+$0x18040] =	vst v0  }
0x38f: {  	v59 =	vld [tilespmem:s29+$0xC60];
	v0 =	vadd.f32 v15, v14;
	[tilespmem:s29+$0x18050] =	vst v2  }
0x390: {  	v60 =	vld [tilespmem:s29+$0xCC70];
	v2 =	vadd.f32 v17, v16;
	[tilespmem:s29+$0x18C30] =	vst v1  }
0x391: {  	v61 =	vld [tilespmem:s29+$0xC70];
	[tilespmem:s29+$0x18060] =	vst v0;
	v0 =	vadd.f32 v19, v18  }
0x392: {  	v62 =	vld [tilespmem:s29+$0xD000];
	[tilespmem:s29+$0x18070] =	vst v2;
	v2 =	vadd.f32 v21, v20  }
0x393: {  	v63 =	vld [tilespmem:s29+$0x1000];
	v1 =	vadd.f32 v10, v9;
	[tilespmem:s29+$0x18400] =	vst v0  }
0x394: {  	v53 =	vld [tilespmem:s29+$0xD040];
	v0 =	vadd.f32 v23, v22;
	[tilespmem:s29+$0x18410] =	vst v2  }
0x395: {  	v54 =	vld [tilespmem:s29+$0x1040];
	v2 =	vadd.f32 v25, v24;
	[tilespmem:s29+$0x18C50] =	vst v1  }
0x396: {  	v55 =	vld [tilespmem:s29+$0xD050];
	[tilespmem:s29+$0x18420] =	vst v0;
	v0 =	vadd.f32 v27, v26  }
0x397: {  	v56 =	vld [tilespmem:s29+$0x1050];
	v1 =	vadd.f32 v61, v60;
	[tilespmem:s29+$0x18430] =	vst v2  }
0x398: {  	v57 =	vld [tilespmem:s29+$0xD060];
	[tilespmem:s29+$0x18440] =	vst v0;
	v0 =	vadd.f32 v31, v30  }
0x399: {  	v3 =	vld [tilespmem:s29+$0xCC20];
	v2 =	vadd.f32 v29, v28;
	[tilespmem:s29+$0x18C70] =	vst v1  }
0x39a: {  	v4 =	vld [tilespmem:s29+$0xC20];
	[tilespmem:s29+$0x18460] =	vst v0;
	v0 =	vadd.f32 v35, v34  }
0x39b: {  	v6 =	vld [tilespmem:s29+$0xCC40];
	[tilespmem:s29+$0x18450] =	vst v2;
	v2 =	vadd.f32 v33, v32  }
0x39c: {  	v8 =	vld [tilespmem:s29+$0xC40];
	[tilespmem:s29+$0x18800] =	vst v0;
	v0 =	vadd.f32 v39, v38  }
0x39d: {  	v5 =	vld [tilespmem:s29+$0x1400];
	[tilespmem:s29+$0x18470] =	vst v2;
	v2 =	vadd.f32 v37, v36  }
0x39e: {  	v60 =	vld [tilespmem:s29+$0xD430];
	[tilespmem:s29+$0x18820] =	vst v0;
	v0 =	vadd.f32 v43, v42  }
0x39f: {  	v61 =	vld [tilespmem:s29+$0x1430];
	[tilespmem:s29+$0x18810] =	vst v2;
	v2 =	vadd.f32 v41, v40  }
0x3a0: {  	v31 =	vld [tilespmem:s29+$0xD010];
	[tilespmem:s29+$0x18840] =	vst v0;
	v0 =	vadd.f32 v47, v46  }
0x3a1: {  	v33 =	vld [tilespmem:s29+$0x1010];
	[tilespmem:s29+$0x18830] =	vst v2;
	v2 =	vadd.f32 v45, v44  }
0x3a2: {  	v35 =	vld [tilespmem:s29+$0xD020];
	[tilespmem:s29+$0x18860] =	vst v0;
	v0 =	vadd.f32 v51, v50  }
0x3a3: {  	v39 =	vld [tilespmem:s29+$0xD030];
	[tilespmem:s29+$0x18850] =	vst v2;
	v2 =	vadd.f32 v49, v48  }
0x3a4: {  	v41 =	vld [tilespmem:s29+$0x1030];
	[tilespmem:s29+$0x18C00] =	vst v0;
	v0 =	vadd.f32 v4, v3  }
0x3a5: {  	v37 =	vld [tilespmem:s29+$0x1020];
	[tilespmem:s29+$0x18870] =	vst v2;
	v2 =	vadd.f32 v7, v52  }
0x3a6: {  	v7 =	vld [tilespmem:s29+$0x1060];
	[tilespmem:s29+$0x18C20] =	vst v0;
	v0 =	vadd.f32 v8, v6  }
0x3a7: {  	v1 =	vadd.f32 v33, v31;
	v3 =	vld [tilespmem:s29+$0xD070];
	[tilespmem:s29+$0x18C10] =	vst v2  }
0x3a8: {  	v2 =	vld [tilespmem:s29+$0x1070];
	[tilespmem:s29+$0x18C40] =	vst v0;
	v0 =	vadd.f32 v59, v58  }
0x3a9: {  	[tilespmem:s29+$0x19010] =	vst v1;
	v1 =	vadd.f32 v41, v39;
	v4 =	vld [tilespmem:s29+$0xD400]  }
0x3aa: {  	v6 =	vld [tilespmem:s29+$0xD410];
	[tilespmem:s29+$0x18C60] =	vst v0;
	v0 =	vadd.f32 v63, v62  }
0x3ab: {  	[tilespmem:s29+$0x19030] =	vst v1;
	v1 =	vadd.f32 v56, v55;
	v8 =	vld [tilespmem:s29+$0x1410]  }
0x3ac: {  	v58 =	vld [tilespmem:s29+$0xD420];
	[tilespmem:s29+$0x19000] =	vst v0;
	v0 =	vadd.f32 v37, v35  }
0x3ad: {  	[tilespmem:s29+$0x19050] =	vst v1;
	v59 =	vld [tilespmem:s29+$0x1420]  }
0x3ae: {  	v1 =	vadd.f32 v2, v3;
	v2 =	vld [tilespmem:s29+$0x1450];
	[tilespmem:s29+$0x19020] =	vst v0;
	v0 =	vadd.f32 v54, v53  }
0x3af: {  	v3 =	vld [tilespmem:s29+$0xD460]  }
0x3b0: {  	v62 =	vld [tilespmem:s29+$0xD440];
	[tilespmem:s29+$0x19040] =	vst v0;
	v0 =	vadd.f32 v7, v57  }
0x3b1: {  	v63 =	vld [tilespmem:s29+$0x1440]  }
0x3b2: {  	v7 =	vld [tilespmem:s29+$0xD450];
	[tilespmem:s29+$0x19060] =	vst v0;
	v0 =	vadd.f32 v5, v4  }
0x3b3: {  	[tilespmem:s29+$0x19070] =	vst v1;
	v1 =	vadd.f32 v8, v6;
	v4 =	vld [tilespmem:s29+$0x1460]  }
0x3b4: {  	[tilespmem:s29+$0x19400] =	vst v0;
	v0 =	vadd.f32 v59, v58  }
0x3b5: {  	[tilespmem:s29+$0x19410] =	vst v1;
	v1 =	vadd.f32 v61, v60  }
0x3b6: {  	[tilespmem:s29+$0x19420] =	vst v0;
	v0 =	vadd.f32 v63, v62  }
0x3b7: {  	s28 =	sadd.s32 $0xC0000, s26;
	[tilespmem:s29+$0x19430] =	vst v1;
	v1 =	vadd.f32 v2, v7  }
0x3b8: {  	s0 =	sadd.s32 s4, s28;
	[tilespmem:s29+$0x19440] =	vst v0;
	v0 =	vadd.f32 v4, v3  }
0x3b9: {  	s2 =	sshrl.u32 s0, $0x3;
	[tilespmem:s29+$0x19450] =	vst v1  }
0x3ba: {  	s0 =	simm.s32 $0x2;
	s2 =	sadd.s32 s3, s2;
	[tilespmem:s29+$0x19460] =	vst v0  }
0x3bb: {  	[hbm4b:s2+s5] =	stream.linear.scatter [tilespmem:s21], [sflag:$0x5], $0x3000, $0x38;
	[tilespmem:$0x1E000] =	vst v63  }
0x3bc: {  	s29 =	simm.s32 $0x800;
	s2 =	smul.u32 $0x1800, s0  }
0x3bd: {  	s29 =	sand.u32 $0x380, s29  }
0x3be: {  	s29 =	sor.u32 s29, s2  }
0x3bf: {  	v0 =	vld [tilespmem:s29+$0xD470]  }
0x3c0: {  	v1 =	vld [tilespmem:s29+$0x1470]  }
0x3c1: {  	v2 =	vld [tilespmem:s29+$0xC000]  }
0x3c2: {  	v3 =	vld [tilespmem:s29+$0x0]  }
0x3c3: {  	v4 =	vld [tilespmem:s29+$0xC010]  }
0x3c4: {  	v5 =	vld [tilespmem:s29+$0x10]  }
0x3c5: {  	v6 =	vld [tilespmem:s29+$0xC020]  }
0x3c6: {  	v7 =	vld [tilespmem:s29+$0xC030]  }
0x3c7: {  	v8 =	vld [tilespmem:s29+$0x1420];
	v0 =	vadd.f32 v1, v0  }
0x3c8: {  	v1 =	vld [tilespmem:s29+$0x20]  }
0x3c9: {  	v2 =	vadd.f32 v3, v2;
	[tilespmem:s29+$0x19470] =	vst v0;
	v0 =	vld [tilespmem:s29+$0x30]  }
0x3ca: {  	v3 =	vld [tilespmem:s29+$0xC040]  }
0x3cb: {  	[tilespmem:s29+$0x18000] =	vst v2;
	v2 =	vadd.f32 v5, v4;
	v4 =	vld [tilespmem:s29+$0x40]  }
0x3cc: {  	v5 =	vld [tilespmem:s29+$0x50]  }
0x3cd: {  	[tilespmem:s29+$0x18010] =	vst v2;
	v2 =	vld [tilespmem:s29+$0xC050];
	v1 =	vadd.f32 v1, v6  }
0x3ce: {  	v6 =	vld [tilespmem:s29+$0x60];
	v0 =	vadd.f32 v0, v7  }
0x3cf: {  	[tilespmem:s29+$0x18020] =	vst v1;
	v1 =	vld [tilespmem:s29+$0xC060]  }
0x3d0: {  	[tilespmem:s29+$0x18030] =	vst v0;
	v0 =	vadd.f32 v4, v3;
	v3 =	vld [tilespmem:s29+$0xC070]  }
0x3d1: {  	v4 =	vld [tilespmem:s29+$0x70]  }
0x3d2: {  	[tilespmem:s29+$0x18040] =	vst v0;
	v0 =	vadd.f32 v5, v2;
	v2 =	vld [tilespmem:s29+$0xC400]  }
0x3d3: {  	v5 =	vld [tilespmem:s29+$0x400]  }
0x3d4: {  	[tilespmem:s29+$0x18050] =	vst v0;
	v0 =	vadd.f32 v6, v1;
	v1 =	vld [tilespmem:s29+$0xC410]  }
0x3d5: {  	v6 =	vld [tilespmem:s29+$0x410]  }
0x3d6: {  	[tilespmem:s29+$0x18060] =	vst v0;
	v0 =	vadd.f32 v4, v3;
	v3 =	vld [tilespmem:s29+$0xC420]  }
0x3d7: {  	v4 =	vld [tilespmem:s29+$0x420]  }
0x3d8: {  	[tilespmem:s29+$0x18070] =	vst v0;
	v0 =	vadd.f32 v5, v2;
	v2 =	vld [tilespmem:s29+$0xC430]  }
0x3d9: {  	v5 =	vld [tilespmem:s29+$0x430]  }
0x3da: {  	[tilespmem:s29+$0x18400] =	vst v0;
	v0 =	vadd.f32 v6, v1;
	v1 =	vld [tilespmem:s29+$0xC440]  }
0x3db: {  	v6 =	vld [tilespmem:s29+$0x440]  }
0x3dc: {  	[tilespmem:s29+$0x18410] =	vst v0;
	v0 =	vadd.f32 v4, v3;
	v3 =	vld [tilespmem:s29+$0xC450]  }
0x3dd: {  	v4 =	vld [tilespmem:s29+$0x450]  }
0x3de: {  	[tilespmem:s29+$0x18420] =	vst v0;
	v0 =	vadd.f32 v5, v2;
	v2 =	vld [tilespmem:s29+$0xC460]  }
0x3df: {  	v5 =	vld [tilespmem:s29+$0x460]  }
0x3e0: {  	[tilespmem:s29+$0x18430] =	vst v0;
	v0 =	vadd.f32 v6, v1;
	v1 =	vld [tilespmem:s29+$0xC470]  }
0x3e1: {  	v6 =	vld [tilespmem:s29+$0x470]  }
0x3e2: {  	[tilespmem:s29+$0x18440] =	vst v0;
	v0 =	vadd.f32 v4, v3;
	v3 =	vld [tilespmem:s29+$0xC800]  }
0x3e3: {  	v4 =	vld [tilespmem:s29+$0x800]  }
0x3e4: {  	[tilespmem:s29+$0x18450] =	vst v0;
	v0 =	vadd.f32 v5, v2;
	v2 =	vld [tilespmem:s29+$0xC810]  }
0x3e5: {  	v5 =	vld [tilespmem:s29+$0x810]  }
0x3e6: {  	[tilespmem:s29+$0x18460] =	vst v0;
	v0 =	vadd.f32 v6, v1;
	v1 =	vld [tilespmem:s29+$0xC820]  }
0x3e7: {  	v6 =	vld [tilespmem:s29+$0x820]  }
0x3e8: {  	[tilespmem:s29+$0x18470] =	vst v0;
	v0 =	vadd.f32 v4, v3;
	v3 =	vld [tilespmem:s29+$0xC830]  }
0x3e9: {  	v4 =	vld [tilespmem:s29+$0x830]  }
0x3ea: {  	[tilespmem:s29+$0x18800] =	vst v0;
	v0 =	vadd.f32 v5, v2;
	v2 =	vld [tilespmem:s29+$0xC840]  }
0x3eb: {  	v5 =	vld [tilespmem:s29+$0x840]  }
0x3ec: {  	[tilespmem:s29+$0x18810] =	vst v0;
	v0 =	vadd.f32 v6, v1;
	v1 =	vld [tilespmem:s29+$0xC850]  }
0x3ed: {  	v6 =	vld [tilespmem:s29+$0x850]  }
0x3ee: {  	[tilespmem:s29+$0x18820] =	vst v0;
	v0 =	vadd.f32 v4, v3;
	v3 =	vld [tilespmem:s29+$0xC860]  }
0x3ef: {  	v4 =	vld [tilespmem:s29+$0x860]  }
0x3f0: {  	[tilespmem:s29+$0x18830] =	vst v0;
	v0 =	vadd.f32 v5, v2;
	v2 =	vld [tilespmem:s29+$0xC870]  }
0x3f1: {  	v5 =	vld [tilespmem:s29+$0x870]  }
0x3f2: {  	[tilespmem:s29+$0x18840] =	vst v0;
	v0 =	vadd.f32 v6, v1;
	v1 =	vld [tilespmem:s29+$0xCC00]  }
0x3f3: {  	v6 =	vld [tilespmem:s29+$0xC00]  }
0x3f4: {  	[tilespmem:s29+$0x18850] =	vst v0;
	v0 =	vadd.f32 v4, v3;
	v3 =	vld [tilespmem:s29+$0xCC10]  }
0x3f5: {  	v4 =	vld [tilespmem:s29+$0xC10]  }
0x3f6: {  	[tilespmem:s29+$0x18860] =	vst v0;
	v0 =	vadd.f32 v5, v2;
	v2 =	vld [tilespmem:s29+$0xCC20]  }
0x3f7: {  	v5 =	vld [tilespmem:s29+$0xC20]  }
0x3f8: {  	[tilespmem:s29+$0x18870] =	vst v0;
	v0 =	vadd.f32 v6, v1;
	v1 =	vld [tilespmem:s29+$0xCC30]  }
0x3f9: {  	v6 =	vld [tilespmem:s29+$0xC30]  }
0x3fa: {  	[tilespmem:s29+$0x18C00] =	vst v0;
	v0 =	vadd.f32 v4, v3;
	v3 =	vld [tilespmem:s29+$0xCC40]  }
0x3fb: {  	v4 =	vld [tilespmem:s29+$0xC40]  }
0x3fc: {  	[tilespmem:s29+$0x18C10] =	vst v0;
	v0 =	vadd.f32 v5, v2;
	v2 =	vld [tilespmem:s29+$0xCC50]  }
0x3fd: {  	v5 =	vld [tilespmem:s29+$0xC50]  }
0x3fe: {  	[tilespmem:s29+$0x18C20] =	vst v0;
	v0 =	vadd.f32 v6, v1;
	v1 =	vld [tilespmem:s29+$0xCC60]  }
0x3ff: {  	v6 =	vld [tilespmem:s29+$0xC60]  }
0x400: {  	[tilespmem:s29+$0x18C30] =	vst v0;
	v0 =	vadd.f32 v4, v3;
	v3 =	vld [tilespmem:s29+$0xCC70]  }
0x401: {  	v4 =	vld [tilespmem:s29+$0xC70]  }
0x402: {  	[tilespmem:s29+$0x18C40] =	vst v0;
	v0 =	vadd.f32 v5, v2;
	v2 =	vld [tilespmem:s29+$0xD000]  }
0x403: {  	v5 =	vld [tilespmem:s29+$0x1000]  }
0x404: {  	[tilespmem:s29+$0x18C50] =	vst v0;
	v0 =	vadd.f32 v6, v1;
	v1 =	vld [tilespmem:s29+$0xD010]  }
0x405: {  	v6 =	vld [tilespmem:s29+$0x1010]  }
0x406: {  	[tilespmem:s29+$0x18C60] =	vst v0;
	v0 =	vadd.f32 v4, v3;
	v3 =	vld [tilespmem:s29+$0xD020]  }
0x407: {  	v4 =	vld [tilespmem:s29+$0x1020]  }
0x408: {  	[tilespmem:s29+$0x18C70] =	vst v0;
	v0 =	vadd.f32 v5, v2;
	v2 =	vld [tilespmem:s29+$0xD030]  }
0x409: {  	v5 =	vld [tilespmem:s29+$0x1030]  }
0x40a: {  	[tilespmem:s29+$0x19000] =	vst v0;
	v0 =	vadd.f32 v6, v1;
	v1 =	vld [tilespmem:s29+$0xD040]  }
0x40b: {  	v6 =	vld [tilespmem:s29+$0x1040]  }
0x40c: {  	[tilespmem:s29+$0x19010] =	vst v0;
	v0 =	vadd.f32 v4, v3;
	v3 =	vld [tilespmem:s29+$0xD050]  }
0x40d: {  	v4 =	vld [tilespmem:s29+$0x1050]  }
0x40e: {  	[tilespmem:s29+$0x19020] =	vst v0;
	v0 =	vadd.f32 v5, v2;
	v2 =	vld [tilespmem:s29+$0xD060]  }
0x40f: {  	v5 =	vld [tilespmem:s29+$0x1060]  }
0x410: {  	[tilespmem:s29+$0x19030] =	vst v0;
	v0 =	vadd.f32 v6, v1;
	v1 =	vld [tilespmem:s29+$0xD070]  }
0x411: {  	v6 =	vld [tilespmem:s29+$0x1070]  }
0x412: {  	[tilespmem:s29+$0x19040] =	vst v0;
	v0 =	vadd.f32 v4, v3;
	v3 =	vld [tilespmem:s29+$0xD400]  }
0x413: {  	v4 =	vld [tilespmem:s29+$0x1400]  }
0x414: {  	v7 =	vld [tilespmem:s29+$0x1410];
	[tilespmem:s29+$0x19050] =	vst v0;
	v0 =	vadd.f32 v5, v2  }
0x415: {  	v5 =	vld [tilespmem:s29+$0xD410]  }
0x416: {  	[tilespmem:s29+$0x19060] =	vst v0;
	v0 =	vadd.f32 v6, v1;
	v6 =	vld [tilespmem:s29+$0xD420]  }
0x417: {  	v2 =	vld [tilespmem:s29+$0xD430]  }
0x418: {  	[tilespmem:s29+$0x19070] =	vst v0;
	v0 =	vadd.f32 v4, v3;
	v4 =	vld [tilespmem:s29+$0x1430]  }
0x419: {  	v3 =	vld [tilespmem:s29+$0x1440]  }
0x41a: {  	v1 =	vadd.f32 v7, v5;
	[tilespmem:s29+$0x19400] =	vst v0;
	v0 =	vld [tilespmem:s29+$0xD440]  }
0x41b: {  	s0 =	simm.s32 $0x2;
	v5 =	vld [tilespmem:s29+$0x1450];
	v6 =	vadd.f32 v8, v6  }
0x41c: {  	s30 =	simm.s32 $0x880;
	s31 =	simm.s32 $0x12;
	s2 =	smul.u32 $0x1800, s0;
	[tilespmem:s29+$0x19410] =	vst v1;
	v1 =	vld [tilespmem:s29+$0xD450]  }
.LBB2_13:
0x41d: {  	p0 =	sne.s32 s31, $0x1F;
	s0 =	sand.u32 $0x380, s30;
	[tilespmem:s29+$0x19420] =	vst v6;
	v2 =	vadd.f32 v4, v2;
	v4 =	vld [tilespmem:s29+$0xD460]  }
0x41e: {  	s0 =	sor.u32 s0, s2;
	v6 =	vld [tilespmem:s29+$0x1460]  }
0x41f: {  	v7 =	vld [tilespmem:s0+$0xD470];
	[tilespmem:s29+$0x19430] =	vst v2;
	v0 =	vadd.f32 v3, v0  }
0x420: {  	v2 =	vld [tilespmem:s0+$0x1470]  }
0x421: {  	v3 =	vld [tilespmem:s0+$0xC000];
	[tilespmem:s29+$0x19440] =	vst v0;
	v0 =	vadd.f32 v5, v1  }
0x422: {  	v1 =	vld [tilespmem:s0+$0x0]  }
0x423: {  	v5 =	vld [tilespmem:s0+$0xC010];
	[tilespmem:s29+$0x19450] =	vst v0;
	v0 =	vadd.f32 v6, v4  }
0x424: {  	v4 =	vld [tilespmem:s0+$0x10]  }
0x425: {  	v6 =	vld [tilespmem:s0+$0xC020];
	v2 =	vadd.f32 v2, v7;
	[tilespmem:s29+$0x19460] =	vst v0;
	s29 =	smov.u32 s0  }
0x426: {  	v0 =	vld [tilespmem:s29+$0x20]  }
0x427: {  	v1 =	vadd.f32 v1, v3;
	v3 =	vld [tilespmem:s29+$0xC030];
	[tilespmem:s29+$0x19470] =	vst v2  }
0x428: {  	v2 =	vld [tilespmem:s29+$0x30]  }
0x429: {  	[tilespmem:s29+$0x18000] =	vst v1;
	v1 =	vadd.f32 v4, v5;
	v4 =	vld [tilespmem:s29+$0xC040]  }
0x42a: {  	v5 =	vld [tilespmem:s29+$0x40]  }
0x42b: {  	[tilespmem:s29+$0x18010] =	vst v1;
	v0 =	vadd.f32 v0, v6;
	v1 =	vld [tilespmem:s29+$0xC050]  }
0x42c: {  	v6 =	vld [tilespmem:s29+$0x50]  }
0x42d: {  	[tilespmem:s29+$0x18020] =	vst v0;
	v0 =	vadd.f32 v2, v3;
	v2 =	vld [tilespmem:s29+$0xC060]  }
0x42e: {  	v3 =	vld [tilespmem:s29+$0x60]  }
0x42f: {  	[tilespmem:s29+$0x18030] =	vst v0;
	v0 =	vadd.f32 v5, v4;
	v4 =	vld [tilespmem:s29+$0xC070]  }
0x430: {  	v5 =	vld [tilespmem:s29+$0x70]  }
0x431: {  	[tilespmem:s29+$0x18040] =	vst v0;
	v0 =	vadd.f32 v6, v1;
	v1 =	vld [tilespmem:s29+$0xC400]  }
0x432: {  	v6 =	vld [tilespmem:s29+$0x400]  }
0x433: {  	[tilespmem:s29+$0x18050] =	vst v0;
	v0 =	vadd.f32 v3, v2;
	v2 =	vld [tilespmem:s29+$0xC410]  }
0x434: {  	v3 =	vld [tilespmem:s29+$0x410]  }
0x435: {  	[tilespmem:s29+$0x18060] =	vst v0;
	v0 =	vadd.f32 v5, v4;
	v4 =	vld [tilespmem:s29+$0xC420]  }
0x436: {  	v5 =	vld [tilespmem:s29+$0x420]  }
0x437: {  	[tilespmem:s29+$0x18070] =	vst v0;
	v0 =	vadd.f32 v6, v1;
	v1 =	vld [tilespmem:s29+$0xC430]  }
0x438: {  	v6 =	vld [tilespmem:s29+$0x430]  }
0x439: {  	[tilespmem:s29+$0x18400] =	vst v0;
	v0 =	vadd.f32 v3, v2;
	v2 =	vld [tilespmem:s29+$0xC440]  }
0x43a: {  	v3 =	vld [tilespmem:s29+$0x440]  }
0x43b: {  	[tilespmem:s29+$0x18410] =	vst v0;
	v0 =	vadd.f32 v5, v4;
	v4 =	vld [tilespmem:s29+$0xC450]  }
0x43c: {  	v5 =	vld [tilespmem:s29+$0x450]  }
0x43d: {  	[tilespmem:s29+$0x18420] =	vst v0;
	v0 =	vadd.f32 v6, v1;
	v1 =	vld [tilespmem:s29+$0xC460]  }
0x43e: {  	v6 =	vld [tilespmem:s29+$0x460]  }
0x43f: {  	[tilespmem:s29+$0x18430] =	vst v0;
	v0 =	vadd.f32 v3, v2;
	v2 =	vld [tilespmem:s29+$0xC470]  }
0x440: {  	v3 =	vld [tilespmem:s29+$0x470]  }
0x441: {  	[tilespmem:s29+$0x18440] =	vst v0;
	v0 =	vadd.f32 v5, v4;
	v4 =	vld [tilespmem:s29+$0xC800]  }
0x442: {  	v5 =	vld [tilespmem:s29+$0x800]  }
0x443: {  	[tilespmem:s29+$0x18450] =	vst v0;
	v0 =	vadd.f32 v6, v1;
	v1 =	vld [tilespmem:s29+$0xC810]  }
0x444: {  	v6 =	vld [tilespmem:s29+$0x810]  }
0x445: {  	[tilespmem:s29+$0x18460] =	vst v0;
	v0 =	vadd.f32 v3, v2;
	v2 =	vld [tilespmem:s29+$0xC820]  }
0x446: {  	v3 =	vld [tilespmem:s29+$0x820]  }
0x447: {  	[tilespmem:s29+$0x18470] =	vst v0;
	v0 =	vadd.f32 v5, v4;
	v4 =	vld [tilespmem:s29+$0xC830]  }
0x448: {  	v5 =	vld [tilespmem:s29+$0x830]  }
0x449: {  	[tilespmem:s29+$0x18800] =	vst v0;
	v0 =	vadd.f32 v6, v1;
	v1 =	vld [tilespmem:s29+$0xC840]  }
0x44a: {  	v6 =	vld [tilespmem:s29+$0x840]  }
0x44b: {  	[tilespmem:s29+$0x18810] =	vst v0;
	v0 =	vadd.f32 v3, v2;
	v2 =	vld [tilespmem:s29+$0xC850]  }
0x44c: {  	v3 =	vld [tilespmem:s29+$0x850]  }
0x44d: {  	[tilespmem:s29+$0x18820] =	vst v0;
	v0 =	vadd.f32 v5, v4;
	v4 =	vld [tilespmem:s29+$0xC860]  }
0x44e: {  	v5 =	vld [tilespmem:s29+$0x860]  }
0x44f: {  	[tilespmem:s29+$0x18830] =	vst v0;
	v0 =	vadd.f32 v6, v1;
	v1 =	vld [tilespmem:s29+$0xC870]  }
0x450: {  	v6 =	vld [tilespmem:s29+$0x870]  }
0x451: {  	[tilespmem:s29+$0x18840] =	vst v0;
	v0 =	vadd.f32 v3, v2;
	v2 =	vld [tilespmem:s29+$0xCC00]  }
0x452: {  	v3 =	vld [tilespmem:s29+$0xC00]  }
0x453: {  	[tilespmem:s29+$0x18850] =	vst v0;
	v0 =	vadd.f32 v5, v4;
	v4 =	vld [tilespmem:s29+$0xCC10]  }
0x454: {  	v5 =	vld [tilespmem:s29+$0xC10]  }
0x455: {  	[tilespmem:s29+$0x18860] =	vst v0;
	v0 =	vadd.f32 v6, v1;
	v1 =	vld [tilespmem:s29+$0xCC20]  }
0x456: {  	v6 =	vld [tilespmem:s29+$0xC20]  }
0x457: {  	[tilespmem:s29+$0x18870] =	vst v0;
	v0 =	vadd.f32 v3, v2;
	v2 =	vld [tilespmem:s29+$0xCC30]  }
0x458: {  	v3 =	vld [tilespmem:s29+$0xC30]  }
0x459: {  	[tilespmem:s29+$0x18C00] =	vst v0;
	v0 =	vadd.f32 v5, v4;
	v4 =	vld [tilespmem:s29+$0xCC40]  }
0x45a: {  	v5 =	vld [tilespmem:s29+$0xC40]  }
0x45b: {  	[tilespmem:s29+$0x18C10] =	vst v0;
	v0 =	vadd.f32 v6, v1;
	v1 =	vld [tilespmem:s29+$0xCC50]  }
0x45c: {  	v6 =	vld [tilespmem:s29+$0xC50]  }
0x45d: {  	[tilespmem:s29+$0x18C20] =	vst v0;
	v0 =	vadd.f32 v3, v2;
	v2 =	vld [tilespmem:s29+$0xCC60]  }
0x45e: {  	v3 =	vld [tilespmem:s29+$0xC60]  }
0x45f: {  	[tilespmem:s29+$0x18C30] =	vst v0;
	v0 =	vadd.f32 v5, v4;
	v4 =	vld [tilespmem:s29+$0xCC70]  }
0x460: {  	v5 =	vld [tilespmem:s29+$0xC70]  }
0x461: {  	[tilespmem:s29+$0x18C40] =	vst v0;
	v0 =	vadd.f32 v6, v1;
	v1 =	vld [tilespmem:s29+$0xD000]  }
0x462: {  	v6 =	vld [tilespmem:s29+$0x1000]  }
0x463: {  	[tilespmem:s29+$0x18C50] =	vst v0;
	v0 =	vadd.f32 v3, v2;
	v2 =	vld [tilespmem:s29+$0xD010]  }
0x464: {  	v3 =	vld [tilespmem:s29+$0x1010]  }
0x465: {  	[tilespmem:s29+$0x18C60] =	vst v0;
	v0 =	vadd.f32 v5, v4;
	v4 =	vld [tilespmem:s29+$0xD020]  }
0x466: {  	v5 =	vld [tilespmem:s29+$0x1020]  }
0x467: {  	[tilespmem:s29+$0x18C70] =	vst v0;
	v0 =	vadd.f32 v6, v1;
	v1 =	vld [tilespmem:s29+$0xD030]  }
0x468: {  	v6 =	vld [tilespmem:s29+$0x1030]  }
0x469: {  	[tilespmem:s29+$0x19000] =	vst v0;
	v0 =	vadd.f32 v3, v2;
	v2 =	vld [tilespmem:s29+$0xD040]  }
0x46a: {  	v3 =	vld [tilespmem:s29+$0x1040]  }
0x46b: {  	[tilespmem:s29+$0x19010] =	vst v0;
	v0 =	vadd.f32 v5, v4;
	v4 =	vld [tilespmem:s29+$0xD050]  }
0x46c: {  	v5 =	vld [tilespmem:s29+$0x1050]  }
0x46d: {  	[tilespmem:s29+$0x19020] =	vst v0;
	v0 =	vadd.f32 v6, v1;
	v1 =	vld [tilespmem:s29+$0xD060]  }
0x46e: {  	v6 =	vld [tilespmem:s29+$0x1060]  }
0x46f: {  	[tilespmem:s29+$0x19030] =	vst v0;
	v0 =	vadd.f32 v3, v2;
	v2 =	vld [tilespmem:s29+$0xD070]  }
0x470: {  	v3 =	vld [tilespmem:s29+$0x1070]  }
0x471: {  	[tilespmem:s29+$0x19040] =	vst v0;
	v0 =	vadd.f32 v5, v4;
	v4 =	vld [tilespmem:s29+$0xD400]  }
0x472: {  	v5 =	vld [tilespmem:s29+$0x1400]  }
0x473: {  	[tilespmem:s29+$0x19050] =	vst v0;
	v0 =	vadd.f32 v6, v1;
	v1 =	vld [tilespmem:s29+$0xD410]  }
0x474: {  	v6 =	vld [tilespmem:s29+$0x1410]  }
0x475: {  	[tilespmem:s29+$0x19060] =	vst v0;
	v0 =	vadd.f32 v3, v2;
	v7 =	vld [tilespmem:s29+$0xD420]  }
0x476: {  	v8 =	vld [tilespmem:s29+$0x1420]  }
0x477: {  	[tilespmem:s29+$0x19070] =	vst v0;
	v0 =	vadd.f32 v5, v4;
	v2 =	vld [tilespmem:s29+$0xD430]  }
.Ltmp8:
0x478: {  	v4 =	vld [tilespmem:s29+$0x1430];
	(pc) =	sbr.rel @p0 .LBB2_13-.Ltmp8, $4  }
0x479: {  	[tilespmem:s29+$0x19400] =	vst v0;
	v1 =	vadd.f32 v6, v1;
	v0 =	vld [tilespmem:s29+$0xD440]  }
0x47a: {  	v3 =	vld [tilespmem:s29+$0x1440]  }
0x47b: {  	s0 =	sshrl.u32 s31, $0x3;
	[tilespmem:s29+$0x19410] =	vst v1;
	v6 =	vadd.f32 v8, v7;
	v1 =	vld [tilespmem:s29+$0xD450]  }
0x47c: {  	s30 =	sadd.s32 $0x80, s30;
	s31 =	sadd.s32 $0x1, s31;
	s2 =	smul.u32 $0x1800, s0;
	v5 =	vld [tilespmem:s29+$0x1450]  }
0x47d: {  	s0 =	sand.u32 $0x380, s30;
	v61 =	vld [tilespmem:s29+$0xD460];
	v2 =	vadd.f32 v4, v2  }
0x47e: {  	[tilespmem:s29+$0x19420] =	vst v6;
	v62 =	vld [tilespmem:s29+$0x1460];
	s30 =	sor.u32 s0, s2  }
0x47f: {  	v7 =	vld [tilespmem:s30+$0xD470];
	[tilespmem:s29+$0x19430] =	vst v2;
	v0 =	vadd.f32 v3, v0  }
0x480: {  	v2 =	vld [tilespmem:s30+$0x1470]  }
0x481: {  	v63 =	vld [tilespmem:s30+$0xC000];
	[tilespmem:s29+$0x19440] =	vst v0;
	v55 =	vadd.f32 v5, v1  }
0x482: {  	v56 =	vld [tilespmem:s30+$0x0]  }
0x483: {  	v57 =	vld [tilespmem:s30+$0xC010];
	v58 =	vadd.f32 v62, v61;
	[tilespmem:s29+$0x19450] =	vst v55  }
0x484: {  	v59 =	vld [tilespmem:s30+$0x10]  }
0x485: {  	v60 =	vld [tilespmem:s30+$0xC020];
	[tilespmem:s29+$0x19460] =	vst v58  }
0x486: {  	v0 =	vld [tilespmem:s30+$0x20]  }
0x487: {  	v8 =	vld [tilespmem:s30+$0xC030]  }
0x488: {  	v9 =	vld [tilespmem:s30+$0x30]  }
0x489: {  	v10 =	vld [tilespmem:s30+$0xC040]  }
0x48a: {  	v11 =	vld [tilespmem:s30+$0x40]  }
0x48b: {  	v12 =	vld [tilespmem:s30+$0xC050]  }
0x48c: {  	v13 =	vld [tilespmem:s30+$0x50]  }
0x48d: {  	v14 =	vld [tilespmem:s30+$0xC060]  }
0x48e: {  	v15 =	vld [tilespmem:s30+$0x60]  }
0x48f: {  	v16 =	vld [tilespmem:s30+$0xC070]  }
0x490: {  	v17 =	vld [tilespmem:s30+$0x70]  }
0x491: {  	v18 =	vld [tilespmem:s30+$0xC400]  }
0x492: {  	v19 =	vld [tilespmem:s30+$0x400]  }
0x493: {  	v20 =	vld [tilespmem:s30+$0xC410]  }
0x494: {  	v21 =	vld [tilespmem:s30+$0x410]  }
0x495: {  	v22 =	vld [tilespmem:s30+$0xC420]  }
0x496: {  	v23 =	vld [tilespmem:s30+$0x420]  }
0x497: {  	v24 =	vld [tilespmem:s30+$0xC430]  }
0x498: {  	v25 =	vld [tilespmem:s30+$0x430]  }
0x499: {  	v26 =	vld [tilespmem:s30+$0xC440]  }
0x49a: {  	v27 =	vld [tilespmem:s30+$0x440]  }
0x49b: {  	v28 =	vld [tilespmem:s30+$0xC450]  }
0x49c: {  	v29 =	vld [tilespmem:s30+$0x450]  }
0x49d: {  	v30 =	vld [tilespmem:s30+$0xC460]  }
0x49e: {  	v31 =	vld [tilespmem:s30+$0x460]  }
0x49f: {  	v32 =	vld [tilespmem:s30+$0xC470]  }
0x4a0: {  	v33 =	vld [tilespmem:s30+$0x470]  }
0x4a1: {  	v34 =	vld [tilespmem:s30+$0xC800]  }
0x4a2: {  	v35 =	vld [tilespmem:s30+$0x800]  }
0x4a3: {  	v36 =	vld [tilespmem:s30+$0xC810]  }
0x4a4: {  	v37 =	vld [tilespmem:s30+$0x810]  }
0x4a5: {  	v38 =	vld [tilespmem:s30+$0xC820]  }
0x4a6: {  	v39 =	vld [tilespmem:s30+$0x820]  }
0x4a7: {  	v40 =	vld [tilespmem:s30+$0xC830]  }
0x4a8: {  	v41 =	vld [tilespmem:s30+$0x830]  }
0x4a9: {  	v42 =	vld [tilespmem:s30+$0xC840]  }
0x4aa: {  	v43 =	vld [tilespmem:s30+$0x840]  }
0x4ab: {  	v44 =	vld [tilespmem:s30+$0xC850]  }
0x4ac: {  	v45 =	vld [tilespmem:s30+$0x850]  }
0x4ad: {  	v46 =	vld [tilespmem:s30+$0xC860]  }
0x4ae: {  	v47 =	vld [tilespmem:s30+$0x860]  }
0x4af: {  	v48 =	vld [tilespmem:s30+$0xC870]  }
0x4b0: {  	v49 =	vld [tilespmem:s30+$0x870]  }
0x4b1: {  	v50 =	vld [tilespmem:s30+$0xCC00]  }
0x4b2: {  	v51 =	vld [tilespmem:s30+$0xC00]  }
0x4b3: {  	v52 =	vld [tilespmem:s30+$0xCC10]  }
0x4b4: {  	v2 =	vadd.f32 v2, v7;
	v7 =	vld [tilespmem:s30+$0xC10]  }
0x4b5: {  	v3 =	vld [tilespmem:s30+$0xCC20];
	v1 =	vadd.f32 v56, v63  }
0x4b6: {  	v4 =	vld [tilespmem:s30+$0xC20];
	[tilespmem:s30+$0x19470] =	vst v2;
	v61 =	vadd.f32 v59, v57  }
0x4b7: {  	v5 =	vld [tilespmem:s30+$0xC30];
	[tilespmem:s30+$0x18000] =	vst v1;
	v0 =	vadd.f32 v0, v60  }
0x4b8: {  	v6 =	vld [tilespmem:s30+$0xCC40];
	v62 =	vadd.f32 v9, v8;
	[tilespmem:s30+$0x18010] =	vst v61  }
0x4b9: {  	v53 =	vld [tilespmem:s30+$0xD040];
	v63 =	vadd.f32 v11, v10;
	[tilespmem:s30+$0x18020] =	vst v0  }
0x4ba: {  	v55 =	vld [tilespmem:s30+$0x1040];
	v13 =	vadd.f32 v13, v12;
	[tilespmem:s30+$0x18030] =	vst v62  }
0x4bb: {  	v1 =	vld [tilespmem:s30+$0xCC30];
	v15 =	vadd.f32 v15, v14;
	[tilespmem:s30+$0x18040] =	vst v63  }
0x4bc: {  	v57 =	vld [tilespmem:s30+$0xD050];
	v17 =	vadd.f32 v17, v16;
	[tilespmem:s30+$0x18050] =	vst v13  }
0x4bd: {  	v59 =	vld [tilespmem:s30+$0x1050];
	v19 =	vadd.f32 v19, v18;
	[tilespmem:s30+$0x18060] =	vst v15  }
0x4be: {  	v8 =	vld [tilespmem:s30+$0xC40];
	v21 =	vadd.f32 v21, v20;
	[tilespmem:s30+$0x18070] =	vst v17  }
0x4bf: {  	v9 =	vld [tilespmem:s30+$0xCC50];
	v23 =	vadd.f32 v23, v22;
	[tilespmem:s30+$0x18400] =	vst v19  }
0x4c0: {  	v10 =	vld [tilespmem:s30+$0xC50];
	v25 =	vadd.f32 v25, v24;
	[tilespmem:s30+$0x18410] =	vst v21  }
0x4c1: {  	v11 =	vld [tilespmem:s30+$0xCC60];
	v27 =	vadd.f32 v27, v26;
	[tilespmem:s30+$0x18420] =	vst v23  }
0x4c2: {  	v12 =	vld [tilespmem:s30+$0xC60];
	v29 =	vadd.f32 v29, v28;
	[tilespmem:s30+$0x18430] =	vst v25  }
0x4c3: {  	v14 =	vld [tilespmem:s30+$0xC70];
	v31 =	vadd.f32 v31, v30;
	[tilespmem:s30+$0x18440] =	vst v27  }
0x4c4: {  	v16 =	vld [tilespmem:s30+$0x1000];
	v33 =	vadd.f32 v33, v32;
	[tilespmem:s30+$0x18450] =	vst v29  }
0x4c5: {  	v18 =	vld [tilespmem:s30+$0x1010];
	v35 =	vadd.f32 v35, v34;
	[tilespmem:s30+$0x18460] =	vst v31  }
0x4c6: {  	v37 =	vadd.f32 v37, v36;
	v20 =	vld [tilespmem:s30+$0x1020];
	[tilespmem:s30+$0x18470] =	vst v33  }
0x4c7: {  	v39 =	vadd.f32 v39, v38;
	v22 =	vld [tilespmem:s30+$0x1030];
	[tilespmem:s30+$0x18800] =	vst v35  }
0x4c8: {  	v41 =	vadd.f32 v41, v40;
	v30 =	vld [tilespmem:s30+$0x1070];
	[tilespmem:s30+$0x18810] =	vst v37  }
0x4c9: {  	v43 =	vadd.f32 v43, v42;
	v32 =	vld [tilespmem:s30+$0xD400];
	[tilespmem:s30+$0x18820] =	vst v39  }
0x4ca: {  	v54 =	vadd.f32 v45, v44;
	v34 =	vld [tilespmem:s30+$0x1400];
	[tilespmem:s30+$0x18830] =	vst v41  }
0x4cb: {  	v56 =	vadd.f32 v47, v46;
	v36 =	vld [tilespmem:s30+$0xD410];
	[tilespmem:s30+$0x18840] =	vst v43  }
0x4cc: {  	v58 =	vadd.f32 v49, v48;
	v38 =	vld [tilespmem:s30+$0x1410];
	[tilespmem:s30+$0x18850] =	vst v54  }
0x4cd: {  	v60 =	vadd.f32 v51, v50;
	v40 =	vld [tilespmem:s30+$0xD420];
	[tilespmem:s30+$0x18860] =	vst v56  }
0x4ce: {  	v28 =	vadd.f32 v4, v3;
	v42 =	vld [tilespmem:s30+$0x1420];
	[tilespmem:s30+$0x18870] =	vst v58  }
0x4cf: {  	v44 =	vld [tilespmem:s30+$0xD430];
	v47 =	vadd.f32 v55, v53;
	[tilespmem:s30+$0x18C00] =	vst v60  }
0x4d0: {  	v46 =	vld [tilespmem:s30+$0x1430];
	v62 =	vadd.f32 v7, v52;
	[tilespmem:s30+$0x18C20] =	vst v28  }
0x4d1: {  	v48 =	vld [tilespmem:s30+$0xD440];
	[tilespmem:s30+$0x19040] =	vst v47;
	v1 =	vadd.f32 v5, v1  }
0x4d2: {  	v50 =	vld [tilespmem:s30+$0x1440];
	[tilespmem:s30+$0x18C10] =	vst v62;
	v49 =	vadd.f32 v59, v57  }
0x4d3: {  	v61 =	vld [tilespmem:s30+$0xD060];
	v31 =	vadd.f32 v8, v6;
	[tilespmem:s30+$0x18C30] =	vst v1  }
0x4d4: {  	v13 =	vld [tilespmem:s30+$0xCC70];
	v33 =	vadd.f32 v10, v9;
	[tilespmem:s30+$0x19050] =	vst v49  }
0x4d5: {  	v15 =	vld [tilespmem:s30+$0xD000];
	v35 =	vadd.f32 v12, v11;
	[tilespmem:s30+$0x18C40] =	vst v31  }
0x4d6: {  	v17 =	vld [tilespmem:s30+$0xD010];
	v55 =	vadd.f32 v34, v32;
	[tilespmem:s30+$0x18C50] =	vst v33  }
0x4d7: {  	v19 =	vld [tilespmem:s30+$0xD020];
	v57 =	vadd.f32 v38, v36;
	[tilespmem:s30+$0x18C60] =	vst v35  }
0x4d8: {  	v21 =	vld [tilespmem:s30+$0xD030];
	v59 =	vadd.f32 v42, v40;
	[tilespmem:s30+$0x19400] =	vst v55  }
0x4d9: {  	v63 =	vld [tilespmem:s30+$0x1060];
	v60 =	vadd.f32 v46, v44;
	[tilespmem:s30+$0x19410] =	vst v57  }
0x4da: {  	v29 =	vld [tilespmem:s30+$0xD070];
	v37 =	vadd.f32 v14, v13;
	[tilespmem:s30+$0x19420] =	vst v59  }
0x4db: {  	v52 =	vld [tilespmem:s30+$0xD450];
	v39 =	vadd.f32 v16, v15;
	[tilespmem:s30+$0x19430] =	vst v60  }
0x4dc: {  	v54 =	vld [tilespmem:s30+$0x1450];
	v41 =	vadd.f32 v18, v17;
	[tilespmem:s30+$0x18C70] =	vst v37  }
0x4dd: {  	v56 =	vld [tilespmem:s30+$0xD460];
	v43 =	vadd.f32 v20, v19;
	[tilespmem:s30+$0x19000] =	vst v39  }
0x4de: {  	v58 =	vld [tilespmem:s30+$0x1460];
	v45 =	vadd.f32 v22, v21;
	[tilespmem:s30+$0x19010] =	vst v41  }
0x4df: {  	v51 =	vadd.f32 v63, v61;
	[tilespmem:s30+$0x19020] =	vst v43  }
0x4e0: {  	v53 =	vadd.f32 v30, v29;
	[tilespmem:s30+$0x19030] =	vst v45  }
0x4e1: {  	p0 =	seq.s32 s25, $0x1F;
	v61 =	vadd.f32 v50, v48;
	[tilespmem:s30+$0x19060] =	vst v51  }
.Ltmp9:
0x4e2: {  	v62 =	vadd.f32 v54, v52;
	[tilespmem:s30+$0x19070] =	vst v53;
	(pc) =	sbr.rel @p0 .LBB2_16-.Ltmp9, $4  }
0x4e3: {  	s31 =	sadd.s32 s9, s28;
	v63 =	vadd.f32 v58, v56;
	[tilespmem:s30+$0x19440] =	vst v61  }
0x4e4: {  	s0 =	sshrl.u32 s31, $0x3;
	[tilespmem:s30+$0x19450] =	vst v62  }
0x4e5: {  	s0 =	sadd.s32 s3, s0;
	[tilespmem:s30+$0x19460] =	vst v63  }
0x4e6: {  	[hbm4b:s0+s5] =	stream.linear.scatter [tilespmem:s22], [sflag:$0x5], $0x3000, $0x38;
	[tilespmem:$0x1E000] =	vst v63  }
.Ltmp10:
0x4e7: {  	(pc) =	sbr.rel .LBB2_2-.Ltmp10, $4  }
0x4e8: {  	s0 =	sadd.s32 s26, s11  }
0x4e9: {  	s0 =	sshrl.u32 s0, $0x3  }
0x4ea: {  	s25 =	sadd.s32 $0x1, s25;
	s0 =	sadd.s32 s1, s0  }
0x4eb: {  	[tilespmem:s14], [sflag:$0x3] =	stream.linear.gather [hbm4b:s0+s5], $0x6000, $0x38;
	[tilespmem:$0x1E000] =	vst v63  }
.LBB2_17:
0x4ec: {  	_ =	sfence.sel $0x180000  }
0x4ed: {  	[bflag:$0x0] =	sbarrier.arrive $0xFFFF  }
0x4ee: {  	_ =	strace $0x90000047  }
0x4ef: {  	s0 =	stileid.u32;
	[bflag:$0x2] =	sbarrier.arrive $0xFFFF  }
0x4f0: {  	p0 =	sne.s32 s0, $0x0;
	s0 =	rddreg [dreg:$0x3]  }
0x4f1: {  	s0 =	sadd.s32 @!p0 $0x100000, s0  }
0x4f2: {  	[sflag:s0] =	ssyncadd.tile.s32 @!p0 $0x1;
	_ =	shalt  }
.Lfunc_end2:
_tile_overlayer_lowered:
.L_overlay_start_2:
0x4f3: {  	(tag) =	ssettag $0x2  }
0x4f4: {  	s0 =	rddreg [dreg:$0x0];
	s2 =	stileid.u32  }
0x4f5: {  	s1 =	rddreg [dreg:$0x1];
	p0 =	sne.s32 s2, $0x0  }
0x4f6: {  	s3 =	rddreg [dreg:$0x2];
	[bflag:$0x3] =	sbarrier.arrive $0xFFFF;
	s2 =	simm.s32 @!p0 $0x1C06  }
0x4f7: {  	[timem:s3], [sflag:s2] =	dma.local @!p0 [hbm:s0], s1  }
0x4f8: {  	s0 =	simm.s32 @!p0 $0x6  }
0x4f9: {  	_ =	swait.ge @!p0 [sflag:s0], s1  }
0x4fa: {  	s1 =	ssub.s32 @!p0 $0x0, s1;
	[sflag:s0] =	ssyncset.done @!p0 $0x0  }
0x4fb: {  	[sflag:s0] =	ssyncadd.s32 @!p0 s1  }
0x4fc: {  	[bflag:$0x3] =	sbarrier.arrive $0xFFFF  }
0x4fd: {  	_ =	shalt  }

</sc_bundles>
